<compile_context>
chip_gen: v7x
topology: tpu7x:2x2x1
jax: 0.10.2.dev20260603
libtpu: 0.0.44.dev20260713+nightly
codegen_flags: <defaults>
</compile_context>

<pallas_src>
import functools

import jax
import jax.numpy as jnp
from jax import lax
from jax.experimental import pallas as pl
from jax.experimental.pallas import tpu as pltpu
from jax.experimental.pallas import tpu_sc as plsc

N = 10000
E = 320000
D_IN = 128
D_EDGE = 16
D_OUT = 128
DH = D_OUT // 2
PACK = 8
QW = PACK * DH

NPAD = 10240
NBLK = NPAD // 128
CHUNK = 256
QROWS = CHUNK // PACK
NCHUNKS = E // CHUNK
IROW = 128
NSUB = 16


def _p_body(nf_ref, wn_ref, p_ref):
    p_ref[...] = jnp.dot(nf_ref[...], wn_ref[:D_IN, :],
                         preferred_element_type=jnp.float32)


def _q_body(ea_ref, we_ref, wn_ref, bn_ref, q_ref):
    wf = jnp.dot(we_ref[...], wn_ref[0],
                 preferred_element_type=jnp.float32)
    z = jnp.zeros((D_EDGE, DH), jnp.float32)
    rows = []
    for j in range(PACK):
        pieces = [wf if t == j else z for t in range(PACK)]
        rows.append(jnp.concatenate(pieces, axis=1))
    wbig = jnp.concatenate(rows, axis=0)
    bias = jnp.concatenate([bn_ref[0]] * PACK, axis=1)
    q_ref[0] = jnp.dot(ea_ref[...], wbig,
                       preferred_element_type=jnp.float32) + bias


def _fin_body(sums_ref, cnts_ref, nf_ref, ws_ref, bs_ref, o_ref):
    s = sums_ref[...]
    tot = jnp.concatenate([s[0], s[1]], axis=1)
    c = cnts_ref[...]
    cnt = (c[0] + c[1])[:, 0:1]
    neigh = tot / jnp.maximum(cnt, 1.0)
    o_ref[...] = neigh + jnp.dot(nf_ref[...], ws_ref[...],
                                 preferred_element_type=jnp.float32) + bs_ref[...]


def _sc_edge_kernel(ei3, p_hbm, q_hbm, sums_out, cnts_out,
                    idx0, idx1, pb0, pb1, qb0, qb1, obuf, acc_s, acc_c,
                    sg0, sg1, sq0, sq1, ss0, ss1, sc0, sc1):
    cid = lax.axis_index("c")
    sid = lax.axis_index("s")

    idxs = (idx0, idx1)
    pbs = (pb0, pb1)
    qbs = (qb0, qb1)
    sgs = (sg0, sg1)
    sqs = (sq0, sq1)
    sss = (ss0, ss1)
    scs = (sc0, sc1)

    nmy = (NCHUNKS - sid + NSUB - 1) // NSUB

    def _zrow(r, _):
        for cc in range(DH // 16):
            pb0[r, pl.ds(cc * 16, 16)] = jnp.zeros((16,), jnp.float32)
        return 0
    lax.fori_loop(0, CHUNK, _zrow, 0)

    def _zorow(r, _):
        obuf[r, pl.ds(0, 16)] = jnp.zeros((16,), jnp.float32)
        return 0
    lax.fori_loop(0, IROW, _zorow, 0)

    def _zblk(k, _):
        b = sid + NSUB * k
        pltpu.sync_copy(pb0.at[pl.ds(0, 128)], acc_s.at[pl.ds(b * 128, 128)])
        pltpu.sync_copy(obuf, acc_c.at[pl.ds(b * 128, 128)])
        return 0
    lax.fori_loop(0, NBLK // NSUB, _zblk, 0)
    plsc.subcore_barrier()

    def _orow(r, _):
        obuf[r, pl.ds(0, 16)] = jnp.ones((16,), jnp.float32)
        return 0
    lax.fori_loop(0, IROW, _orow, 0)

    def _load_idx(s, j):
        ch = sid + j * NSUB
        pltpu.sync_copy(ei3.at[0, pl.ds(2 * ch, 2)], idxs[s].at[pl.ds(0, 2)])
        pltpu.sync_copy(ei3.at[1, pl.ds(2 * ch, 2)], idxs[s].at[pl.ds(2, 2)])
        for h in range(2):
            for g in range(IROW // 16):
                gsl = pl.ds(g * 16, 16)
                idxs[s][h, gsl] = 2 * idxs[s][h, gsl] + cid

    def _start_fetch(s, j):
        ch = sid + j * NSUB
        for h in range(2):
            pltpu.async_copy(p_hbm.at[idxs[s].at[h]],
                             pbs[s].at[pl.ds(h * IROW, IROW)], sgs[s])
        pltpu.async_copy(q_hbm.at[cid, pl.ds(ch * QROWS, QROWS)],
                         qbs[s], sqs[s])

    def _wait_fetch(s):
        for h in range(2):
            pltpu.make_async_copy(p_hbm.at[idxs[s].at[h]],
                                  pbs[s].at[pl.ds(h * IROW, IROW)], sgs[s]).wait()
        pltpu.make_async_copy(q_hbm.at[cid, pl.ds(0, QROWS)], qbs[s], sqs[s]).wait()

    def _start_scatter(s, j):
        for h in range(2):
            pltpu.async_copy(pbs[s].at[pl.ds(h * IROW, IROW)],
                             acc_s.at[idxs[s].at[2 + h]], sss[s], add=True)

        @pl.when(cid == s)
        def _():
            for h in range(2):
                pltpu.async_copy(obuf, acc_c.at[idxs[s].at[2 + h]],
                                 scs[s], add=True)

    def _wait_scatter(s):
        for h in range(2):
            pltpu.make_async_copy(pbs[s].at[pl.ds(h * IROW, IROW)],
                                  acc_s.at[idxs[s].at[2 + h]], sss[s]).wait()

        @pl.when(cid == s)
        def _():
            for h in range(2):
                pltpu.make_async_copy(obuf, acc_c.at[idxs[s].at[2 + h]],
                                      scs[s]).wait()

    def _compute(s):
        pb, qb = pbs[s], qbs[s]

        @plsc.parallel_loop(0, CHUNK, 1, unroll=16)
        def _crow(r):
            qrow = r >> 3
            qcol = (r & 7) * DH
            for cc in range(DH // 16):
                g = pl.ds(cc * 16, 16)
                pb[r, g] = jnp.maximum(
                    pb[r, g] + qb[qrow, pl.ds(qcol + cc * 16, 16)], 0.0)

    npairs = (nmy + 1) // 2

    _load_idx(0, 0)
    _start_fetch(0, 0)

    def _pair(k, _):
        for s in (0, 1):
            j = 2 * k + s
            nxt = 1 - s

            @pl.when(j + 1 < nmy)
            def _():
                @pl.when(j >= 1)
                def _():
                    _wait_scatter(nxt)
                _load_idx(nxt, j + 1)
                _start_fetch(nxt, j + 1)

            @pl.when(j < nmy)
            def _():
                _wait_fetch(s)
                _compute(s)
                _start_scatter(s, j)
        return 0
    lax.fori_loop(0, npairs, _pair, 0)

    _wait_scatter(0)
    _wait_scatter(1)
    plsc.subcore_barrier()

    def _dblk(k, _):
        b = sid + NSUB * k
        pltpu.sync_copy(acc_s.at[pl.ds(b * 128, 128)],
                        sums_out.at[cid, pl.ds(b * 128, 128)])

        pltpu.sync_copy(acc_c.at[pl.ds(b * 128, 128)],
                        cnts_out.at[cid, pl.ds(b * 128, 128)])
        return 0
    lax.fori_loop(0, NBLK // NSUB, _dblk, 0)


def kernel(nfeat, edge_index, edge_attr, W_edge, W_ne, b_ne, W_self, b_self):
    f32 = jnp.float32
    b_self2 = b_self.reshape(1, D_OUT)
    wn_bot_h = jnp.stack([W_ne[D_IN:, :DH], W_ne[D_IN:, DH:]])
    bn_h = jnp.stack([b_ne[:DH], b_ne[DH:]]).reshape(2, 1, DH)
    ea8 = edge_attr.reshape(E // PACK, PACK * D_EDGE)
    ei3 = edge_index.reshape(2, E // IROW, IROW)

    PB = 400
    P = pl.pallas_call(
        _p_body,
        grid=(N // PB,),
        in_specs=[
            pl.BlockSpec((PB, D_IN), lambda i: (i, 0)),
            pl.BlockSpec((D_IN + D_OUT, D_OUT), lambda i: (0, 0)),
        ],
        out_specs=pl.BlockSpec((PB, D_OUT), lambda i: (i, 0)),
        out_shape=jax.ShapeDtypeStruct((N, D_OUT), f32),
    )(nfeat, W_ne).reshape(2 * N, DH)

    QB = 2000
    Q = pl.pallas_call(
        _q_body,
        grid=(2, E // PACK // QB),
        in_specs=[
            pl.BlockSpec((QB, PACK * D_EDGE), lambda h, i: (i, 0)),
            pl.BlockSpec((D_EDGE, D_OUT), lambda h, i: (0, 0)),
            pl.BlockSpec((1, D_OUT, DH), lambda h, i: (h, 0, 0)),
            pl.BlockSpec((1, 1, DH), lambda h, i: (h, 0, 0)),
        ],
        out_specs=pl.BlockSpec((1, QB, QW), lambda h, i: (h, i, 0)),
        out_shape=jax.ShapeDtypeStruct((2, E // PACK, QW), f32),
    )(ea8, W_edge, wn_bot_h, bn_h)

    mesh = plsc.VectorSubcoreMesh(core_axis_name="c", subcore_axis_name="s")
    sc = functools.partial(
        pl.kernel,
        mesh=mesh,
        compiler_params=pltpu.CompilerParams(use_tc_tiling_on_sc=False),
        out_type=(
            jax.ShapeDtypeStruct((2, NPAD, DH), f32),
            jax.ShapeDtypeStruct((2, NPAD, 16), f32),
        ),
        scratch_types=[
            pltpu.VMEM((4, IROW), jnp.int32),
            pltpu.VMEM((4, IROW), jnp.int32),
            pltpu.VMEM((CHUNK, DH), f32),
            pltpu.VMEM((CHUNK, DH), f32),
            pltpu.VMEM((QROWS, QW), f32),
            pltpu.VMEM((QROWS, QW), f32),
            pltpu.VMEM((IROW, 16), f32),
            pltpu.VMEM_SHARED((NPAD, DH), f32),
            pltpu.VMEM_SHARED((NPAD, 16), f32),
            pltpu.SemaphoreType.DMA,
            pltpu.SemaphoreType.DMA,
            pltpu.SemaphoreType.DMA,
            pltpu.SemaphoreType.DMA,
            pltpu.SemaphoreType.DMA,
            pltpu.SemaphoreType.DMA,
            pltpu.SemaphoreType.DMA,
            pltpu.SemaphoreType.DMA,
        ],
    )(_sc_edge_kernel)
    sums, cnts = sc(ei3, P, Q)

    FB = 400
    out = pl.pallas_call(
        _fin_body,
        grid=(N // FB,),
        in_specs=[
            pl.BlockSpec((2, FB, DH), lambda i: (0, i, 0)),
            pl.BlockSpec((2, FB, 16), lambda i: (0, i, 0)),
            pl.BlockSpec((FB, D_IN), lambda i: (i, 0)),
            pl.BlockSpec((D_IN, D_OUT), lambda i: (0, 0)),
            pl.BlockSpec((1, D_OUT), lambda i: (0, 0)),
        ],
        out_specs=pl.BlockSpec((FB, D_OUT), lambda i: (i, 0)),
        out_shape=jax.ShapeDtypeStruct((N, D_OUT), f32),
    )(sums, cnts, nfeat, W_self, b_self2)
    return out

# --- scband reference (transcript-rebuilt; emitter-appended) ---
"""Pipeline reference for scband-rel-ginconv-11897059410194 (READ-ONLY COPY).

The authoritative reference and input builder live on the scoring server;
editing this copy changes nothing except your own understanding.
"""

import jax, jax.numpy as jnp
import numpy as np

N = 10000
E = 320000
D_IN = 128
D_EDGE = 16
D_OUT = 128

def setup_inputs(seed: int = 0) -> dict:
    key = jax.random.key(seed)
    ks = jax.random.split(key, 8)
    nfeat = jax.random.normal(ks[0], (N, D_IN), dtype=jnp.float32)
    edge_index = jax.random.randint(ks[1], (2, E), 0, N, dtype=jnp.int32)
    edge_attr = jax.random.normal(ks[2], (E, D_EDGE), dtype=jnp.float32)
    # parameters (Linear weights stored as [in, out] so y = x @ W + b)
    W_edge = jax.random.normal(ks[3], (D_EDGE, D_OUT), dtype=jnp.float32) / np.sqrt(D_EDGE)
    W_ne = jax.random.normal(ks[4], (D_IN + D_OUT, D_OUT), dtype=jnp.float32) / np.sqrt(D_IN + D_OUT)
    b_ne = jnp.zeros((D_OUT,), dtype=jnp.float32)
    W_self = jax.random.normal(ks[5], (D_IN, D_OUT), dtype=jnp.float32) / np.sqrt(D_IN)
    b_self = jnp.zeros((D_OUT,), dtype=jnp.float32)
    return {"nfeat": nfeat, "edge_index": edge_index, "edge_attr": edge_attr,
            "W_edge": W_edge, "W_ne": W_ne, "b_ne": b_ne, "W_self": W_self, "b_self": b_self}

def reference(nfeat, edge_index, edge_attr, W_edge, W_ne, b_ne, W_self, b_self):
    src = edge_index[0]
    dst = edge_index[1]
    # msgfunc: eh = edge_map(efeat); m = relu(fc_neigh_edge(cat(src_h, eh)))
    eh = edge_attr @ W_edge                      # [E, D_OUT]
    src_h = jnp.take(nfeat, src, axis=0)         # gather [E, D_IN]
    ne_feat = jnp.concatenate([src_h, eh], axis=1)
    m = jax.nn.relu(ne_feat @ W_ne + b_ne)       # [E, D_OUT]
    # mean reduce by destination node (DGL mean: 0 for isolated nodes)
    sums = jax.ops.segment_sum(m, dst, num_segments=N)
    cnt = jax.ops.segment_sum(jnp.ones((E, 1), dtype=jnp.float32), dst, num_segments=N)
    neigh = sums / jnp.maximum(cnt, 1.0)
    self_feat = nfeat @ W_self + b_self
    eps = 0.0  # registered buffer, init_eps=0, not learned
    out = (1.0 + eps) * neigh + self_feat
    # apply_func is None
    return out

if __name__ == "__main__":
    import jax
    _d = setup_inputs()
    print(jax.jit(kernel)(*tuple(_d.values())))

</pallas_src>

<mosaic_0001>
#map = affine_map<(d0, d1) -> (0, 0, 0)>
#map1 = affine_map<(d0, d1) -> (0, 0)>
module attributes {stable_mosaic.version = 14 : i64} {
  func.func @_sc_edge_kernel(%arg0: i32, %arg1: i32, %arg2: memref<2x2500x128xi32, #tpu.memory_space<hbm>>, %arg3: memref<20000x64xf32, #tpu.memory_space<hbm>>, %arg4: memref<2x40000x512xf32, #tpu.memory_space<hbm>>, %arg5: memref<2x10240x64xf32, #tpu.memory_space<hbm>>, %arg6: memref<2x10240x16xf32, #tpu.memory_space<hbm>>, %arg7: memref<4x128xi32, #tpu.memory_space<vmem>>, %arg8: memref<4x128xi32, #tpu.memory_space<vmem>>, %arg9: memref<256x64xf32, #tpu.memory_space<vmem>>, %arg10: memref<256x64xf32, #tpu.memory_space<vmem>>, %arg11: memref<32x512xf32, #tpu.memory_space<vmem>>, %arg12: memref<32x512xf32, #tpu.memory_space<vmem>>, %arg13: memref<128x16xf32, #tpu.memory_space<vmem>>, %arg14: memref<10240x64xf32, #tpu.memory_space<vmem_shared>>, %arg15: memref<10240x16xf32, #tpu.memory_space<vmem_shared>>, %arg16: memref<!tpu.dma_semaphore, #tpu.memory_space<semaphore_mem>>, %arg17: memref<!tpu.dma_semaphore, #tpu.memory_space<semaphore_mem>>, %arg18: memref<!tpu.dma_semaphore, #tpu.memory_space<semaphore_mem>>, %arg19: memref<!tpu.dma_semaphore, #tpu.memory_space<semaphore_mem>>, %arg20: memref<!tpu.dma_semaphore, #tpu.memory_space<semaphore_mem>>, %arg21: memref<!tpu.dma_semaphore, #tpu.memory_space<semaphore_mem>>, %arg22: memref<!tpu.dma_semaphore, #tpu.memory_space<semaphore_mem>>, %arg23: memref<!tpu.dma_semaphore, #tpu.memory_space<semaphore_mem>>) attributes {dimension_semantics = [#tpu.dimension_semantics<core_parallel>, #tpu.dimension_semantics<subcore_parallel>], iteration_bounds = array<i64: 2, 16>, scalar_prefetch = 0 : i64, scratch_operands = 17 : i64, tpu.core_type = #tpu.core_type<sc_vector_subcore>, window_params = [{transform_indices = #map}, {transform_indices = #map1}, {transform_indices = #map}, {transform_indices = #map}, {transform_indices = #map}]} {
    %sub3A = arith.constant 1250 : i32
    %sub3A_0 = arith.subi %sub3A, %arg1 : i32
    %add3A = arith.constant 16 : i32
    %add3A_1 = arith.addi %sub3A_0, %add3A : i32
    %sub3A_2 = arith.constant 1 : i32
    %sub3A_3 = arith.subi %add3A_1, %sub3A_2 : i32
    %jit3A = arith.constant 16 : i32
    %div3A = arith.divsi %sub3A_3, %jit3A : i32
    %sign3A = arith.constant 0 : i32
    %sign3A_4 = arith.cmpi sgt, %sub3A_3, %sign3A : i32
    %sign3A_5 = arith.extui %sign3A_4 : i1 to i32
    %sign3A_6 = arith.constant 0 : i32
    %sign3A_7 = arith.cmpi slt, %sub3A_3, %sign3A_6 : i32
    %sign3A_8 = arith.extui %sign3A_7 : i1 to i32
    %sign3A_9 = arith.subi %sign3A_5, %sign3A_8 : i32
    %sign3A_10 = arith.constant 0 : i32
    %sign3A_11 = arith.cmpi sgt, %jit3A, %sign3A_10 : i32
    %sign3A_12 = arith.extui %sign3A_11 : i1 to i32
    %sign3A_13 = arith.constant 0 : i32
    %sign3A_14 = arith.cmpi slt, %jit3A, %sign3A_13 : i32
    %sign3A_15 = arith.extui %sign3A_14 : i1 to i32
    %sign3A_16 = arith.subi %sign3A_12, %sign3A_15 : i32
    %ne3A = arith.cmpi ne, %sign3A_9, %sign3A_16 : i32
    %rem3A = arith.remsi %sub3A_3, %jit3A : i32
    %ne3A_17 = arith.constant 0 : i32
    %ne3A_18 = arith.cmpi ne, %rem3A, %ne3A_17 : i32
    %and3A = arith.andi %ne3A, %ne3A_18 : i1
    %sub3A_19 = arith.constant 1 : i32
    %sub3A_20 = arith.subi %div3A, %sub3A_19 : i32
    %select_n3A = arith.select %and3A, %sub3A_20, %div3A : i32
    %scan3A = arith.constant 0 : i32
    %scan3A_21 = arith.constant 0 : i32
    %scan3A_22 = arith.constant 256 : i32
    %scan3A_23 = arith.addi %scan3A_21, %scan3A_22 : i32
    %scan3A_24 = arith.constant 1 : i32
    %scan3A_25 = scf.for %scan3A_428 = %scan3A_21 to %scan3A_23 step %scan3A_24 iter_args(%scan3A_429 = %scan3A) -> (i32)  : i32 {
      %broadcast_in_dim3A = arith.constant 0.000000e+00 : f32
      %broadcast_in_dim3A_430 = vector.broadcast %broadcast_in_dim3A : f32 to vector<16xf32>
      %swap3A_431 = arith.index_cast %scan3A_428 : i32 to index
      %swap3A_432 = arith.constant 0 : index
      %swap3A_433 = tpu.vector_load %arg9[%swap3A_431, %swap3A_432] {strides = array<i32>} : memref<256x64xf32, #tpu.memory_space<vmem>>, vector<1x16xf32>,
      %swap3A_434 = vector.shape_cast %swap3A_433 : vector<1x16xf32> to vector<16xf32>
      %swap3A_435 = vector.shape_cast %broadcast_in_dim3A_430 : vector<16xf32> to vector<1x16xf32>
      tpu.vector_store %arg9[%swap3A_431, %swap3A_432], %swap3A_435 {strides = array<i32>} : memref<256x64xf32, #tpu.memory_space<vmem>>, vector<1x16xf32>,
      %broadcast_in_dim3A_436 = arith.constant 0.000000e+00 : f32
      %broadcast_in_dim3A_437 = vector.broadcast %broadcast_in_dim3A_436 : f32 to vector<16xf32>
      %swap3A_438 = arith.index_cast %scan3A_428 : i32 to index
      %swap3A_439 = arith.constant 16 : index
      %swap3A_440 = tpu.vector_load %arg9[%swap3A_438, %swap3A_439] {strides = array<i32>} : memref<256x64xf32, #tpu.memory_space<vmem>>, vector<1x16xf32>,
      %swap3A_441 = vector.shape_cast %swap3A_440 : vector<1x16xf32> to vector<16xf32>
      %swap3A_442 = vector.shape_cast %broadcast_in_dim3A_437 : vector<16xf32> to vector<1x16xf32>
      tpu.vector_store %arg9[%swap3A_438, %swap3A_439], %swap3A_442 {strides = array<i32>} : memref<256x64xf32, #tpu.memory_space<vmem>>, vector<1x16xf32>,
      %broadcast_in_dim3A_443 = arith.constant 0.000000e+00 : f32
      %broadcast_in_dim3A_444 = vector.broadcast %broadcast_in_dim3A_443 : f32 to vector<16xf32>
      %swap3A_445 = arith.index_cast %scan3A_428 : i32 to index
      %swap3A_446 = arith.constant 32 : index
      %swap3A_447 = tpu.vector_load %arg9[%swap3A_445, %swap3A_446] {strides = array<i32>} : memref<256x64xf32, #tpu.memory_space<vmem>>, vector<1x16xf32>,
      %swap3A_448 = vector.shape_cast %swap3A_447 : vector<1x16xf32> to vector<16xf32>
      %swap3A_449 = vector.shape_cast %broadcast_in_dim3A_444 : vector<16xf32> to vector<1x16xf32>
      tpu.vector_store %arg9[%swap3A_445, %swap3A_446], %swap3A_449 {strides = array<i32>} : memref<256x64xf32, #tpu.memory_space<vmem>>, vector<1x16xf32>,
      %broadcast_in_dim3A_450 = arith.constant 0.000000e+00 : f32
      %broadcast_in_dim3A_451 = vector.broadcast %broadcast_in_dim3A_450 : f32 to vector<16xf32>
      %swap3A_452 = arith.index_cast %scan3A_428 : i32 to index
      %swap3A_453 = arith.constant 48 : index
      %swap3A_454 = tpu.vector_load %arg9[%swap3A_452, %swap3A_453] {strides = array<i32>} : memref<256x64xf32, #tpu.memory_space<vmem>>, vector<1x16xf32>,
      %swap3A_455 = vector.shape_cast %swap3A_454 : vector<1x16xf32> to vector<16xf32>
      %swap3A_456 = vector.shape_cast %broadcast_in_dim3A_451 : vector<16xf32> to vector<1x16xf32>
      tpu.vector_store %arg9[%swap3A_452, %swap3A_453], %swap3A_456 {strides = array<i32>} : memref<256x64xf32, #tpu.memory_space<vmem>>, vector<1x16xf32>,
      %scan3A_457 = arith.constant 0 : i32
      scf.yield %scan3A_457 : i32
    }
    %scan3A_26 = arith.constant 256 : i32
    %scan3A_27 = arith.constant 0 : i32
    %scan3A_28 = arith.constant 0 : i32
    %scan3A_29 = arith.constant 128 : i32
    %scan3A_30 = arith.addi %scan3A_28, %scan3A_29 : i32
    %scan3A_31 = arith.constant 1 : i32
    %scan3A_32 = scf.for %scan3A_428 = %scan3A_28 to %scan3A_30 step %scan3A_31 iter_args(%scan3A_429 = %scan3A_27) -> (i32)  : i32 {
      %broadcast_in_dim3A = arith.constant 0.000000e+00 : f32
      %broadcast_in_dim3A_430 = vector.broadcast %broadcast_in_dim3A : f32 to vector<16xf32>
      %swap3A_431 = arith.index_cast %scan3A_428 : i32 to index
      %swap3A_432 = arith.constant 0 : index
      %swap3A_433 = tpu.vector_load %arg13[%swap3A_431, %swap3A_432] {strides = array<i32>} : memref<128x16xf32, #tpu.memory_space<vmem>>, vector<1x16xf32>,
      %swap3A_434 = vector.shape_cast %swap3A_433 : vector<1x16xf32> to vector<16xf32>
      %swap3A_435 = vector.shape_cast %broadcast_in_dim3A_430 : vector<16xf32> to vector<1x16xf32>
      tpu.vector_store %arg13[%swap3A_431, %swap3A_432], %swap3A_435 {strides = array<i32>} : memref<128x16xf32, #tpu.memory_space<vmem>>, vector<1x16xf32>,
      %scan3A_436 = arith.constant 0 : i32
      scf.yield %scan3A_436 : i32
    }
    %scan3A_33 = arith.constant 128 : i32
    %scan3A_34 = arith.constant 0 : i32
    %scan3A_35 = arith.constant 0 : i32
    %scan3A_36 = arith.constant 5 : i32
    %scan3A_37 = arith.addi %scan3A_35, %scan3A_36 : i32
    %scan3A_38 = arith.constant 1 : i32
    %scan3A_39 = scf.for %scan3A_428 = %scan3A_35 to %scan3A_37 step %scan3A_38 iter_args(%scan3A_429 = %scan3A_34) -> (i32)  : i32 {
      %mul3A_430 = arith.constant 16 : i32
      %mul3A_431 = arith.muli %mul3A_430, %scan3A_428 : i32
      %add3A_432 = arith.addi %arg1, %mul3A_431 : i32
      %mul3A_433 = arith.constant 128 : i32
      %mul3A_434 = arith.muli %add3A_432, %mul3A_433 : i32
      "tpu.region"() ({
        %run_scoped3A_438 = tpu.sem_alloc : memref<!tpu.dma_semaphore, #tpu.memory_space<semaphore_mem>>
        %dma_start3A_439 = arith.constant 0 : i32
        %dma_start3A_440 = arith.constant 0 : i32
        %dma_start3A_441 = tpu.memref_slice %arg9[%dma_start3A_439, %dma_start3A_440] : memref<256x64xf32, #tpu.memory_space<vmem>> -> memref<128x64xf32, #tpu.memory_space<vmem>>
        %dma_start3A_442 = arith.constant 0 : i32
        %dma_start3A_443 = tpu.memref_slice %arg14[%mul3A_434, %dma_start3A_442] : memref<10240x64xf32, #tpu.memory_space<vmem_shared>> -> memref<128x64xf32, #tpu.memory_space<vmem_shared>>
        %dma_start3A_444 = arith.constant 0 : i32
        %dma_start3A_445 = tpu.memref_slice %arg14[%mul3A_434, %dma_start3A_444] : memref<10240x64xf32, #tpu.memory_space<vmem_shared>> -> memref<128x64xf32, #tpu.memory_space<vmem_shared>>
        %dma_start3A_446 = arith.constant 0 : i32
        %dma_start3A_447 = arith.constant 0 : i32
        %dma_start3A_448 = tpu.memref_slice %arg9[%dma_start3A_446, %dma_start3A_447] : memref<256x64xf32, #tpu.memory_space<vmem>> -> memref<128x64xf32, #tpu.memory_space<vmem>>
        tpu.enqueue_dma source(%dma_start3A_448 : memref<128x64xf32, #tpu.memory_space<vmem>>) target(%dma_start3A_445 : memref<128x64xf32, #tpu.memory_space<vmem_shared>>) target_semaphore(%run_scoped3A_438 : memref<!tpu.dma_semaphore, #tpu.memory_space<semaphore_mem>>)
        %dma_wait3A_449 = arith.constant 0 : i32
        %dma_wait3A_450 = arith.constant 0 : i32
        %dma_wait3A_451 = tpu.memref_slice %arg9[%dma_wait3A_449, %dma_wait3A_450] : memref<256x64xf32, #tpu.memory_space<vmem>> -> memref<128x64xf32, #tpu.memory_space<vmem>>
        %dma_wait3A_452 = arith.constant 0 : i32
        %dma_wait3A_453 = tpu.memref_slice %arg14[%mul3A_434, %dma_wait3A_452] : memref<10240x64xf32, #tpu.memory_space<vmem_shared>> -> memref<128x64xf32, #tpu.memory_space<vmem_shared>>
        %dma_wait3A_454 = arith.constant 0 : i32
        %dma_wait3A_455 = tpu.memref_slice %arg14[%mul3A_434, %dma_wait3A_454] : memref<10240x64xf32, #tpu.memory_space<vmem_shared>> -> memref<128x64xf32, #tpu.memory_space<vmem_shared>>
        %dma_wait3A_456 = arith.constant 0 : i32
        %dma_wait3A_457 = arith.constant 0 : i32
        %dma_wait3A_458 = tpu.memref_slice %arg9[%dma_wait3A_456, %dma_wait3A_457] : memref<256x64xf32, #tpu.memory_space<vmem>> -> memref<128x64xf32, #tpu.memory_space<vmem>>
        tpu.wait_dma2 semaphore(%run_scoped3A_438 : memref<!tpu.dma_semaphore, #tpu.memory_space<semaphore_mem>>) src(%dma_wait3A_458 : memref<128x64xf32, #tpu.memory_space<vmem>>) dst(%dma_wait3A_455 : memref<128x64xf32, #tpu.memory_space<vmem_shared>>)
        tpu.yield
      }) : () -> ()
      %mul3A_435 = arith.constant 128 : i32
      %mul3A_436 = arith.muli %add3A_432, %mul3A_435 : i32
      "tpu.region"() ({
        %run_scoped3A_438 = tpu.sem_alloc : memref<!tpu.dma_semaphore, #tpu.memory_space<semaphore_mem>>
        %dma_start3A_439 = arith.constant 0 : i32
        %dma_start3A_440 = tpu.memref_slice %arg15[%mul3A_436, %dma_start3A_439] : memref<10240x16xf32, #tpu.memory_space<vmem_shared>> -> memref<128x16xf32, #tpu.memory_space<vmem_shared>>
        %dma_start3A_441 = arith.constant 0 : i32
        %dma_start3A_442 = tpu.memref_slice %arg15[%mul3A_436, %dma_start3A_441] : memref<10240x16xf32, #tpu.memory_space<vmem_shared>> -> memref<128x16xf32, #tpu.memory_space<vmem_shared>>
        tpu.enqueue_dma source(%arg13 : memref<128x16xf32, #tpu.memory_space<vmem>>) target(%dma_start3A_442 : memref<128x16xf32, #tpu.memory_space<vmem_shared>>) target_semaphore(%run_scoped3A_438 : memref<!tpu.dma_semaphore, #tpu.memory_space<semaphore_mem>>)
        %dma_wait3A_443 = arith.constant 0 : i32
        %dma_wait3A_444 = tpu.memref_slice %arg15[%mul3A_436, %dma_wait3A_443] : memref<10240x16xf32, #tpu.memory_space<vmem_shared>> -> memref<128x16xf32, #tpu.memory_space<vmem_shared>>
        %dma_wait3A_445 = arith.constant 0 : i32
        %dma_wait3A_446 = tpu.memref_slice %arg15[%mul3A_436, %dma_wait3A_445] : memref<10240x16xf32, #tpu.memory_space<vmem_shared>> -> memref<128x16xf32, #tpu.memory_space<vmem_shared>>
        tpu.wait_dma2 semaphore(%run_scoped3A_438 : memref<!tpu.dma_semaphore, #tpu.memory_space<semaphore_mem>>) src(%arg13 : memref<128x16xf32, #tpu.memory_space<vmem>>) dst(%dma_wait3A_446 : memref<128x16xf32, #tpu.memory_space<vmem_shared>>)
        tpu.yield
      }) : () -> ()
      %scan3A_437 = arith.constant 0 : i32
      scf.yield %scan3A_437 : i32
    }
    %scan3A_40 = arith.constant 5 : i32
    %barrier3A = arith.constant 0 : index
    tpu.barrier barrier_id(%barrier3A)
    %scan3A_41 = arith.constant 0 : i32
    %scan3A_42 = arith.constant 0 : i32
    %scan3A_43 = arith.constant 128 : i32
    %scan3A_44 = arith.addi %scan3A_42, %scan3A_43 : i32
    %scan3A_45 = arith.constant 1 : i32
    %scan3A_46 = scf.for %scan3A_428 = %scan3A_42 to %scan3A_44 step %scan3A_45 iter_args(%scan3A_429 = %scan3A_41) -> (i32)  : i32 {
      %broadcast_in_dim3A = arith.constant 1.000000e+00 : f32
      %broadcast_in_dim3A_430 = vector.broadcast %broadcast_in_dim3A : f32 to vector<16xf32>
      %swap3A_431 = arith.index_cast %scan3A_428 : i32 to index
      %swap3A_432 = arith.constant 0 : index
      %swap3A_433 = tpu.vector_load %arg13[%swap3A_431, %swap3A_432] {strides = array<i32>} : memref<128x16xf32, #tpu.memory_space<vmem>>, vector<1x16xf32>,
      %swap3A_434 = vector.shape_cast %swap3A_433 : vector<1x16xf32> to vector<16xf32>
      %swap3A_435 = vector.shape_cast %broadcast_in_dim3A_430 : vector<16xf32> to vector<1x16xf32>
      tpu.vector_store %arg13[%swap3A_431, %swap3A_432], %swap3A_435 {strides = array<i32>} : memref<128x16xf32, #tpu.memory_space<vmem>>, vector<1x16xf32>,
      %scan3A_436 = arith.constant 0 : i32
      scf.yield %scan3A_436 : i32
    }
    %scan3A_47 = arith.constant 128 : i32
    %add3A_48 = arith.constant 1 : i32
    %add3A_49 = arith.addi %select_n3A, %add3A_48 : i32
    %jit3A_50 = arith.constant 2 : i32
    %div3A_51 = arith.divsi %add3A_49, %jit3A_50 : i32
    %sign3A_52 = arith.constant 0 : i32
    %sign3A_53 = arith.cmpi sgt, %add3A_49, %sign3A_52 : i32
    %sign3A_54 = arith.extui %sign3A_53 : i1 to i32
    %sign3A_55 = arith.constant 0 : i32
    %sign3A_56 = arith.cmpi slt, %add3A_49, %sign3A_55 : i32
    %sign3A_57 = arith.extui %sign3A_56 : i1 to i32
    %sign3A_58 = arith.subi %sign3A_54, %sign3A_57 : i32
    %sign3A_59 = arith.constant 0 : i32
    %sign3A_60 = arith.cmpi sgt, %jit3A_50, %sign3A_59 : i32
    %sign3A_61 = arith.extui %sign3A_60 : i1 to i32
    %sign3A_62 = arith.constant 0 : i32
    %sign3A_63 = arith.cmpi slt, %jit3A_50, %sign3A_62 : i32
    %sign3A_64 = arith.extui %sign3A_63 : i1 to i32
    %sign3A_65 = arith.subi %sign3A_61, %sign3A_64 : i32
    %ne3A_66 = arith.cmpi ne, %sign3A_58, %sign3A_65 : i32
    %rem3A_67 = arith.remsi %add3A_49, %jit3A_50 : i32
    %ne3A_68 = arith.constant 0 : i32
    %ne3A_69 = arith.cmpi ne, %rem3A_67, %ne3A_68 : i32
    %and3A_70 = arith.andi %ne3A_66, %ne3A_69 : i1
    %sub3A_71 = arith.constant 1 : i32
    %sub3A_72 = arith.subi %div3A_51, %sub3A_71 : i32
    %select_n3A_73 = arith.select %and3A_70, %sub3A_72, %div3A_51 : i32
    %add3A_74 = arith.constant 0 : i32
    %add3A_75 = arith.addi %arg1, %add3A_74 : i32
    %mul3A = arith.constant 2 : i32
    %mul3A_76 = arith.muli %mul3A, %add3A_75 : i32
    %run_scoped3A = arith.constant 0 : i32
    "tpu.region"() ({
      %run_scoped3A_428 = tpu.sem_alloc : memref<!tpu.dma_semaphore, #tpu.memory_space<semaphore_mem>>
      %dma_start3A_429 = arith.constant 0 : i32
      %dma_start3A_430 = arith.constant 0 : i32
      %dma_start3A_431 = tpu.memref_slice %arg7[%dma_start3A_429, %dma_start3A_430] : memref<4x128xi32, #tpu.memory_space<vmem>> -> memref<2x128xi32, #tpu.memory_space<vmem>>
      %dma_start3A_432 = arith.constant 0 : i32
      %dma_start3A_433 = tpu.memref_slice %arg2[%run_scoped3A, %mul3A_76, %dma_start3A_432] : memref<2x2500x128xi32, #tpu.memory_space<hbm>> -> memref<1x2x128xi32, #tpu.memory_space<hbm>>
      %dma_start3A_434 = tpu.memref_squeeze %dma_start3A_433 : memref<1x2x128xi32, #tpu.memory_space<hbm>> -> memref<2x128xi32, #tpu.memory_space<hbm>>
      %dma_start3A_435 = arith.constant 0 : i32
      %dma_start3A_436 = arith.constant 0 : i32
      %dma_start3A_437 = tpu.memref_slice %arg7[%dma_start3A_435, %dma_start3A_436] : memref<4x128xi32, #tpu.memory_space<vmem>> -> memref<2x128xi32, #tpu.memory_space<vmem>>
      %dma_start3A_438 = arith.constant 0 : i32
      %dma_start3A_439 = tpu.memref_slice %arg2[%run_scoped3A, %mul3A_76, %dma_start3A_438] : memref<2x2500x128xi32, #tpu.memory_space<hbm>> -> memref<1x2x128xi32, #tpu.memory_space<hbm>>
      %dma_start3A_440 = tpu.memref_squeeze %dma_start3A_439 : memref<1x2x128xi32, #tpu.memory_space<hbm>> -> memref<2x128xi32, #tpu.memory_space<hbm>>
      tpu.enqueue_dma source(%dma_start3A_440 : memref<2x128xi32, #tpu.memory_space<hbm>>) target(%dma_start3A_437 : memref<2x128xi32, #tpu.memory_space<vmem>>) target_semaphore(%run_scoped3A_428 : memref<!tpu.dma_semaphore, #tpu.memory_space<semaphore_mem>>)
      %dma_wait3A_441 = arith.constant 0 : i32
      %dma_wait3A_442 = arith.constant 0 : i32
      %dma_wait3A_443 = tpu.memref_slice %arg7[%dma_wait3A_441, %dma_wait3A_442] : memref<4x128xi32, #tpu.memory_space<vmem>> -> memref<2x128xi32, #tpu.memory_space<vmem>>
      %dma_wait3A_444 = arith.constant 0 : i32
      %dma_wait3A_445 = tpu.memref_slice %arg2[%run_scoped3A, %mul3A_76, %dma_wait3A_444] : memref<2x2500x128xi32, #tpu.memory_space<hbm>> -> memref<1x2x128xi32, #tpu.memory_space<hbm>>
      %dma_wait3A_446 = tpu.memref_squeeze %dma_wait3A_445 : memref<1x2x128xi32, #tpu.memory_space<hbm>> -> memref<2x128xi32, #tpu.memory_space<hbm>>
      %dma_wait3A_447 = arith.constant 0 : i32
      %dma_wait3A_448 = arith.constant 0 : i32
      %dma_wait3A_449 = tpu.memref_slice %arg7[%dma_wait3A_447, %dma_wait3A_448] : memref<4x128xi32, #tpu.memory_space<vmem>> -> memref<2x128xi32, #tpu.memory_space<vmem>>
      %dma_wait3A_450 = arith.constant 0 : i32
      %dma_wait3A_451 = tpu.memref_slice %arg2[%run_scoped3A, %mul3A_76, %dma_wait3A_450] : memref<2x2500x128xi32, #tpu.memory_space<hbm>> -> memref<1x2x128xi32, #tpu.memory_space<hbm>>
      %dma_wait3A_452 = tpu.memref_squeeze %dma_wait3A_451 : memref<1x2x128xi32, #tpu.memory_space<hbm>> -> memref<2x128xi32, #tpu.memory_space<hbm>>
      tpu.wait_dma2 semaphore(%run_scoped3A_428 : memref<!tpu.dma_semaphore, #tpu.memory_space<semaphore_mem>>) src(%dma_wait3A_452 : memref<2x128xi32, #tpu.memory_space<hbm>>) dst(%dma_wait3A_449 : memref<2x128xi32, #tpu.memory_space<vmem>>)
      tpu.yield
    }) : () -> ()
    %mul3A_77 = arith.constant 2 : i32
    %mul3A_78 = arith.muli %mul3A_77, %add3A_75 : i32
    %run_scoped3A_79 = arith.constant 1 : i32
    "tpu.region"() ({
      %run_scoped3A_428 = tpu.sem_alloc : memref<!tpu.dma_semaphore, #tpu.memory_space<semaphore_mem>>
      %dma_start3A_429 = arith.constant 2 : i32
      %dma_start3A_430 = arith.constant 0 : i32
      %dma_start3A_431 = tpu.memref_slice %arg7[%dma_start3A_429, %dma_start3A_430] : memref<4x128xi32, #tpu.memory_space<vmem>> -> memref<2x128xi32, #tpu.memory_space<vmem>>
      %dma_start3A_432 = arith.constant 0 : i32
      %dma_start3A_433 = tpu.memref_slice %arg2[%run_scoped3A_79, %mul3A_78, %dma_start3A_432] : memref<2x2500x128xi32, #tpu.memory_space<hbm>> -> memref<1x2x128xi32, #tpu.memory_space<hbm>>
      %dma_start3A_434 = tpu.memref_squeeze %dma_start3A_433 : memref<1x2x128xi32, #tpu.memory_space<hbm>> -> memref<2x128xi32, #tpu.memory_space<hbm>>
      %dma_start3A_435 = arith.constant 2 : i32
      %dma_start3A_436 = arith.constant 0 : i32
      %dma_start3A_437 = tpu.memref_slice %arg7[%dma_start3A_435, %dma_start3A_436] : memref<4x128xi32, #tpu.memory_space<vmem>> -> memref<2x128xi32, #tpu.memory_space<vmem>>
      %dma_start3A_438 = arith.constant 0 : i32
      %dma_start3A_439 = tpu.memref_slice %arg2[%run_scoped3A_79, %mul3A_78, %dma_start3A_438] : memref<2x2500x128xi32, #tpu.memory_space<hbm>> -> memref<1x2x128xi32, #tpu.memory_space<hbm>>
      %dma_start3A_440 = tpu.memref_squeeze %dma_start3A_439 : memref<1x2x128xi32, #tpu.memory_space<hbm>> -> memref<2x128xi32, #tpu.memory_space<hbm>>
      tpu.enqueue_dma source(%dma_start3A_440 : memref<2x128xi32, #tpu.memory_space<hbm>>) target(%dma_start3A_437 : memref<2x128xi32, #tpu.memory_space<vmem>>) target_semaphore(%run_scoped3A_428 : memref<!tpu.dma_semaphore, #tpu.memory_space<semaphore_mem>>)
      %dma_wait3A_441 = arith.constant 2 : i32
      %dma_wait3A_442 = arith.constant 0 : i32
      %dma_wait3A_443 = tpu.memref_slice %arg7[%dma_wait3A_441, %dma_wait3A_442] : memref<4x128xi32, #tpu.memory_space<vmem>> -> memref<2x128xi32, #tpu.memory_space<vmem>>
      %dma_wait3A_444 = arith.constant 0 : i32
      %dma_wait3A_445 = tpu.memref_slice %arg2[%run_scoped3A_79, %mul3A_78, %dma_wait3A_444] : memref<2x2500x128xi32, #tpu.memory_space<hbm>> -> memref<1x2x128xi32, #tpu.memory_space<hbm>>
      %dma_wait3A_446 = tpu.memref_squeeze %dma_wait3A_445 : memref<1x2x128xi32, #tpu.memory_space<hbm>> -> memref<2x128xi32, #tpu.memory_space<hbm>>
      %dma_wait3A_447 = arith.constant 2 : i32
      %dma_wait3A_448 = arith.constant 0 : i32
      %dma_wait3A_449 = tpu.memref_slice %arg7[%dma_wait3A_447, %dma_wait3A_448] : memref<4x128xi32, #tpu.memory_space<vmem>> -> memref<2x128xi32, #tpu.memory_space<vmem>>
      %dma_wait3A_450 = arith.constant 0 : i32
      %dma_wait3A_451 = tpu.memref_slice %arg2[%run_scoped3A_79, %mul3A_78, %dma_wait3A_450] : memref<2x2500x128xi32, #tpu.memory_space<hbm>> -> memref<1x2x128xi32, #tpu.memory_space<hbm>>
      %dma_wait3A_452 = tpu.memref_squeeze %dma_wait3A_451 : memref<1x2x128xi32, #tpu.memory_space<hbm>> -> memref<2x128xi32, #tpu.memory_space<hbm>>
      tpu.wait_dma2 semaphore(%run_scoped3A_428 : memref<!tpu.dma_semaphore, #tpu.memory_space<semaphore_mem>>) src(%dma_wait3A_452 : memref<2x128xi32, #tpu.memory_space<hbm>>) dst(%dma_wait3A_449 : memref<2x128xi32, #tpu.memory_space<vmem>>)
      tpu.yield
    }) : () -> ()
    %get3A = arith.constant 0 : i32
    %get3A_80 = arith.index_cast %get3A : i32 to index
    %get3A_81 = arith.constant 0 : index
    %get3A_82 = tpu.vector_load %arg7[%get3A_80, %get3A_81] {strides = array<i32>} : memref<4x128xi32, #tpu.memory_space<vmem>>, vector<1x16xi32>,
    %get3A_83 = vector.shape_cast %get3A_82 : vector<1x16xi32> to vector<16xi32>
    %mul3A_84 = arith.constant 2 : i32
    %mul3A_85 = vector.broadcast %mul3A_84 : i32 to vector<16xi32>
    %mul3A_86 = arith.muli %mul3A_85, %get3A_83 : vector<16xi32>
    %add3A_87 = vector.broadcast %arg0 : i32 to vector<16xi32>
    %add3A_88 = arith.addi %mul3A_86, %add3A_87 : vector<16xi32>
    %swap3A = arith.constant 0 : i32
    %swap3A_89 = arith.index_cast %swap3A : i32 to index
    %swap3A_90 = arith.constant 0 : index
    %swap3A_91 = tpu.vector_load %arg7[%swap3A_89, %swap3A_90] {strides = array<i32>} : memref<4x128xi32, #tpu.memory_space<vmem>>, vector<1x16xi32>,
    %swap3A_92 = vector.shape_cast %swap3A_91 : vector<1x16xi32> to vector<16xi32>
    %swap3A_93 = vector.shape_cast %add3A_88 : vector<16xi32> to vector<1x16xi32>
    tpu.vector_store %arg7[%swap3A_89, %swap3A_90], %swap3A_93 {strides = array<i32>} : memref<4x128xi32, #tpu.memory_space<vmem>>, vector<1x16xi32>,
    %get3A_94 = arith.constant 0 : i32
    %get3A_95 = arith.index_cast %get3A_94 : i32 to index
    %get3A_96 = arith.constant 16 : index
    %get3A_97 = tpu.vector_load %arg7[%get3A_95, %get3A_96] {strides = array<i32>} : memref<4x128xi32, #tpu.memory_space<vmem>>, vector<1x16xi32>,
    %get3A_98 = vector.shape_cast %get3A_97 : vector<1x16xi32> to vector<16xi32>
    %mul3A_99 = arith.constant 2 : i32
    %mul3A_100 = vector.broadcast %mul3A_99 : i32 to vector<16xi32>
    %mul3A_101 = arith.muli %mul3A_100, %get3A_98 : vector<16xi32>
    %add3A_102 = vector.broadcast %arg0 : i32 to vector<16xi32>
    %add3A_103 = arith.addi %mul3A_101, %add3A_102 : vector<16xi32>
    %swap3A_104 = arith.constant 0 : i32
    %swap3A_105 = arith.index_cast %swap3A_104 : i32 to index
    %swap3A_106 = arith.constant 16 : index
    %swap3A_107 = tpu.vector_load %arg7[%swap3A_105, %swap3A_106] {strides = array<i32>} : memref<4x128xi32, #tpu.memory_space<vmem>>, vector<1x16xi32>,
    %swap3A_108 = vector.shape_cast %swap3A_107 : vector<1x16xi32> to vector<16xi32>
    %swap3A_109 = vector.shape_cast %add3A_103 : vector<16xi32> to vector<1x16xi32>
    tpu.vector_store %arg7[%swap3A_105, %swap3A_106], %swap3A_109 {strides = array<i32>} : memref<4x128xi32, #tpu.memory_space<vmem>>, vector<1x16xi32>,
    %get3A_110 = arith.constant 0 : i32
    %get3A_111 = arith.index_cast %get3A_110 : i32 to index
    %get3A_112 = arith.constant 32 : index
    %get3A_113 = tpu.vector_load %arg7[%get3A_111, %get3A_112] {strides = array<i32>} : memref<4x128xi32, #tpu.memory_space<vmem>>, vector<1x16xi32>,
    %get3A_114 = vector.shape_cast %get3A_113 : vector<1x16xi32> to vector<16xi32>
    %mul3A_115 = arith.constant 2 : i32
    %mul3A_116 = vector.broadcast %mul3A_115 : i32 to vector<16xi32>
    %mul3A_117 = arith.muli %mul3A_116, %get3A_114 : vector<16xi32>
    %add3A_118 = vector.broadcast %arg0 : i32 to vector<16xi32>
    %add3A_119 = arith.addi %mul3A_117, %add3A_118 : vector<16xi32>
    %swap3A_120 = arith.constant 0 : i32
    %swap3A_121 = arith.index_cast %swap3A_120 : i32 to index
    %swap3A_122 = arith.constant 32 : index
    %swap3A_123 = tpu.vector_load %arg7[%swap3A_121, %swap3A_122] {strides = array<i32>} : memref<4x128xi32, #tpu.memory_space<vmem>>, vector<1x16xi32>,
    %swap3A_124 = vector.shape_cast %swap3A_123 : vector<1x16xi32> to vector<16xi32>
    %swap3A_125 = vector.shape_cast %add3A_119 : vector<16xi32> to vector<1x16xi32>
    tpu.vector_store %arg7[%swap3A_121, %swap3A_122], %swap3A_125 {strides = array<i32>} : memref<4x128xi32, #tpu.memory_space<vmem>>, vector<1x16xi32>,
    %get3A_126 = arith.constant 0 : i32
    %get3A_127 = arith.index_cast %get3A_126 : i32 to index
    %get3A_128 = arith.constant 48 : index
    %get3A_129 = tpu.vector_load %arg7[%get3A_127, %get3A_128] {strides = array<i32>} : memref<4x128xi32, #tpu.memory_space<vmem>>, vector<1x16xi32>,
    %get3A_130 = vector.shape_cast %get3A_129 : vector<1x16xi32> to vector<16xi32>
    %mul3A_131 = arith.constant 2 : i32
    %mul3A_132 = vector.broadcast %mul3A_131 : i32 to vector<16xi32>
    %mul3A_133 = arith.muli %mul3A_132, %get3A_130 : vector<16xi32>
    %add3A_134 = vector.broadcast %arg0 : i32 to vector<16xi32>
    %add3A_135 = arith.addi %mul3A_133, %add3A_134 : vector<16xi32>
    %swap3A_136 = arith.constant 0 : i32
    %swap3A_137 = arith.index_cast %swap3A_136 : i32 to index
    %swap3A_138 = arith.constant 48 : index
    %swap3A_139 = tpu.vector_load %arg7[%swap3A_137, %swap3A_138] {strides = array<i32>} : memref<4x128xi32, #tpu.memory_space<vmem>>, vector<1x16xi32>,
    %swap3A_140 = vector.shape_cast %swap3A_139 : vector<1x16xi32> to vector<16xi32>
    %swap3A_141 = vector.shape_cast %add3A_135 : vector<16xi32> to vector<1x16xi32>
    tpu.vector_store %arg7[%swap3A_137, %swap3A_138], %swap3A_141 {strides = array<i32>} : memref<4x128xi32, #tpu.memory_space<vmem>>, vector<1x16xi32>,
    %get3A_142 = arith.constant 0 : i32
    %get3A_143 = arith.index_cast %get3A_142 : i32 to index
    %get3A_144 = arith.constant 64 : index
    %get3A_145 = tpu.vector_load %arg7[%get3A_143, %get3A_144] {strides = array<i32>} : memref<4x128xi32, #tpu.memory_space<vmem>>, vector<1x16xi32>,
    %get3A_146 = vector.shape_cast %get3A_145 : vector<1x16xi32> to vector<16xi32>
    %mul3A_147 = arith.constant 2 : i32
    %mul3A_148 = vector.broadcast %mul3A_147 : i32 to vector<16xi32>
    %mul3A_149 = arith.muli %mul3A_148, %get3A_146 : vector<16xi32>
    %add3A_150 = vector.broadcast %arg0 : i32 to vector<16xi32>
    %add3A_151 = arith.addi %mul3A_149, %add3A_150 : vector<16xi32>
    %swap3A_152 = arith.constant 0 : i32
    %swap3A_153 = arith.index_cast %swap3A_152 : i32 to index
    %swap3A_154 = arith.constant 64 : index
    %swap3A_155 = tpu.vector_load %arg7[%swap3A_153, %swap3A_154] {strides = array<i32>} : memref<4x128xi32, #tpu.memory_space<vmem>>, vector<1x16xi32>,
    %swap3A_156 = vector.shape_cast %swap3A_155 : vector<1x16xi32> to vector<16xi32>
    %swap3A_157 = vector.shape_cast %add3A_151 : vector<16xi32> to vector<1x16xi32>
    tpu.vector_store %arg7[%swap3A_153, %swap3A_154], %swap3A_157 {strides = array<i32>} : memref<4x128xi32, #tpu.memory_space<vmem>>, vector<1x16xi32>,
    %get3A_158 = arith.constant 0 : i32
    %get3A_159 = arith.index_cast %get3A_158 : i32 to index
    %get3A_160 = arith.constant 80 : index
    %get3A_161 = tpu.vector_load %arg7[%get3A_159, %get3A_160] {strides = array<i32>} : memref<4x128xi32, #tpu.memory_space<vmem>>, vector<1x16xi32>,
    %get3A_162 = vector.shape_cast %get3A_161 : vector<1x16xi32> to vector<16xi32>
    %mul3A_163 = arith.constant 2 : i32
    %mul3A_164 = vector.broadcast %mul3A_163 : i32 to vector<16xi32>
    %mul3A_165 = arith.muli %mul3A_164, %get3A_162 : vector<16xi32>
    %add3A_166 = vector.broadcast %arg0 : i32 to vector<16xi32>
    %add3A_167 = arith.addi %mul3A_165, %add3A_166 : vector<16xi32>
    %swap3A_168 = arith.constant 0 : i32
    %swap3A_169 = arith.index_cast %swap3A_168 : i32 to index
    %swap3A_170 = arith.constant 80 : index
    %swap3A_171 = tpu.vector_load %arg7[%swap3A_169, %swap3A_170] {strides = array<i32>} : memref<4x128xi32, #tpu.memory_space<vmem>>, vector<1x16xi32>,
    %swap3A_172 = vector.shape_cast %swap3A_171 : vector<1x16xi32> to vector<16xi32>
    %swap3A_173 = vector.shape_cast %add3A_167 : vector<16xi32> to vector<1x16xi32>
    tpu.vector_store %arg7[%swap3A_169, %swap3A_170], %swap3A_173 {strides = array<i32>} : memref<4x128xi32, #tpu.memory_space<vmem>>, vector<1x16xi32>,
    %get3A_174 = arith.constant 0 : i32
    %get3A_175 = arith.index_cast %get3A_174 : i32 to index
    %get3A_176 = arith.constant 96 : index
    %get3A_177 = tpu.vector_load %arg7[%get3A_175, %get3A_176] {strides = array<i32>} : memref<4x128xi32, #tpu.memory_space<vmem>>, vector<1x16xi32>,
    %get3A_178 = vector.shape_cast %get3A_177 : vector<1x16xi32> to vector<16xi32>
    %mul3A_179 = arith.constant 2 : i32
    %mul3A_180 = vector.broadcast %mul3A_179 : i32 to vector<16xi32>
    %mul3A_181 = arith.muli %mul3A_180, %get3A_178 : vector<16xi32>
    %add3A_182 = vector.broadcast %arg0 : i32 to vector<16xi32>
    %add3A_183 = arith.addi %mul3A_181, %add3A_182 : vector<16xi32>
    %swap3A_184 = arith.constant 0 : i32
    %swap3A_185 = arith.index_cast %swap3A_184 : i32 to index
    %swap3A_186 = arith.constant 96 : index
    %swap3A_187 = tpu.vector_load %arg7[%swap3A_185, %swap3A_186] {strides = array<i32>} : memref<4x128xi32, #tpu.memory_space<vmem>>, vector<1x16xi32>,
    %swap3A_188 = vector.shape_cast %swap3A_187 : vector<1x16xi32> to vector<16xi32>
    %swap3A_189 = vector.shape_cast %add3A_183 : vector<16xi32> to vector<1x16xi32>
    tpu.vector_store %arg7[%swap3A_185, %swap3A_186], %swap3A_189 {strides = array<i32>} : memref<4x128xi32, #tpu.memory_space<vmem>>, vector<1x16xi32>,
    %get3A_190 = arith.constant 0 : i32
    %get3A_191 = arith.index_cast %get3A_190 : i32 to index
    %get3A_192 = arith.constant 112 : index
    %get3A_193 = tpu.vector_load %arg7[%get3A_191, %get3A_192] {strides = array<i32>} : memref<4x128xi32, #tpu.memory_space<vmem>>, vector<1x16xi32>,
    %get3A_194 = vector.shape_cast %get3A_193 : vector<1x16xi32> to vector<16xi32>
    %mul3A_195 = arith.constant 2 : i32
    %mul3A_196 = vector.broadcast %mul3A_195 : i32 to vector<16xi32>
    %mul3A_197 = arith.muli %mul3A_196, %get3A_194 : vector<16xi32>
    %add3A_198 = vector.broadcast %arg0 : i32 to vector<16xi32>
    %add3A_199 = arith.addi %mul3A_197, %add3A_198 : vector<16xi32>
    %swap3A_200 = arith.constant 0 : i32
    %swap3A_201 = arith.index_cast %swap3A_200 : i32 to index
    %swap3A_202 = arith.constant 112 : index
    %swap3A_203 = tpu.vector_load %arg7[%swap3A_201, %swap3A_202] {strides = array<i32>} : memref<4x128xi32, #tpu.memory_space<vmem>>, vector<1x16xi32>,
    %swap3A_204 = vector.shape_cast %swap3A_203 : vector<1x16xi32> to vector<16xi32>
    %swap3A_205 = vector.shape_cast %add3A_199 : vector<16xi32> to vector<1x16xi32>
    tpu.vector_store %arg7[%swap3A_201, %swap3A_202], %swap3A_205 {strides = array<i32>} : memref<4x128xi32, #tpu.memory_space<vmem>>, vector<1x16xi32>,
    %get3A_206 = arith.constant 1 : i32
    %get3A_207 = arith.index_cast %get3A_206 : i32 to index
    %get3A_208 = arith.constant 0 : index
    %get3A_209 = tpu.vector_load %arg7[%get3A_207, %get3A_208] {strides = array<i32>} : memref<4x128xi32, #tpu.memory_space<vmem>>, vector<1x16xi32>,
    %get3A_210 = vector.shape_cast %get3A_209 : vector<1x16xi32> to vector<16xi32>
    %mul3A_211 = arith.constant 2 : i32
    %mul3A_212 = vector.broadcast %mul3A_211 : i32 to vector<16xi32>
    %mul3A_213 = arith.muli %mul3A_212, %get3A_210 : vector<16xi32>
    %add3A_214 = vector.broadcast %arg0 : i32 to vector<16xi32>
    %add3A_215 = arith.addi %mul3A_213, %add3A_214 : vector<16xi32>
    %swap3A_216 = arith.constant 1 : i32
    %swap3A_217 = arith.index_cast %swap3A_216 : i32 to index
    %swap3A_218 = arith.constant 0 : index
    %swap3A_219 = tpu.vector_load %arg7[%swap3A_217, %swap3A_218] {strides = array<i32>} : memref<4x128xi32, #tpu.memory_space<vmem>>, vector<1x16xi32>,
    %swap3A_220 = vector.shape_cast %swap3A_219 : vector<1x16xi32> to vector<16xi32>
    %swap3A_221 = vector.shape_cast %add3A_215 : vector<16xi32> to vector<1x16xi32>
    tpu.vector_store %arg7[%swap3A_217, %swap3A_218], %swap3A_221 {strides = array<i32>} : memref<4x128xi32, #tpu.memory_space<vmem>>, vector<1x16xi32>,
    %get3A_222 = arith.constant 1 : i32
    %get3A_223 = arith.index_cast %get3A_222 : i32 to index
    %get3A_224 = arith.constant 16 : index
    %get3A_225 = tpu.vector_load %arg7[%get3A_223, %get3A_224] {strides = array<i32>} : memref<4x128xi32, #tpu.memory_space<vmem>>, vector<1x16xi32>,
    %get3A_226 = vector.shape_cast %get3A_225 : vector<1x16xi32> to vector<16xi32>
    %mul3A_227 = arith.constant 2 : i32
    %mul3A_228 = vector.broadcast %mul3A_227 : i32 to vector<16xi32>
    %mul3A_229 = arith.muli %mul3A_228, %get3A_226 : vector<16xi32>
    %add3A_230 = vector.broadcast %arg0 : i32 to vector<16xi32>
    %add3A_231 = arith.addi %mul3A_229, %add3A_230 : vector<16xi32>
    %swap3A_232 = arith.constant 1 : i32
    %swap3A_233 = arith.index_cast %swap3A_232 : i32 to index
    %swap3A_234 = arith.constant 16 : index
    %swap3A_235 = tpu.vector_load %arg7[%swap3A_233, %swap3A_234] {strides = array<i32>} : memref<4x128xi32, #tpu.memory_space<vmem>>, vector<1x16xi32>,
    %swap3A_236 = vector.shape_cast %swap3A_235 : vector<1x16xi32> to vector<16xi32>
    %swap3A_237 = vector.shape_cast %add3A_231 : vector<16xi32> to vector<1x16xi32>
    tpu.vector_store %arg7[%swap3A_233, %swap3A_234], %swap3A_237 {strides = array<i32>} : memref<4x128xi32, #tpu.memory_space<vmem>>, vector<1x16xi32>,
    %get3A_238 = arith.constant 1 : i32
    %get3A_239 = arith.index_cast %get3A_238 : i32 to index
    %get3A_240 = arith.constant 32 : index
    %get3A_241 = tpu.vector_load %arg7[%get3A_239, %get3A_240] {strides = array<i32>} : memref<4x128xi32, #tpu.memory_space<vmem>>, vector<1x16xi32>,
    %get3A_242 = vector.shape_cast %get3A_241 : vector<1x16xi32> to vector<16xi32>
    %mul3A_243 = arith.constant 2 : i32
    %mul3A_244 = vector.broadcast %mul3A_243 : i32 to vector<16xi32>
    %mul3A_245 = arith.muli %mul3A_244, %get3A_242 : vector<16xi32>
    %add3A_246 = vector.broadcast %arg0 : i32 to vector<16xi32>
    %add3A_247 = arith.addi %mul3A_245, %add3A_246 : vector<16xi32>
    %swap3A_248 = arith.constant 1 : i32
    %swap3A_249 = arith.index_cast %swap3A_248 : i32 to index
    %swap3A_250 = arith.constant 32 : index
    %swap3A_251 = tpu.vector_load %arg7[%swap3A_249, %swap3A_250] {strides = array<i32>} : memref<4x128xi32, #tpu.memory_space<vmem>>, vector<1x16xi32>,
    %swap3A_252 = vector.shape_cast %swap3A_251 : vector<1x16xi32> to vector<16xi32>
    %swap3A_253 = vector.shape_cast %add3A_247 : vector<16xi32> to vector<1x16xi32>
    tpu.vector_store %arg7[%swap3A_249, %swap3A_250], %swap3A_253 {strides = array<i32>} : memref<4x128xi32, #tpu.memory_space<vmem>>, vector<1x16xi32>,
    %get3A_254 = arith.constant 1 : i32
    %get3A_255 = arith.index_cast %get3A_254 : i32 to index
    %get3A_256 = arith.constant 48 : index
    %get3A_257 = tpu.vector_load %arg7[%get3A_255, %get3A_256] {strides = array<i32>} : memref<4x128xi32, #tpu.memory_space<vmem>>, vector<1x16xi32>,
    %get3A_258 = vector.shape_cast %get3A_257 : vector<1x16xi32> to vector<16xi32>
    %mul3A_259 = arith.constant 2 : i32
    %mul3A_260 = vector.broadcast %mul3A_259 : i32 to vector<16xi32>
    %mul3A_261 = arith.muli %mul3A_260, %get3A_258 : vector<16xi32>
    %add3A_262 = vector.broadcast %arg0 : i32 to vector<16xi32>
    %add3A_263 = arith.addi %mul3A_261, %add3A_262 : vector<16xi32>
    %swap3A_264 = arith.constant 1 : i32
    %swap3A_265 = arith.index_cast %swap3A_264 : i32 to index
    %swap3A_266 = arith.constant 48 : index
    %swap3A_267 = tpu.vector_load %arg7[%swap3A_265, %swap3A_266] {strides = array<i32>} : memref<4x128xi32, #tpu.memory_space<vmem>>, vector<1x16xi32>,
    %swap3A_268 = vector.shape_cast %swap3A_267 : vector<1x16xi32> to vector<16xi32>
    %swap3A_269 = vector.shape_cast %add3A_263 : vector<16xi32> to vector<1x16xi32>
    tpu.vector_store %arg7[%swap3A_265, %swap3A_266], %swap3A_269 {strides = array<i32>} : memref<4x128xi32, #tpu.memory_space<vmem>>, vector<1x16xi32>,
    %get3A_270 = arith.constant 1 : i32
    %get3A_271 = arith.index_cast %get3A_270 : i32 to index
    %get3A_272 = arith.constant 64 : index
    %get3A_273 = tpu.vector_load %arg7[%get3A_271, %get3A_272] {strides = array<i32>} : memref<4x128xi32, #tpu.memory_space<vmem>>, vector<1x16xi32>,
    %get3A_274 = vector.shape_cast %get3A_273 : vector<1x16xi32> to vector<16xi32>
    %mul3A_275 = arith.constant 2 : i32
    %mul3A_276 = vector.broadcast %mul3A_275 : i32 to vector<16xi32>
    %mul3A_277 = arith.muli %mul3A_276, %get3A_274 : vector<16xi32>
    %add3A_278 = vector.broadcast %arg0 : i32 to vector<16xi32>
    %add3A_279 = arith.addi %mul3A_277, %add3A_278 : vector<16xi32>
    %swap3A_280 = arith.constant 1 : i32
    %swap3A_281 = arith.index_cast %swap3A_280 : i32 to index
    %swap3A_282 = arith.constant 64 : index
    %swap3A_283 = tpu.vector_load %arg7[%swap3A_281, %swap3A_282] {strides = array<i32>} : memref<4x128xi32, #tpu.memory_space<vmem>>, vector<1x16xi32>,
    %swap3A_284 = vector.shape_cast %swap3A_283 : vector<1x16xi32> to vector<16xi32>
    %swap3A_285 = vector.shape_cast %add3A_279 : vector<16xi32> to vector<1x16xi32>
    tpu.vector_store %arg7[%swap3A_281, %swap3A_282], %swap3A_285 {strides = array<i32>} : memref<4x128xi32, #tpu.memory_space<vmem>>, vector<1x16xi32>,
    %get3A_286 = arith.constant 1 : i32
    %get3A_287 = arith.index_cast %get3A_286 : i32 to index
    %get3A_288 = arith.constant 80 : index
    %get3A_289 = tpu.vector_load %arg7[%get3A_287, %get3A_288] {strides = array<i32>} : memref<4x128xi32, #tpu.memory_space<vmem>>, vector<1x16xi32>,
    %get3A_290 = vector.shape_cast %get3A_289 : vector<1x16xi32> to vector<16xi32>
    %mul3A_291 = arith.constant 2 : i32
    %mul3A_292 = vector.broadcast %mul3A_291 : i32 to vector<16xi32>
    %mul3A_293 = arith.muli %mul3A_292, %get3A_290 : vector<16xi32>
    %add3A_294 = vector.broadcast %arg0 : i32 to vector<16xi32>
    %add3A_295 = arith.addi %mul3A_293, %add3A_294 : vector<16xi32>
    %swap3A_296 = arith.constant 1 : i32
    %swap3A_297 = arith.index_cast %swap3A_296 : i32 to index
    %swap3A_298 = arith.constant 80 : index
    %swap3A_299 = tpu.vector_load %arg7[%swap3A_297, %swap3A_298] {strides = array<i32>} : memref<4x128xi32, #tpu.memory_space<vmem>>, vector<1x16xi32>,
    %swap3A_300 = vector.shape_cast %swap3A_299 : vector<1x16xi32> to vector<16xi32>
    %swap3A_301 = vector.shape_cast %add3A_295 : vector<16xi32> to vector<1x16xi32>
    tpu.vector_store %arg7[%swap3A_297, %swap3A_298], %swap3A_301 {strides = array<i32>} : memref<4x128xi32, #tpu.memory_space<vmem>>, vector<1x16xi32>,
    %get3A_302 = arith.constant 1 : i32
    %get3A_303 = arith.index_cast %get3A_302 : i32 to index
    %get3A_304 = arith.constant 96 : index
    %get3A_305 = tpu.vector_load %arg7[%get3A_303, %get3A_304] {strides = array<i32>} : memref<4x128xi32, #tpu.memory_space<vmem>>, vector<1x16xi32>,
    %get3A_306 = vector.shape_cast %get3A_305 : vector<1x16xi32> to vector<16xi32>
    %mul3A_307 = arith.constant 2 : i32
    %mul3A_308 = vector.broadcast %mul3A_307 : i32 to vector<16xi32>
    %mul3A_309 = arith.muli %mul3A_308, %get3A_306 : vector<16xi32>
    %add3A_310 = vector.broadcast %arg0 : i32 to vector<16xi32>
    %add3A_311 = arith.addi %mul3A_309, %add3A_310 : vector<16xi32>
    %swap3A_312 = arith.constant 1 : i32
    %swap3A_313 = arith.index_cast %swap3A_312 : i32 to index
    %swap3A_314 = arith.constant 96 : index
    %swap3A_315 = tpu.vector_load %arg7[%swap3A_313, %swap3A_314] {strides = array<i32>} : memref<4x128xi32, #tpu.memory_space<vmem>>, vector<1x16xi32>,
    %swap3A_316 = vector.shape_cast %swap3A_315 : vector<1x16xi32> to vector<16xi32>
    %swap3A_317 = vector.shape_cast %add3A_311 : vector<16xi32> to vector<1x16xi32>
    tpu.vector_store %arg7[%swap3A_313, %swap3A_314], %swap3A_317 {strides = array<i32>} : memref<4x128xi32, #tpu.memory_space<vmem>>, vector<1x16xi32>,
    %get3A_318 = arith.constant 1 : i32
    %get3A_319 = arith.index_cast %get3A_318 : i32 to index
    %get3A_320 = arith.constant 112 : index
    %get3A_321 = tpu.vector_load %arg7[%get3A_319, %get3A_320] {strides = array<i32>} : memref<4x128xi32, #tpu.memory_space<vmem>>, vector<1x16xi32>,
    %get3A_322 = vector.shape_cast %get3A_321 : vector<1x16xi32> to vector<16xi32>
    %mul3A_323 = arith.constant 2 : i32
    %mul3A_324 = vector.broadcast %mul3A_323 : i32 to vector<16xi32>
    %mul3A_325 = arith.muli %mul3A_324, %get3A_322 : vector<16xi32>
    %add3A_326 = vector.broadcast %arg0 : i32 to vector<16xi32>
    %add3A_327 = arith.addi %mul3A_325, %add3A_326 : vector<16xi32>
    %swap3A_328 = arith.constant 1 : i32
    %swap3A_329 = arith.index_cast %swap3A_328 : i32 to index
    %swap3A_330 = arith.constant 112 : index
    %swap3A_331 = tpu.vector_load %arg7[%swap3A_329, %swap3A_330] {strides = array<i32>} : memref<4x128xi32, #tpu.memory_space<vmem>>, vector<1x16xi32>,
    %swap3A_332 = vector.shape_cast %swap3A_331 : vector<1x16xi32> to vector<16xi32>
    %swap3A_333 = vector.shape_cast %add3A_327 : vector<16xi32> to vector<1x16xi32>
    tpu.vector_store %arg7[%swap3A_329, %swap3A_330], %swap3A_333 {strides = array<i32>} : memref<4x128xi32, #tpu.memory_space<vmem>>, vector<1x16xi32>,
    %add3A_334 = arith.constant 0 : i32
    %add3A_335 = arith.addi %arg1, %add3A_334 : i32
    %dma_start3A = arith.constant 0 : i32
    %dma_start3A_336 = arith.constant 0 : i32
    %dma_start3A_337 = arith.constant 0 : i32
    %dma_start3A_338 = tpu.memref_slice %arg9[%dma_start3A_336, %dma_start3A_337] : memref<256x64xf32, #tpu.memory_space<vmem>> -> memref<128x64xf32, #tpu.memory_space<vmem>>
    %dma_start3A_339 = arith.constant 0 : i32
    %dma_start3A_340 = tpu.memref_slice %arg7[%dma_start3A, %dma_start3A_339] : memref<4x128xi32, #tpu.memory_space<vmem>> -> memref<1x128xi32, #tpu.memory_space<vmem>>
    %dma_start3A_341 = tpu.memref_squeeze %dma_start3A_340 : memref<1x128xi32, #tpu.memory_space<vmem>> -> memref<128xi32, #tpu.memory_space<vmem>>
    %dma_start3A_342 = arith.constant 0 : i32
    %dma_start3A_343 = arith.constant 0 : i32
    %dma_start3A_344 = tpu.memref_slice %arg3[%dma_start3A_342, %dma_start3A_343] : memref<20000x64xf32, #tpu.memory_space<hbm>> -> memref<20000x64xf32, #tpu.memory_space<hbm>>
    tpu.enqueue_indirect_dma source(%dma_start3A_344 : memref<20000x64xf32, #tpu.memory_space<hbm>>) target(%dma_start3A_338 : memref<128x64xf32, #tpu.memory_space<vmem>>) offsets(%dma_start3A_341 : memref<128xi32, #tpu.memory_space<vmem>>) semaphore(%arg16 : memref<!tpu.dma_semaphore, #tpu.memory_space<semaphore_mem>>)
    %dma_start3A_345 = arith.constant 1 : i32
    %dma_start3A_346 = arith.constant 128 : i32
    %dma_start3A_347 = arith.constant 0 : i32
    %dma_start3A_348 = tpu.memref_slice %arg9[%dma_start3A_346, %dma_start3A_347] : memref<256x64xf32, #tpu.memory_space<vmem>> -> memref<128x64xf32, #tpu.memory_space<vmem>>
    %dma_start3A_349 = arith.constant 0 : i32
    %dma_start3A_350 = tpu.memref_slice %arg7[%dma_start3A_345, %dma_start3A_349] : memref<4x128xi32, #tpu.memory_space<vmem>> -> memref<1x128xi32, #tpu.memory_space<vmem>>
    %dma_start3A_351 = tpu.memref_squeeze %dma_start3A_350 : memref<1x128xi32, #tpu.memory_space<vmem>> -> memref<128xi32, #tpu.memory_space<vmem>>
    %dma_start3A_352 = arith.constant 0 : i32
    %dma_start3A_353 = arith.constant 0 : i32
    %dma_start3A_354 = tpu.memref_slice %arg3[%dma_start3A_352, %dma_start3A_353] : memref<20000x64xf32, #tpu.memory_space<hbm>> -> memref<20000x64xf32, #tpu.memory_space<hbm>>
    tpu.enqueue_indirect_dma source(%dma_start3A_354 : memref<20000x64xf32, #tpu.memory_space<hbm>>) target(%dma_start3A_348 : memref<128x64xf32, #tpu.memory_space<vmem>>) offsets(%dma_start3A_351 : memref<128xi32, #tpu.memory_space<vmem>>) semaphore(%arg16 : memref<!tpu.dma_semaphore, #tpu.memory_space<semaphore_mem>>)
    %mul3A_355 = arith.constant 32 : i32
    %mul3A_356 = arith.muli %add3A_335, %mul3A_355 : i32
    %dma_start3A_357 = arith.constant 0 : i32
    %dma_start3A_358 = tpu.memref_slice %arg4[%arg0, %mul3A_356, %dma_start3A_357] : memref<2x40000x512xf32, #tpu.memory_space<hbm>> -> memref<1x32x512xf32, #tpu.memory_space<hbm>>
    %dma_start3A_359 = tpu.memref_squeeze %dma_start3A_358 : memref<1x32x512xf32, #tpu.memory_space<hbm>> -> memref<32x512xf32, #tpu.memory_space<hbm>>
    %dma_start3A_360 = arith.constant 0 : i32
    %dma_start3A_361 = tpu.memref_slice %arg4[%arg0, %mul3A_356, %dma_start3A_360] : memref<2x40000x512xf32, #tpu.memory_space<hbm>> -> memref<1x32x512xf32, #tpu.memory_space<hbm>>
    %dma_start3A_362 = tpu.memref_squeeze %dma_start3A_361 : memref<1x32x512xf32, #tpu.memory_space<hbm>> -> memref<32x512xf32, #tpu.memory_space<hbm>>
    tpu.enqueue_dma source(%dma_start3A_362 : memref<32x512xf32, #tpu.memory_space<hbm>>) target(%arg11 : memref<32x512xf32, #tpu.memory_space<vmem>>) target_semaphore(%arg18 : memref<!tpu.dma_semaphore, #tpu.memory_space<semaphore_mem>>)
    %while3A = arith.constant 0 : i32
    %while3A_363 = arith.constant 0 : i32
    %while3A_364 = arith.subi %select_n3A_73, %while3A : i32
    %while3A_365 = arith.addi %while3A, %while3A_364 : i32
    %while3A_366 = arith.constant 1 : i32
    %while3A_367 = arith.divsi %while3A_364, %while3A_366 : i32
    %while3A_368 = arith.muli %while3A_367, %while3A_366 : i32
    %while3A_369 = arith.addi %while3A, %while3A_368 : i32
    %while3A_370 = arith.constant 1 : i32
    %while3A_371 = scf.for %while3A_428 = %while3A to %while3A_369 step %while3A_370 iter_args(%while3A_429 = %while3A_363) -> (i32)  : i32 {
      %mul3A_430 = arith.constant 2 : i32
      %mul3A_431 = arith.muli %mul3A_430, %while3A_428 : i32
      %add3A_432 = arith.constant 0 : i32
      %add3A_433 = arith.addi %mul3A_431, %add3A_432 : i32
      %add3A_434 = arith.constant 1 : i32
      %add3A_435 = arith.addi %add3A_433, %add3A_434 : i32
      %lt3A = arith.cmpi slt, %add3A_435, %select_n3A : i32
      %convert_element_type3A_436 = arith.extui %lt3A : i1 to i32
      %cond3A_437 = arith.constant 0 : i32
      %cond3A_438 = arith.cmpi ne, %convert_element_type3A_436, %cond3A_437 : i32
      scf.if %cond3A_438 {
        %ge3A = arith.constant 1 : i32
        %ge3A_458 = arith.cmpi sge, %add3A_433, %ge3A : i32
        %convert_element_type3A_459 = arith.extui %ge3A_458 : i1 to i32
        %cond3A_460 = arith.constant 0 : i32
        %cond3A_461 = arith.cmpi ne, %convert_element_type3A_459, %cond3A_460 : i32
        scf.if %cond3A_461 {
          %dma_wait3A_762 = arith.constant 2 : i32
          %dma_wait3A_763 = arith.constant 0 : i32
          %dma_wait3A_764 = arith.constant 0 : i32
          %dma_wait3A_765 = tpu.memref_slice %arg10[%dma_wait3A_763, %dma_wait3A_764] : memref<256x64xf32, #tpu.memory_space<vmem>> -> memref<128x64xf32, #tpu.memory_space<vmem>>
          %dma_wait3A_766 = arith.constant 0 : i32
          %dma_wait3A_767 = tpu.memref_slice %arg8[%dma_wait3A_762, %dma_wait3A_766] : memref<4x128xi32, #tpu.memory_space<vmem>> -> memref<1x128xi32, #tpu.memory_space<vmem>>
          %dma_wait3A_768 = tpu.memref_squeeze %dma_wait3A_767 : memref<1x128xi32, #tpu.memory_space<vmem>> -> memref<128xi32, #tpu.memory_space<vmem>>
          %dma_wait3A_769 = arith.constant 0 : i32
          %dma_wait3A_770 = arith.constant 0 : i32
          %dma_wait3A_771 = tpu.memref_slice %arg14[%dma_wait3A_769, %dma_wait3A_770] : memref<10240x64xf32, #tpu.memory_space<vmem_shared>> -> memref<10240x64xf32, #tpu.memory_space<vmem_shared>>
          tpu.wait_indirect_dma semaphore(%arg21 : memref<!tpu.dma_semaphore, #tpu.memory_space<semaphore_mem>>) src(%dma_wait3A_765 : memref<128x64xf32, #tpu.memory_space<vmem>>) dst(%dma_wait3A_771 : memref<10240x64xf32, #tpu.memory_space<vmem_shared>>)
          %dma_wait3A_772 = arith.constant 3 : i32
          %dma_wait3A_773 = arith.constant 128 : i32
          %dma_wait3A_774 = arith.constant 0 : i32
          %dma_wait3A_775 = tpu.memref_slice %arg10[%dma_wait3A_773, %dma_wait3A_774] : memref<256x64xf32, #tpu.memory_space<vmem>> -> memref<128x64xf32, #tpu.memory_space<vmem>>
          %dma_wait3A_776 = arith.constant 0 : i32
          %dma_wait3A_777 = tpu.memref_slice %arg8[%dma_wait3A_772, %dma_wait3A_776] : memref<4x128xi32, #tpu.memory_space<vmem>> -> memref<1x128xi32, #tpu.memory_space<vmem>>
          %dma_wait3A_778 = tpu.memref_squeeze %dma_wait3A_777 : memref<1x128xi32, #tpu.memory_space<vmem>> -> memref<128xi32, #tpu.memory_space<vmem>>
          %dma_wait3A_779 = arith.constant 0 : i32
          %dma_wait3A_780 = arith.constant 0 : i32
          %dma_wait3A_781 = tpu.memref_slice %arg14[%dma_wait3A_779, %dma_wait3A_780] : memref<10240x64xf32, #tpu.memory_space<vmem_shared>> -> memref<10240x64xf32, #tpu.memory_space<vmem_shared>>
          tpu.wait_indirect_dma semaphore(%arg21 : memref<!tpu.dma_semaphore, #tpu.memory_space<semaphore_mem>>) src(%dma_wait3A_775 : memref<128x64xf32, #tpu.memory_space<vmem>>) dst(%dma_wait3A_781 : memref<10240x64xf32, #tpu.memory_space<vmem_shared>>)
          %eq3A_782 = arith.constant 1 : i32
          %eq3A_783 = arith.cmpi eq, %arg0, %eq3A_782 : i32
          %convert_element_type3A_784 = arith.extui %eq3A_783 : i1 to i32
          %cond3A_785 = arith.constant 0 : i32
          %cond3A_786 = arith.cmpi ne, %convert_element_type3A_784, %cond3A_785 : i32
          scf.if %cond3A_786 {
            %dma_wait3A_787 = arith.constant 2 : i32
            %dma_wait3A_788 = arith.constant 0 : i32
            %dma_wait3A_789 = tpu.memref_slice %arg8[%dma_wait3A_787, %dma_wait3A_788] : memref<4x128xi32, #tpu.memory_space<vmem>> -> memref<1x128xi32, #tpu.memory_space<vmem>>
            %dma_wait3A_790 = tpu.memref_squeeze %dma_wait3A_789 : memref<1x128xi32, #tpu.memory_space<vmem>> -> memref<128xi32, #tpu.memory_space<vmem>>
            %dma_wait3A_791 = arith.constant 0 : i32
            %dma_wait3A_792 = arith.constant 0 : i32
            %dma_wait3A_793 = tpu.memref_slice %arg15[%dma_wait3A_791, %dma_wait3A_792] : memref<10240x16xf32, #tpu.memory_space<vmem_shared>> -> memref<10240x16xf32, #tpu.memory_space<vmem_shared>>
            tpu.wait_indirect_dma semaphore(%arg23 : memref<!tpu.dma_semaphore, #tpu.memory_space<semaphore_mem>>) src(%arg13 : memref<128x16xf32, #tpu.memory_space<vmem>>) dst(%dma_wait3A_793 : memref<10240x16xf32, #tpu.memory_space<vmem_shared>>)
            %dma_wait3A_794 = arith.constant 3 : i32
            %dma_wait3A_795 = arith.constant 0 : i32
            %dma_wait3A_796 = tpu.memref_slice %arg8[%dma_wait3A_794, %dma_wait3A_795] : memref<4x128xi32, #tpu.memory_space<vmem>> -> memref<1x128xi32, #tpu.memory_space<vmem>>
            %dma_wait3A_797 = tpu.memref_squeeze %dma_wait3A_796 : memref<1x128xi32, #tpu.memory_space<vmem>> -> memref<128xi32, #tpu.memory_space<vmem>>
            %dma_wait3A_798 = arith.constant 0 : i32
            %dma_wait3A_799 = arith.constant 0 : i32
            %dma_wait3A_800 = tpu.memref_slice %arg15[%dma_wait3A_798, %dma_wait3A_799] : memref<10240x16xf32, #tpu.memory_space<vmem_shared>> -> memref<10240x16xf32, #tpu.memory_space<vmem_shared>>
            tpu.wait_indirect_dma semaphore(%arg23 : memref<!tpu.dma_semaphore, #tpu.memory_space<semaphore_mem>>) src(%arg13 : memref<128x16xf32, #tpu.memory_space<vmem>>) dst(%dma_wait3A_800 : memref<10240x16xf32, #tpu.memory_space<vmem_shared>>)
          } else {
          }
        } else {
        }
        %add3A_462 = arith.constant 1 : i32
        %add3A_463 = arith.addi %add3A_433, %add3A_462 : i32
        %mul3A_464 = arith.constant 16 : i32
        %mul3A_465 = arith.muli %add3A_463, %mul3A_464 : i32
        %add3A_466 = arith.addi %arg1, %mul3A_465 : i32
        %mul3A_467 = arith.constant 2 : i32
        %mul3A_468 = arith.muli %mul3A_467, %add3A_466 : i32
        %run_scoped3A_469 = arith.constant 0 : i32
        "tpu.region"() ({
          %run_scoped3A_762 = tpu.sem_alloc : memref<!tpu.dma_semaphore, #tpu.memory_space<semaphore_mem>>
          %dma_start3A_763 = arith.constant 0 : i32
          %dma_start3A_764 = arith.constant 0 : i32
          %dma_start3A_765 = tpu.memref_slice %arg8[%dma_start3A_763, %dma_start3A_764] : memref<4x128xi32, #tpu.memory_space<vmem>> -> memref<2x128xi32, #tpu.memory_space<vmem>>
          %dma_start3A_766 = arith.constant 0 : i32
          %dma_start3A_767 = tpu.memref_slice %arg2[%run_scoped3A_469, %mul3A_468, %dma_start3A_766] : memref<2x2500x128xi32, #tpu.memory_space<hbm>> -> memref<1x2x128xi32, #tpu.memory_space<hbm>>
          %dma_start3A_768 = tpu.memref_squeeze %dma_start3A_767 : memref<1x2x128xi32, #tpu.memory_space<hbm>> -> memref<2x128xi32, #tpu.memory_space<hbm>>
          %dma_start3A_769 = arith.constant 0 : i32
          %dma_start3A_770 = arith.constant 0 : i32
          %dma_start3A_771 = tpu.memref_slice %arg8[%dma_start3A_769, %dma_start3A_770] : memref<4x128xi32, #tpu.memory_space<vmem>> -> memref<2x128xi32, #tpu.memory_space<vmem>>
          %dma_start3A_772 = arith.constant 0 : i32
          %dma_start3A_773 = tpu.memref_slice %arg2[%run_scoped3A_469, %mul3A_468, %dma_start3A_772] : memref<2x2500x128xi32, #tpu.memory_space<hbm>> -> memref<1x2x128xi32, #tpu.memory_space<hbm>>
          %dma_start3A_774 = tpu.memref_squeeze %dma_start3A_773 : memref<1x2x128xi32, #tpu.memory_space<hbm>> -> memref<2x128xi32, #tpu.memory_space<hbm>>
          tpu.enqueue_dma source(%dma_start3A_774 : memref<2x128xi32, #tpu.memory_space<hbm>>) target(%dma_start3A_771 : memref<2x128xi32, #tpu.memory_space<vmem>>) target_semaphore(%run_scoped3A_762 : memref<!tpu.dma_semaphore, #tpu.memory_space<semaphore_mem>>)
          %dma_wait3A_775 = arith.constant 0 : i32
          %dma_wait3A_776 = arith.constant 0 : i32
          %dma_wait3A_777 = tpu.memref_slice %arg8[%dma_wait3A_775, %dma_wait3A_776] : memref<4x128xi32, #tpu.memory_space<vmem>> -> memref<2x128xi32, #tpu.memory_space<vmem>>
          %dma_wait3A_778 = arith.constant 0 : i32
          %dma_wait3A_779 = tpu.memref_slice %arg2[%run_scoped3A_469, %mul3A_468, %dma_wait3A_778] : memref<2x2500x128xi32, #tpu.memory_space<hbm>> -> memref<1x2x128xi32, #tpu.memory_space<hbm>>
          %dma_wait3A_780 = tpu.memref_squeeze %dma_wait3A_779 : memref<1x2x128xi32, #tpu.memory_space<hbm>> -> memref<2x128xi32, #tpu.memory_space<hbm>>
          %dma_wait3A_781 = arith.constant 0 : i32
          %dma_wait3A_782 = arith.constant 0 : i32
          %dma_wait3A_783 = tpu.memref_slice %arg8[%dma_wait3A_781, %dma_wait3A_782] : memref<4x128xi32, #tpu.memory_space<vmem>> -> memref<2x128xi32, #tpu.memory_space<vmem>>
          %dma_wait3A_784 = arith.constant 0 : i32
          %dma_wait3A_785 = tpu.memref_slice %arg2[%run_scoped3A_469, %mul3A_468, %dma_wait3A_784] : memref<2x2500x128xi32, #tpu.memory_space<hbm>> -> memref<1x2x128xi32, #tpu.memory_space<hbm>>
          %dma_wait3A_786 = tpu.memref_squeeze %dma_wait3A_785 : memref<1x2x128xi32, #tpu.memory_space<hbm>> -> memref<2x128xi32, #tpu.memory_space<hbm>>
          tpu.wait_dma2 semaphore(%run_scoped3A_762 : memref<!tpu.dma_semaphore, #tpu.memory_space<semaphore_mem>>) src(%dma_wait3A_786 : memref<2x128xi32, #tpu.memory_space<hbm>>) dst(%dma_wait3A_783 : memref<2x128xi32, #tpu.memory_space<vmem>>)
          tpu.yield
        }) : () -> ()
        %mul3A_470 = arith.constant 2 : i32
        %mul3A_471 = arith.muli %mul3A_470, %add3A_466 : i32
        %run_scoped3A_472 = arith.constant 1 : i32
        "tpu.region"() ({
          %run_scoped3A_762 = tpu.sem_alloc : memref<!tpu.dma_semaphore, #tpu.memory_space<semaphore_mem>>
          %dma_start3A_763 = arith.constant 2 : i32
          %dma_start3A_764 = arith.constant 0 : i32
          %dma_start3A_765 = tpu.memref_slice %arg8[%dma_start3A_763, %dma_start3A_764] : memref<4x128xi32, #tpu.memory_space<vmem>> -> memref<2x128xi32, #tpu.memory_space<vmem>>
          %dma_start3A_766 = arith.constant 0 : i32
          %dma_start3A_767 = tpu.memref_slice %arg2[%run_scoped3A_472, %mul3A_471, %dma_start3A_766] : memref<2x2500x128xi32, #tpu.memory_space<hbm>> -> memref<1x2x128xi32, #tpu.memory_space<hbm>>
          %dma_start3A_768 = tpu.memref_squeeze %dma_start3A_767 : memref<1x2x128xi32, #tpu.memory_space<hbm>> -> memref<2x128xi32, #tpu.memory_space<hbm>>
          %dma_start3A_769 = arith.constant 2 : i32
          %dma_start3A_770 = arith.constant 0 : i32
          %dma_start3A_771 = tpu.memref_slice %arg8[%dma_start3A_769, %dma_start3A_770] : memref<4x128xi32, #tpu.memory_space<vmem>> -> memref<2x128xi32, #tpu.memory_space<vmem>>
          %dma_start3A_772 = arith.constant 0 : i32
          %dma_start3A_773 = tpu.memref_slice %arg2[%run_scoped3A_472, %mul3A_471, %dma_start3A_772] : memref<2x2500x128xi32, #tpu.memory_space<hbm>> -> memref<1x2x128xi32, #tpu.memory_space<hbm>>
          %dma_start3A_774 = tpu.memref_squeeze %dma_start3A_773 : memref<1x2x128xi32, #tpu.memory_space<hbm>> -> memref<2x128xi32, #tpu.memory_space<hbm>>
          tpu.enqueue_dma source(%dma_start3A_774 : memref<2x128xi32, #tpu.memory_space<hbm>>) target(%dma_start3A_771 : memref<2x128xi32, #tpu.memory_space<vmem>>) target_semaphore(%run_scoped3A_762 : memref<!tpu.dma_semaphore, #tpu.memory_space<semaphore_mem>>)
          %dma_wait3A_775 = arith.constant 2 : i32
          %dma_wait3A_776 = arith.constant 0 : i32
          %dma_wait3A_777 = tpu.memref_slice %arg8[%dma_wait3A_775, %dma_wait3A_776] : memref<4x128xi32, #tpu.memory_space<vmem>> -> memref<2x128xi32, #tpu.memory_space<vmem>>
          %dma_wait3A_778 = arith.constant 0 : i32
          %dma_wait3A_779 = tpu.memref_slice %arg2[%run_scoped3A_472, %mul3A_471, %dma_wait3A_778] : memref<2x2500x128xi32, #tpu.memory_space<hbm>> -> memref<1x2x128xi32, #tpu.memory_space<hbm>>
          %dma_wait3A_780 = tpu.memref_squeeze %dma_wait3A_779 : memref<1x2x128xi32, #tpu.memory_space<hbm>> -> memref<2x128xi32, #tpu.memory_space<hbm>>
          %dma_wait3A_781 = arith.constant 2 : i32
          %dma_wait3A_782 = arith.constant 0 : i32
          %dma_wait3A_783 = tpu.memref_slice %arg8[%dma_wait3A_781, %dma_wait3A_782] : memref<4x128xi32, #tpu.memory_space<vmem>> -> memref<2x128xi32, #tpu.memory_space<vmem>>
          %dma_wait3A_784 = arith.constant 0 : i32
          %dma_wait3A_785 = tpu.memref_slice %arg2[%run_scoped3A_472, %mul3A_471, %dma_wait3A_784] : memref<2x2500x128xi32, #tpu.memory_space<hbm>> -> memref<1x2x128xi32, #tpu.memory_space<hbm>>
          %dma_wait3A_786 = tpu.memref_squeeze %dma_wait3A_785 : memref<1x2x128xi32, #tpu.memory_space<hbm>> -> memref<2x128xi32, #tpu.memory_space<hbm>>
          tpu.wait_dma2 semaphore(%run_scoped3A_762 : memref<!tpu.dma_semaphore, #tpu.memory_space<semaphore_mem>>) src(%dma_wait3A_786 : memref<2x128xi32, #tpu.memory_space<hbm>>) dst(%dma_wait3A_783 : memref<2x128xi32, #tpu.memory_space<vmem>>)
          tpu.yield
        }) : () -> ()
        %get3A_473 = arith.constant 0 : i32
        %get3A_474 = arith.index_cast %get3A_473 : i32 to index
        %get3A_475 = arith.constant 0 : index
        %get3A_476 = tpu.vector_load %arg8[%get3A_474, %get3A_475] {strides = array<i32>} : memref<4x128xi32, #tpu.memory_space<vmem>>, vector<1x16xi32>,
        %get3A_477 = vector.shape_cast %get3A_476 : vector<1x16xi32> to vector<16xi32>
        %mul3A_478 = arith.constant 2 : i32
        %mul3A_479 = vector.broadcast %mul3A_478 : i32 to vector<16xi32>
        %mul3A_480 = arith.muli %mul3A_479, %get3A_477 : vector<16xi32>
        %add3A_481 = vector.broadcast %arg0 : i32 to vector<16xi32>
        %add3A_482 = arith.addi %mul3A_480, %add3A_481 : vector<16xi32>
        %swap3A_483 = arith.constant 0 : i32
        %swap3A_484 = arith.index_cast %swap3A_483 : i32 to index
        %swap3A_485 = arith.constant 0 : index
        %swap3A_486 = tpu.vector_load %arg8[%swap3A_484, %swap3A_485] {strides = array<i32>} : memref<4x128xi32, #tpu.memory_space<vmem>>, vector<1x16xi32>,
        %swap3A_487 = vector.shape_cast %swap3A_486 : vector<1x16xi32> to vector<16xi32>
        %swap3A_488 = vector.shape_cast %add3A_482 : vector<16xi32> to vector<1x16xi32>
        tpu.vector_store %arg8[%swap3A_484, %swap3A_485], %swap3A_488 {strides = array<i32>} : memref<4x128xi32, #tpu.memory_space<vmem>>, vector<1x16xi32>,
        %get3A_489 = arith.constant 0 : i32
        %get3A_490 = arith.index_cast %get3A_489 : i32 to index
        %get3A_491 = arith.constant 16 : index
        %get3A_492 = tpu.vector_load %arg8[%get3A_490, %get3A_491] {strides = array<i32>} : memref<4x128xi32, #tpu.memory_space<vmem>>, vector<1x16xi32>,
        %get3A_493 = vector.shape_cast %get3A_492 : vector<1x16xi32> to vector<16xi32>
        %mul3A_494 = arith.constant 2 : i32
        %mul3A_495 = vector.broadcast %mul3A_494 : i32 to vector<16xi32>
        %mul3A_496 = arith.muli %mul3A_495, %get3A_493 : vector<16xi32>
        %add3A_497 = vector.broadcast %arg0 : i32 to vector<16xi32>
        %add3A_498 = arith.addi %mul3A_496, %add3A_497 : vector<16xi32>
        %swap3A_499 = arith.constant 0 : i32
        %swap3A_500 = arith.index_cast %swap3A_499 : i32 to index
        %swap3A_501 = arith.constant 16 : index
        %swap3A_502 = tpu.vector_load %arg8[%swap3A_500, %swap3A_501] {strides = array<i32>} : memref<4x128xi32, #tpu.memory_space<vmem>>, vector<1x16xi32>,
        %swap3A_503 = vector.shape_cast %swap3A_502 : vector<1x16xi32> to vector<16xi32>
        %swap3A_504 = vector.shape_cast %add3A_498 : vector<16xi32> to vector<1x16xi32>
        tpu.vector_store %arg8[%swap3A_500, %swap3A_501], %swap3A_504 {strides = array<i32>} : memref<4x128xi32, #tpu.memory_space<vmem>>, vector<1x16xi32>,
        %get3A_505 = arith.constant 0 : i32
        %get3A_506 = arith.index_cast %get3A_505 : i32 to index
        %get3A_507 = arith.constant 32 : index
        %get3A_508 = tpu.vector_load %arg8[%get3A_506, %get3A_507] {strides = array<i32>} : memref<4x128xi32, #tpu.memory_space<vmem>>, vector<1x16xi32>,
        %get3A_509 = vector.shape_cast %get3A_508 : vector<1x16xi32> to vector<16xi32>
        %mul3A_510 = arith.constant 2 : i32
        %mul3A_511 = vector.broadcast %mul3A_510 : i32 to vector<16xi32>
        %mul3A_512 = arith.muli %mul3A_511, %get3A_509 : vector<16xi32>
        %add3A_513 = vector.broadcast %arg0 : i32 to vector<16xi32>
        %add3A_514 = arith.addi %mul3A_512, %add3A_513 : vector<16xi32>
        %swap3A_515 = arith.constant 0 : i32
        %swap3A_516 = arith.index_cast %swap3A_515 : i32 to index
        %swap3A_517 = arith.constant 32 : index
        %swap3A_518 = tpu.vector_load %arg8[%swap3A_516, %swap3A_517] {strides = array<i32>} : memref<4x128xi32, #tpu.memory_space<vmem>>, vector<1x16xi32>,
        %swap3A_519 = vector.shape_cast %swap3A_518 : vector<1x16xi32> to vector<16xi32>
        %swap3A_520 = vector.shape_cast %add3A_514 : vector<16xi32> to vector<1x16xi32>
        tpu.vector_store %arg8[%swap3A_516, %swap3A_517], %swap3A_520 {strides = array<i32>} : memref<4x128xi32, #tpu.memory_space<vmem>>, vector<1x16xi32>,
        %get3A_521 = arith.constant 0 : i32
        %get3A_522 = arith.index_cast %get3A_521 : i32 to index
        %get3A_523 = arith.constant 48 : index
        %get3A_524 = tpu.vector_load %arg8[%get3A_522, %get3A_523] {strides = array<i32>} : memref<4x128xi32, #tpu.memory_space<vmem>>, vector<1x16xi32>,
        %get3A_525 = vector.shape_cast %get3A_524 : vector<1x16xi32> to vector<16xi32>
        %mul3A_526 = arith.constant 2 : i32
        %mul3A_527 = vector.broadcast %mul3A_526 : i32 to vector<16xi32>
        %mul3A_528 = arith.muli %mul3A_527, %get3A_525 : vector<16xi32>
        %add3A_529 = vector.broadcast %arg0 : i32 to vector<16xi32>
        %add3A_530 = arith.addi %mul3A_528, %add3A_529 : vector<16xi32>
        %swap3A_531 = arith.constant 0 : i32
        %swap3A_532 = arith.index_cast %swap3A_531 : i32 to index
        %swap3A_533 = arith.constant 48 : index
        %swap3A_534 = tpu.vector_load %arg8[%swap3A_532, %swap3A_533] {strides = array<i32>} : memref<4x128xi32, #tpu.memory_space<vmem>>, vector<1x16xi32>,
        %swap3A_535 = vector.shape_cast %swap3A_534 : vector<1x16xi32> to vector<16xi32>
        %swap3A_536 = vector.shape_cast %add3A_530 : vector<16xi32> to vector<1x16xi32>
        tpu.vector_store %arg8[%swap3A_532, %swap3A_533], %swap3A_536 {strides = array<i32>} : memref<4x128xi32, #tpu.memory_space<vmem>>, vector<1x16xi32>,
        %get3A_537 = arith.constant 0 : i32
        %get3A_538 = arith.index_cast %get3A_537 : i32 to index
        %get3A_539 = arith.constant 64 : index
        %get3A_540 = tpu.vector_load %arg8[%get3A_538, %get3A_539] {strides = array<i32>} : memref<4x128xi32, #tpu.memory_space<vmem>>, vector<1x16xi32>,
        %get3A_541 = vector.shape_cast %get3A_540 : vector<1x16xi32> to vector<16xi32>
        %mul3A_542 = arith.constant 2 : i32
        %mul3A_543 = vector.broadcast %mul3A_542 : i32 to vector<16xi32>
        %mul3A_544 = arith.muli %mul3A_543, %get3A_541 : vector<16xi32>
        %add3A_545 = vector.broadcast %arg0 : i32 to vector<16xi32>
        %add3A_546 = arith.addi %mul3A_544, %add3A_545 : vector<16xi32>
        %swap3A_547 = arith.constant 0 : i32
        %swap3A_548 = arith.index_cast %swap3A_547 : i32 to index
        %swap3A_549 = arith.constant 64 : index
        %swap3A_550 = tpu.vector_load %arg8[%swap3A_548, %swap3A_549] {strides = array<i32>} : memref<4x128xi32, #tpu.memory_space<vmem>>, vector<1x16xi32>,
        %swap3A_551 = vector.shape_cast %swap3A_550 : vector<1x16xi32> to vector<16xi32>
        %swap3A_552 = vector.shape_cast %add3A_546 : vector<16xi32> to vector<1x16xi32>
        tpu.vector_store %arg8[%swap3A_548, %swap3A_549], %swap3A_552 {strides = array<i32>} : memref<4x128xi32, #tpu.memory_space<vmem>>, vector<1x16xi32>,
        %get3A_553 = arith.constant 0 : i32
        %get3A_554 = arith.index_cast %get3A_553 : i32 to index
        %get3A_555 = arith.constant 80 : index
        %get3A_556 = tpu.vector_load %arg8[%get3A_554, %get3A_555] {strides = array<i32>} : memref<4x128xi32, #tpu.memory_space<vmem>>, vector<1x16xi32>,
        %get3A_557 = vector.shape_cast %get3A_556 : vector<1x16xi32> to vector<16xi32>
        %mul3A_558 = arith.constant 2 : i32
        %mul3A_559 = vector.broadcast %mul3A_558 : i32 to vector<16xi32>
        %mul3A_560 = arith.muli %mul3A_559, %get3A_557 : vector<16xi32>
        %add3A_561 = vector.broadcast %arg0 : i32 to vector<16xi32>
        %add3A_562 = arith.addi %mul3A_560, %add3A_561 : vector<16xi32>
        %swap3A_563 = arith.constant 0 : i32
        %swap3A_564 = arith.index_cast %swap3A_563 : i32 to index
        %swap3A_565 = arith.constant 80 : index
        %swap3A_566 = tpu.vector_load %arg8[%swap3A_564, %swap3A_565] {strides = array<i32>} : memref<4x128xi32, #tpu.memory_space<vmem>>, vector<1x16xi32>,
        %swap3A_567 = vector.shape_cast %swap3A_566 : vector<1x16xi32> to vector<16xi32>
        %swap3A_568 = vector.shape_cast %add3A_562 : vector<16xi32> to vector<1x16xi32>
        tpu.vector_store %arg8[%swap3A_564, %swap3A_565], %swap3A_568 {strides = array<i32>} : memref<4x128xi32, #tpu.memory_space<vmem>>, vector<1x16xi32>,
        %get3A_569 = arith.constant 0 : i32
        %get3A_570 = arith.index_cast %get3A_569 : i32 to index
        %get3A_571 = arith.constant 96 : index
        %get3A_572 = tpu.vector_load %arg8[%get3A_570, %get3A_571] {strides = array<i32>} : memref<4x128xi32, #tpu.memory_space<vmem>>, vector<1x16xi32>,
        %get3A_573 = vector.shape_cast %get3A_572 : vector<1x16xi32> to vector<16xi32>
        %mul3A_574 = arith.constant 2 : i32
        %mul3A_575 = vector.broadcast %mul3A_574 : i32 to vector<16xi32>
        %mul3A_576 = arith.muli %mul3A_575, %get3A_573 : vector<16xi32>
        %add3A_577 = vector.broadcast %arg0 : i32 to vector<16xi32>
        %add3A_578 = arith.addi %mul3A_576, %add3A_577 : vector<16xi32>
        %swap3A_579 = arith.constant 0 : i32
        %swap3A_580 = arith.index_cast %swap3A_579 : i32 to index
        %swap3A_581 = arith.constant 96 : index
        %swap3A_582 = tpu.vector_load %arg8[%swap3A_580, %swap3A_581] {strides = array<i32>} : memref<4x128xi32, #tpu.memory_space<vmem>>, vector<1x16xi32>,
        %swap3A_583 = vector.shape_cast %swap3A_582 : vector<1x16xi32> to vector<16xi32>
        %swap3A_584 = vector.shape_cast %add3A_578 : vector<16xi32> to vector<1x16xi32>
        tpu.vector_store %arg8[%swap3A_580, %swap3A_581], %swap3A_584 {strides = array<i32>} : memref<4x128xi32, #tpu.memory_space<vmem>>, vector<1x16xi32>,
        %get3A_585 = arith.constant 0 : i32
        %get3A_586 = arith.index_cast %get3A_585 : i32 to index
        %get3A_587 = arith.constant 112 : index
        %get3A_588 = tpu.vector_load %arg8[%get3A_586, %get3A_587] {strides = array<i32>} : memref<4x128xi32, #tpu.memory_space<vmem>>, vector<1x16xi32>,
        %get3A_589 = vector.shape_cast %get3A_588 : vector<1x16xi32> to vector<16xi32>
        %mul3A_590 = arith.constant 2 : i32
        %mul3A_591 = vector.broadcast %mul3A_590 : i32 to vector<16xi32>
        %mul3A_592 = arith.muli %mul3A_591, %get3A_589 : vector<16xi32>
        %add3A_593 = vector.broadcast %arg0 : i32 to vector<16xi32>
        %add3A_594 = arith.addi %mul3A_592, %add3A_593 : vector<16xi32>
        %swap3A_595 = arith.constant 0 : i32
        %swap3A_596 = arith.index_cast %swap3A_595 : i32 to index
        %swap3A_597 = arith.constant 112 : index
        %swap3A_598 = tpu.vector_load %arg8[%swap3A_596, %swap3A_597] {strides = array<i32>} : memref<4x128xi32, #tpu.memory_space<vmem>>, vector<1x16xi32>,
        %swap3A_599 = vector.shape_cast %swap3A_598 : vector<1x16xi32> to vector<16xi32>
        %swap3A_600 = vector.shape_cast %add3A_594 : vector<16xi32> to vector<1x16xi32>
        tpu.vector_store %arg8[%swap3A_596, %swap3A_597], %swap3A_600 {strides = array<i32>} : memref<4x128xi32, #tpu.memory_space<vmem>>, vector<1x16xi32>,
        %get3A_601 = arith.constant 1 : i32
        %get3A_602 = arith.index_cast %get3A_601 : i32 to index
        %get3A_603 = arith.constant 0 : index
        %get3A_604 = tpu.vector_load %arg8[%get3A_602, %get3A_603] {strides = array<i32>} : memref<4x128xi32, #tpu.memory_space<vmem>>, vector<1x16xi32>,
        %get3A_605 = vector.shape_cast %get3A_604 : vector<1x16xi32> to vector<16xi32>
        %mul3A_606 = arith.constant 2 : i32
        %mul3A_607 = vector.broadcast %mul3A_606 : i32 to vector<16xi32>
        %mul3A_608 = arith.muli %mul3A_607, %get3A_605 : vector<16xi32>
        %add3A_609 = vector.broadcast %arg0 : i32 to vector<16xi32>
        %add3A_610 = arith.addi %mul3A_608, %add3A_609 : vector<16xi32>
        %swap3A_611 = arith.constant 1 : i32
        %swap3A_612 = arith.index_cast %swap3A_611 : i32 to index
        %swap3A_613 = arith.constant 0 : index
        %swap3A_614 = tpu.vector_load %arg8[%swap3A_612, %swap3A_613] {strides = array<i32>} : memref<4x128xi32, #tpu.memory_space<vmem>>, vector<1x16xi32>,
        %swap3A_615 = vector.shape_cast %swap3A_614 : vector<1x16xi32> to vector<16xi32>
        %swap3A_616 = vector.shape_cast %add3A_610 : vector<16xi32> to vector<1x16xi32>
        tpu.vector_store %arg8[%swap3A_612, %swap3A_613], %swap3A_616 {strides = array<i32>} : memref<4x128xi32, #tpu.memory_space<vmem>>, vector<1x16xi32>,
        %get3A_617 = arith.constant 1 : i32
        %get3A_618 = arith.index_cast %get3A_617 : i32 to index
        %get3A_619 = arith.constant 16 : index
        %get3A_620 = tpu.vector_load %arg8[%get3A_618, %get3A_619] {strides = array<i32>} : memref<4x128xi32, #tpu.memory_space<vmem>>, vector<1x16xi32>,
        %get3A_621 = vector.shape_cast %get3A_620 : vector<1x16xi32> to vector<16xi32>
        %mul3A_622 = arith.constant 2 : i32
        %mul3A_623 = vector.broadcast %mul3A_622 : i32 to vector<16xi32>
        %mul3A_624 = arith.muli %mul3A_623, %get3A_621 : vector<16xi32>
        %add3A_625 = vector.broadcast %arg0 : i32 to vector<16xi32>
        %add3A_626 = arith.addi %mul3A_624, %add3A_625 : vector<16xi32>
        %swap3A_627 = arith.constant 1 : i32
        %swap3A_628 = arith.index_cast %swap3A_627 : i32 to index
        %swap3A_629 = arith.constant 16 : index
        %swap3A_630 = tpu.vector_load %arg8[%swap3A_628, %swap3A_629] {strides = array<i32>} : memref<4x128xi32, #tpu.memory_space<vmem>>, vector<1x16xi32>,
        %swap3A_631 = vector.shape_cast %swap3A_630 : vector<1x16xi32> to vector<16xi32>
        %swap3A_632 = vector.shape_cast %add3A_626 : vector<16xi32> to vector<1x16xi32>
        tpu.vector_store %arg8[%swap3A_628, %swap3A_629], %swap3A_632 {strides = array<i32>} : memref<4x128xi32, #tpu.memory_space<vmem>>, vector<1x16xi32>,
        %get3A_633 = arith.constant 1 : i32
        %get3A_634 = arith.index_cast %get3A_633 : i32 to index
        %get3A_635 = arith.constant 32 : index
        %get3A_636 = tpu.vector_load %arg8[%get3A_634, %get3A_635] {strides = array<i32>} : memref<4x128xi32, #tpu.memory_space<vmem>>, vector<1x16xi32>,
        %get3A_637 = vector.shape_cast %get3A_636 : vector<1x16xi32> to vector<16xi32>
        %mul3A_638 = arith.constant 2 : i32
        %mul3A_639 = vector.broadcast %mul3A_638 : i32 to vector<16xi32>
        %mul3A_640 = arith.muli %mul3A_639, %get3A_637 : vector<16xi32>
        %add3A_641 = vector.broadcast %arg0 : i32 to vector<16xi32>
        %add3A_642 = arith.addi %mul3A_640, %add3A_641 : vector<16xi32>
        %swap3A_643 = arith.constant 1 : i32
        %swap3A_644 = arith.index_cast %swap3A_643 : i32 to index
        %swap3A_645 = arith.constant 32 : index
        %swap3A_646 = tpu.vector_load %arg8[%swap3A_644, %swap3A_645] {strides = array<i32>} : memref<4x128xi32, #tpu.memory_space<vmem>>, vector<1x16xi32>,
        %swap3A_647 = vector.shape_cast %swap3A_646 : vector<1x16xi32> to vector<16xi32>
        %swap3A_648 = vector.shape_cast %add3A_642 : vector<16xi32> to vector<1x16xi32>
        tpu.vector_store %arg8[%swap3A_644, %swap3A_645], %swap3A_648 {strides = array<i32>} : memref<4x128xi32, #tpu.memory_space<vmem>>, vector<1x16xi32>,
        %get3A_649 = arith.constant 1 : i32
        %get3A_650 = arith.index_cast %get3A_649 : i32 to index
        %get3A_651 = arith.constant 48 : index
        %get3A_652 = tpu.vector_load %arg8[%get3A_650, %get3A_651] {strides = array<i32>} : memref<4x128xi32, #tpu.memory_space<vmem>>, vector<1x16xi32>,
        %get3A_653 = vector.shape_cast %get3A_652 : vector<1x16xi32> to vector<16xi32>
        %mul3A_654 = arith.constant 2 : i32
        %mul3A_655 = vector.broadcast %mul3A_654 : i32 to vector<16xi32>
        %mul3A_656 = arith.muli %mul3A_655, %get3A_653 : vector<16xi32>
        %add3A_657 = vector.broadcast %arg0 : i32 to vector<16xi32>
        %add3A_658 = arith.addi %mul3A_656, %add3A_657 : vector<16xi32>
        %swap3A_659 = arith.constant 1 : i32
        %swap3A_660 = arith.index_cast %swap3A_659 : i32 to index
        %swap3A_661 = arith.constant 48 : index
        %swap3A_662 = tpu.vector_load %arg8[%swap3A_660, %swap3A_661] {strides = array<i32>} : memref<4x128xi32, #tpu.memory_space<vmem>>, vector<1x16xi32>,
        %swap3A_663 = vector.shape_cast %swap3A_662 : vector<1x16xi32> to vector<16xi32>
        %swap3A_664 = vector.shape_cast %add3A_658 : vector<16xi32> to vector<1x16xi32>
        tpu.vector_store %arg8[%swap3A_660, %swap3A_661], %swap3A_664 {strides = array<i32>} : memref<4x128xi32, #tpu.memory_space<vmem>>, vector<1x16xi32>,
        %get3A_665 = arith.constant 1 : i32
        %get3A_666 = arith.index_cast %get3A_665 : i32 to index
        %get3A_667 = arith.constant 64 : index
        %get3A_668 = tpu.vector_load %arg8[%get3A_666, %get3A_667] {strides = array<i32>} : memref<4x128xi32, #tpu.memory_space<vmem>>, vector<1x16xi32>,
        %get3A_669 = vector.shape_cast %get3A_668 : vector<1x16xi32> to vector<16xi32>
        %mul3A_670 = arith.constant 2 : i32
        %mul3A_671 = vector.broadcast %mul3A_670 : i32 to vector<16xi32>
        %mul3A_672 = arith.muli %mul3A_671, %get3A_669 : vector<16xi32>
        %add3A_673 = vector.broadcast %arg0 : i32 to vector<16xi32>
        %add3A_674 = arith.addi %mul3A_672, %add3A_673 : vector<16xi32>
        %swap3A_675 = arith.constant 1 : i32
        %swap3A_676 = arith.index_cast %swap3A_675 : i32 to index
        %swap3A_677 = arith.constant 64 : index
        %swap3A_678 = tpu.vector_load %arg8[%swap3A_676, %swap3A_677] {strides = array<i32>} : memref<4x128xi32, #tpu.memory_space<vmem>>, vector<1x16xi32>,
        %swap3A_679 = vector.shape_cast %swap3A_678 : vector<1x16xi32> to vector<16xi32>
        %swap3A_680 = vector.shape_cast %add3A_674 : vector<16xi32> to vector<1x16xi32>
        tpu.vector_store %arg8[%swap3A_676, %swap3A_677], %swap3A_680 {strides = array<i32>} : memref<4x128xi32, #tpu.memory_space<vmem>>, vector<1x16xi32>,
        %get3A_681 = arith.constant 1 : i32
        %get3A_682 = arith.index_cast %get3A_681 : i32 to index
        %get3A_683 = arith.constant 80 : index
        %get3A_684 = tpu.vector_load %arg8[%get3A_682, %get3A_683] {strides = array<i32>} : memref<4x128xi32, #tpu.memory_space<vmem>>, vector<1x16xi32>,
        %get3A_685 = vector.shape_cast %get3A_684 : vector<1x16xi32> to vector<16xi32>
        %mul3A_686 = arith.constant 2 : i32
        %mul3A_687 = vector.broadcast %mul3A_686 : i32 to vector<16xi32>
        %mul3A_688 = arith.muli %mul3A_687, %get3A_685 : vector<16xi32>
        %add3A_689 = vector.broadcast %arg0 : i32 to vector<16xi32>
        %add3A_690 = arith.addi %mul3A_688, %add3A_689 : vector<16xi32>
        %swap3A_691 = arith.constant 1 : i32
        %swap3A_692 = arith.index_cast %swap3A_691 : i32 to index
        %swap3A_693 = arith.constant 80 : index
        %swap3A_694 = tpu.vector_load %arg8[%swap3A_692, %swap3A_693] {strides = array<i32>} : memref<4x128xi32, #tpu.memory_space<vmem>>, vector<1x16xi32>,
        %swap3A_695 = vector.shape_cast %swap3A_694 : vector<1x16xi32> to vector<16xi32>
        %swap3A_696 = vector.shape_cast %add3A_690 : vector<16xi32> to vector<1x16xi32>
        tpu.vector_store %arg8[%swap3A_692, %swap3A_693], %swap3A_696 {strides = array<i32>} : memref<4x128xi32, #tpu.memory_space<vmem>>, vector<1x16xi32>,
        %get3A_697 = arith.constant 1 : i32
        %get3A_698 = arith.index_cast %get3A_697 : i32 to index
        %get3A_699 = arith.constant 96 : index
        %get3A_700 = tpu.vector_load %arg8[%get3A_698, %get3A_699] {strides = array<i32>} : memref<4x128xi32, #tpu.memory_space<vmem>>, vector<1x16xi32>,
        %get3A_701 = vector.shape_cast %get3A_700 : vector<1x16xi32> to vector<16xi32>
        %mul3A_702 = arith.constant 2 : i32
        %mul3A_703 = vector.broadcast %mul3A_702 : i32 to vector<16xi32>
        %mul3A_704 = arith.muli %mul3A_703, %get3A_701 : vector<16xi32>
        %add3A_705 = vector.broadcast %arg0 : i32 to vector<16xi32>
        %add3A_706 = arith.addi %mul3A_704, %add3A_705 : vector<16xi32>
        %swap3A_707 = arith.constant 1 : i32
        %swap3A_708 = arith.index_cast %swap3A_707 : i32 to index
        %swap3A_709 = arith.constant 96 : index
        %swap3A_710 = tpu.vector_load %arg8[%swap3A_708, %swap3A_709] {strides = array<i32>} : memref<4x128xi32, #tpu.memory_space<vmem>>, vector<1x16xi32>,
        %swap3A_711 = vector.shape_cast %swap3A_710 : vector<1x16xi32> to vector<16xi32>
        %swap3A_712 = vector.shape_cast %add3A_706 : vector<16xi32> to vector<1x16xi32>
        tpu.vector_store %arg8[%swap3A_708, %swap3A_709], %swap3A_712 {strides = array<i32>} : memref<4x128xi32, #tpu.memory_space<vmem>>, vector<1x16xi32>,
        %get3A_713 = arith.constant 1 : i32
        %get3A_714 = arith.index_cast %get3A_713 : i32 to index
        %get3A_715 = arith.constant 112 : index
        %get3A_716 = tpu.vector_load %arg8[%get3A_714, %get3A_715] {strides = array<i32>} : memref<4x128xi32, #tpu.memory_space<vmem>>, vector<1x16xi32>,
        %get3A_717 = vector.shape_cast %get3A_716 : vector<1x16xi32> to vector<16xi32>
        %mul3A_718 = arith.constant 2 : i32
        %mul3A_719 = vector.broadcast %mul3A_718 : i32 to vector<16xi32>
        %mul3A_720 = arith.muli %mul3A_719, %get3A_717 : vector<16xi32>
        %add3A_721 = vector.broadcast %arg0 : i32 to vector<16xi32>
        %add3A_722 = arith.addi %mul3A_720, %add3A_721 : vector<16xi32>
        %swap3A_723 = arith.constant 1 : i32
        %swap3A_724 = arith.index_cast %swap3A_723 : i32 to index
        %swap3A_725 = arith.constant 112 : index
        %swap3A_726 = tpu.vector_load %arg8[%swap3A_724, %swap3A_725] {strides = array<i32>} : memref<4x128xi32, #tpu.memory_space<vmem>>, vector<1x16xi32>,
        %swap3A_727 = vector.shape_cast %swap3A_726 : vector<1x16xi32> to vector<16xi32>
        %swap3A_728 = vector.shape_cast %add3A_722 : vector<16xi32> to vector<1x16xi32>
        tpu.vector_store %arg8[%swap3A_724, %swap3A_725], %swap3A_728 {strides = array<i32>} : memref<4x128xi32, #tpu.memory_space<vmem>>, vector<1x16xi32>,
        %add3A_729 = arith.constant 1 : i32
        %add3A_730 = arith.addi %add3A_433, %add3A_729 : i32
        %mul3A_731 = arith.constant 16 : i32
        %mul3A_732 = arith.muli %add3A_730, %mul3A_731 : i32
        %add3A_733 = arith.addi %arg1, %mul3A_732 : i32
        %dma_start3A_734 = arith.constant 0 : i32
        %dma_start3A_735 = arith.constant 0 : i32
        %dma_start3A_736 = arith.constant 0 : i32
        %dma_start3A_737 = tpu.memref_slice %arg10[%dma_start3A_735, %dma_start3A_736] : memref<256x64xf32, #tpu.memory_space<vmem>> -> memref<128x64xf32, #tpu.memory_space<vmem>>
        %dma_start3A_738 = arith.constant 0 : i32
        %dma_start3A_739 = tpu.memref_slice %arg8[%dma_start3A_734, %dma_start3A_738] : memref<4x128xi32, #tpu.memory_space<vmem>> -> memref<1x128xi32, #tpu.memory_space<vmem>>
        %dma_start3A_740 = tpu.memref_squeeze %dma_start3A_739 : memref<1x128xi32, #tpu.memory_space<vmem>> -> memref<128xi32, #tpu.memory_space<vmem>>
        %dma_start3A_741 = arith.constant 0 : i32
        %dma_start3A_742 = arith.constant 0 : i32
        %dma_start3A_743 = tpu.memref_slice %arg3[%dma_start3A_741, %dma_start3A_742] : memref<20000x64xf32, #tpu.memory_space<hbm>> -> memref<20000x64xf32, #tpu.memory_space<hbm>>
        tpu.enqueue_indirect_dma source(%dma_start3A_743 : memref<20000x64xf32, #tpu.memory_space<hbm>>) target(%dma_start3A_737 : memref<128x64xf32, #tpu.memory_space<vmem>>) offsets(%dma_start3A_740 : memref<128xi32, #tpu.memory_space<vmem>>) semaphore(%arg17 : memref<!tpu.dma_semaphore, #tpu.memory_space<semaphore_mem>>)
        %dma_start3A_744 = arith.constant 1 : i32
        %dma_start3A_745 = arith.constant 128 : i32
        %dma_start3A_746 = arith.constant 0 : i32
        %dma_start3A_747 = tpu.memref_slice %arg10[%dma_start3A_745, %dma_start3A_746] : memref<256x64xf32, #tpu.memory_space<vmem>> -> memref<128x64xf32, #tpu.memory_space<vmem>>
        %dma_start3A_748 = arith.constant 0 : i32
        %dma_start3A_749 = tpu.memref_slice %arg8[%dma_start3A_744, %dma_start3A_748] : memref<4x128xi32, #tpu.memory_space<vmem>> -> memref<1x128xi32, #tpu.memory_space<vmem>>
        %dma_start3A_750 = tpu.memref_squeeze %dma_start3A_749 : memref<1x128xi32, #tpu.memory_space<vmem>> -> memref<128xi32, #tpu.memory_space<vmem>>
        %dma_start3A_751 = arith.constant 0 : i32
        %dma_start3A_752 = arith.constant 0 : i32
        %dma_start3A_753 = tpu.memref_slice %arg3[%dma_start3A_751, %dma_start3A_752] : memref<20000x64xf32, #tpu.memory_space<hbm>> -> memref<20000x64xf32, #tpu.memory_space<hbm>>
        tpu.enqueue_indirect_dma source(%dma_start3A_753 : memref<20000x64xf32, #tpu.memory_space<hbm>>) target(%dma_start3A_747 : memref<128x64xf32, #tpu.memory_space<vmem>>) offsets(%dma_start3A_750 : memref<128xi32, #tpu.memory_space<vmem>>) semaphore(%arg17 : memref<!tpu.dma_semaphore, #tpu.memory_space<semaphore_mem>>)
        %mul3A_754 = arith.constant 32 : i32
        %mul3A_755 = arith.muli %add3A_733, %mul3A_754 : i32
        %dma_start3A_756 = arith.constant 0 : i32
        %dma_start3A_757 = tpu.memref_slice %arg4[%arg0, %mul3A_755, %dma_start3A_756] : memref<2x40000x512xf32, #tpu.memory_space<hbm>> -> memref<1x32x512xf32, #tpu.memory_space<hbm>>
        %dma_start3A_758 = tpu.memref_squeeze %dma_start3A_757 : memref<1x32x512xf32, #tpu.memory_space<hbm>> -> memref<32x512xf32, #tpu.memory_space<hbm>>
        %dma_start3A_759 = arith.constant 0 : i32
        %dma_start3A_760 = tpu.memref_slice %arg4[%arg0, %mul3A_755, %dma_start3A_759] : memref<2x40000x512xf32, #tpu.memory_space<hbm>> -> memref<1x32x512xf32, #tpu.memory_space<hbm>>
        %dma_start3A_761 = tpu.memref_squeeze %dma_start3A_760 : memref<1x32x512xf32, #tpu.memory_space<hbm>> -> memref<32x512xf32, #tpu.memory_space<hbm>>
        tpu.enqueue_dma source(%dma_start3A_761 : memref<32x512xf32, #tpu.memory_space<hbm>>) target(%arg12 : memref<32x512xf32, #tpu.memory_space<vmem>>) target_semaphore(%arg19 : memref<!tpu.dma_semaphore, #tpu.memory_space<semaphore_mem>>)
      } else {
      }
      %lt3A_439 = arith.cmpi slt, %add3A_433, %select_n3A : i32
      %convert_element_type3A_440 = arith.extui %lt3A_439 : i1 to i32
      %cond3A_441 = arith.constant 0 : i32
      %cond3A_442 = arith.cmpi ne, %convert_element_type3A_440, %cond3A_441 : i32
      scf.if %cond3A_442 {
        %dma_wait3A_458 = arith.constant 0 : i32
        %dma_wait3A_459 = arith.constant 0 : i32
        %dma_wait3A_460 = arith.constant 0 : i32
        %dma_wait3A_461 = tpu.memref_slice %arg9[%dma_wait3A_459, %dma_wait3A_460] : memref<256x64xf32, #tpu.memory_space<vmem>> -> memref<128x64xf32, #tpu.memory_space<vmem>>
        %dma_wait3A_462 = arith.constant 0 : i32
        %dma_wait3A_463 = tpu.memref_slice %arg7[%dma_wait3A_458, %dma_wait3A_462] : memref<4x128xi32, #tpu.memory_space<vmem>> -> memref<1x128xi32, #tpu.memory_space<vmem>>
        %dma_wait3A_464 = tpu.memref_squeeze %dma_wait3A_463 : memref<1x128xi32, #tpu.memory_space<vmem>> -> memref<128xi32, #tpu.memory_space<vmem>>
        %dma_wait3A_465 = arith.constant 0 : i32
        %dma_wait3A_466 = arith.constant 0 : i32
        %dma_wait3A_467 = tpu.memref_slice %arg3[%dma_wait3A_465, %dma_wait3A_466] : memref<20000x64xf32, #tpu.memory_space<hbm>> -> memref<20000x64xf32, #tpu.memory_space<hbm>>
        tpu.wait_indirect_dma semaphore(%arg16 : memref<!tpu.dma_semaphore, #tpu.memory_space<semaphore_mem>>) src(%dma_wait3A_467 : memref<20000x64xf32, #tpu.memory_space<hbm>>) dst(%dma_wait3A_461 : memref<128x64xf32, #tpu.memory_space<vmem>>)
        %dma_wait3A_468 = arith.constant 1 : i32
        %dma_wait3A_469 = arith.constant 128 : i32
        %dma_wait3A_470 = arith.constant 0 : i32
        %dma_wait3A_471 = tpu.memref_slice %arg9[%dma_wait3A_469, %dma_wait3A_470] : memref<256x64xf32, #tpu.memory_space<vmem>> -> memref<128x64xf32, #tpu.memory_space<vmem>>
        %dma_wait3A_472 = arith.constant 0 : i32
        %dma_wait3A_473 = tpu.memref_slice %arg7[%dma_wait3A_468, %dma_wait3A_472] : memref<4x128xi32, #tpu.memory_space<vmem>> -> memref<1x128xi32, #tpu.memory_space<vmem>>
        %dma_wait3A_474 = tpu.memref_squeeze %dma_wait3A_473 : memref<1x128xi32, #tpu.memory_space<vmem>> -> memref<128xi32, #tpu.memory_space<vmem>>
        %dma_wait3A_475 = arith.constant 0 : i32
        %dma_wait3A_476 = arith.constant 0 : i32
        %dma_wait3A_477 = tpu.memref_slice %arg3[%dma_wait3A_475, %dma_wait3A_476] : memref<20000x64xf32, #tpu.memory_space<hbm>> -> memref<20000x64xf32, #tpu.memory_space<hbm>>
        tpu.wait_indirect_dma semaphore(%arg16 : memref<!tpu.dma_semaphore, #tpu.memory_space<semaphore_mem>>) src(%dma_wait3A_477 : memref<20000x64xf32, #tpu.memory_space<hbm>>) dst(%dma_wait3A_471 : memref<128x64xf32, #tpu.memory_space<vmem>>)
        %dma_wait3A_478 = arith.constant 0 : i32
        %dma_wait3A_479 = arith.constant 0 : i32
        %dma_wait3A_480 = tpu.memref_slice %arg4[%arg0, %dma_wait3A_478, %dma_wait3A_479] : memref<2x40000x512xf32, #tpu.memory_space<hbm>> -> memref<1x32x512xf32, #tpu.memory_space<hbm>>
        %dma_wait3A_481 = tpu.memref_squeeze %dma_wait3A_480 : memref<1x32x512xf32, #tpu.memory_space<hbm>> -> memref<32x512xf32, #tpu.memory_space<hbm>>
        %dma_wait3A_482 = arith.constant 0 : i32
        %dma_wait3A_483 = arith.constant 0 : i32
        %dma_wait3A_484 = tpu.memref_slice %arg4[%arg0, %dma_wait3A_482, %dma_wait3A_483] : memref<2x40000x512xf32, #tpu.memory_space<hbm>> -> memref<1x32x512xf32, #tpu.memory_space<hbm>>
        %dma_wait3A_485 = tpu.memref_squeeze %dma_wait3A_484 : memref<1x32x512xf32, #tpu.memory_space<hbm>> -> memref<32x512xf32, #tpu.memory_space<hbm>>
        tpu.wait_dma2 semaphore(%arg18 : memref<!tpu.dma_semaphore, #tpu.memory_space<semaphore_mem>>) src(%dma_wait3A_485 : memref<32x512xf32, #tpu.memory_space<hbm>>) dst(%arg11 : memref<32x512xf32, #tpu.memory_space<vmem>>)
        %parallel_loop3A = arith.constant 0 : i32
        %parallel_loop3A_486 = arith.constant 256 : i32
        %parallel_loop3A_487 = arith.constant 1 : i32
        scf.for %parallel_loop3A_513 = %parallel_loop3A to %parallel_loop3A_486 step %parallel_loop3A_487  : i32 {
          %parallel_loop3A_514 = arith.constant 3 : i32
          %parallel_loop3A_515 = arith.shrsi %parallel_loop3A_513, %parallel_loop3A_514 : i32
          %parallel_loop3A_516 = arith.constant 7 : i32
          %parallel_loop3A_517 = arith.andi %parallel_loop3A_513, %parallel_loop3A_516 : i32
          %parallel_loop3A_518 = arith.constant 64 : i32
          %parallel_loop3A_519 = arith.muli %parallel_loop3A_517, %parallel_loop3A_518 : i32
          %parallel_loop3A_520 = arith.index_cast %parallel_loop3A_513 : i32 to index
          %parallel_loop3A_521 = arith.constant 0 : index
          %parallel_loop3A_522 = tpu.vector_load %arg9[%parallel_loop3A_520, %parallel_loop3A_521] {strides = array<i32>} : memref<256x64xf32, #tpu.memory_space<vmem>>, vector<1x16xf32>,
          %parallel_loop3A_523 = vector.shape_cast %parallel_loop3A_522 : vector<1x16xf32> to vector<16xf32>
          %parallel_loop3A_524 = arith.constant 0 : i32
          %parallel_loop3A_525 = arith.addi %parallel_loop3A_519, %parallel_loop3A_524 : i32
          %parallel_loop3A_526 = arith.index_cast %parallel_loop3A_515 : i32 to index
          %parallel_loop3A_527 = arith.index_cast %parallel_loop3A_525 : i32 to index
          %parallel_loop3A_528 = tpu.vector_load %arg11[%parallel_loop3A_526, %parallel_loop3A_527] {strides = array<i32>} : memref<32x512xf32, #tpu.memory_space<vmem>>, vector<1x16xf32>,
          %parallel_loop3A_529 = vector.shape_cast %parallel_loop3A_528 : vector<1x16xf32> to vector<16xf32>
          %parallel_loop3A_530 = arith.addf %parallel_loop3A_523, %parallel_loop3A_529 : vector<16xf32>
          %parallel_loop3A_531 = arith.constant 0.000000e+00 : f32
          %parallel_loop3A_532 = vector.broadcast %parallel_loop3A_531 : f32 to vector<16xf32>
          %parallel_loop3A_533 = arith.maximumf %parallel_loop3A_530, %parallel_loop3A_532 : vector<16xf32>
          %parallel_loop3A_534 = arith.index_cast %parallel_loop3A_513 : i32 to index
          %parallel_loop3A_535 = arith.constant 0 : index
          %parallel_loop3A_536 = tpu.vector_load %arg9[%parallel_loop3A_534, %parallel_loop3A_535] {strides = array<i32>} : memref<256x64xf32, #tpu.memory_space<vmem>>, vector<1x16xf32>,
          %parallel_loop3A_537 = vector.shape_cast %parallel_loop3A_536 : vector<1x16xf32> to vector<16xf32>
          %parallel_loop3A_538 = vector.shape_cast %parallel_loop3A_533 : vector<16xf32> to vector<1x16xf32>
          tpu.vector_store %arg9[%parallel_loop3A_534, %parallel_loop3A_535], %parallel_loop3A_538 {strides = array<i32>} : memref<256x64xf32, #tpu.memory_space<vmem>>, vector<1x16xf32>,
          %parallel_loop3A_539 = arith.index_cast %parallel_loop3A_513 : i32 to index
          %parallel_loop3A_540 = arith.constant 16 : index
          %parallel_loop3A_541 = tpu.vector_load %arg9[%parallel_loop3A_539, %parallel_loop3A_540] {strides = array<i32>} : memref<256x64xf32, #tpu.memory_space<vmem>>, vector<1x16xf32>,
          %parallel_loop3A_542 = vector.shape_cast %parallel_loop3A_541 : vector<1x16xf32> to vector<16xf32>
          %parallel_loop3A_543 = arith.constant 16 : i32
          %parallel_loop3A_544 = arith.addi %parallel_loop3A_519, %parallel_loop3A_543 : i32
          %parallel_loop3A_545 = arith.index_cast %parallel_loop3A_515 : i32 to index
          %parallel_loop3A_546 = arith.index_cast %parallel_loop3A_544 : i32 to index
          %parallel_loop3A_547 = tpu.vector_load %arg11[%parallel_loop3A_545, %parallel_loop3A_546] {strides = array<i32>} : memref<32x512xf32, #tpu.memory_space<vmem>>, vector<1x16xf32>,
          %parallel_loop3A_548 = vector.shape_cast %parallel_loop3A_547 : vector<1x16xf32> to vector<16xf32>
          %parallel_loop3A_549 = arith.addf %parallel_loop3A_542, %parallel_loop3A_548 : vector<16xf32>
          %parallel_loop3A_550 = arith.constant 0.000000e+00 : f32
          %parallel_loop3A_551 = vector.broadcast %parallel_loop3A_550 : f32 to vector<16xf32>
          %parallel_loop3A_552 = arith.maximumf %parallel_loop3A_549, %parallel_loop3A_551 : vector<16xf32>
          %parallel_loop3A_553 = arith.index_cast %parallel_loop3A_513 : i32 to index
          %parallel_loop3A_554 = arith.constant 16 : index
          %parallel_loop3A_555 = tpu.vector_load %arg9[%parallel_loop3A_553, %parallel_loop3A_554] {strides = array<i32>} : memref<256x64xf32, #tpu.memory_space<vmem>>, vector<1x16xf32>,
          %parallel_loop3A_556 = vector.shape_cast %parallel_loop3A_555 : vector<1x16xf32> to vector<16xf32>
          %parallel_loop3A_557 = vector.shape_cast %parallel_loop3A_552 : vector<16xf32> to vector<1x16xf32>
          tpu.vector_store %arg9[%parallel_loop3A_553, %parallel_loop3A_554], %parallel_loop3A_557 {strides = array<i32>} : memref<256x64xf32, #tpu.memory_space<vmem>>, vector<1x16xf32>,
          %parallel_loop3A_558 = arith.index_cast %parallel_loop3A_513 : i32 to index
          %parallel_loop3A_559 = arith.constant 32 : index
          %parallel_loop3A_560 = tpu.vector_load %arg9[%parallel_loop3A_558, %parallel_loop3A_559] {strides = array<i32>} : memref<256x64xf32, #tpu.memory_space<vmem>>, vector<1x16xf32>,
          %parallel_loop3A_561 = vector.shape_cast %parallel_loop3A_560 : vector<1x16xf32> to vector<16xf32>
          %parallel_loop3A_562 = arith.constant 32 : i32
          %parallel_loop3A_563 = arith.addi %parallel_loop3A_519, %parallel_loop3A_562 : i32
          %parallel_loop3A_564 = arith.index_cast %parallel_loop3A_515 : i32 to index
          %parallel_loop3A_565 = arith.index_cast %parallel_loop3A_563 : i32 to index
          %parallel_loop3A_566 = tpu.vector_load %arg11[%parallel_loop3A_564, %parallel_loop3A_565] {strides = array<i32>} : memref<32x512xf32, #tpu.memory_space<vmem>>, vector<1x16xf32>,
          %parallel_loop3A_567 = vector.shape_cast %parallel_loop3A_566 : vector<1x16xf32> to vector<16xf32>
          %parallel_loop3A_568 = arith.addf %parallel_loop3A_561, %parallel_loop3A_567 : vector<16xf32>
          %parallel_loop3A_569 = arith.constant 0.000000e+00 : f32
          %parallel_loop3A_570 = vector.broadcast %parallel_loop3A_569 : f32 to vector<16xf32>
          %parallel_loop3A_571 = arith.maximumf %parallel_loop3A_568, %parallel_loop3A_570 : vector<16xf32>
          %parallel_loop3A_572 = arith.index_cast %parallel_loop3A_513 : i32 to index
          %parallel_loop3A_573 = arith.constant 32 : index
          %parallel_loop3A_574 = tpu.vector_load %arg9[%parallel_loop3A_572, %parallel_loop3A_573] {strides = array<i32>} : memref<256x64xf32, #tpu.memory_space<vmem>>, vector<1x16xf32>,
          %parallel_loop3A_575 = vector.shape_cast %parallel_loop3A_574 : vector<1x16xf32> to vector<16xf32>
          %parallel_loop3A_576 = vector.shape_cast %parallel_loop3A_571 : vector<16xf32> to vector<1x16xf32>
          tpu.vector_store %arg9[%parallel_loop3A_572, %parallel_loop3A_573], %parallel_loop3A_576 {strides = array<i32>} : memref<256x64xf32, #tpu.memory_space<vmem>>, vector<1x16xf32>,
          %parallel_loop3A_577 = arith.index_cast %parallel_loop3A_513 : i32 to index
          %parallel_loop3A_578 = arith.constant 48 : index
          %parallel_loop3A_579 = tpu.vector_load %arg9[%parallel_loop3A_577, %parallel_loop3A_578] {strides = array<i32>} : memref<256x64xf32, #tpu.memory_space<vmem>>, vector<1x16xf32>,
          %parallel_loop3A_580 = vector.shape_cast %parallel_loop3A_579 : vector<1x16xf32> to vector<16xf32>
          %parallel_loop3A_581 = arith.constant 48 : i32
          %parallel_loop3A_582 = arith.addi %parallel_loop3A_519, %parallel_loop3A_581 : i32
          %parallel_loop3A_583 = arith.index_cast %parallel_loop3A_515 : i32 to index
          %parallel_loop3A_584 = arith.index_cast %parallel_loop3A_582 : i32 to index
          %parallel_loop3A_585 = tpu.vector_load %arg11[%parallel_loop3A_583, %parallel_loop3A_584] {strides = array<i32>} : memref<32x512xf32, #tpu.memory_space<vmem>>, vector<1x16xf32>,
          %parallel_loop3A_586 = vector.shape_cast %parallel_loop3A_585 : vector<1x16xf32> to vector<16xf32>
          %parallel_loop3A_587 = arith.addf %parallel_loop3A_580, %parallel_loop3A_586 : vector<16xf32>
          %parallel_loop3A_588 = arith.constant 0.000000e+00 : f32
          %parallel_loop3A_589 = vector.broadcast %parallel_loop3A_588 : f32 to vector<16xf32>
          %parallel_loop3A_590 = arith.maximumf %parallel_loop3A_587, %parallel_loop3A_589 : vector<16xf32>
          %parallel_loop3A_591 = arith.index_cast %parallel_loop3A_513 : i32 to index
          %parallel_loop3A_592 = arith.constant 48 : index
          %parallel_loop3A_593 = tpu.vector_load %arg9[%parallel_loop3A_591, %parallel_loop3A_592] {strides = array<i32>} : memref<256x64xf32, #tpu.memory_space<vmem>>, vector<1x16xf32>,
          %parallel_loop3A_594 = vector.shape_cast %parallel_loop3A_593 : vector<1x16xf32> to vector<16xf32>
          %parallel_loop3A_595 = vector.shape_cast %parallel_loop3A_590 : vector<16xf32> to vector<1x16xf32>
          tpu.vector_store %arg9[%parallel_loop3A_591, %parallel_loop3A_592], %parallel_loop3A_595 {strides = array<i32>} : memref<256x64xf32, #tpu.memory_space<vmem>>, vector<1x16xf32>,
        } {sc.loop_unroll_factor = 16 : i64, sc.parallel_access}
        %dma_start3A_488 = arith.constant 2 : i32
        %dma_start3A_489 = arith.constant 0 : i32
        %dma_start3A_490 = arith.constant 0 : i32
        %dma_start3A_491 = tpu.memref_slice %arg9[%dma_start3A_489, %dma_start3A_490] : memref<256x64xf32, #tpu.memory_space<vmem>> -> memref<128x64xf32, #tpu.memory_space<vmem>>
        %dma_start3A_492 = arith.constant 0 : i32
        %dma_start3A_493 = tpu.memref_slice %arg7[%dma_start3A_488, %dma_start3A_492] : memref<4x128xi32, #tpu.memory_space<vmem>> -> memref<1x128xi32, #tpu.memory_space<vmem>>
        %dma_start3A_494 = tpu.memref_squeeze %dma_start3A_493 : memref<1x128xi32, #tpu.memory_space<vmem>> -> memref<128xi32, #tpu.memory_space<vmem>>
        %dma_start3A_495 = arith.constant 0 : i32
        %dma_start3A_496 = arith.constant 0 : i32
        %dma_start3A_497 = tpu.memref_slice %arg14[%dma_start3A_495, %dma_start3A_496] : memref<10240x64xf32, #tpu.memory_space<vmem_shared>> -> memref<10240x64xf32, #tpu.memory_space<vmem_shared>>
        tpu.enqueue_indirect_dma source(%dma_start3A_491 : memref<128x64xf32, #tpu.memory_space<vmem>>) target(%dma_start3A_497 : memref<10240x64xf32, #tpu.memory_space<vmem_shared>>) offsets(%dma_start3A_494 : memref<128xi32, #tpu.memory_space<vmem>>) semaphore(%arg20 : memref<!tpu.dma_semaphore, #tpu.memory_space<semaphore_mem>>) {add = true}
        %dma_start3A_498 = arith.constant 3 : i32
        %dma_start3A_499 = arith.constant 128 : i32
        %dma_start3A_500 = arith.constant 0 : i32
        %dma_start3A_501 = tpu.memref_slice %arg9[%dma_start3A_499, %dma_start3A_500] : memref<256x64xf32, #tpu.memory_space<vmem>> -> memref<128x64xf32, #tpu.memory_space<vmem>>
        %dma_start3A_502 = arith.constant 0 : i32
        %dma_start3A_503 = tpu.memref_slice %arg7[%dma_start3A_498, %dma_start3A_502] : memref<4x128xi32, #tpu.memory_space<vmem>> -> memref<1x128xi32, #tpu.memory_space<vmem>>
        %dma_start3A_504 = tpu.memref_squeeze %dma_start3A_503 : memref<1x128xi32, #tpu.memory_space<vmem>> -> memref<128xi32, #tpu.memory_space<vmem>>
        %dma_start3A_505 = arith.constant 0 : i32
        %dma_start3A_506 = arith.constant 0 : i32
        %dma_start3A_507 = tpu.memref_slice %arg14[%dma_start3A_505, %dma_start3A_506] : memref<10240x64xf32, #tpu.memory_space<vmem_shared>> -> memref<10240x64xf32, #tpu.memory_space<vmem_shared>>
        tpu.enqueue_indirect_dma source(%dma_start3A_501 : memref<128x64xf32, #tpu.memory_space<vmem>>) target(%dma_start3A_507 : memref<10240x64xf32, #tpu.memory_space<vmem_shared>>) offsets(%dma_start3A_504 : memref<128xi32, #tpu.memory_space<vmem>>) semaphore(%arg20 : memref<!tpu.dma_semaphore, #tpu.memory_space<semaphore_mem>>) {add = true}
        %eq3A_508 = arith.constant 0 : i32
        %eq3A_509 = arith.cmpi eq, %arg0, %eq3A_508 : i32
        %convert_element_type3A_510 = arith.extui %eq3A_509 : i1 to i32
        %cond3A_511 = arith.constant 0 : i32
        %cond3A_512 = arith.cmpi ne, %convert_element_type3A_510, %cond3A_511 : i32
        scf.if %cond3A_512 {
          %dma_start3A_513 = arith.constant 2 : i32
          %dma_start3A_514 = arith.constant 0 : i32
          %dma_start3A_515 = tpu.memref_slice %arg7[%dma_start3A_513, %dma_start3A_514] : memref<4x128xi32, #tpu.memory_space<vmem>> -> memref<1x128xi32, #tpu.memory_space<vmem>>
          %dma_start3A_516 = tpu.memref_squeeze %dma_start3A_515 : memref<1x128xi32, #tpu.memory_space<vmem>> -> memref<128xi32, #tpu.memory_space<vmem>>
          %dma_start3A_517 = arith.constant 0 : i32
          %dma_start3A_518 = arith.constant 0 : i32
          %dma_start3A_519 = tpu.memref_slice %arg15[%dma_start3A_517, %dma_start3A_518] : memref<10240x16xf32, #tpu.memory_space<vmem_shared>> -> memref<10240x16xf32, #tpu.memory_space<vmem_shared>>
          tpu.enqueue_indirect_dma source(%arg13 : memref<128x16xf32, #tpu.memory_space<vmem>>) target(%dma_start3A_519 : memref<10240x16xf32, #tpu.memory_space<vmem_shared>>) offsets(%dma_start3A_516 : memref<128xi32, #tpu.memory_space<vmem>>) semaphore(%arg22 : memref<!tpu.dma_semaphore, #tpu.memory_space<semaphore_mem>>) {add = true}
          %dma_start3A_520 = arith.constant 3 : i32
          %dma_start3A_521 = arith.constant 0 : i32
          %dma_start3A_522 = tpu.memref_slice %arg7[%dma_start3A_520, %dma_start3A_521] : memref<4x128xi32, #tpu.memory_space<vmem>> -> memref<1x128xi32, #tpu.memory_space<vmem>>
          %dma_start3A_523 = tpu.memref_squeeze %dma_start3A_522 : memref<1x128xi32, #tpu.memory_space<vmem>> -> memref<128xi32, #tpu.memory_space<vmem>>
          %dma_start3A_524 = arith.constant 0 : i32
          %dma_start3A_525 = arith.constant 0 : i32
          %dma_start3A_526 = tpu.memref_slice %arg15[%dma_start3A_524, %dma_start3A_525] : memref<10240x16xf32, #tpu.memory_space<vmem_shared>> -> memref<10240x16xf32, #tpu.memory_space<vmem_shared>>
          tpu.enqueue_indirect_dma source(%arg13 : memref<128x16xf32, #tpu.memory_space<vmem>>) target(%dma_start3A_526 : memref<10240x16xf32, #tpu.memory_space<vmem_shared>>) offsets(%dma_start3A_523 : memref<128xi32, #tpu.memory_space<vmem>>) semaphore(%arg22 : memref<!tpu.dma_semaphore, #tpu.memory_space<semaphore_mem>>) {add = true}
        } else {
        }
      } else {
      }
      %mul3A_443 = arith.constant 2 : i32
      %mul3A_444 = arith.muli %mul3A_443, %while3A_428 : i32
      %add3A_445 = arith.constant 1 : i32
      %add3A_446 = arith.addi %mul3A_444, %add3A_445 : i32
      %add3A_447 = arith.constant 1 : i32
      %add3A_448 = arith.addi %add3A_446, %add3A_447 : i32
      %lt3A_449 = arith.cmpi slt, %add3A_448, %select_n3A : i32
      %convert_element_type3A_450 = arith.extui %lt3A_449 : i1 to i32
      %cond3A_451 = arith.constant 0 : i32
      %cond3A_452 = arith.cmpi ne, %convert_element_type3A_450, %cond3A_451 : i32
      scf.if %cond3A_452 {
        %ge3A = arith.constant 1 : i32
        %ge3A_458 = arith.cmpi sge, %add3A_446, %ge3A : i32
        %convert_element_type3A_459 = arith.extui %ge3A_458 : i1 to i32
        %cond3A_460 = arith.constant 0 : i32
        %cond3A_461 = arith.cmpi ne, %convert_element_type3A_459, %cond3A_460 : i32
        scf.if %cond3A_461 {
          %dma_wait3A_762 = arith.constant 2 : i32
          %dma_wait3A_763 = arith.constant 0 : i32
          %dma_wait3A_764 = arith.constant 0 : i32
          %dma_wait3A_765 = tpu.memref_slice %arg9[%dma_wait3A_763, %dma_wait3A_764] : memref<256x64xf32, #tpu.memory_space<vmem>> -> memref<128x64xf32, #tpu.memory_space<vmem>>
          %dma_wait3A_766 = arith.constant 0 : i32
          %dma_wait3A_767 = tpu.memref_slice %arg7[%dma_wait3A_762, %dma_wait3A_766] : memref<4x128xi32, #tpu.memory_space<vmem>> -> memref<1x128xi32, #tpu.memory_space<vmem>>
          %dma_wait3A_768 = tpu.memref_squeeze %dma_wait3A_767 : memref<1x128xi32, #tpu.memory_space<vmem>> -> memref<128xi32, #tpu.memory_space<vmem>>
          %dma_wait3A_769 = arith.constant 0 : i32
          %dma_wait3A_770 = arith.constant 0 : i32
          %dma_wait3A_771 = tpu.memref_slice %arg14[%dma_wait3A_769, %dma_wait3A_770] : memref<10240x64xf32, #tpu.memory_space<vmem_shared>> -> memref<10240x64xf32, #tpu.memory_space<vmem_shared>>
          tpu.wait_indirect_dma semaphore(%arg20 : memref<!tpu.dma_semaphore, #tpu.memory_space<semaphore_mem>>) src(%dma_wait3A_765 : memref<128x64xf32, #tpu.memory_space<vmem>>) dst(%dma_wait3A_771 : memref<10240x64xf32, #tpu.memory_space<vmem_shared>>)
          %dma_wait3A_772 = arith.constant 3 : i32
          %dma_wait3A_773 = arith.constant 128 : i32
          %dma_wait3A_774 = arith.constant 0 : i32
          %dma_wait3A_775 = tpu.memref_slice %arg9[%dma_wait3A_773, %dma_wait3A_774] : memref<256x64xf32, #tpu.memory_space<vmem>> -> memref<128x64xf32, #tpu.memory_space<vmem>>
          %dma_wait3A_776 = arith.constant 0 : i32
          %dma_wait3A_777 = tpu.memref_slice %arg7[%dma_wait3A_772, %dma_wait3A_776] : memref<4x128xi32, #tpu.memory_space<vmem>> -> memref<1x128xi32, #tpu.memory_space<vmem>>
          %dma_wait3A_778 = tpu.memref_squeeze %dma_wait3A_777 : memref<1x128xi32, #tpu.memory_space<vmem>> -> memref<128xi32, #tpu.memory_space<vmem>>
          %dma_wait3A_779 = arith.constant 0 : i32
          %dma_wait3A_780 = arith.constant 0 : i32
          %dma_wait3A_781 = tpu.memref_slice %arg14[%dma_wait3A_779, %dma_wait3A_780] : memref<10240x64xf32, #tpu.memory_space<vmem_shared>> -> memref<10240x64xf32, #tpu.memory_space<vmem_shared>>
          tpu.wait_indirect_dma semaphore(%arg20 : memref<!tpu.dma_semaphore, #tpu.memory_space<semaphore_mem>>) src(%dma_wait3A_775 : memref<128x64xf32, #tpu.memory_space<vmem>>) dst(%dma_wait3A_781 : memref<10240x64xf32, #tpu.memory_space<vmem_shared>>)
          %eq3A_782 = arith.constant 0 : i32
          %eq3A_783 = arith.cmpi eq, %arg0, %eq3A_782 : i32
          %convert_element_type3A_784 = arith.extui %eq3A_783 : i1 to i32
          %cond3A_785 = arith.constant 0 : i32
          %cond3A_786 = arith.cmpi ne, %convert_element_type3A_784, %cond3A_785 : i32
          scf.if %cond3A_786 {
            %dma_wait3A_787 = arith.constant 2 : i32
            %dma_wait3A_788 = arith.constant 0 : i32
            %dma_wait3A_789 = tpu.memref_slice %arg7[%dma_wait3A_787, %dma_wait3A_788] : memref<4x128xi32, #tpu.memory_space<vmem>> -> memref<1x128xi32, #tpu.memory_space<vmem>>
            %dma_wait3A_790 = tpu.memref_squeeze %dma_wait3A_789 : memref<1x128xi32, #tpu.memory_space<vmem>> -> memref<128xi32, #tpu.memory_space<vmem>>
            %dma_wait3A_791 = arith.constant 0 : i32
            %dma_wait3A_792 = arith.constant 0 : i32
            %dma_wait3A_793 = tpu.memref_slice %arg15[%dma_wait3A_791, %dma_wait3A_792] : memref<10240x16xf32, #tpu.memory_space<vmem_shared>> -> memref<10240x16xf32, #tpu.memory_space<vmem_shared>>
            tpu.wait_indirect_dma semaphore(%arg22 : memref<!tpu.dma_semaphore, #tpu.memory_space<semaphore_mem>>) src(%arg13 : memref<128x16xf32, #tpu.memory_space<vmem>>) dst(%dma_wait3A_793 : memref<10240x16xf32, #tpu.memory_space<vmem_shared>>)
            %dma_wait3A_794 = arith.constant 3 : i32
            %dma_wait3A_795 = arith.constant 0 : i32
            %dma_wait3A_796 = tpu.memref_slice %arg7[%dma_wait3A_794, %dma_wait3A_795] : memref<4x128xi32, #tpu.memory_space<vmem>> -> memref<1x128xi32, #tpu.memory_space<vmem>>
            %dma_wait3A_797 = tpu.memref_squeeze %dma_wait3A_796 : memref<1x128xi32, #tpu.memory_space<vmem>> -> memref<128xi32, #tpu.memory_space<vmem>>
            %dma_wait3A_798 = arith.constant 0 : i32
            %dma_wait3A_799 = arith.constant 0 : i32
            %dma_wait3A_800 = tpu.memref_slice %arg15[%dma_wait3A_798, %dma_wait3A_799] : memref<10240x16xf32, #tpu.memory_space<vmem_shared>> -> memref<10240x16xf32, #tpu.memory_space<vmem_shared>>
            tpu.wait_indirect_dma semaphore(%arg22 : memref<!tpu.dma_semaphore, #tpu.memory_space<semaphore_mem>>) src(%arg13 : memref<128x16xf32, #tpu.memory_space<vmem>>) dst(%dma_wait3A_800 : memref<10240x16xf32, #tpu.memory_space<vmem_shared>>)
          } else {
          }
        } else {
        }
        %add3A_462 = arith.constant 1 : i32
        %add3A_463 = arith.addi %add3A_446, %add3A_462 : i32
        %mul3A_464 = arith.constant 16 : i32
        %mul3A_465 = arith.muli %add3A_463, %mul3A_464 : i32
        %add3A_466 = arith.addi %arg1, %mul3A_465 : i32
        %mul3A_467 = arith.constant 2 : i32
        %mul3A_468 = arith.muli %mul3A_467, %add3A_466 : i32
        %run_scoped3A_469 = arith.constant 0 : i32
        "tpu.region"() ({
          %run_scoped3A_762 = tpu.sem_alloc : memref<!tpu.dma_semaphore, #tpu.memory_space<semaphore_mem>>
          %dma_start3A_763 = arith.constant 0 : i32
          %dma_start3A_764 = arith.constant 0 : i32
          %dma_start3A_765 = tpu.memref_slice %arg7[%dma_start3A_763, %dma_start3A_764] : memref<4x128xi32, #tpu.memory_space<vmem>> -> memref<2x128xi32, #tpu.memory_space<vmem>>
          %dma_start3A_766 = arith.constant 0 : i32
          %dma_start3A_767 = tpu.memref_slice %arg2[%run_scoped3A_469, %mul3A_468, %dma_start3A_766] : memref<2x2500x128xi32, #tpu.memory_space<hbm>> -> memref<1x2x128xi32, #tpu.memory_space<hbm>>
          %dma_start3A_768 = tpu.memref_squeeze %dma_start3A_767 : memref<1x2x128xi32, #tpu.memory_space<hbm>> -> memref<2x128xi32, #tpu.memory_space<hbm>>
          %dma_start3A_769 = arith.constant 0 : i32
          %dma_start3A_770 = arith.constant 0 : i32
          %dma_start3A_771 = tpu.memref_slice %arg7[%dma_start3A_769, %dma_start3A_770] : memref<4x128xi32, #tpu.memory_space<vmem>> -> memref<2x128xi32, #tpu.memory_space<vmem>>
          %dma_start3A_772 = arith.constant 0 : i32
          %dma_start3A_773 = tpu.memref_slice %arg2[%run_scoped3A_469, %mul3A_468, %dma_start3A_772] : memref<2x2500x128xi32, #tpu.memory_space<hbm>> -> memref<1x2x128xi32, #tpu.memory_space<hbm>>
          %dma_start3A_774 = tpu.memref_squeeze %dma_start3A_773 : memref<1x2x128xi32, #tpu.memory_space<hbm>> -> memref<2x128xi32, #tpu.memory_space<hbm>>
          tpu.enqueue_dma source(%dma_start3A_774 : memref<2x128xi32, #tpu.memory_space<hbm>>) target(%dma_start3A_771 : memref<2x128xi32, #tpu.memory_space<vmem>>) target_semaphore(%run_scoped3A_762 : memref<!tpu.dma_semaphore, #tpu.memory_space<semaphore_mem>>)
          %dma_wait3A_775 = arith.constant 0 : i32
          %dma_wait3A_776 = arith.constant 0 : i32
          %dma_wait3A_777 = tpu.memref_slice %arg7[%dma_wait3A_775, %dma_wait3A_776] : memref<4x128xi32, #tpu.memory_space<vmem>> -> memref<2x128xi32, #tpu.memory_space<vmem>>
          %dma_wait3A_778 = arith.constant 0 : i32
          %dma_wait3A_779 = tpu.memref_slice %arg2[%run_scoped3A_469, %mul3A_468, %dma_wait3A_778] : memref<2x2500x128xi32, #tpu.memory_space<hbm>> -> memref<1x2x128xi32, #tpu.memory_space<hbm>>
          %dma_wait3A_780 = tpu.memref_squeeze %dma_wait3A_779 : memref<1x2x128xi32, #tpu.memory_space<hbm>> -> memref<2x128xi32, #tpu.memory_space<hbm>>
          %dma_wait3A_781 = arith.constant 0 : i32
          %dma_wait3A_782 = arith.constant 0 : i32
          %dma_wait3A_783 = tpu.memref_slice %arg7[%dma_wait3A_781, %dma_wait3A_782] : memref<4x128xi32, #tpu.memory_space<vmem>> -> memref<2x128xi32, #tpu.memory_space<vmem>>
          %dma_wait3A_784 = arith.constant 0 : i32
          %dma_wait3A_785 = tpu.memref_slice %arg2[%run_scoped3A_469, %mul3A_468, %dma_wait3A_784] : memref<2x2500x128xi32, #tpu.memory_space<hbm>> -> memref<1x2x128xi32, #tpu.memory_space<hbm>>
          %dma_wait3A_786 = tpu.memref_squeeze %dma_wait3A_785 : memref<1x2x128xi32, #tpu.memory_space<hbm>> -> memref<2x128xi32, #tpu.memory_space<hbm>>
          tpu.wait_dma2 semaphore(%run_scoped3A_762 : memref<!tpu.dma_semaphore, #tpu.memory_space<semaphore_mem>>) src(%dma_wait3A_786 : memref<2x128xi32, #tpu.memory_space<hbm>>) dst(%dma_wait3A_783 : memref<2x128xi32, #tpu.memory_space<vmem>>)
          tpu.yield
        }) : () -> ()
        %mul3A_470 = arith.constant 2 : i32
        %mul3A_471 = arith.muli %mul3A_470, %add3A_466 : i32
        %run_scoped3A_472 = arith.constant 1 : i32
        "tpu.region"() ({
          %run_scoped3A_762 = tpu.sem_alloc : memref<!tpu.dma_semaphore, #tpu.memory_space<semaphore_mem>>
          %dma_start3A_763 = arith.constant 2 : i32
          %dma_start3A_764 = arith.constant 0 : i32
          %dma_start3A_765 = tpu.memref_slice %arg7[%dma_start3A_763, %dma_start3A_764] : memref<4x128xi32, #tpu.memory_space<vmem>> -> memref<2x128xi32, #tpu.memory_space<vmem>>
          %dma_start3A_766 = arith.constant 0 : i32
          %dma_start3A_767 = tpu.memref_slice %arg2[%run_scoped3A_472, %mul3A_471, %dma_start3A_766] : memref<2x2500x128xi32, #tpu.memory_space<hbm>> -> memref<1x2x128xi32, #tpu.memory_space<hbm>>
          %dma_start3A_768 = tpu.memref_squeeze %dma_start3A_767 : memref<1x2x128xi32, #tpu.memory_space<hbm>> -> memref<2x128xi32, #tpu.memory_space<hbm>>
          %dma_start3A_769 = arith.constant 2 : i32
          %dma_start3A_770 = arith.constant 0 : i32
          %dma_start3A_771 = tpu.memref_slice %arg7[%dma_start3A_769, %dma_start3A_770] : memref<4x128xi32, #tpu.memory_space<vmem>> -> memref<2x128xi32, #tpu.memory_space<vmem>>
          %dma_start3A_772 = arith.constant 0 : i32
          %dma_start3A_773 = tpu.memref_slice %arg2[%run_scoped3A_472, %mul3A_471, %dma_start3A_772] : memref<2x2500x128xi32, #tpu.memory_space<hbm>> -> memref<1x2x128xi32, #tpu.memory_space<hbm>>
          %dma_start3A_774 = tpu.memref_squeeze %dma_start3A_773 : memref<1x2x128xi32, #tpu.memory_space<hbm>> -> memref<2x128xi32, #tpu.memory_space<hbm>>
          tpu.enqueue_dma source(%dma_start3A_774 : memref<2x128xi32, #tpu.memory_space<hbm>>) target(%dma_start3A_771 : memref<2x128xi32, #tpu.memory_space<vmem>>) target_semaphore(%run_scoped3A_762 : memref<!tpu.dma_semaphore, #tpu.memory_space<semaphore_mem>>)
          %dma_wait3A_775 = arith.constant 2 : i32
          %dma_wait3A_776 = arith.constant 0 : i32
          %dma_wait3A_777 = tpu.memref_slice %arg7[%dma_wait3A_775, %dma_wait3A_776] : memref<4x128xi32, #tpu.memory_space<vmem>> -> memref<2x128xi32, #tpu.memory_space<vmem>>
          %dma_wait3A_778 = arith.constant 0 : i32
          %dma_wait3A_779 = tpu.memref_slice %arg2[%run_scoped3A_472, %mul3A_471, %dma_wait3A_778] : memref<2x2500x128xi32, #tpu.memory_space<hbm>> -> memref<1x2x128xi32, #tpu.memory_space<hbm>>
          %dma_wait3A_780 = tpu.memref_squeeze %dma_wait3A_779 : memref<1x2x128xi32, #tpu.memory_space<hbm>> -> memref<2x128xi32, #tpu.memory_space<hbm>>
          %dma_wait3A_781 = arith.constant 2 : i32
          %dma_wait3A_782 = arith.constant 0 : i32
          %dma_wait3A_783 = tpu.memref_slice %arg7[%dma_wait3A_781, %dma_wait3A_782] : memref<4x128xi32, #tpu.memory_space<vmem>> -> memref<2x128xi32, #tpu.memory_space<vmem>>
          %dma_wait3A_784 = arith.constant 0 : i32
          %dma_wait3A_785 = tpu.memref_slice %arg2[%run_scoped3A_472, %mul3A_471, %dma_wait3A_784] : memref<2x2500x128xi32, #tpu.memory_space<hbm>> -> memref<1x2x128xi32, #tpu.memory_space<hbm>>
          %dma_wait3A_786 = tpu.memref_squeeze %dma_wait3A_785 : memref<1x2x128xi32, #tpu.memory_space<hbm>> -> memref<2x128xi32, #tpu.memory_space<hbm>>
          tpu.wait_dma2 semaphore(%run_scoped3A_762 : memref<!tpu.dma_semaphore, #tpu.memory_space<semaphore_mem>>) src(%dma_wait3A_786 : memref<2x128xi32, #tpu.memory_space<hbm>>) dst(%dma_wait3A_783 : memref<2x128xi32, #tpu.memory_space<vmem>>)
          tpu.yield
        }) : () -> ()
        %get3A_473 = arith.constant 0 : i32
        %get3A_474 = arith.index_cast %get3A_473 : i32 to index
        %get3A_475 = arith.constant 0 : index
        %get3A_476 = tpu.vector_load %arg7[%get3A_474, %get3A_475] {strides = array<i32>} : memref<4x128xi32, #tpu.memory_space<vmem>>, vector<1x16xi32>,
        %get3A_477 = vector.shape_cast %get3A_476 : vector<1x16xi32> to vector<16xi32>
        %mul3A_478 = arith.constant 2 : i32
        %mul3A_479 = vector.broadcast %mul3A_478 : i32 to vector<16xi32>
        %mul3A_480 = arith.muli %mul3A_479, %get3A_477 : vector<16xi32>
        %add3A_481 = vector.broadcast %arg0 : i32 to vector<16xi32>
        %add3A_482 = arith.addi %mul3A_480, %add3A_481 : vector<16xi32>
        %swap3A_483 = arith.constant 0 : i32
        %swap3A_484 = arith.index_cast %swap3A_483 : i32 to index
        %swap3A_485 = arith.constant 0 : index
        %swap3A_486 = tpu.vector_load %arg7[%swap3A_484, %swap3A_485] {strides = array<i32>} : memref<4x128xi32, #tpu.memory_space<vmem>>, vector<1x16xi32>,
        %swap3A_487 = vector.shape_cast %swap3A_486 : vector<1x16xi32> to vector<16xi32>
        %swap3A_488 = vector.shape_cast %add3A_482 : vector<16xi32> to vector<1x16xi32>
        tpu.vector_store %arg7[%swap3A_484, %swap3A_485], %swap3A_488 {strides = array<i32>} : memref<4x128xi32, #tpu.memory_space<vmem>>, vector<1x16xi32>,
        %get3A_489 = arith.constant 0 : i32
        %get3A_490 = arith.index_cast %get3A_489 : i32 to index
        %get3A_491 = arith.constant 16 : index
        %get3A_492 = tpu.vector_load %arg7[%get3A_490, %get3A_491] {strides = array<i32>} : memref<4x128xi32, #tpu.memory_space<vmem>>, vector<1x16xi32>,
        %get3A_493 = vector.shape_cast %get3A_492 : vector<1x16xi32> to vector<16xi32>
        %mul3A_494 = arith.constant 2 : i32
        %mul3A_495 = vector.broadcast %mul3A_494 : i32 to vector<16xi32>
        %mul3A_496 = arith.muli %mul3A_495, %get3A_493 : vector<16xi32>
        %add3A_497 = vector.broadcast %arg0 : i32 to vector<16xi32>
        %add3A_498 = arith.addi %mul3A_496, %add3A_497 : vector<16xi32>
        %swap3A_499 = arith.constant 0 : i32
        %swap3A_500 = arith.index_cast %swap3A_499 : i32 to index
        %swap3A_501 = arith.constant 16 : index
        %swap3A_502 = tpu.vector_load %arg7[%swap3A_500, %swap3A_501] {strides = array<i32>} : memref<4x128xi32, #tpu.memory_space<vmem>>, vector<1x16xi32>,
        %swap3A_503 = vector.shape_cast %swap3A_502 : vector<1x16xi32> to vector<16xi32>
        %swap3A_504 = vector.shape_cast %add3A_498 : vector<16xi32> to vector<1x16xi32>
        tpu.vector_store %arg7[%swap3A_500, %swap3A_501], %swap3A_504 {strides = array<i32>} : memref<4x128xi32, #tpu.memory_space<vmem>>, vector<1x16xi32>,
        %get3A_505 = arith.constant 0 : i32
        %get3A_506 = arith.index_cast %get3A_505 : i32 to index
        %get3A_507 = arith.constant 32 : index
        %get3A_508 = tpu.vector_load %arg7[%get3A_506, %get3A_507] {strides = array<i32>} : memref<4x128xi32, #tpu.memory_space<vmem>>, vector<1x16xi32>,
        %get3A_509 = vector.shape_cast %get3A_508 : vector<1x16xi32> to vector<16xi32>
        %mul3A_510 = arith.constant 2 : i32
        %mul3A_511 = vector.broadcast %mul3A_510 : i32 to vector<16xi32>
        %mul3A_512 = arith.muli %mul3A_511, %get3A_509 : vector<16xi32>
        %add3A_513 = vector.broadcast %arg0 : i32 to vector<16xi32>
        %add3A_514 = arith.addi %mul3A_512, %add3A_513 : vector<16xi32>
        %swap3A_515 = arith.constant 0 : i32
        %swap3A_516 = arith.index_cast %swap3A_515 : i32 to index
        %swap3A_517 = arith.constant 32 : index
        %swap3A_518 = tpu.vector_load %arg7[%swap3A_516, %swap3A_517] {strides = array<i32>} : memref<4x128xi32, #tpu.memory_space<vmem>>, vector<1x16xi32>,
        %swap3A_519 = vector.shape_cast %swap3A_518 : vector<1x16xi32> to vector<16xi32>
        %swap3A_520 = vector.shape_cast %add3A_514 : vector<16xi32> to vector<1x16xi32>
        tpu.vector_store %arg7[%swap3A_516, %swap3A_517], %swap3A_520 {strides = array<i32>} : memref<4x128xi32, #tpu.memory_space<vmem>>, vector<1x16xi32>,
        %get3A_521 = arith.constant 0 : i32
        %get3A_522 = arith.index_cast %get3A_521 : i32 to index
        %get3A_523 = arith.constant 48 : index
        %get3A_524 = tpu.vector_load %arg7[%get3A_522, %get3A_523] {strides = array<i32>} : memref<4x128xi32, #tpu.memory_space<vmem>>, vector<1x16xi32>,
        %get3A_525 = vector.shape_cast %get3A_524 : vector<1x16xi32> to vector<16xi32>
        %mul3A_526 = arith.constant 2 : i32
        %mul3A_527 = vector.broadcast %mul3A_526 : i32 to vector<16xi32>
        %mul3A_528 = arith.muli %mul3A_527, %get3A_525 : vector<16xi32>
        %add3A_529 = vector.broadcast %arg0 : i32 to vector<16xi32>
        %add3A_530 = arith.addi %mul3A_528, %add3A_529 : vector<16xi32>
        %swap3A_531 = arith.constant 0 : i32
        %swap3A_532 = arith.index_cast %swap3A_531 : i32 to index
        %swap3A_533 = arith.constant 48 : index
        %swap3A_534 = tpu.vector_load %arg7[%swap3A_532, %swap3A_533] {strides = array<i32>} : memref<4x128xi32, #tpu.memory_space<vmem>>, vector<1x16xi32>,
        %swap3A_535 = vector.shape_cast %swap3A_534 : vector<1x16xi32> to vector<16xi32>
        %swap3A_536 = vector.shape_cast %add3A_530 : vector<16xi32> to vector<1x16xi32>
        tpu.vector_store %arg7[%swap3A_532, %swap3A_533], %swap3A_536 {strides = array<i32>} : memref<4x128xi32, #tpu.memory_space<vmem>>, vector<1x16xi32>,
        %get3A_537 = arith.constant 0 : i32
        %get3A_538 = arith.index_cast %get3A_537 : i32 to index
        %get3A_539 = arith.constant 64 : index
        %get3A_540 = tpu.vector_load %arg7[%get3A_538, %get3A_539] {strides = array<i32>} : memref<4x128xi32, #tpu.memory_space<vmem>>, vector<1x16xi32>,
        %get3A_541 = vector.shape_cast %get3A_540 : vector<1x16xi32> to vector<16xi32>
        %mul3A_542 = arith.constant 2 : i32
        %mul3A_543 = vector.broadcast %mul3A_542 : i32 to vector<16xi32>
        %mul3A_544 = arith.muli %mul3A_543, %get3A_541 : vector<16xi32>
        %add3A_545 = vector.broadcast %arg0 : i32 to vector<16xi32>
        %add3A_546 = arith.addi %mul3A_544, %add3A_545 : vector<16xi32>
        %swap3A_547 = arith.constant 0 : i32
        %swap3A_548 = arith.index_cast %swap3A_547 : i32 to index
        %swap3A_549 = arith.constant 64 : index
        %swap3A_550 = tpu.vector_load %arg7[%swap3A_548, %swap3A_549] {strides = array<i32>} : memref<4x128xi32, #tpu.memory_space<vmem>>, vector<1x16xi32>,
        %swap3A_551 = vector.shape_cast %swap3A_550 : vector<1x16xi32> to vector<16xi32>
        %swap3A_552 = vector.shape_cast %add3A_546 : vector<16xi32> to vector<1x16xi32>
        tpu.vector_store %arg7[%swap3A_548, %swap3A_549], %swap3A_552 {strides = array<i32>} : memref<4x128xi32, #tpu.memory_space<vmem>>, vector<1x16xi32>,
        %get3A_553 = arith.constant 0 : i32
        %get3A_554 = arith.index_cast %get3A_553 : i32 to index
        %get3A_555 = arith.constant 80 : index
        %get3A_556 = tpu.vector_load %arg7[%get3A_554, %get3A_555] {strides = array<i32>} : memref<4x128xi32, #tpu.memory_space<vmem>>, vector<1x16xi32>,
        %get3A_557 = vector.shape_cast %get3A_556 : vector<1x16xi32> to vector<16xi32>
        %mul3A_558 = arith.constant 2 : i32
        %mul3A_559 = vector.broadcast %mul3A_558 : i32 to vector<16xi32>
        %mul3A_560 = arith.muli %mul3A_559, %get3A_557 : vector<16xi32>
        %add3A_561 = vector.broadcast %arg0 : i32 to vector<16xi32>
        %add3A_562 = arith.addi %mul3A_560, %add3A_561 : vector<16xi32>
        %swap3A_563 = arith.constant 0 : i32
        %swap3A_564 = arith.index_cast %swap3A_563 : i32 to index
        %swap3A_565 = arith.constant 80 : index
        %swap3A_566 = tpu.vector_load %arg7[%swap3A_564, %swap3A_565] {strides = array<i32>} : memref<4x128xi32, #tpu.memory_space<vmem>>, vector<1x16xi32>,
        %swap3A_567 = vector.shape_cast %swap3A_566 : vector<1x16xi32> to vector<16xi32>
        %swap3A_568 = vector.shape_cast %add3A_562 : vector<16xi32> to vector<1x16xi32>
        tpu.vector_store %arg7[%swap3A_564, %swap3A_565], %swap3A_568 {strides = array<i32>} : memref<4x128xi32, #tpu.memory_space<vmem>>, vector<1x16xi32>,
        %get3A_569 = arith.constant 0 : i32
        %get3A_570 = arith.index_cast %get3A_569 : i32 to index
        %get3A_571 = arith.constant 96 : index
        %get3A_572 = tpu.vector_load %arg7[%get3A_570, %get3A_571] {strides = array<i32>} : memref<4x128xi32, #tpu.memory_space<vmem>>, vector<1x16xi32>,
        %get3A_573 = vector.shape_cast %get3A_572 : vector<1x16xi32> to vector<16xi32>
        %mul3A_574 = arith.constant 2 : i32
        %mul3A_575 = vector.broadcast %mul3A_574 : i32 to vector<16xi32>
        %mul3A_576 = arith.muli %mul3A_575, %get3A_573 : vector<16xi32>
        %add3A_577 = vector.broadcast %arg0 : i32 to vector<16xi32>
        %add3A_578 = arith.addi %mul3A_576, %add3A_577 : vector<16xi32>
        %swap3A_579 = arith.constant 0 : i32
        %swap3A_580 = arith.index_cast %swap3A_579 : i32 to index
        %swap3A_581 = arith.constant 96 : index
        %swap3A_582 = tpu.vector_load %arg7[%swap3A_580, %swap3A_581] {strides = array<i32>} : memref<4x128xi32, #tpu.memory_space<vmem>>, vector<1x16xi32>,
        %swap3A_583 = vector.shape_cast %swap3A_582 : vector<1x16xi32> to vector<16xi32>
        %swap3A_584 = vector.shape_cast %add3A_578 : vector<16xi32> to vector<1x16xi32>
        tpu.vector_store %arg7[%swap3A_580, %swap3A_581], %swap3A_584 {strides = array<i32>} : memref<4x128xi32, #tpu.memory_space<vmem>>, vector<1x16xi32>,
        %get3A_585 = arith.constant 0 : i32
        %get3A_586 = arith.index_cast %get3A_585 : i32 to index
        %get3A_587 = arith.constant 112 : index
        %get3A_588 = tpu.vector_load %arg7[%get3A_586, %get3A_587] {strides = array<i32>} : memref<4x128xi32, #tpu.memory_space<vmem>>, vector<1x16xi32>,
        %get3A_589 = vector.shape_cast %get3A_588 : vector<1x16xi32> to vector<16xi32>
        %mul3A_590 = arith.constant 2 : i32
        %mul3A_591 = vector.broadcast %mul3A_590 : i32 to vector<16xi32>
        %mul3A_592 = arith.muli %mul3A_591, %get3A_589 : vector<16xi32>
        %add3A_593 = vector.broadcast %arg0 : i32 to vector<16xi32>
        %add3A_594 = arith.addi %mul3A_592, %add3A_593 : vector<16xi32>
        %swap3A_595 = arith.constant 0 : i32
        %swap3A_596 = arith.index_cast %swap3A_595 : i32 to index
        %swap3A_597 = arith.constant 112 : index
        %swap3A_598 = tpu.vector_load %arg7[%swap3A_596, %swap3A_597] {strides = array<i32>} : memref<4x128xi32, #tpu.memory_space<vmem>>, vector<1x16xi32>,
        %swap3A_599 = vector.shape_cast %swap3A_598 : vector<1x16xi32> to vector<16xi32>
        %swap3A_600 = vector.shape_cast %add3A_594 : vector<16xi32> to vector<1x16xi32>
        tpu.vector_store %arg7[%swap3A_596, %swap3A_597], %swap3A_600 {strides = array<i32>} : memref<4x128xi32, #tpu.memory_space<vmem>>, vector<1x16xi32>,
        %get3A_601 = arith.constant 1 : i32
        %get3A_602 = arith.index_cast %get3A_601 : i32 to index
        %get3A_603 = arith.constant 0 : index
        %get3A_604 = tpu.vector_load %arg7[%get3A_602, %get3A_603] {strides = array<i32>} : memref<4x128xi32, #tpu.memory_space<vmem>>, vector<1x16xi32>,
        %get3A_605 = vector.shape_cast %get3A_604 : vector<1x16xi32> to vector<16xi32>
        %mul3A_606 = arith.constant 2 : i32
        %mul3A_607 = vector.broadcast %mul3A_606 : i32 to vector<16xi32>
        %mul3A_608 = arith.muli %mul3A_607, %get3A_605 : vector<16xi32>
        %add3A_609 = vector.broadcast %arg0 : i32 to vector<16xi32>
        %add3A_610 = arith.addi %mul3A_608, %add3A_609 : vector<16xi32>
        %swap3A_611 = arith.constant 1 : i32
        %swap3A_612 = arith.index_cast %swap3A_611 : i32 to index
        %swap3A_613 = arith.constant 0 : index
        %swap3A_614 = tpu.vector_load %arg7[%swap3A_612, %swap3A_613] {strides = array<i32>} : memref<4x128xi32, #tpu.memory_space<vmem>>, vector<1x16xi32>,
        %swap3A_615 = vector.shape_cast %swap3A_614 : vector<1x16xi32> to vector<16xi32>
        %swap3A_616 = vector.shape_cast %add3A_610 : vector<16xi32> to vector<1x16xi32>
        tpu.vector_store %arg7[%swap3A_612, %swap3A_613], %swap3A_616 {strides = array<i32>} : memref<4x128xi32, #tpu.memory_space<vmem>>, vector<1x16xi32>,
        %get3A_617 = arith.constant 1 : i32
        %get3A_618 = arith.index_cast %get3A_617 : i32 to index
        %get3A_619 = arith.constant 16 : index
        %get3A_620 = tpu.vector_load %arg7[%get3A_618, %get3A_619] {strides = array<i32>} : memref<4x128xi32, #tpu.memory_space<vmem>>, vector<1x16xi32>,
        %get3A_621 = vector.shape_cast %get3A_620 : vector<1x16xi32> to vector<16xi32>
        %mul3A_622 = arith.constant 2 : i32
        %mul3A_623 = vector.broadcast %mul3A_622 : i32 to vector<16xi32>
        %mul3A_624 = arith.muli %mul3A_623, %get3A_621 : vector<16xi32>
        %add3A_625 = vector.broadcast %arg0 : i32 to vector<16xi32>
        %add3A_626 = arith.addi %mul3A_624, %add3A_625 : vector<16xi32>
        %swap3A_627 = arith.constant 1 : i32
        %swap3A_628 = arith.index_cast %swap3A_627 : i32 to index
        %swap3A_629 = arith.constant 16 : index
        %swap3A_630 = tpu.vector_load %arg7[%swap3A_628, %swap3A_629] {strides = array<i32>} : memref<4x128xi32, #tpu.memory_space<vmem>>, vector<1x16xi32>,
        %swap3A_631 = vector.shape_cast %swap3A_630 : vector<1x16xi32> to vector<16xi32>
        %swap3A_632 = vector.shape_cast %add3A_626 : vector<16xi32> to vector<1x16xi32>
        tpu.vector_store %arg7[%swap3A_628, %swap3A_629], %swap3A_632 {strides = array<i32>} : memref<4x128xi32, #tpu.memory_space<vmem>>, vector<1x16xi32>,
        %get3A_633 = arith.constant 1 : i32
        %get3A_634 = arith.index_cast %get3A_633 : i32 to index
        %get3A_635 = arith.constant 32 : index
        %get3A_636 = tpu.vector_load %arg7[%get3A_634, %get3A_635] {strides = array<i32>} : memref<4x128xi32, #tpu.memory_space<vmem>>, vector<1x16xi32>,
        %get3A_637 = vector.shape_cast %get3A_636 : vector<1x16xi32> to vector<16xi32>
        %mul3A_638 = arith.constant 2 : i32
        %mul3A_639 = vector.broadcast %mul3A_638 : i32 to vector<16xi32>
        %mul3A_640 = arith.muli %mul3A_639, %get3A_637 : vector<16xi32>
        %add3A_641 = vector.broadcast %arg0 : i32 to vector<16xi32>
        %add3A_642 = arith.addi %mul3A_640, %add3A_641 : vector<16xi32>
        %swap3A_643 = arith.constant 1 : i32
        %swap3A_644 = arith.index_cast %swap3A_643 : i32 to index
        %swap3A_645 = arith.constant 32 : index
        %swap3A_646 = tpu.vector_load %arg7[%swap3A_644, %swap3A_645] {strides = array<i32>} : memref<4x128xi32, #tpu.memory_space<vmem>>, vector<1x16xi32>,
        %swap3A_647 = vector.shape_cast %swap3A_646 : vector<1x16xi32> to vector<16xi32>
        %swap3A_648 = vector.shape_cast %add3A_642 : vector<16xi32> to vector<1x16xi32>
        tpu.vector_store %arg7[%swap3A_644, %swap3A_645], %swap3A_648 {strides = array<i32>} : memref<4x128xi32, #tpu.memory_space<vmem>>, vector<1x16xi32>,
        %get3A_649 = arith.constant 1 : i32
        %get3A_650 = arith.index_cast %get3A_649 : i32 to index
        %get3A_651 = arith.constant 48 : index
        %get3A_652 = tpu.vector_load %arg7[%get3A_650, %get3A_651] {strides = array<i32>} : memref<4x128xi32, #tpu.memory_space<vmem>>, vector<1x16xi32>,
        %get3A_653 = vector.shape_cast %get3A_652 : vector<1x16xi32> to vector<16xi32>
        %mul3A_654 = arith.constant 2 : i32
        %mul3A_655 = vector.broadcast %mul3A_654 : i32 to vector<16xi32>
        %mul3A_656 = arith.muli %mul3A_655, %get3A_653 : vector<16xi32>
        %add3A_657 = vector.broadcast %arg0 : i32 to vector<16xi32>
        %add3A_658 = arith.addi %mul3A_656, %add3A_657 : vector<16xi32>
        %swap3A_659 = arith.constant 1 : i32
        %swap3A_660 = arith.index_cast %swap3A_659 : i32 to index
        %swap3A_661 = arith.constant 48 : index
        %swap3A_662 = tpu.vector_load %arg7[%swap3A_660, %swap3A_661] {strides = array<i32>} : memref<4x128xi32, #tpu.memory_space<vmem>>, vector<1x16xi32>,
        %swap3A_663 = vector.shape_cast %swap3A_662 : vector<1x16xi32> to vector<16xi32>
        %swap3A_664 = vector.shape_cast %add3A_658 : vector<16xi32> to vector<1x16xi32>
        tpu.vector_store %arg7[%swap3A_660, %swap3A_661], %swap3A_664 {strides = array<i32>} : memref<4x128xi32, #tpu.memory_space<vmem>>, vector<1x16xi32>,
        %get3A_665 = arith.constant 1 : i32
        %get3A_666 = arith.index_cast %get3A_665 : i32 to index
        %get3A_667 = arith.constant 64 : index
        %get3A_668 = tpu.vector_load %arg7[%get3A_666, %get3A_667] {strides = array<i32>} : memref<4x128xi32, #tpu.memory_space<vmem>>, vector<1x16xi32>,
        %get3A_669 = vector.shape_cast %get3A_668 : vector<1x16xi32> to vector<16xi32>
        %mul3A_670 = arith.constant 2 : i32
        %mul3A_671 = vector.broadcast %mul3A_670 : i32 to vector<16xi32>
        %mul3A_672 = arith.muli %mul3A_671, %get3A_669 : vector<16xi32>
        %add3A_673 = vector.broadcast %arg0 : i32 to vector<16xi32>
        %add3A_674 = arith.addi %mul3A_672, %add3A_673 : vector<16xi32>
        %swap3A_675 = arith.constant 1 : i32
        %swap3A_676 = arith.index_cast %swap3A_675 : i32 to index
        %swap3A_677 = arith.constant 64 : index
        %swap3A_678 = tpu.vector_load %arg7[%swap3A_676, %swap3A_677] {strides = array<i32>} : memref<4x128xi32, #tpu.memory_space<vmem>>, vector<1x16xi32>,
        %swap3A_679 = vector.shape_cast %swap3A_678 : vector<1x16xi32> to vector<16xi32>
        %swap3A_680 = vector.shape_cast %add3A_674 : vector<16xi32> to vector<1x16xi32>
        tpu.vector_store %arg7[%swap3A_676, %swap3A_677], %swap3A_680 {strides = array<i32>} : memref<4x128xi32, #tpu.memory_space<vmem>>, vector<1x16xi32>,
        %get3A_681 = arith.constant 1 : i32
        %get3A_682 = arith.index_cast %get3A_681 : i32 to index
        %get3A_683 = arith.constant 80 : index
        %get3A_684 = tpu.vector_load %arg7[%get3A_682, %get3A_683] {strides = array<i32>} : memref<4x128xi32, #tpu.memory_space<vmem>>, vector<1x16xi32>,
        %get3A_685 = vector.shape_cast %get3A_684 : vector<1x16xi32> to vector<16xi32>
        %mul3A_686 = arith.constant 2 : i32
        %mul3A_687 = vector.broadcast %mul3A_686 : i32 to vector<16xi32>
        %mul3A_688 = arith.muli %mul3A_687, %get3A_685 : vector<16xi32>
        %add3A_689 = vector.broadcast %arg0 : i32 to vector<16xi32>
        %add3A_690 = arith.addi %mul3A_688, %add3A_689 : vector<16xi32>
        %swap3A_691 = arith.constant 1 : i32
        %swap3A_692 = arith.index_cast %swap3A_691 : i32 to index
        %swap3A_693 = arith.constant 80 : index
        %swap3A_694 = tpu.vector_load %arg7[%swap3A_692, %swap3A_693] {strides = array<i32>} : memref<4x128xi32, #tpu.memory_space<vmem>>, vector<1x16xi32>,
        %swap3A_695 = vector.shape_cast %swap3A_694 : vector<1x16xi32> to vector<16xi32>
        %swap3A_696 = vector.shape_cast %add3A_690 : vector<16xi32> to vector<1x16xi32>
        tpu.vector_store %arg7[%swap3A_692, %swap3A_693], %swap3A_696 {strides = array<i32>} : memref<4x128xi32, #tpu.memory_space<vmem>>, vector<1x16xi32>,
        %get3A_697 = arith.constant 1 : i32
        %get3A_698 = arith.index_cast %get3A_697 : i32 to index
        %get3A_699 = arith.constant 96 : index
        %get3A_700 = tpu.vector_load %arg7[%get3A_698, %get3A_699] {strides = array<i32>} : memref<4x128xi32, #tpu.memory_space<vmem>>, vector<1x16xi32>,
        %get3A_701 = vector.shape_cast %get3A_700 : vector<1x16xi32> to vector<16xi32>
        %mul3A_702 = arith.constant 2 : i32
        %mul3A_703 = vector.broadcast %mul3A_702 : i32 to vector<16xi32>
        %mul3A_704 = arith.muli %mul3A_703, %get3A_701 : vector<16xi32>
        %add3A_705 = vector.broadcast %arg0 : i32 to vector<16xi32>
        %add3A_706 = arith.addi %mul3A_704, %add3A_705 : vector<16xi32>
        %swap3A_707 = arith.constant 1 : i32
        %swap3A_708 = arith.index_cast %swap3A_707 : i32 to index
        %swap3A_709 = arith.constant 96 : index
        %swap3A_710 = tpu.vector_load %arg7[%swap3A_708, %swap3A_709] {strides = array<i32>} : memref<4x128xi32, #tpu.memory_space<vmem>>, vector<1x16xi32>,
        %swap3A_711 = vector.shape_cast %swap3A_710 : vector<1x16xi32> to vector<16xi32>
        %swap3A_712 = vector.shape_cast %add3A_706 : vector<16xi32> to vector<1x16xi32>
        tpu.vector_store %arg7[%swap3A_708, %swap3A_709], %swap3A_712 {strides = array<i32>} : memref<4x128xi32, #tpu.memory_space<vmem>>, vector<1x16xi32>,
        %get3A_713 = arith.constant 1 : i32
        %get3A_714 = arith.index_cast %get3A_713 : i32 to index
        %get3A_715 = arith.constant 112 : index
        %get3A_716 = tpu.vector_load %arg7[%get3A_714, %get3A_715] {strides = array<i32>} : memref<4x128xi32, #tpu.memory_space<vmem>>, vector<1x16xi32>,
        %get3A_717 = vector.shape_cast %get3A_716 : vector<1x16xi32> to vector<16xi32>
        %mul3A_718 = arith.constant 2 : i32
        %mul3A_719 = vector.broadcast %mul3A_718 : i32 to vector<16xi32>
        %mul3A_720 = arith.muli %mul3A_719, %get3A_717 : vector<16xi32>
        %add3A_721 = vector.broadcast %arg0 : i32 to vector<16xi32>
        %add3A_722 = arith.addi %mul3A_720, %add3A_721 : vector<16xi32>
        %swap3A_723 = arith.constant 1 : i32
        %swap3A_724 = arith.index_cast %swap3A_723 : i32 to index
        %swap3A_725 = arith.constant 112 : index
        %swap3A_726 = tpu.vector_load %arg7[%swap3A_724, %swap3A_725] {strides = array<i32>} : memref<4x128xi32, #tpu.memory_space<vmem>>, vector<1x16xi32>,
        %swap3A_727 = vector.shape_cast %swap3A_726 : vector<1x16xi32> to vector<16xi32>
        %swap3A_728 = vector.shape_cast %add3A_722 : vector<16xi32> to vector<1x16xi32>
        tpu.vector_store %arg7[%swap3A_724, %swap3A_725], %swap3A_728 {strides = array<i32>} : memref<4x128xi32, #tpu.memory_space<vmem>>, vector<1x16xi32>,
        %add3A_729 = arith.constant 1 : i32
        %add3A_730 = arith.addi %add3A_446, %add3A_729 : i32
        %mul3A_731 = arith.constant 16 : i32
        %mul3A_732 = arith.muli %add3A_730, %mul3A_731 : i32
        %add3A_733 = arith.addi %arg1, %mul3A_732 : i32
        %dma_start3A_734 = arith.constant 0 : i32
        %dma_start3A_735 = arith.constant 0 : i32
        %dma_start3A_736 = arith.constant 0 : i32
        %dma_start3A_737 = tpu.memref_slice %arg9[%dma_start3A_735, %dma_start3A_736] : memref<256x64xf32, #tpu.memory_space<vmem>> -> memref<128x64xf32, #tpu.memory_space<vmem>>
        %dma_start3A_738 = arith.constant 0 : i32
        %dma_start3A_739 = tpu.memref_slice %arg7[%dma_start3A_734, %dma_start3A_738] : memref<4x128xi32, #tpu.memory_space<vmem>> -> memref<1x128xi32, #tpu.memory_space<vmem>>
        %dma_start3A_740 = tpu.memref_squeeze %dma_start3A_739 : memref<1x128xi32, #tpu.memory_space<vmem>> -> memref<128xi32, #tpu.memory_space<vmem>>
        %dma_start3A_741 = arith.constant 0 : i32
        %dma_start3A_742 = arith.constant 0 : i32
        %dma_start3A_743 = tpu.memref_slice %arg3[%dma_start3A_741, %dma_start3A_742] : memref<20000x64xf32, #tpu.memory_space<hbm>> -> memref<20000x64xf32, #tpu.memory_space<hbm>>
        tpu.enqueue_indirect_dma source(%dma_start3A_743 : memref<20000x64xf32, #tpu.memory_space<hbm>>) target(%dma_start3A_737 : memref<128x64xf32, #tpu.memory_space<vmem>>) offsets(%dma_start3A_740 : memref<128xi32, #tpu.memory_space<vmem>>) semaphore(%arg16 : memref<!tpu.dma_semaphore, #tpu.memory_space<semaphore_mem>>)
        %dma_start3A_744 = arith.constant 1 : i32
        %dma_start3A_745 = arith.constant 128 : i32
        %dma_start3A_746 = arith.constant 0 : i32
        %dma_start3A_747 = tpu.memref_slice %arg9[%dma_start3A_745, %dma_start3A_746] : memref<256x64xf32, #tpu.memory_space<vmem>> -> memref<128x64xf32, #tpu.memory_space<vmem>>
        %dma_start3A_748 = arith.constant 0 : i32
        %dma_start3A_749 = tpu.memref_slice %arg7[%dma_start3A_744, %dma_start3A_748] : memref<4x128xi32, #tpu.memory_space<vmem>> -> memref<1x128xi32, #tpu.memory_space<vmem>>
        %dma_start3A_750 = tpu.memref_squeeze %dma_start3A_749 : memref<1x128xi32, #tpu.memory_space<vmem>> -> memref<128xi32, #tpu.memory_space<vmem>>
        %dma_start3A_751 = arith.constant 0 : i32
        %dma_start3A_752 = arith.constant 0 : i32
        %dma_start3A_753 = tpu.memref_slice %arg3[%dma_start3A_751, %dma_start3A_752] : memref<20000x64xf32, #tpu.memory_space<hbm>> -> memref<20000x64xf32, #tpu.memory_space<hbm>>
        tpu.enqueue_indirect_dma source(%dma_start3A_753 : memref<20000x64xf32, #tpu.memory_space<hbm>>) target(%dma_start3A_747 : memref<128x64xf32, #tpu.memory_space<vmem>>) offsets(%dma_start3A_750 : memref<128xi32, #tpu.memory_space<vmem>>) semaphore(%arg16 : memref<!tpu.dma_semaphore, #tpu.memory_space<semaphore_mem>>)
        %mul3A_754 = arith.constant 32 : i32
        %mul3A_755 = arith.muli %add3A_733, %mul3A_754 : i32
        %dma_start3A_756 = arith.constant 0 : i32
        %dma_start3A_757 = tpu.memref_slice %arg4[%arg0, %mul3A_755, %dma_start3A_756] : memref<2x40000x512xf32, #tpu.memory_space<hbm>> -> memref<1x32x512xf32, #tpu.memory_space<hbm>>
        %dma_start3A_758 = tpu.memref_squeeze %dma_start3A_757 : memref<1x32x512xf32, #tpu.memory_space<hbm>> -> memref<32x512xf32, #tpu.memory_space<hbm>>
        %dma_start3A_759 = arith.constant 0 : i32
        %dma_start3A_760 = tpu.memref_slice %arg4[%arg0, %mul3A_755, %dma_start3A_759] : memref<2x40000x512xf32, #tpu.memory_space<hbm>> -> memref<1x32x512xf32, #tpu.memory_space<hbm>>
        %dma_start3A_761 = tpu.memref_squeeze %dma_start3A_760 : memref<1x32x512xf32, #tpu.memory_space<hbm>> -> memref<32x512xf32, #tpu.memory_space<hbm>>
        tpu.enqueue_dma source(%dma_start3A_761 : memref<32x512xf32, #tpu.memory_space<hbm>>) target(%arg11 : memref<32x512xf32, #tpu.memory_space<vmem>>) target_semaphore(%arg18 : memref<!tpu.dma_semaphore, #tpu.memory_space<semaphore_mem>>)
      } else {
      }
      %lt3A_453 = arith.cmpi slt, %add3A_446, %select_n3A : i32
      %convert_element_type3A_454 = arith.extui %lt3A_453 : i1 to i32
      %cond3A_455 = arith.constant 0 : i32
      %cond3A_456 = arith.cmpi ne, %convert_element_type3A_454, %cond3A_455 : i32
      scf.if %cond3A_456 {
        %dma_wait3A_458 = arith.constant 0 : i32
        %dma_wait3A_459 = arith.constant 0 : i32
        %dma_wait3A_460 = arith.constant 0 : i32
        %dma_wait3A_461 = tpu.memref_slice %arg10[%dma_wait3A_459, %dma_wait3A_460] : memref<256x64xf32, #tpu.memory_space<vmem>> -> memref<128x64xf32, #tpu.memory_space<vmem>>
        %dma_wait3A_462 = arith.constant 0 : i32
        %dma_wait3A_463 = tpu.memref_slice %arg8[%dma_wait3A_458, %dma_wait3A_462] : memref<4x128xi32, #tpu.memory_space<vmem>> -> memref<1x128xi32, #tpu.memory_space<vmem>>
        %dma_wait3A_464 = tpu.memref_squeeze %dma_wait3A_463 : memref<1x128xi32, #tpu.memory_space<vmem>> -> memref<128xi32, #tpu.memory_space<vmem>>
        %dma_wait3A_465 = arith.constant 0 : i32
        %dma_wait3A_466 = arith.constant 0 : i32
        %dma_wait3A_467 = tpu.memref_slice %arg3[%dma_wait3A_465, %dma_wait3A_466] : memref<20000x64xf32, #tpu.memory_space<hbm>> -> memref<20000x64xf32, #tpu.memory_space<hbm>>
        tpu.wait_indirect_dma semaphore(%arg17 : memref<!tpu.dma_semaphore, #tpu.memory_space<semaphore_mem>>) src(%dma_wait3A_467 : memref<20000x64xf32, #tpu.memory_space<hbm>>) dst(%dma_wait3A_461 : memref<128x64xf32, #tpu.memory_space<vmem>>)
        %dma_wait3A_468 = arith.constant 1 : i32
        %dma_wait3A_469 = arith.constant 128 : i32
        %dma_wait3A_470 = arith.constant 0 : i32
        %dma_wait3A_471 = tpu.memref_slice %arg10[%dma_wait3A_469, %dma_wait3A_470] : memref<256x64xf32, #tpu.memory_space<vmem>> -> memref<128x64xf32, #tpu.memory_space<vmem>>
        %dma_wait3A_472 = arith.constant 0 : i32
        %dma_wait3A_473 = tpu.memref_slice %arg8[%dma_wait3A_468, %dma_wait3A_472] : memref<4x128xi32, #tpu.memory_space<vmem>> -> memref<1x128xi32, #tpu.memory_space<vmem>>
        %dma_wait3A_474 = tpu.memref_squeeze %dma_wait3A_473 : memref<1x128xi32, #tpu.memory_space<vmem>> -> memref<128xi32, #tpu.memory_space<vmem>>
        %dma_wait3A_475 = arith.constant 0 : i32
        %dma_wait3A_476 = arith.constant 0 : i32
        %dma_wait3A_477 = tpu.memref_slice %arg3[%dma_wait3A_475, %dma_wait3A_476] : memref<20000x64xf32, #tpu.memory_space<hbm>> -> memref<20000x64xf32, #tpu.memory_space<hbm>>
        tpu.wait_indirect_dma semaphore(%arg17 : memref<!tpu.dma_semaphore, #tpu.memory_space<semaphore_mem>>) src(%dma_wait3A_477 : memref<20000x64xf32, #tpu.memory_space<hbm>>) dst(%dma_wait3A_471 : memref<128x64xf32, #tpu.memory_space<vmem>>)
        %dma_wait3A_478 = arith.constant 0 : i32
        %dma_wait3A_479 = arith.constant 0 : i32
        %dma_wait3A_480 = tpu.memref_slice %arg4[%arg0, %dma_wait3A_478, %dma_wait3A_479] : memref<2x40000x512xf32, #tpu.memory_space<hbm>> -> memref<1x32x512xf32, #tpu.memory_space<hbm>>
        %dma_wait3A_481 = tpu.memref_squeeze %dma_wait3A_480 : memref<1x32x512xf32, #tpu.memory_space<hbm>> -> memref<32x512xf32, #tpu.memory_space<hbm>>
        %dma_wait3A_482 = arith.constant 0 : i32
        %dma_wait3A_483 = arith.constant 0 : i32
        %dma_wait3A_484 = tpu.memref_slice %arg4[%arg0, %dma_wait3A_482, %dma_wait3A_483] : memref<2x40000x512xf32, #tpu.memory_space<hbm>> -> memref<1x32x512xf32, #tpu.memory_space<hbm>>
        %dma_wait3A_485 = tpu.memref_squeeze %dma_wait3A_484 : memref<1x32x512xf32, #tpu.memory_space<hbm>> -> memref<32x512xf32, #tpu.memory_space<hbm>>
        tpu.wait_dma2 semaphore(%arg19 : memref<!tpu.dma_semaphore, #tpu.memory_space<semaphore_mem>>) src(%dma_wait3A_485 : memref<32x512xf32, #tpu.memory_space<hbm>>) dst(%arg12 : memref<32x512xf32, #tpu.memory_space<vmem>>)
        %parallel_loop3A = arith.constant 0 : i32
        %parallel_loop3A_486 = arith.constant 256 : i32
        %parallel_loop3A_487 = arith.constant 1 : i32
        scf.for %parallel_loop3A_513 = %parallel_loop3A to %parallel_loop3A_486 step %parallel_loop3A_487  : i32 {
          %parallel_loop3A_514 = arith.constant 3 : i32
          %parallel_loop3A_515 = arith.shrsi %parallel_loop3A_513, %parallel_loop3A_514 : i32
          %parallel_loop3A_516 = arith.constant 7 : i32
          %parallel_loop3A_517 = arith.andi %parallel_loop3A_513, %parallel_loop3A_516 : i32
          %parallel_loop3A_518 = arith.constant 64 : i32
          %parallel_loop3A_519 = arith.muli %parallel_loop3A_517, %parallel_loop3A_518 : i32
          %parallel_loop3A_520 = arith.index_cast %parallel_loop3A_513 : i32 to index
          %parallel_loop3A_521 = arith.constant 0 : index
          %parallel_loop3A_522 = tpu.vector_load %arg10[%parallel_loop3A_520, %parallel_loop3A_521] {strides = array<i32>} : memref<256x64xf32, #tpu.memory_space<vmem>>, vector<1x16xf32>,
          %parallel_loop3A_523 = vector.shape_cast %parallel_loop3A_522 : vector<1x16xf32> to vector<16xf32>
          %parallel_loop3A_524 = arith.constant 0 : i32
          %parallel_loop3A_525 = arith.addi %parallel_loop3A_519, %parallel_loop3A_524 : i32
          %parallel_loop3A_526 = arith.index_cast %parallel_loop3A_515 : i32 to index
          %parallel_loop3A_527 = arith.index_cast %parallel_loop3A_525 : i32 to index
          %parallel_loop3A_528 = tpu.vector_load %arg12[%parallel_loop3A_526, %parallel_loop3A_527] {strides = array<i32>} : memref<32x512xf32, #tpu.memory_space<vmem>>, vector<1x16xf32>,
          %parallel_loop3A_529 = vector.shape_cast %parallel_loop3A_528 : vector<1x16xf32> to vector<16xf32>
          %parallel_loop3A_530 = arith.addf %parallel_loop3A_523, %parallel_loop3A_529 : vector<16xf32>
          %parallel_loop3A_531 = arith.constant 0.000000e+00 : f32
          %parallel_loop3A_532 = vector.broadcast %parallel_loop3A_531 : f32 to vector<16xf32>
          %parallel_loop3A_533 = arith.maximumf %parallel_loop3A_530, %parallel_loop3A_532 : vector<16xf32>
          %parallel_loop3A_534 = arith.index_cast %parallel_loop3A_513 : i32 to index
          %parallel_loop3A_535 = arith.constant 0 : index
          %parallel_loop3A_536 = tpu.vector_load %arg10[%parallel_loop3A_534, %parallel_loop3A_535] {strides = array<i32>} : memref<256x64xf32, #tpu.memory_space<vmem>>, vector<1x16xf32>,
          %parallel_loop3A_537 = vector.shape_cast %parallel_loop3A_536 : vector<1x16xf32> to vector<16xf32>
          %parallel_loop3A_538 = vector.shape_cast %parallel_loop3A_533 : vector<16xf32> to vector<1x16xf32>
          tpu.vector_store %arg10[%parallel_loop3A_534, %parallel_loop3A_535], %parallel_loop3A_538 {strides = array<i32>} : memref<256x64xf32, #tpu.memory_space<vmem>>, vector<1x16xf32>,
          %parallel_loop3A_539 = arith.index_cast %parallel_loop3A_513 : i32 to index
          %parallel_loop3A_540 = arith.constant 16 : index
          %parallel_loop3A_541 = tpu.vector_load %arg10[%parallel_loop3A_539, %parallel_loop3A_540] {strides = array<i32>} : memref<256x64xf32, #tpu.memory_space<vmem>>, vector<1x16xf32>,
          %parallel_loop3A_542 = vector.shape_cast %parallel_loop3A_541 : vector<1x16xf32> to vector<16xf32>
          %parallel_loop3A_543 = arith.constant 16 : i32
          %parallel_loop3A_544 = arith.addi %parallel_loop3A_519, %parallel_loop3A_543 : i32
          %parallel_loop3A_545 = arith.index_cast %parallel_loop3A_515 : i32 to index
          %parallel_loop3A_546 = arith.index_cast %parallel_loop3A_544 : i32 to index
          %parallel_loop3A_547 = tpu.vector_load %arg12[%parallel_loop3A_545, %parallel_loop3A_546] {strides = array<i32>} : memref<32x512xf32, #tpu.memory_space<vmem>>, vector<1x16xf32>,
          %parallel_loop3A_548 = vector.shape_cast %parallel_loop3A_547 : vector<1x16xf32> to vector<16xf32>
          %parallel_loop3A_549 = arith.addf %parallel_loop3A_542, %parallel_loop3A_548 : vector<16xf32>
          %parallel_loop3A_550 = arith.constant 0.000000e+00 : f32
          %parallel_loop3A_551 = vector.broadcast %parallel_loop3A_550 : f32 to vector<16xf32>
          %parallel_loop3A_552 = arith.maximumf %parallel_loop3A_549, %parallel_loop3A_551 : vector<16xf32>
          %parallel_loop3A_553 = arith.index_cast %parallel_loop3A_513 : i32 to index
          %parallel_loop3A_554 = arith.constant 16 : index
          %parallel_loop3A_555 = tpu.vector_load %arg10[%parallel_loop3A_553, %parallel_loop3A_554] {strides = array<i32>} : memref<256x64xf32, #tpu.memory_space<vmem>>, vector<1x16xf32>,
          %parallel_loop3A_556 = vector.shape_cast %parallel_loop3A_555 : vector<1x16xf32> to vector<16xf32>
          %parallel_loop3A_557 = vector.shape_cast %parallel_loop3A_552 : vector<16xf32> to vector<1x16xf32>
          tpu.vector_store %arg10[%parallel_loop3A_553, %parallel_loop3A_554], %parallel_loop3A_557 {strides = array<i32>} : memref<256x64xf32, #tpu.memory_space<vmem>>, vector<1x16xf32>,
          %parallel_loop3A_558 = arith.index_cast %parallel_loop3A_513 : i32 to index
          %parallel_loop3A_559 = arith.constant 32 : index
          %parallel_loop3A_560 = tpu.vector_load %arg10[%parallel_loop3A_558, %parallel_loop3A_559] {strides = array<i32>} : memref<256x64xf32, #tpu.memory_space<vmem>>, vector<1x16xf32>,
          %parallel_loop3A_561 = vector.shape_cast %parallel_loop3A_560 : vector<1x16xf32> to vector<16xf32>
          %parallel_loop3A_562 = arith.constant 32 : i32
          %parallel_loop3A_563 = arith.addi %parallel_loop3A_519, %parallel_loop3A_562 : i32
          %parallel_loop3A_564 = arith.index_cast %parallel_loop3A_515 : i32 to index
          %parallel_loop3A_565 = arith.index_cast %parallel_loop3A_563 : i32 to index
          %parallel_loop3A_566 = tpu.vector_load %arg12[%parallel_loop3A_564, %parallel_loop3A_565] {strides = array<i32>} : memref<32x512xf32, #tpu.memory_space<vmem>>, vector<1x16xf32>,
          %parallel_loop3A_567 = vector.shape_cast %parallel_loop3A_566 : vector<1x16xf32> to vector<16xf32>
          %parallel_loop3A_568 = arith.addf %parallel_loop3A_561, %parallel_loop3A_567 : vector<16xf32>
          %parallel_loop3A_569 = arith.constant 0.000000e+00 : f32
          %parallel_loop3A_570 = vector.broadcast %parallel_loop3A_569 : f32 to vector<16xf32>
          %parallel_loop3A_571 = arith.maximumf %parallel_loop3A_568, %parallel_loop3A_570 : vector<16xf32>
          %parallel_loop3A_572 = arith.index_cast %parallel_loop3A_513 : i32 to index
          %parallel_loop3A_573 = arith.constant 32 : index
          %parallel_loop3A_574 = tpu.vector_load %arg10[%parallel_loop3A_572, %parallel_loop3A_573] {strides = array<i32>} : memref<256x64xf32, #tpu.memory_space<vmem>>, vector<1x16xf32>,
          %parallel_loop3A_575 = vector.shape_cast %parallel_loop3A_574 : vector<1x16xf32> to vector<16xf32>
          %parallel_loop3A_576 = vector.shape_cast %parallel_loop3A_571 : vector<16xf32> to vector<1x16xf32>
          tpu.vector_store %arg10[%parallel_loop3A_572, %parallel_loop3A_573], %parallel_loop3A_576 {strides = array<i32>} : memref<256x64xf32, #tpu.memory_space<vmem>>, vector<1x16xf32>,
          %parallel_loop3A_577 = arith.index_cast %parallel_loop3A_513 : i32 to index
          %parallel_loop3A_578 = arith.constant 48 : index
          %parallel_loop3A_579 = tpu.vector_load %arg10[%parallel_loop3A_577, %parallel_loop3A_578] {strides = array<i32>} : memref<256x64xf32, #tpu.memory_space<vmem>>, vector<1x16xf32>,
          %parallel_loop3A_580 = vector.shape_cast %parallel_loop3A_579 : vector<1x16xf32> to vector<16xf32>
          %parallel_loop3A_581 = arith.constant 48 : i32
          %parallel_loop3A_582 = arith.addi %parallel_loop3A_519, %parallel_loop3A_581 : i32
          %parallel_loop3A_583 = arith.index_cast %parallel_loop3A_515 : i32 to index
          %parallel_loop3A_584 = arith.index_cast %parallel_loop3A_582 : i32 to index
          %parallel_loop3A_585 = tpu.vector_load %arg12[%parallel_loop3A_583, %parallel_loop3A_584] {strides = array<i32>} : memref<32x512xf32, #tpu.memory_space<vmem>>, vector<1x16xf32>,
          %parallel_loop3A_586 = vector.shape_cast %parallel_loop3A_585 : vector<1x16xf32> to vector<16xf32>
          %parallel_loop3A_587 = arith.addf %parallel_loop3A_580, %parallel_loop3A_586 : vector<16xf32>
          %parallel_loop3A_588 = arith.constant 0.000000e+00 : f32
          %parallel_loop3A_589 = vector.broadcast %parallel_loop3A_588 : f32 to vector<16xf32>
          %parallel_loop3A_590 = arith.maximumf %parallel_loop3A_587, %parallel_loop3A_589 : vector<16xf32>
          %parallel_loop3A_591 = arith.index_cast %parallel_loop3A_513 : i32 to index
          %parallel_loop3A_592 = arith.constant 48 : index
          %parallel_loop3A_593 = tpu.vector_load %arg10[%parallel_loop3A_591, %parallel_loop3A_592] {strides = array<i32>} : memref<256x64xf32, #tpu.memory_space<vmem>>, vector<1x16xf32>,
          %parallel_loop3A_594 = vector.shape_cast %parallel_loop3A_593 : vector<1x16xf32> to vector<16xf32>
          %parallel_loop3A_595 = vector.shape_cast %parallel_loop3A_590 : vector<16xf32> to vector<1x16xf32>
          tpu.vector_store %arg10[%parallel_loop3A_591, %parallel_loop3A_592], %parallel_loop3A_595 {strides = array<i32>} : memref<256x64xf32, #tpu.memory_space<vmem>>, vector<1x16xf32>,
        } {sc.loop_unroll_factor = 16 : i64, sc.parallel_access}
        %dma_start3A_488 = arith.constant 2 : i32
        %dma_start3A_489 = arith.constant 0 : i32
        %dma_start3A_490 = arith.constant 0 : i32
        %dma_start3A_491 = tpu.memref_slice %arg10[%dma_start3A_489, %dma_start3A_490] : memref<256x64xf32, #tpu.memory_space<vmem>> -> memref<128x64xf32, #tpu.memory_space<vmem>>
        %dma_start3A_492 = arith.constant 0 : i32
        %dma_start3A_493 = tpu.memref_slice %arg8[%dma_start3A_488, %dma_start3A_492] : memref<4x128xi32, #tpu.memory_space<vmem>> -> memref<1x128xi32, #tpu.memory_space<vmem>>
        %dma_start3A_494 = tpu.memref_squeeze %dma_start3A_493 : memref<1x128xi32, #tpu.memory_space<vmem>> -> memref<128xi32, #tpu.memory_space<vmem>>
        %dma_start3A_495 = arith.constant 0 : i32
        %dma_start3A_496 = arith.constant 0 : i32
        %dma_start3A_497 = tpu.memref_slice %arg14[%dma_start3A_495, %dma_start3A_496] : memref<10240x64xf32, #tpu.memory_space<vmem_shared>> -> memref<10240x64xf32, #tpu.memory_space<vmem_shared>>
        tpu.enqueue_indirect_dma source(%dma_start3A_491 : memref<128x64xf32, #tpu.memory_space<vmem>>) target(%dma_start3A_497 : memref<10240x64xf32, #tpu.memory_space<vmem_shared>>) offsets(%dma_start3A_494 : memref<128xi32, #tpu.memory_space<vmem>>) semaphore(%arg21 : memref<!tpu.dma_semaphore, #tpu.memory_space<semaphore_mem>>) {add = true}
        %dma_start3A_498 = arith.constant 3 : i32
        %dma_start3A_499 = arith.constant 128 : i32
        %dma_start3A_500 = arith.constant 0 : i32
        %dma_start3A_501 = tpu.memref_slice %arg10[%dma_start3A_499, %dma_start3A_500] : memref<256x64xf32, #tpu.memory_space<vmem>> -> memref<128x64xf32, #tpu.memory_space<vmem>>
        %dma_start3A_502 = arith.constant 0 : i32
        %dma_start3A_503 = tpu.memref_slice %arg8[%dma_start3A_498, %dma_start3A_502] : memref<4x128xi32, #tpu.memory_space<vmem>> -> memref<1x128xi32, #tpu.memory_space<vmem>>
        %dma_start3A_504 = tpu.memref_squeeze %dma_start3A_503 : memref<1x128xi32, #tpu.memory_space<vmem>> -> memref<128xi32, #tpu.memory_space<vmem>>
        %dma_start3A_505 = arith.constant 0 : i32
        %dma_start3A_506 = arith.constant 0 : i32
        %dma_start3A_507 = tpu.memref_slice %arg14[%dma_start3A_505, %dma_start3A_506] : memref<10240x64xf32, #tpu.memory_space<vmem_shared>> -> memref<10240x64xf32, #tpu.memory_space<vmem_shared>>
        tpu.enqueue_indirect_dma source(%dma_start3A_501 : memref<128x64xf32, #tpu.memory_space<vmem>>) target(%dma_start3A_507 : memref<10240x64xf32, #tpu.memory_space<vmem_shared>>) offsets(%dma_start3A_504 : memref<128xi32, #tpu.memory_space<vmem>>) semaphore(%arg21 : memref<!tpu.dma_semaphore, #tpu.memory_space<semaphore_mem>>) {add = true}
        %eq3A_508 = arith.constant 1 : i32
        %eq3A_509 = arith.cmpi eq, %arg0, %eq3A_508 : i32
        %convert_element_type3A_510 = arith.extui %eq3A_509 : i1 to i32
        %cond3A_511 = arith.constant 0 : i32
        %cond3A_512 = arith.cmpi ne, %convert_element_type3A_510, %cond3A_511 : i32
        scf.if %cond3A_512 {
          %dma_start3A_513 = arith.constant 2 : i32
          %dma_start3A_514 = arith.constant 0 : i32
          %dma_start3A_515 = tpu.memref_slice %arg8[%dma_start3A_513, %dma_start3A_514] : memref<4x128xi32, #tpu.memory_space<vmem>> -> memref<1x128xi32, #tpu.memory_space<vmem>>
          %dma_start3A_516 = tpu.memref_squeeze %dma_start3A_515 : memref<1x128xi32, #tpu.memory_space<vmem>> -> memref<128xi32, #tpu.memory_space<vmem>>
          %dma_start3A_517 = arith.constant 0 : i32
          %dma_start3A_518 = arith.constant 0 : i32
          %dma_start3A_519 = tpu.memref_slice %arg15[%dma_start3A_517, %dma_start3A_518] : memref<10240x16xf32, #tpu.memory_space<vmem_shared>> -> memref<10240x16xf32, #tpu.memory_space<vmem_shared>>
          tpu.enqueue_indirect_dma source(%arg13 : memref<128x16xf32, #tpu.memory_space<vmem>>) target(%dma_start3A_519 : memref<10240x16xf32, #tpu.memory_space<vmem_shared>>) offsets(%dma_start3A_516 : memref<128xi32, #tpu.memory_space<vmem>>) semaphore(%arg23 : memref<!tpu.dma_semaphore, #tpu.memory_space<semaphore_mem>>) {add = true}
          %dma_start3A_520 = arith.constant 3 : i32
          %dma_start3A_521 = arith.constant 0 : i32
          %dma_start3A_522 = tpu.memref_slice %arg8[%dma_start3A_520, %dma_start3A_521] : memref<4x128xi32, #tpu.memory_space<vmem>> -> memref<1x128xi32, #tpu.memory_space<vmem>>
          %dma_start3A_523 = tpu.memref_squeeze %dma_start3A_522 : memref<1x128xi32, #tpu.memory_space<vmem>> -> memref<128xi32, #tpu.memory_space<vmem>>
          %dma_start3A_524 = arith.constant 0 : i32
          %dma_start3A_525 = arith.constant 0 : i32
          %dma_start3A_526 = tpu.memref_slice %arg15[%dma_start3A_524, %dma_start3A_525] : memref<10240x16xf32, #tpu.memory_space<vmem_shared>> -> memref<10240x16xf32, #tpu.memory_space<vmem_shared>>
          tpu.enqueue_indirect_dma source(%arg13 : memref<128x16xf32, #tpu.memory_space<vmem>>) target(%dma_start3A_526 : memref<10240x16xf32, #tpu.memory_space<vmem_shared>>) offsets(%dma_start3A_523 : memref<128xi32, #tpu.memory_space<vmem>>) semaphore(%arg23 : memref<!tpu.dma_semaphore, #tpu.memory_space<semaphore_mem>>) {add = true}
        } else {
        }
      } else {
      }
      %while3A_457 = arith.constant 0 : i32
      scf.yield %while3A_457 : i32
    }
    %while3A_372 = arith.constant 1 : i32
    %while3A_373 = scf.for %while3A_428 = %while3A_369 to %while3A_365 step %while3A_372 iter_args(%while3A_429 = %while3A_371) -> (i32)  : i32 {
      %mul3A_430 = arith.constant 2 : i32
      %mul3A_431 = arith.muli %mul3A_430, %while3A_428 : i32
      %add3A_432 = arith.constant 0 : i32
      %add3A_433 = arith.addi %mul3A_431, %add3A_432 : i32
      %add3A_434 = arith.constant 1 : i32
      %add3A_435 = arith.addi %add3A_433, %add3A_434 : i32
      %lt3A = arith.cmpi slt, %add3A_435, %select_n3A : i32
      %convert_element_type3A_436 = arith.extui %lt3A : i1 to i32
      %cond3A_437 = arith.constant 0 : i32
      %cond3A_438 = arith.cmpi ne, %convert_element_type3A_436, %cond3A_437 : i32
      scf.if %cond3A_438 {
        %ge3A = arith.constant 1 : i32
        %ge3A_458 = arith.cmpi sge, %add3A_433, %ge3A : i32
        %convert_element_type3A_459 = arith.extui %ge3A_458 : i1 to i32
        %cond3A_460 = arith.constant 0 : i32
        %cond3A_461 = arith.cmpi ne, %convert_element_type3A_459, %cond3A_460 : i32
        scf.if %cond3A_461 {
          %dma_wait3A_762 = arith.constant 2 : i32
          %dma_wait3A_763 = arith.constant 0 : i32
          %dma_wait3A_764 = arith.constant 0 : i32
          %dma_wait3A_765 = tpu.memref_slice %arg10[%dma_wait3A_763, %dma_wait3A_764] : memref<256x64xf32, #tpu.memory_space<vmem>> -> memref<128x64xf32, #tpu.memory_space<vmem>>
          %dma_wait3A_766 = arith.constant 0 : i32
          %dma_wait3A_767 = tpu.memref_slice %arg8[%dma_wait3A_762, %dma_wait3A_766] : memref<4x128xi32, #tpu.memory_space<vmem>> -> memref<1x128xi32, #tpu.memory_space<vmem>>
          %dma_wait3A_768 = tpu.memref_squeeze %dma_wait3A_767 : memref<1x128xi32, #tpu.memory_space<vmem>> -> memref<128xi32, #tpu.memory_space<vmem>>
          %dma_wait3A_769 = arith.constant 0 : i32
          %dma_wait3A_770 = arith.constant 0 : i32
          %dma_wait3A_771 = tpu.memref_slice %arg14[%dma_wait3A_769, %dma_wait3A_770] : memref<10240x64xf32, #tpu.memory_space<vmem_shared>> -> memref<10240x64xf32, #tpu.memory_space<vmem_shared>>
          tpu.wait_indirect_dma semaphore(%arg21 : memref<!tpu.dma_semaphore, #tpu.memory_space<semaphore_mem>>) src(%dma_wait3A_765 : memref<128x64xf32, #tpu.memory_space<vmem>>) dst(%dma_wait3A_771 : memref<10240x64xf32, #tpu.memory_space<vmem_shared>>)
          %dma_wait3A_772 = arith.constant 3 : i32
          %dma_wait3A_773 = arith.constant 128 : i32
          %dma_wait3A_774 = arith.constant 0 : i32
          %dma_wait3A_775 = tpu.memref_slice %arg10[%dma_wait3A_773, %dma_wait3A_774] : memref<256x64xf32, #tpu.memory_space<vmem>> -> memref<128x64xf32, #tpu.memory_space<vmem>>
          %dma_wait3A_776 = arith.constant 0 : i32
          %dma_wait3A_777 = tpu.memref_slice %arg8[%dma_wait3A_772, %dma_wait3A_776] : memref<4x128xi32, #tpu.memory_space<vmem>> -> memref<1x128xi32, #tpu.memory_space<vmem>>
          %dma_wait3A_778 = tpu.memref_squeeze %dma_wait3A_777 : memref<1x128xi32, #tpu.memory_space<vmem>> -> memref<128xi32, #tpu.memory_space<vmem>>
          %dma_wait3A_779 = arith.constant 0 : i32
          %dma_wait3A_780 = arith.constant 0 : i32
          %dma_wait3A_781 = tpu.memref_slice %arg14[%dma_wait3A_779, %dma_wait3A_780] : memref<10240x64xf32, #tpu.memory_space<vmem_shared>> -> memref<10240x64xf32, #tpu.memory_space<vmem_shared>>
          tpu.wait_indirect_dma semaphore(%arg21 : memref<!tpu.dma_semaphore, #tpu.memory_space<semaphore_mem>>) src(%dma_wait3A_775 : memref<128x64xf32, #tpu.memory_space<vmem>>) dst(%dma_wait3A_781 : memref<10240x64xf32, #tpu.memory_space<vmem_shared>>)
          %eq3A_782 = arith.constant 1 : i32
          %eq3A_783 = arith.cmpi eq, %arg0, %eq3A_782 : i32
          %convert_element_type3A_784 = arith.extui %eq3A_783 : i1 to i32
          %cond3A_785 = arith.constant 0 : i32
          %cond3A_786 = arith.cmpi ne, %convert_element_type3A_784, %cond3A_785 : i32
          scf.if %cond3A_786 {
            %dma_wait3A_787 = arith.constant 2 : i32
            %dma_wait3A_788 = arith.constant 0 : i32
            %dma_wait3A_789 = tpu.memref_slice %arg8[%dma_wait3A_787, %dma_wait3A_788] : memref<4x128xi32, #tpu.memory_space<vmem>> -> memref<1x128xi32, #tpu.memory_space<vmem>>
            %dma_wait3A_790 = tpu.memref_squeeze %dma_wait3A_789 : memref<1x128xi32, #tpu.memory_space<vmem>> -> memref<128xi32, #tpu.memory_space<vmem>>
            %dma_wait3A_791 = arith.constant 0 : i32
            %dma_wait3A_792 = arith.constant 0 : i32
            %dma_wait3A_793 = tpu.memref_slice %arg15[%dma_wait3A_791, %dma_wait3A_792] : memref<10240x16xf32, #tpu.memory_space<vmem_shared>> -> memref<10240x16xf32, #tpu.memory_space<vmem_shared>>
            tpu.wait_indirect_dma semaphore(%arg23 : memref<!tpu.dma_semaphore, #tpu.memory_space<semaphore_mem>>) src(%arg13 : memref<128x16xf32, #tpu.memory_space<vmem>>) dst(%dma_wait3A_793 : memref<10240x16xf32, #tpu.memory_space<vmem_shared>>)
            %dma_wait3A_794 = arith.constant 3 : i32
            %dma_wait3A_795 = arith.constant 0 : i32
            %dma_wait3A_796 = tpu.memref_slice %arg8[%dma_wait3A_794, %dma_wait3A_795] : memref<4x128xi32, #tpu.memory_space<vmem>> -> memref<1x128xi32, #tpu.memory_space<vmem>>
            %dma_wait3A_797 = tpu.memref_squeeze %dma_wait3A_796 : memref<1x128xi32, #tpu.memory_space<vmem>> -> memref<128xi32, #tpu.memory_space<vmem>>
            %dma_wait3A_798 = arith.constant 0 : i32
            %dma_wait3A_799 = arith.constant 0 : i32
            %dma_wait3A_800 = tpu.memref_slice %arg15[%dma_wait3A_798, %dma_wait3A_799] : memref<10240x16xf32, #tpu.memory_space<vmem_shared>> -> memref<10240x16xf32, #tpu.memory_space<vmem_shared>>
            tpu.wait_indirect_dma semaphore(%arg23 : memref<!tpu.dma_semaphore, #tpu.memory_space<semaphore_mem>>) src(%arg13 : memref<128x16xf32, #tpu.memory_space<vmem>>) dst(%dma_wait3A_800 : memref<10240x16xf32, #tpu.memory_space<vmem_shared>>)
          } else {
          }
        } else {
        }
        %add3A_462 = arith.constant 1 : i32
        %add3A_463 = arith.addi %add3A_433, %add3A_462 : i32
        %mul3A_464 = arith.constant 16 : i32
        %mul3A_465 = arith.muli %add3A_463, %mul3A_464 : i32
        %add3A_466 = arith.addi %arg1, %mul3A_465 : i32
        %mul3A_467 = arith.constant 2 : i32
        %mul3A_468 = arith.muli %mul3A_467, %add3A_466 : i32
        %run_scoped3A_469 = arith.constant 0 : i32
        "tpu.region"() ({
          %run_scoped3A_762 = tpu.sem_alloc : memref<!tpu.dma_semaphore, #tpu.memory_space<semaphore_mem>>
          %dma_start3A_763 = arith.constant 0 : i32
          %dma_start3A_764 = arith.constant 0 : i32
          %dma_start3A_765 = tpu.memref_slice %arg8[%dma_start3A_763, %dma_start3A_764] : memref<4x128xi32, #tpu.memory_space<vmem>> -> memref<2x128xi32, #tpu.memory_space<vmem>>
          %dma_start3A_766 = arith.constant 0 : i32
          %dma_start3A_767 = tpu.memref_slice %arg2[%run_scoped3A_469, %mul3A_468, %dma_start3A_766] : memref<2x2500x128xi32, #tpu.memory_space<hbm>> -> memref<1x2x128xi32, #tpu.memory_space<hbm>>
          %dma_start3A_768 = tpu.memref_squeeze %dma_start3A_767 : memref<1x2x128xi32, #tpu.memory_space<hbm>> -> memref<2x128xi32, #tpu.memory_space<hbm>>
          %dma_start3A_769 = arith.constant 0 : i32
          %dma_start3A_770 = arith.constant 0 : i32
          %dma_start3A_771 = tpu.memref_slice %arg8[%dma_start3A_769, %dma_start3A_770] : memref<4x128xi32, #tpu.memory_space<vmem>> -> memref<2x128xi32, #tpu.memory_space<vmem>>
          %dma_start3A_772 = arith.constant 0 : i32
          %dma_start3A_773 = tpu.memref_slice %arg2[%run_scoped3A_469, %mul3A_468, %dma_start3A_772] : memref<2x2500x128xi32, #tpu.memory_space<hbm>> -> memref<1x2x128xi32, #tpu.memory_space<hbm>>
          %dma_start3A_774 = tpu.memref_squeeze %dma_start3A_773 : memref<1x2x128xi32, #tpu.memory_space<hbm>> -> memref<2x128xi32, #tpu.memory_space<hbm>>
          tpu.enqueue_dma source(%dma_start3A_774 : memref<2x128xi32, #tpu.memory_space<hbm>>) target(%dma_start3A_771 : memref<2x128xi32, #tpu.memory_space<vmem>>) target_semaphore(%run_scoped3A_762 : memref<!tpu.dma_semaphore, #tpu.memory_space<semaphore_mem>>)
          %dma_wait3A_775 = arith.constant 0 : i32
          %dma_wait3A_776 = arith.constant 0 : i32
          %dma_wait3A_777 = tpu.memref_slice %arg8[%dma_wait3A_775, %dma_wait3A_776] : memref<4x128xi32, #tpu.memory_space<vmem>> -> memref<2x128xi32, #tpu.memory_space<vmem>>
          %dma_wait3A_778 = arith.constant 0 : i32
          %dma_wait3A_779 = tpu.memref_slice %arg2[%run_scoped3A_469, %mul3A_468, %dma_wait3A_778] : memref<2x2500x128xi32, #tpu.memory_space<hbm>> -> memref<1x2x128xi32, #tpu.memory_space<hbm>>
          %dma_wait3A_780 = tpu.memref_squeeze %dma_wait3A_779 : memref<1x2x128xi32, #tpu.memory_space<hbm>> -> memref<2x128xi32, #tpu.memory_space<hbm>>
          %dma_wait3A_781 = arith.constant 0 : i32
          %dma_wait3A_782 = arith.constant 0 : i32
          %dma_wait3A_783 = tpu.memref_slice %arg8[%dma_wait3A_781, %dma_wait3A_782] : memref<4x128xi32, #tpu.memory_space<vmem>> -> memref<2x128xi32, #tpu.memory_space<vmem>>
          %dma_wait3A_784 = arith.constant 0 : i32
          %dma_wait3A_785 = tpu.memref_slice %arg2[%run_scoped3A_469, %mul3A_468, %dma_wait3A_784] : memref<2x2500x128xi32, #tpu.memory_space<hbm>> -> memref<1x2x128xi32, #tpu.memory_space<hbm>>
          %dma_wait3A_786 = tpu.memref_squeeze %dma_wait3A_785 : memref<1x2x128xi32, #tpu.memory_space<hbm>> -> memref<2x128xi32, #tpu.memory_space<hbm>>
          tpu.wait_dma2 semaphore(%run_scoped3A_762 : memref<!tpu.dma_semaphore, #tpu.memory_space<semaphore_mem>>) src(%dma_wait3A_786 : memref<2x128xi32, #tpu.memory_space<hbm>>) dst(%dma_wait3A_783 : memref<2x128xi32, #tpu.memory_space<vmem>>)
          tpu.yield
        }) : () -> ()
        %mul3A_470 = arith.constant 2 : i32
        %mul3A_471 = arith.muli %mul3A_470, %add3A_466 : i32
        %run_scoped3A_472 = arith.constant 1 : i32
        "tpu.region"() ({
          %run_scoped3A_762 = tpu.sem_alloc : memref<!tpu.dma_semaphore, #tpu.memory_space<semaphore_mem>>
          %dma_start3A_763 = arith.constant 2 : i32
          %dma_start3A_764 = arith.constant 0 : i32
          %dma_start3A_765 = tpu.memref_slice %arg8[%dma_start3A_763, %dma_start3A_764] : memref<4x128xi32, #tpu.memory_space<vmem>> -> memref<2x128xi32, #tpu.memory_space<vmem>>
          %dma_start3A_766 = arith.constant 0 : i32
          %dma_start3A_767 = tpu.memref_slice %arg2[%run_scoped3A_472, %mul3A_471, %dma_start3A_766] : memref<2x2500x128xi32, #tpu.memory_space<hbm>> -> memref<1x2x128xi32, #tpu.memory_space<hbm>>
          %dma_start3A_768 = tpu.memref_squeeze %dma_start3A_767 : memref<1x2x128xi32, #tpu.memory_space<hbm>> -> memref<2x128xi32, #tpu.memory_space<hbm>>
          %dma_start3A_769 = arith.constant 2 : i32
          %dma_start3A_770 = arith.constant 0 : i32
          %dma_start3A_771 = tpu.memref_slice %arg8[%dma_start3A_769, %dma_start3A_770] : memref<4x128xi32, #tpu.memory_space<vmem>> -> memref<2x128xi32, #tpu.memory_space<vmem>>
          %dma_start3A_772 = arith.constant 0 : i32
          %dma_start3A_773 = tpu.memref_slice %arg2[%run_scoped3A_472, %mul3A_471, %dma_start3A_772] : memref<2x2500x128xi32, #tpu.memory_space<hbm>> -> memref<1x2x128xi32, #tpu.memory_space<hbm>>
          %dma_start3A_774 = tpu.memref_squeeze %dma_start3A_773 : memref<1x2x128xi32, #tpu.memory_space<hbm>> -> memref<2x128xi32, #tpu.memory_space<hbm>>
          tpu.enqueue_dma source(%dma_start3A_774 : memref<2x128xi32, #tpu.memory_space<hbm>>) target(%dma_start3A_771 : memref<2x128xi32, #tpu.memory_space<vmem>>) target_semaphore(%run_scoped3A_762 : memref<!tpu.dma_semaphore, #tpu.memory_space<semaphore_mem>>)
          %dma_wait3A_775 = arith.constant 2 : i32
          %dma_wait3A_776 = arith.constant 0 : i32
          %dma_wait3A_777 = tpu.memref_slice %arg8[%dma_wait3A_775, %dma_wait3A_776] : memref<4x128xi32, #tpu.memory_space<vmem>> -> memref<2x128xi32, #tpu.memory_space<vmem>>
          %dma_wait3A_778 = arith.constant 0 : i32
          %dma_wait3A_779 = tpu.memref_slice %arg2[%run_scoped3A_472, %mul3A_471, %dma_wait3A_778] : memref<2x2500x128xi32, #tpu.memory_space<hbm>> -> memref<1x2x128xi32, #tpu.memory_space<hbm>>
          %dma_wait3A_780 = tpu.memref_squeeze %dma_wait3A_779 : memref<1x2x128xi32, #tpu.memory_space<hbm>> -> memref<2x128xi32, #tpu.memory_space<hbm>>
          %dma_wait3A_781 = arith.constant 2 : i32
          %dma_wait3A_782 = arith.constant 0 : i32
          %dma_wait3A_783 = tpu.memref_slice %arg8[%dma_wait3A_781, %dma_wait3A_782] : memref<4x128xi32, #tpu.memory_space<vmem>> -> memref<2x128xi32, #tpu.memory_space<vmem>>
          %dma_wait3A_784 = arith.constant 0 : i32
          %dma_wait3A_785 = tpu.memref_slice %arg2[%run_scoped3A_472, %mul3A_471, %dma_wait3A_784] : memref<2x2500x128xi32, #tpu.memory_space<hbm>> -> memref<1x2x128xi32, #tpu.memory_space<hbm>>
          %dma_wait3A_786 = tpu.memref_squeeze %dma_wait3A_785 : memref<1x2x128xi32, #tpu.memory_space<hbm>> -> memref<2x128xi32, #tpu.memory_space<hbm>>
          tpu.wait_dma2 semaphore(%run_scoped3A_762 : memref<!tpu.dma_semaphore, #tpu.memory_space<semaphore_mem>>) src(%dma_wait3A_786 : memref<2x128xi32, #tpu.memory_space<hbm>>) dst(%dma_wait3A_783 : memref<2x128xi32, #tpu.memory_space<vmem>>)
          tpu.yield
        }) : () -> ()
        %get3A_473 = arith.constant 0 : i32
        %get3A_474 = arith.index_cast %get3A_473 : i32 to index
        %get3A_475 = arith.constant 0 : index
        %get3A_476 = tpu.vector_load %arg8[%get3A_474, %get3A_475] {strides = array<i32>} : memref<4x128xi32, #tpu.memory_space<vmem>>, vector<1x16xi32>,
        %get3A_477 = vector.shape_cast %get3A_476 : vector<1x16xi32> to vector<16xi32>
        %mul3A_478 = arith.constant 2 : i32
        %mul3A_479 = vector.broadcast %mul3A_478 : i32 to vector<16xi32>
        %mul3A_480 = arith.muli %mul3A_479, %get3A_477 : vector<16xi32>
        %add3A_481 = vector.broadcast %arg0 : i32 to vector<16xi32>
        %add3A_482 = arith.addi %mul3A_480, %add3A_481 : vector<16xi32>
        %swap3A_483 = arith.constant 0 : i32
        %swap3A_484 = arith.index_cast %swap3A_483 : i32 to index
        %swap3A_485 = arith.constant 0 : index
        %swap3A_486 = tpu.vector_load %arg8[%swap3A_484, %swap3A_485] {strides = array<i32>} : memref<4x128xi32, #tpu.memory_space<vmem>>, vector<1x16xi32>,
        %swap3A_487 = vector.shape_cast %swap3A_486 : vector<1x16xi32> to vector<16xi32>
        %swap3A_488 = vector.shape_cast %add3A_482 : vector<16xi32> to vector<1x16xi32>
        tpu.vector_store %arg8[%swap3A_484, %swap3A_485], %swap3A_488 {strides = array<i32>} : memref<4x128xi32, #tpu.memory_space<vmem>>, vector<1x16xi32>,
        %get3A_489 = arith.constant 0 : i32
        %get3A_490 = arith.index_cast %get3A_489 : i32 to index
        %get3A_491 = arith.constant 16 : index
        %get3A_492 = tpu.vector_load %arg8[%get3A_490, %get3A_491] {strides = array<i32>} : memref<4x128xi32, #tpu.memory_space<vmem>>, vector<1x16xi32>,
        %get3A_493 = vector.shape_cast %get3A_492 : vector<1x16xi32> to vector<16xi32>
        %mul3A_494 = arith.constant 2 : i32
        %mul3A_495 = vector.broadcast %mul3A_494 : i32 to vector<16xi32>
        %mul3A_496 = arith.muli %mul3A_495, %get3A_493 : vector<16xi32>
        %add3A_497 = vector.broadcast %arg0 : i32 to vector<16xi32>
        %add3A_498 = arith.addi %mul3A_496, %add3A_497 : vector<16xi32>
        %swap3A_499 = arith.constant 0 : i32
        %swap3A_500 = arith.index_cast %swap3A_499 : i32 to index
        %swap3A_501 = arith.constant 16 : index
        %swap3A_502 = tpu.vector_load %arg8[%swap3A_500, %swap3A_501] {strides = array<i32>} : memref<4x128xi32, #tpu.memory_space<vmem>>, vector<1x16xi32>,
        %swap3A_503 = vector.shape_cast %swap3A_502 : vector<1x16xi32> to vector<16xi32>
        %swap3A_504 = vector.shape_cast %add3A_498 : vector<16xi32> to vector<1x16xi32>
        tpu.vector_store %arg8[%swap3A_500, %swap3A_501], %swap3A_504 {strides = array<i32>} : memref<4x128xi32, #tpu.memory_space<vmem>>, vector<1x16xi32>,
        %get3A_505 = arith.constant 0 : i32
        %get3A_506 = arith.index_cast %get3A_505 : i32 to index
        %get3A_507 = arith.constant 32 : index
        %get3A_508 = tpu.vector_load %arg8[%get3A_506, %get3A_507] {strides = array<i32>} : memref<4x128xi32, #tpu.memory_space<vmem>>, vector<1x16xi32>,
        %get3A_509 = vector.shape_cast %get3A_508 : vector<1x16xi32> to vector<16xi32>
        %mul3A_510 = arith.constant 2 : i32
        %mul3A_511 = vector.broadcast %mul3A_510 : i32 to vector<16xi32>
        %mul3A_512 = arith.muli %mul3A_511, %get3A_509 : vector<16xi32>
        %add3A_513 = vector.broadcast %arg0 : i32 to vector<16xi32>
        %add3A_514 = arith.addi %mul3A_512, %add3A_513 : vector<16xi32>
        %swap3A_515 = arith.constant 0 : i32
        %swap3A_516 = arith.index_cast %swap3A_515 : i32 to index
        %swap3A_517 = arith.constant 32 : index
        %swap3A_518 = tpu.vector_load %arg8[%swap3A_516, %swap3A_517] {strides = array<i32>} : memref<4x128xi32, #tpu.memory_space<vmem>>, vector<1x16xi32>,
        %swap3A_519 = vector.shape_cast %swap3A_518 : vector<1x16xi32> to vector<16xi32>
        %swap3A_520 = vector.shape_cast %add3A_514 : vector<16xi32> to vector<1x16xi32>
        tpu.vector_store %arg8[%swap3A_516, %swap3A_517], %swap3A_520 {strides = array<i32>} : memref<4x128xi32, #tpu.memory_space<vmem>>, vector<1x16xi32>,
        %get3A_521 = arith.constant 0 : i32
        %get3A_522 = arith.index_cast %get3A_521 : i32 to index
        %get3A_523 = arith.constant 48 : index
        %get3A_524 = tpu.vector_load %arg8[%get3A_522, %get3A_523] {strides = array<i32>} : memref<4x128xi32, #tpu.memory_space<vmem>>, vector<1x16xi32>,
        %get3A_525 = vector.shape_cast %get3A_524 : vector<1x16xi32> to vector<16xi32>
        %mul3A_526 = arith.constant 2 : i32
        %mul3A_527 = vector.broadcast %mul3A_526 : i32 to vector<16xi32>
        %mul3A_528 = arith.muli %mul3A_527, %get3A_525 : vector<16xi32>
        %add3A_529 = vector.broadcast %arg0 : i32 to vector<16xi32>
        %add3A_530 = arith.addi %mul3A_528, %add3A_529 : vector<16xi32>
        %swap3A_531 = arith.constant 0 : i32
        %swap3A_532 = arith.index_cast %swap3A_531 : i32 to index
        %swap3A_533 = arith.constant 48 : index
        %swap3A_534 = tpu.vector_load %arg8[%swap3A_532, %swap3A_533] {strides = array<i32>} : memref<4x128xi32, #tpu.memory_space<vmem>>, vector<1x16xi32>,
        %swap3A_535 = vector.shape_cast %swap3A_534 : vector<1x16xi32> to vector<16xi32>
        %swap3A_536 = vector.shape_cast %add3A_530 : vector<16xi32> to vector<1x16xi32>
        tpu.vector_store %arg8[%swap3A_532, %swap3A_533], %swap3A_536 {strides = array<i32>} : memref<4x128xi32, #tpu.memory_space<vmem>>, vector<1x16xi32>,
        %get3A_537 = arith.constant 0 : i32
        %get3A_538 = arith.index_cast %get3A_537 : i32 to index
        %get3A_539 = arith.constant 64 : index
        %get3A_540 = tpu.vector_load %arg8[%get3A_538, %get3A_539] {strides = array<i32>} : memref<4x128xi32, #tpu.memory_space<vmem>>, vector<1x16xi32>,
        %get3A_541 = vector.shape_cast %get3A_540 : vector<1x16xi32> to vector<16xi32>
        %mul3A_542 = arith.constant 2 : i32
        %mul3A_543 = vector.broadcast %mul3A_542 : i32 to vector<16xi32>
        %mul3A_544 = arith.muli %mul3A_543, %get3A_541 : vector<16xi32>
        %add3A_545 = vector.broadcast %arg0 : i32 to vector<16xi32>
        %add3A_546 = arith.addi %mul3A_544, %add3A_545 : vector<16xi32>
        %swap3A_547 = arith.constant 0 : i32
        %swap3A_548 = arith.index_cast %swap3A_547 : i32 to index
        %swap3A_549 = arith.constant 64 : index
        %swap3A_550 = tpu.vector_load %arg8[%swap3A_548, %swap3A_549] {strides = array<i32>} : memref<4x128xi32, #tpu.memory_space<vmem>>, vector<1x16xi32>,
        %swap3A_551 = vector.shape_cast %swap3A_550 : vector<1x16xi32> to vector<16xi32>
        %swap3A_552 = vector.shape_cast %add3A_546 : vector<16xi32> to vector<1x16xi32>
        tpu.vector_store %arg8[%swap3A_548, %swap3A_549], %swap3A_552 {strides = array<i32>} : memref<4x128xi32, #tpu.memory_space<vmem>>, vector<1x16xi32>,
        %get3A_553 = arith.constant 0 : i32
        %get3A_554 = arith.index_cast %get3A_553 : i32 to index
        %get3A_555 = arith.constant 80 : index
        %get3A_556 = tpu.vector_load %arg8[%get3A_554, %get3A_555] {strides = array<i32>} : memref<4x128xi32, #tpu.memory_space<vmem>>, vector<1x16xi32>,
        %get3A_557 = vector.shape_cast %get3A_556 : vector<1x16xi32> to vector<16xi32>
        %mul3A_558 = arith.constant 2 : i32
        %mul3A_559 = vector.broadcast %mul3A_558 : i32 to vector<16xi32>
        %mul3A_560 = arith.muli %mul3A_559, %get3A_557 : vector<16xi32>
        %add3A_561 = vector.broadcast %arg0 : i32 to vector<16xi32>
        %add3A_562 = arith.addi %mul3A_560, %add3A_561 : vector<16xi32>
        %swap3A_563 = arith.constant 0 : i32
        %swap3A_564 = arith.index_cast %swap3A_563 : i32 to index
        %swap3A_565 = arith.constant 80 : index
        %swap3A_566 = tpu.vector_load %arg8[%swap3A_564, %swap3A_565] {strides = array<i32>} : memref<4x128xi32, #tpu.memory_space<vmem>>, vector<1x16xi32>,
        %swap3A_567 = vector.shape_cast %swap3A_566 : vector<1x16xi32> to vector<16xi32>
        %swap3A_568 = vector.shape_cast %add3A_562 : vector<16xi32> to vector<1x16xi32>
        tpu.vector_store %arg8[%swap3A_564, %swap3A_565], %swap3A_568 {strides = array<i32>} : memref<4x128xi32, #tpu.memory_space<vmem>>, vector<1x16xi32>,
        %get3A_569 = arith.constant 0 : i32
        %get3A_570 = arith.index_cast %get3A_569 : i32 to index
        %get3A_571 = arith.constant 96 : index
        %get3A_572 = tpu.vector_load %arg8[%get3A_570, %get3A_571] {strides = array<i32>} : memref<4x128xi32, #tpu.memory_space<vmem>>, vector<1x16xi32>,
        %get3A_573 = vector.shape_cast %get3A_572 : vector<1x16xi32> to vector<16xi32>
        %mul3A_574 = arith.constant 2 : i32
        %mul3A_575 = vector.broadcast %mul3A_574 : i32 to vector<16xi32>
        %mul3A_576 = arith.muli %mul3A_575, %get3A_573 : vector<16xi32>
        %add3A_577 = vector.broadcast %arg0 : i32 to vector<16xi32>
        %add3A_578 = arith.addi %mul3A_576, %add3A_577 : vector<16xi32>
        %swap3A_579 = arith.constant 0 : i32
        %swap3A_580 = arith.index_cast %swap3A_579 : i32 to index
        %swap3A_581 = arith.constant 96 : index
        %swap3A_582 = tpu.vector_load %arg8[%swap3A_580, %swap3A_581] {strides = array<i32>} : memref<4x128xi32, #tpu.memory_space<vmem>>, vector<1x16xi32>,
        %swap3A_583 = vector.shape_cast %swap3A_582 : vector<1x16xi32> to vector<16xi32>
        %swap3A_584 = vector.shape_cast %add3A_578 : vector<16xi32> to vector<1x16xi32>
        tpu.vector_store %arg8[%swap3A_580, %swap3A_581], %swap3A_584 {strides = array<i32>} : memref<4x128xi32, #tpu.memory_space<vmem>>, vector<1x16xi32>,
        %get3A_585 = arith.constant 0 : i32
        %get3A_586 = arith.index_cast %get3A_585 : i32 to index
        %get3A_587 = arith.constant 112 : index
        %get3A_588 = tpu.vector_load %arg8[%get3A_586, %get3A_587] {strides = array<i32>} : memref<4x128xi32, #tpu.memory_space<vmem>>, vector<1x16xi32>,
        %get3A_589 = vector.shape_cast %get3A_588 : vector<1x16xi32> to vector<16xi32>
        %mul3A_590 = arith.constant 2 : i32
        %mul3A_591 = vector.broadcast %mul3A_590 : i32 to vector<16xi32>
        %mul3A_592 = arith.muli %mul3A_591, %get3A_589 : vector<16xi32>
        %add3A_593 = vector.broadcast %arg0 : i32 to vector<16xi32>
        %add3A_594 = arith.addi %mul3A_592, %add3A_593 : vector<16xi32>
        %swap3A_595 = arith.constant 0 : i32
        %swap3A_596 = arith.index_cast %swap3A_595 : i32 to index
        %swap3A_597 = arith.constant 112 : index
        %swap3A_598 = tpu.vector_load %arg8[%swap3A_596, %swap3A_597] {strides = array<i32>} : memref<4x128xi32, #tpu.memory_space<vmem>>, vector<1x16xi32>,
        %swap3A_599 = vector.shape_cast %swap3A_598 : vector<1x16xi32> to vector<16xi32>
        %swap3A_600 = vector.shape_cast %add3A_594 : vector<16xi32> to vector<1x16xi32>
        tpu.vector_store %arg8[%swap3A_596, %swap3A_597], %swap3A_600 {strides = array<i32>} : memref<4x128xi32, #tpu.memory_space<vmem>>, vector<1x16xi32>,
        %get3A_601 = arith.constant 1 : i32
        %get3A_602 = arith.index_cast %get3A_601 : i32 to index
        %get3A_603 = arith.constant 0 : index
        %get3A_604 = tpu.vector_load %arg8[%get3A_602, %get3A_603] {strides = array<i32>} : memref<4x128xi32, #tpu.memory_space<vmem>>, vector<1x16xi32>,
        %get3A_605 = vector.shape_cast %get3A_604 : vector<1x16xi32> to vector<16xi32>
        %mul3A_606 = arith.constant 2 : i32
        %mul3A_607 = vector.broadcast %mul3A_606 : i32 to vector<16xi32>
        %mul3A_608 = arith.muli %mul3A_607, %get3A_605 : vector<16xi32>
        %add3A_609 = vector.broadcast %arg0 : i32 to vector<16xi32>
        %add3A_610 = arith.addi %mul3A_608, %add3A_609 : vector<16xi32>
        %swap3A_611 = arith.constant 1 : i32
        %swap3A_612 = arith.index_cast %swap3A_611 : i32 to index
        %swap3A_613 = arith.constant 0 : index
        %swap3A_614 = tpu.vector_load %arg8[%swap3A_612, %swap3A_613] {strides = array<i32>} : memref<4x128xi32, #tpu.memory_space<vmem>>, vector<1x16xi32>,
        %swap3A_615 = vector.shape_cast %swap3A_614 : vector<1x16xi32> to vector<16xi32>
        %swap3A_616 = vector.shape_cast %add3A_610 : vector<16xi32> to vector<1x16xi32>
        tpu.vector_store %arg8[%swap3A_612, %swap3A_613], %swap3A_616 {strides = array<i32>} : memref<4x128xi32, #tpu.memory_space<vmem>>, vector<1x16xi32>,
        %get3A_617 = arith.constant 1 : i32
        %get3A_618 = arith.index_cast %get3A_617 : i32 to index
        %get3A_619 = arith.constant 16 : index
        %get3A_620 = tpu.vector_load %arg8[%get3A_618, %get3A_619] {strides = array<i32>} : memref<4x128xi32, #tpu.memory_space<vmem>>, vector<1x16xi32>,
        %get3A_621 = vector.shape_cast %get3A_620 : vector<1x16xi32> to vector<16xi32>
        %mul3A_622 = arith.constant 2 : i32
        %mul3A_623 = vector.broadcast %mul3A_622 : i32 to vector<16xi32>
        %mul3A_624 = arith.muli %mul3A_623, %get3A_621 : vector<16xi32>
        %add3A_625 = vector.broadcast %arg0 : i32 to vector<16xi32>
        %add3A_626 = arith.addi %mul3A_624, %add3A_625 : vector<16xi32>
        %swap3A_627 = arith.constant 1 : i32
        %swap3A_628 = arith.index_cast %swap3A_627 : i32 to index
        %swap3A_629 = arith.constant 16 : index
        %swap3A_630 = tpu.vector_load %arg8[%swap3A_628, %swap3A_629] {strides = array<i32>} : memref<4x128xi32, #tpu.memory_space<vmem>>, vector<1x16xi32>,
        %swap3A_631 = vector.shape_cast %swap3A_630 : vector<1x16xi32> to vector<16xi32>
        %swap3A_632 = vector.shape_cast %add3A_626 : vector<16xi32> to vector<1x16xi32>
        tpu.vector_store %arg8[%swap3A_628, %swap3A_629], %swap3A_632 {strides = array<i32>} : memref<4x128xi32, #tpu.memory_space<vmem>>, vector<1x16xi32>,
        %get3A_633 = arith.constant 1 : i32
        %get3A_634 = arith.index_cast %get3A_633 : i32 to index
        %get3A_635 = arith.constant 32 : index
        %get3A_636 = tpu.vector_load %arg8[%get3A_634, %get3A_635] {strides = array<i32>} : memref<4x128xi32, #tpu.memory_space<vmem>>, vector<1x16xi32>,
        %get3A_637 = vector.shape_cast %get3A_636 : vector<1x16xi32> to vector<16xi32>
        %mul3A_638 = arith.constant 2 : i32
        %mul3A_639 = vector.broadcast %mul3A_638 : i32 to vector<16xi32>
        %mul3A_640 = arith.muli %mul3A_639, %get3A_637 : vector<16xi32>
        %add3A_641 = vector.broadcast %arg0 : i32 to vector<16xi32>
        %add3A_642 = arith.addi %mul3A_640, %add3A_641 : vector<16xi32>
        %swap3A_643 = arith.constant 1 : i32
        %swap3A_644 = arith.index_cast %swap3A_643 : i32 to index
        %swap3A_645 = arith.constant 32 : index
        %swap3A_646 = tpu.vector_load %arg8[%swap3A_644, %swap3A_645] {strides = array<i32>} : memref<4x128xi32, #tpu.memory_space<vmem>>, vector<1x16xi32>,
        %swap3A_647 = vector.shape_cast %swap3A_646 : vector<1x16xi32> to vector<16xi32>
        %swap3A_648 = vector.shape_cast %add3A_642 : vector<16xi32> to vector<1x16xi32>
        tpu.vector_store %arg8[%swap3A_644, %swap3A_645], %swap3A_648 {strides = array<i32>} : memref<4x128xi32, #tpu.memory_space<vmem>>, vector<1x16xi32>,
        %get3A_649 = arith.constant 1 : i32
        %get3A_650 = arith.index_cast %get3A_649 : i32 to index
        %get3A_651 = arith.constant 48 : index
        %get3A_652 = tpu.vector_load %arg8[%get3A_650, %get3A_651] {strides = array<i32>} : memref<4x128xi32, #tpu.memory_space<vmem>>, vector<1x16xi32>,
        %get3A_653 = vector.shape_cast %get3A_652 : vector<1x16xi32> to vector<16xi32>
        %mul3A_654 = arith.constant 2 : i32
        %mul3A_655 = vector.broadcast %mul3A_654 : i32 to vector<16xi32>
        %mul3A_656 = arith.muli %mul3A_655, %get3A_653 : vector<16xi32>
        %add3A_657 = vector.broadcast %arg0 : i32 to vector<16xi32>
        %add3A_658 = arith.addi %mul3A_656, %add3A_657 : vector<16xi32>
        %swap3A_659 = arith.constant 1 : i32
        %swap3A_660 = arith.index_cast %swap3A_659 : i32 to index
        %swap3A_661 = arith.constant 48 : index
        %swap3A_662 = tpu.vector_load %arg8[%swap3A_660, %swap3A_661] {strides = array<i32>} : memref<4x128xi32, #tpu.memory_space<vmem>>, vector<1x16xi32>,
        %swap3A_663 = vector.shape_cast %swap3A_662 : vector<1x16xi32> to vector<16xi32>
        %swap3A_664 = vector.shape_cast %add3A_658 : vector<16xi32> to vector<1x16xi32>
        tpu.vector_store %arg8[%swap3A_660, %swap3A_661], %swap3A_664 {strides = array<i32>} : memref<4x128xi32, #tpu.memory_space<vmem>>, vector<1x16xi32>,
        %get3A_665 = arith.constant 1 : i32
        %get3A_666 = arith.index_cast %get3A_665 : i32 to index
        %get3A_667 = arith.constant 64 : index
        %get3A_668 = tpu.vector_load %arg8[%get3A_666, %get3A_667] {strides = array<i32>} : memref<4x128xi32, #tpu.memory_space<vmem>>, vector<1x16xi32>,
        %get3A_669 = vector.shape_cast %get3A_668 : vector<1x16xi32> to vector<16xi32>
        %mul3A_670 = arith.constant 2 : i32
        %mul3A_671 = vector.broadcast %mul3A_670 : i32 to vector<16xi32>
        %mul3A_672 = arith.muli %mul3A_671, %get3A_669 : vector<16xi32>
        %add3A_673 = vector.broadcast %arg0 : i32 to vector<16xi32>
        %add3A_674 = arith.addi %mul3A_672, %add3A_673 : vector<16xi32>
        %swap3A_675 = arith.constant 1 : i32
        %swap3A_676 = arith.index_cast %swap3A_675 : i32 to index
        %swap3A_677 = arith.constant 64 : index
        %swap3A_678 = tpu.vector_load %arg8[%swap3A_676, %swap3A_677] {strides = array<i32>} : memref<4x128xi32, #tpu.memory_space<vmem>>, vector<1x16xi32>,
        %swap3A_679 = vector.shape_cast %swap3A_678 : vector<1x16xi32> to vector<16xi32>
        %swap3A_680 = vector.shape_cast %add3A_674 : vector<16xi32> to vector<1x16xi32>
        tpu.vector_store %arg8[%swap3A_676, %swap3A_677], %swap3A_680 {strides = array<i32>} : memref<4x128xi32, #tpu.memory_space<vmem>>, vector<1x16xi32>,
        %get3A_681 = arith.constant 1 : i32
        %get3A_682 = arith.index_cast %get3A_681 : i32 to index
        %get3A_683 = arith.constant 80 : index
        %get3A_684 = tpu.vector_load %arg8[%get3A_682, %get3A_683] {strides = array<i32>} : memref<4x128xi32, #tpu.memory_space<vmem>>, vector<1x16xi32>,
        %get3A_685 = vector.shape_cast %get3A_684 : vector<1x16xi32> to vector<16xi32>
        %mul3A_686 = arith.constant 2 : i32
        %mul3A_687 = vector.broadcast %mul3A_686 : i32 to vector<16xi32>
        %mul3A_688 = arith.muli %mul3A_687, %get3A_685 : vector<16xi32>
        %add3A_689 = vector.broadcast %arg0 : i32 to vector<16xi32>
        %add3A_690 = arith.addi %mul3A_688, %add3A_689 : vector<16xi32>
        %swap3A_691 = arith.constant 1 : i32
        %swap3A_692 = arith.index_cast %swap3A_691 : i32 to index
        %swap3A_693 = arith.constant 80 : index
        %swap3A_694 = tpu.vector_load %arg8[%swap3A_692, %swap3A_693] {strides = array<i32>} : memref<4x128xi32, #tpu.memory_space<vmem>>, vector<1x16xi32>,
        %swap3A_695 = vector.shape_cast %swap3A_694 : vector<1x16xi32> to vector<16xi32>
        %swap3A_696 = vector.shape_cast %add3A_690 : vector<16xi32> to vector<1x16xi32>
        tpu.vector_store %arg8[%swap3A_692, %swap3A_693], %swap3A_696 {strides = array<i32>} : memref<4x128xi32, #tpu.memory_space<vmem>>, vector<1x16xi32>,
        %get3A_697 = arith.constant 1 : i32
        %get3A_698 = arith.index_cast %get3A_697 : i32 to index
        %get3A_699 = arith.constant 96 : index
        %get3A_700 = tpu.vector_load %arg8[%get3A_698, %get3A_699] {strides = array<i32>} : memref<4x128xi32, #tpu.memory_space<vmem>>, vector<1x16xi32>,
        %get3A_701 = vector.shape_cast %get3A_700 : vector<1x16xi32> to vector<16xi32>
        %mul3A_702 = arith.constant 2 : i32
        %mul3A_703 = vector.broadcast %mul3A_702 : i32 to vector<16xi32>
        %mul3A_704 = arith.muli %mul3A_703, %get3A_701 : vector<16xi32>
        %add3A_705 = vector.broadcast %arg0 : i32 to vector<16xi32>
        %add3A_706 = arith.addi %mul3A_704, %add3A_705 : vector<16xi32>
        %swap3A_707 = arith.constant 1 : i32
        %swap3A_708 = arith.index_cast %swap3A_707 : i32 to index
        %swap3A_709 = arith.constant 96 : index
        %swap3A_710 = tpu.vector_load %arg8[%swap3A_708, %swap3A_709] {strides = array<i32>} : memref<4x128xi32, #tpu.memory_space<vmem>>, vector<1x16xi32>,
        %swap3A_711 = vector.shape_cast %swap3A_710 : vector<1x16xi32> to vector<16xi32>
        %swap3A_712 = vector.shape_cast %add3A_706 : vector<16xi32> to vector<1x16xi32>
        tpu.vector_store %arg8[%swap3A_708, %swap3A_709], %swap3A_712 {strides = array<i32>} : memref<4x128xi32, #tpu.memory_space<vmem>>, vector<1x16xi32>,
        %get3A_713 = arith.constant 1 : i32
        %get3A_714 = arith.index_cast %get3A_713 : i32 to index
        %get3A_715 = arith.constant 112 : index
        %get3A_716 = tpu.vector_load %arg8[%get3A_714, %get3A_715] {strides = array<i32>} : memref<4x128xi32, #tpu.memory_space<vmem>>, vector<1x16xi32>,
        %get3A_717 = vector.shape_cast %get3A_716 : vector<1x16xi32> to vector<16xi32>
        %mul3A_718 = arith.constant 2 : i32
        %mul3A_719 = vector.broadcast %mul3A_718 : i32 to vector<16xi32>
        %mul3A_720 = arith.muli %mul3A_719, %get3A_717 : vector<16xi32>
        %add3A_721 = vector.broadcast %arg0 : i32 to vector<16xi32>
        %add3A_722 = arith.addi %mul3A_720, %add3A_721 : vector<16xi32>
        %swap3A_723 = arith.constant 1 : i32
        %swap3A_724 = arith.index_cast %swap3A_723 : i32 to index
        %swap3A_725 = arith.constant 112 : index
        %swap3A_726 = tpu.vector_load %arg8[%swap3A_724, %swap3A_725] {strides = array<i32>} : memref<4x128xi32, #tpu.memory_space<vmem>>, vector<1x16xi32>,
        %swap3A_727 = vector.shape_cast %swap3A_726 : vector<1x16xi32> to vector<16xi32>
        %swap3A_728 = vector.shape_cast %add3A_722 : vector<16xi32> to vector<1x16xi32>
        tpu.vector_store %arg8[%swap3A_724, %swap3A_725], %swap3A_728 {strides = array<i32>} : memref<4x128xi32, #tpu.memory_space<vmem>>, vector<1x16xi32>,
        %add3A_729 = arith.constant 1 : i32
        %add3A_730 = arith.addi %add3A_433, %add3A_729 : i32
        %mul3A_731 = arith.constant 16 : i32
        %mul3A_732 = arith.muli %add3A_730, %mul3A_731 : i32
        %add3A_733 = arith.addi %arg1, %mul3A_732 : i32
        %dma_start3A_734 = arith.constant 0 : i32
        %dma_start3A_735 = arith.constant 0 : i32
        %dma_start3A_736 = arith.constant 0 : i32
        %dma_start3A_737 = tpu.memref_slice %arg10[%dma_start3A_735, %dma_start3A_736] : memref<256x64xf32, #tpu.memory_space<vmem>> -> memref<128x64xf32, #tpu.memory_space<vmem>>
        %dma_start3A_738 = arith.constant 0 : i32
        %dma_start3A_739 = tpu.memref_slice %arg8[%dma_start3A_734, %dma_start3A_738] : memref<4x128xi32, #tpu.memory_space<vmem>> -> memref<1x128xi32, #tpu.memory_space<vmem>>
        %dma_start3A_740 = tpu.memref_squeeze %dma_start3A_739 : memref<1x128xi32, #tpu.memory_space<vmem>> -> memref<128xi32, #tpu.memory_space<vmem>>
        %dma_start3A_741 = arith.constant 0 : i32
        %dma_start3A_742 = arith.constant 0 : i32
        %dma_start3A_743 = tpu.memref_slice %arg3[%dma_start3A_741, %dma_start3A_742] : memref<20000x64xf32, #tpu.memory_space<hbm>> -> memref<20000x64xf32, #tpu.memory_space<hbm>>
        tpu.enqueue_indirect_dma source(%dma_start3A_743 : memref<20000x64xf32, #tpu.memory_space<hbm>>) target(%dma_start3A_737 : memref<128x64xf32, #tpu.memory_space<vmem>>) offsets(%dma_start3A_740 : memref<128xi32, #tpu.memory_space<vmem>>) semaphore(%arg17 : memref<!tpu.dma_semaphore, #tpu.memory_space<semaphore_mem>>)
        %dma_start3A_744 = arith.constant 1 : i32
        %dma_start3A_745 = arith.constant 128 : i32
        %dma_start3A_746 = arith.constant 0 : i32
        %dma_start3A_747 = tpu.memref_slice %arg10[%dma_start3A_745, %dma_start3A_746] : memref<256x64xf32, #tpu.memory_space<vmem>> -> memref<128x64xf32, #tpu.memory_space<vmem>>
        %dma_start3A_748 = arith.constant 0 : i32
        %dma_start3A_749 = tpu.memref_slice %arg8[%dma_start3A_744, %dma_start3A_748] : memref<4x128xi32, #tpu.memory_space<vmem>> -> memref<1x128xi32, #tpu.memory_space<vmem>>
        %dma_start3A_750 = tpu.memref_squeeze %dma_start3A_749 : memref<1x128xi32, #tpu.memory_space<vmem>> -> memref<128xi32, #tpu.memory_space<vmem>>
        %dma_start3A_751 = arith.constant 0 : i32
        %dma_start3A_752 = arith.constant 0 : i32
        %dma_start3A_753 = tpu.memref_slice %arg3[%dma_start3A_751, %dma_start3A_752] : memref<20000x64xf32, #tpu.memory_space<hbm>> -> memref<20000x64xf32, #tpu.memory_space<hbm>>
        tpu.enqueue_indirect_dma source(%dma_start3A_753 : memref<20000x64xf32, #tpu.memory_space<hbm>>) target(%dma_start3A_747 : memref<128x64xf32, #tpu.memory_space<vmem>>) offsets(%dma_start3A_750 : memref<128xi32, #tpu.memory_space<vmem>>) semaphore(%arg17 : memref<!tpu.dma_semaphore, #tpu.memory_space<semaphore_mem>>)
        %mul3A_754 = arith.constant 32 : i32
        %mul3A_755 = arith.muli %add3A_733, %mul3A_754 : i32
        %dma_start3A_756 = arith.constant 0 : i32
        %dma_start3A_757 = tpu.memref_slice %arg4[%arg0, %mul3A_755, %dma_start3A_756] : memref<2x40000x512xf32, #tpu.memory_space<hbm>> -> memref<1x32x512xf32, #tpu.memory_space<hbm>>
        %dma_start3A_758 = tpu.memref_squeeze %dma_start3A_757 : memref<1x32x512xf32, #tpu.memory_space<hbm>> -> memref<32x512xf32, #tpu.memory_space<hbm>>
        %dma_start3A_759 = arith.constant 0 : i32
        %dma_start3A_760 = tpu.memref_slice %arg4[%arg0, %mul3A_755, %dma_start3A_759] : memref<2x40000x512xf32, #tpu.memory_space<hbm>> -> memref<1x32x512xf32, #tpu.memory_space<hbm>>
        %dma_start3A_761 = tpu.memref_squeeze %dma_start3A_760 : memref<1x32x512xf32, #tpu.memory_space<hbm>> -> memref<32x512xf32, #tpu.memory_space<hbm>>
        tpu.enqueue_dma source(%dma_start3A_761 : memref<32x512xf32, #tpu.memory_space<hbm>>) target(%arg12 : memref<32x512xf32, #tpu.memory_space<vmem>>) target_semaphore(%arg19 : memref<!tpu.dma_semaphore, #tpu.memory_space<semaphore_mem>>)
      } else {
      }
      %lt3A_439 = arith.cmpi slt, %add3A_433, %select_n3A : i32
      %convert_element_type3A_440 = arith.extui %lt3A_439 : i1 to i32
      %cond3A_441 = arith.constant 0 : i32
      %cond3A_442 = arith.cmpi ne, %convert_element_type3A_440, %cond3A_441 : i32
      scf.if %cond3A_442 {
        %dma_wait3A_458 = arith.constant 0 : i32
        %dma_wait3A_459 = arith.constant 0 : i32
        %dma_wait3A_460 = arith.constant 0 : i32
        %dma_wait3A_461 = tpu.memref_slice %arg9[%dma_wait3A_459, %dma_wait3A_460] : memref<256x64xf32, #tpu.memory_space<vmem>> -> memref<128x64xf32, #tpu.memory_space<vmem>>
        %dma_wait3A_462 = arith.constant 0 : i32
        %dma_wait3A_463 = tpu.memref_slice %arg7[%dma_wait3A_458, %dma_wait3A_462] : memref<4x128xi32, #tpu.memory_space<vmem>> -> memref<1x128xi32, #tpu.memory_space<vmem>>
        %dma_wait3A_464 = tpu.memref_squeeze %dma_wait3A_463 : memref<1x128xi32, #tpu.memory_space<vmem>> -> memref<128xi32, #tpu.memory_space<vmem>>
        %dma_wait3A_465 = arith.constant 0 : i32
        %dma_wait3A_466 = arith.constant 0 : i32
        %dma_wait3A_467 = tpu.memref_slice %arg3[%dma_wait3A_465, %dma_wait3A_466] : memref<20000x64xf32, #tpu.memory_space<hbm>> -> memref<20000x64xf32, #tpu.memory_space<hbm>>
        tpu.wait_indirect_dma semaphore(%arg16 : memref<!tpu.dma_semaphore, #tpu.memory_space<semaphore_mem>>) src(%dma_wait3A_467 : memref<20000x64xf32, #tpu.memory_space<hbm>>) dst(%dma_wait3A_461 : memref<128x64xf32, #tpu.memory_space<vmem>>)
        %dma_wait3A_468 = arith.constant 1 : i32
        %dma_wait3A_469 = arith.constant 128 : i32
        %dma_wait3A_470 = arith.constant 0 : i32
        %dma_wait3A_471 = tpu.memref_slice %arg9[%dma_wait3A_469, %dma_wait3A_470] : memref<256x64xf32, #tpu.memory_space<vmem>> -> memref<128x64xf32, #tpu.memory_space<vmem>>
        %dma_wait3A_472 = arith.constant 0 : i32
        %dma_wait3A_473 = tpu.memref_slice %arg7[%dma_wait3A_468, %dma_wait3A_472] : memref<4x128xi32, #tpu.memory_space<vmem>> -> memref<1x128xi32, #tpu.memory_space<vmem>>
        %dma_wait3A_474 = tpu.memref_squeeze %dma_wait3A_473 : memref<1x128xi32, #tpu.memory_space<vmem>> -> memref<128xi32, #tpu.memory_space<vmem>>
        %dma_wait3A_475 = arith.constant 0 : i32
        %dma_wait3A_476 = arith.constant 0 : i32
        %dma_wait3A_477 = tpu.memref_slice %arg3[%dma_wait3A_475, %dma_wait3A_476] : memref<20000x64xf32, #tpu.memory_space<hbm>> -> memref<20000x64xf32, #tpu.memory_space<hbm>>
        tpu.wait_indirect_dma semaphore(%arg16 : memref<!tpu.dma_semaphore, #tpu.memory_space<semaphore_mem>>) src(%dma_wait3A_477 : memref<20000x64xf32, #tpu.memory_space<hbm>>) dst(%dma_wait3A_471 : memref<128x64xf32, #tpu.memory_space<vmem>>)
        %dma_wait3A_478 = arith.constant 0 : i32
        %dma_wait3A_479 = arith.constant 0 : i32
        %dma_wait3A_480 = tpu.memref_slice %arg4[%arg0, %dma_wait3A_478, %dma_wait3A_479] : memref<2x40000x512xf32, #tpu.memory_space<hbm>> -> memref<1x32x512xf32, #tpu.memory_space<hbm>>
        %dma_wait3A_481 = tpu.memref_squeeze %dma_wait3A_480 : memref<1x32x512xf32, #tpu.memory_space<hbm>> -> memref<32x512xf32, #tpu.memory_space<hbm>>
        %dma_wait3A_482 = arith.constant 0 : i32
        %dma_wait3A_483 = arith.constant 0 : i32
        %dma_wait3A_484 = tpu.memref_slice %arg4[%arg0, %dma_wait3A_482, %dma_wait3A_483] : memref<2x40000x512xf32, #tpu.memory_space<hbm>> -> memref<1x32x512xf32, #tpu.memory_space<hbm>>
        %dma_wait3A_485 = tpu.memref_squeeze %dma_wait3A_484 : memref<1x32x512xf32, #tpu.memory_space<hbm>> -> memref<32x512xf32, #tpu.memory_space<hbm>>
        tpu.wait_dma2 semaphore(%arg18 : memref<!tpu.dma_semaphore, #tpu.memory_space<semaphore_mem>>) src(%dma_wait3A_485 : memref<32x512xf32, #tpu.memory_space<hbm>>) dst(%arg11 : memref<32x512xf32, #tpu.memory_space<vmem>>)
        %parallel_loop3A = arith.constant 0 : i32
        %parallel_loop3A_486 = arith.constant 256 : i32
        %parallel_loop3A_487 = arith.constant 1 : i32
        scf.for %parallel_loop3A_513 = %parallel_loop3A to %parallel_loop3A_486 step %parallel_loop3A_487  : i32 {
          %parallel_loop3A_514 = arith.constant 3 : i32
          %parallel_loop3A_515 = arith.shrsi %parallel_loop3A_513, %parallel_loop3A_514 : i32
          %parallel_loop3A_516 = arith.constant 7 : i32
          %parallel_loop3A_517 = arith.andi %parallel_loop3A_513, %parallel_loop3A_516 : i32
          %parallel_loop3A_518 = arith.constant 64 : i32
          %parallel_loop3A_519 = arith.muli %parallel_loop3A_517, %parallel_loop3A_518 : i32
          %parallel_loop3A_520 = arith.index_cast %parallel_loop3A_513 : i32 to index
          %parallel_loop3A_521 = arith.constant 0 : index
          %parallel_loop3A_522 = tpu.vector_load %arg9[%parallel_loop3A_520, %parallel_loop3A_521] {strides = array<i32>} : memref<256x64xf32, #tpu.memory_space<vmem>>, vector<1x16xf32>,
          %parallel_loop3A_523 = vector.shape_cast %parallel_loop3A_522 : vector<1x16xf32> to vector<16xf32>
          %parallel_loop3A_524 = arith.constant 0 : i32
          %parallel_loop3A_525 = arith.addi %parallel_loop3A_519, %parallel_loop3A_524 : i32
          %parallel_loop3A_526 = arith.index_cast %parallel_loop3A_515 : i32 to index
          %parallel_loop3A_527 = arith.index_cast %parallel_loop3A_525 : i32 to index
          %parallel_loop3A_528 = tpu.vector_load %arg11[%parallel_loop3A_526, %parallel_loop3A_527] {strides = array<i32>} : memref<32x512xf32, #tpu.memory_space<vmem>>, vector<1x16xf32>,
          %parallel_loop3A_529 = vector.shape_cast %parallel_loop3A_528 : vector<1x16xf32> to vector<16xf32>
          %parallel_loop3A_530 = arith.addf %parallel_loop3A_523, %parallel_loop3A_529 : vector<16xf32>
          %parallel_loop3A_531 = arith.constant 0.000000e+00 : f32
          %parallel_loop3A_532 = vector.broadcast %parallel_loop3A_531 : f32 to vector<16xf32>
          %parallel_loop3A_533 = arith.maximumf %parallel_loop3A_530, %parallel_loop3A_532 : vector<16xf32>
          %parallel_loop3A_534 = arith.index_cast %parallel_loop3A_513 : i32 to index
          %parallel_loop3A_535 = arith.constant 0 : index
          %parallel_loop3A_536 = tpu.vector_load %arg9[%parallel_loop3A_534, %parallel_loop3A_535] {strides = array<i32>} : memref<256x64xf32, #tpu.memory_space<vmem>>, vector<1x16xf32>,
          %parallel_loop3A_537 = vector.shape_cast %parallel_loop3A_536 : vector<1x16xf32> to vector<16xf32>
          %parallel_loop3A_538 = vector.shape_cast %parallel_loop3A_533 : vector<16xf32> to vector<1x16xf32>
          tpu.vector_store %arg9[%parallel_loop3A_534, %parallel_loop3A_535], %parallel_loop3A_538 {strides = array<i32>} : memref<256x64xf32, #tpu.memory_space<vmem>>, vector<1x16xf32>,
          %parallel_loop3A_539 = arith.index_cast %parallel_loop3A_513 : i32 to index
          %parallel_loop3A_540 = arith.constant 16 : index
          %parallel_loop3A_541 = tpu.vector_load %arg9[%parallel_loop3A_539, %parallel_loop3A_540] {strides = array<i32>} : memref<256x64xf32, #tpu.memory_space<vmem>>, vector<1x16xf32>,
          %parallel_loop3A_542 = vector.shape_cast %parallel_loop3A_541 : vector<1x16xf32> to vector<16xf32>
          %parallel_loop3A_543 = arith.constant 16 : i32
          %parallel_loop3A_544 = arith.addi %parallel_loop3A_519, %parallel_loop3A_543 : i32
          %parallel_loop3A_545 = arith.index_cast %parallel_loop3A_515 : i32 to index
          %parallel_loop3A_546 = arith.index_cast %parallel_loop3A_544 : i32 to index
          %parallel_loop3A_547 = tpu.vector_load %arg11[%parallel_loop3A_545, %parallel_loop3A_546] {strides = array<i32>} : memref<32x512xf32, #tpu.memory_space<vmem>>, vector<1x16xf32>,
          %parallel_loop3A_548 = vector.shape_cast %parallel_loop3A_547 : vector<1x16xf32> to vector<16xf32>
          %parallel_loop3A_549 = arith.addf %parallel_loop3A_542, %parallel_loop3A_548 : vector<16xf32>
          %parallel_loop3A_550 = arith.constant 0.000000e+00 : f32
          %parallel_loop3A_551 = vector.broadcast %parallel_loop3A_550 : f32 to vector<16xf32>
          %parallel_loop3A_552 = arith.maximumf %parallel_loop3A_549, %parallel_loop3A_551 : vector<16xf32>
          %parallel_loop3A_553 = arith.index_cast %parallel_loop3A_513 : i32 to index
          %parallel_loop3A_554 = arith.constant 16 : index
          %parallel_loop3A_555 = tpu.vector_load %arg9[%parallel_loop3A_553, %parallel_loop3A_554] {strides = array<i32>} : memref<256x64xf32, #tpu.memory_space<vmem>>, vector<1x16xf32>,
          %parallel_loop3A_556 = vector.shape_cast %parallel_loop3A_555 : vector<1x16xf32> to vector<16xf32>
          %parallel_loop3A_557 = vector.shape_cast %parallel_loop3A_552 : vector<16xf32> to vector<1x16xf32>
          tpu.vector_store %arg9[%parallel_loop3A_553, %parallel_loop3A_554], %parallel_loop3A_557 {strides = array<i32>} : memref<256x64xf32, #tpu.memory_space<vmem>>, vector<1x16xf32>,
          %parallel_loop3A_558 = arith.index_cast %parallel_loop3A_513 : i32 to index
          %parallel_loop3A_559 = arith.constant 32 : index
          %parallel_loop3A_560 = tpu.vector_load %arg9[%parallel_loop3A_558, %parallel_loop3A_559] {strides = array<i32>} : memref<256x64xf32, #tpu.memory_space<vmem>>, vector<1x16xf32>,
          %parallel_loop3A_561 = vector.shape_cast %parallel_loop3A_560 : vector<1x16xf32> to vector<16xf32>
          %parallel_loop3A_562 = arith.constant 32 : i32
          %parallel_loop3A_563 = arith.addi %parallel_loop3A_519, %parallel_loop3A_562 : i32
          %parallel_loop3A_564 = arith.index_cast %parallel_loop3A_515 : i32 to index
          %parallel_loop3A_565 = arith.index_cast %parallel_loop3A_563 : i32 to index
          %parallel_loop3A_566 = tpu.vector_load %arg11[%parallel_loop3A_564, %parallel_loop3A_565] {strides = array<i32>} : memref<32x512xf32, #tpu.memory_space<vmem>>, vector<1x16xf32>,
          %parallel_loop3A_567 = vector.shape_cast %parallel_loop3A_566 : vector<1x16xf32> to vector<16xf32>
          %parallel_loop3A_568 = arith.addf %parallel_loop3A_561, %parallel_loop3A_567 : vector<16xf32>
          %parallel_loop3A_569 = arith.constant 0.000000e+00 : f32
          %parallel_loop3A_570 = vector.broadcast %parallel_loop3A_569 : f32 to vector<16xf32>
          %parallel_loop3A_571 = arith.maximumf %parallel_loop3A_568, %parallel_loop3A_570 : vector<16xf32>
          %parallel_loop3A_572 = arith.index_cast %parallel_loop3A_513 : i32 to index
          %parallel_loop3A_573 = arith.constant 32 : index
          %parallel_loop3A_574 = tpu.vector_load %arg9[%parallel_loop3A_572, %parallel_loop3A_573] {strides = array<i32>} : memref<256x64xf32, #tpu.memory_space<vmem>>, vector<1x16xf32>,
          %parallel_loop3A_575 = vector.shape_cast %parallel_loop3A_574 : vector<1x16xf32> to vector<16xf32>
          %parallel_loop3A_576 = vector.shape_cast %parallel_loop3A_571 : vector<16xf32> to vector<1x16xf32>
          tpu.vector_store %arg9[%parallel_loop3A_572, %parallel_loop3A_573], %parallel_loop3A_576 {strides = array<i32>} : memref<256x64xf32, #tpu.memory_space<vmem>>, vector<1x16xf32>,
          %parallel_loop3A_577 = arith.index_cast %parallel_loop3A_513 : i32 to index
          %parallel_loop3A_578 = arith.constant 48 : index
          %parallel_loop3A_579 = tpu.vector_load %arg9[%parallel_loop3A_577, %parallel_loop3A_578] {strides = array<i32>} : memref<256x64xf32, #tpu.memory_space<vmem>>, vector<1x16xf32>,
          %parallel_loop3A_580 = vector.shape_cast %parallel_loop3A_579 : vector<1x16xf32> to vector<16xf32>
          %parallel_loop3A_581 = arith.constant 48 : i32
          %parallel_loop3A_582 = arith.addi %parallel_loop3A_519, %parallel_loop3A_581 : i32
          %parallel_loop3A_583 = arith.index_cast %parallel_loop3A_515 : i32 to index
          %parallel_loop3A_584 = arith.index_cast %parallel_loop3A_582 : i32 to index
          %parallel_loop3A_585 = tpu.vector_load %arg11[%parallel_loop3A_583, %parallel_loop3A_584] {strides = array<i32>} : memref<32x512xf32, #tpu.memory_space<vmem>>, vector<1x16xf32>,
          %parallel_loop3A_586 = vector.shape_cast %parallel_loop3A_585 : vector<1x16xf32> to vector<16xf32>
          %parallel_loop3A_587 = arith.addf %parallel_loop3A_580, %parallel_loop3A_586 : vector<16xf32>
          %parallel_loop3A_588 = arith.constant 0.000000e+00 : f32
          %parallel_loop3A_589 = vector.broadcast %parallel_loop3A_588 : f32 to vector<16xf32>
          %parallel_loop3A_590 = arith.maximumf %parallel_loop3A_587, %parallel_loop3A_589 : vector<16xf32>
          %parallel_loop3A_591 = arith.index_cast %parallel_loop3A_513 : i32 to index
          %parallel_loop3A_592 = arith.constant 48 : index
          %parallel_loop3A_593 = tpu.vector_load %arg9[%parallel_loop3A_591, %parallel_loop3A_592] {strides = array<i32>} : memref<256x64xf32, #tpu.memory_space<vmem>>, vector<1x16xf32>,
          %parallel_loop3A_594 = vector.shape_cast %parallel_loop3A_593 : vector<1x16xf32> to vector<16xf32>
          %parallel_loop3A_595 = vector.shape_cast %parallel_loop3A_590 : vector<16xf32> to vector<1x16xf32>
          tpu.vector_store %arg9[%parallel_loop3A_591, %parallel_loop3A_592], %parallel_loop3A_595 {strides = array<i32>} : memref<256x64xf32, #tpu.memory_space<vmem>>, vector<1x16xf32>,
        } {sc.loop_unroll_factor = 16 : i64, sc.parallel_access}
        %dma_start3A_488 = arith.constant 2 : i32
        %dma_start3A_489 = arith.constant 0 : i32
        %dma_start3A_490 = arith.constant 0 : i32
        %dma_start3A_491 = tpu.memref_slice %arg9[%dma_start3A_489, %dma_start3A_490] : memref<256x64xf32, #tpu.memory_space<vmem>> -> memref<128x64xf32, #tpu.memory_space<vmem>>
        %dma_start3A_492 = arith.constant 0 : i32
        %dma_start3A_493 = tpu.memref_slice %arg7[%dma_start3A_488, %dma_start3A_492] : memref<4x128xi32, #tpu.memory_space<vmem>> -> memref<1x128xi32, #tpu.memory_space<vmem>>
        %dma_start3A_494 = tpu.memref_squeeze %dma_start3A_493 : memref<1x128xi32, #tpu.memory_space<vmem>> -> memref<128xi32, #tpu.memory_space<vmem>>
        %dma_start3A_495 = arith.constant 0 : i32
        %dma_start3A_496 = arith.constant 0 : i32
        %dma_start3A_497 = tpu.memref_slice %arg14[%dma_start3A_495, %dma_start3A_496] : memref<10240x64xf32, #tpu.memory_space<vmem_shared>> -> memref<10240x64xf32, #tpu.memory_space<vmem_shared>>
        tpu.enqueue_indirect_dma source(%dma_start3A_491 : memref<128x64xf32, #tpu.memory_space<vmem>>) target(%dma_start3A_497 : memref<10240x64xf32, #tpu.memory_space<vmem_shared>>) offsets(%dma_start3A_494 : memref<128xi32, #tpu.memory_space<vmem>>) semaphore(%arg20 : memref<!tpu.dma_semaphore, #tpu.memory_space<semaphore_mem>>) {add = true}
        %dma_start3A_498 = arith.constant 3 : i32
        %dma_start3A_499 = arith.constant 128 : i32
        %dma_start3A_500 = arith.constant 0 : i32
        %dma_start3A_501 = tpu.memref_slice %arg9[%dma_start3A_499, %dma_start3A_500] : memref<256x64xf32, #tpu.memory_space<vmem>> -> memref<128x64xf32, #tpu.memory_space<vmem>>
        %dma_start3A_502 = arith.constant 0 : i32
        %dma_start3A_503 = tpu.memref_slice %arg7[%dma_start3A_498, %dma_start3A_502] : memref<4x128xi32, #tpu.memory_space<vmem>> -> memref<1x128xi32, #tpu.memory_space<vmem>>
        %dma_start3A_504 = tpu.memref_squeeze %dma_start3A_503 : memref<1x128xi32, #tpu.memory_space<vmem>> -> memref<128xi32, #tpu.memory_space<vmem>>
        %dma_start3A_505 = arith.constant 0 : i32
        %dma_start3A_506 = arith.constant 0 : i32
        %dma_start3A_507 = tpu.memref_slice %arg14[%dma_start3A_505, %dma_start3A_506] : memref<10240x64xf32, #tpu.memory_space<vmem_shared>> -> memref<10240x64xf32, #tpu.memory_space<vmem_shared>>
        tpu.enqueue_indirect_dma source(%dma_start3A_501 : memref<128x64xf32, #tpu.memory_space<vmem>>) target(%dma_start3A_507 : memref<10240x64xf32, #tpu.memory_space<vmem_shared>>) offsets(%dma_start3A_504 : memref<128xi32, #tpu.memory_space<vmem>>) semaphore(%arg20 : memref<!tpu.dma_semaphore, #tpu.memory_space<semaphore_mem>>) {add = true}
        %eq3A_508 = arith.constant 0 : i32
        %eq3A_509 = arith.cmpi eq, %arg0, %eq3A_508 : i32
        %convert_element_type3A_510 = arith.extui %eq3A_509 : i1 to i32
        %cond3A_511 = arith.constant 0 : i32
        %cond3A_512 = arith.cmpi ne, %convert_element_type3A_510, %cond3A_511 : i32
        scf.if %cond3A_512 {
          %dma_start3A_513 = arith.constant 2 : i32
          %dma_start3A_514 = arith.constant 0 : i32
          %dma_start3A_515 = tpu.memref_slice %arg7[%dma_start3A_513, %dma_start3A_514] : memref<4x128xi32, #tpu.memory_space<vmem>> -> memref<1x128xi32, #tpu.memory_space<vmem>>
          %dma_start3A_516 = tpu.memref_squeeze %dma_start3A_515 : memref<1x128xi32, #tpu.memory_space<vmem>> -> memref<128xi32, #tpu.memory_space<vmem>>
          %dma_start3A_517 = arith.constant 0 : i32
          %dma_start3A_518 = arith.constant 0 : i32
          %dma_start3A_519 = tpu.memref_slice %arg15[%dma_start3A_517, %dma_start3A_518] : memref<10240x16xf32, #tpu.memory_space<vmem_shared>> -> memref<10240x16xf32, #tpu.memory_space<vmem_shared>>
          tpu.enqueue_indirect_dma source(%arg13 : memref<128x16xf32, #tpu.memory_space<vmem>>) target(%dma_start3A_519 : memref<10240x16xf32, #tpu.memory_space<vmem_shared>>) offsets(%dma_start3A_516 : memref<128xi32, #tpu.memory_space<vmem>>) semaphore(%arg22 : memref<!tpu.dma_semaphore, #tpu.memory_space<semaphore_mem>>) {add = true}
          %dma_start3A_520 = arith.constant 3 : i32
          %dma_start3A_521 = arith.constant 0 : i32
          %dma_start3A_522 = tpu.memref_slice %arg7[%dma_start3A_520, %dma_start3A_521] : memref<4x128xi32, #tpu.memory_space<vmem>> -> memref<1x128xi32, #tpu.memory_space<vmem>>
          %dma_start3A_523 = tpu.memref_squeeze %dma_start3A_522 : memref<1x128xi32, #tpu.memory_space<vmem>> -> memref<128xi32, #tpu.memory_space<vmem>>
          %dma_start3A_524 = arith.constant 0 : i32
          %dma_start3A_525 = arith.constant 0 : i32
          %dma_start3A_526 = tpu.memref_slice %arg15[%dma_start3A_524, %dma_start3A_525] : memref<10240x16xf32, #tpu.memory_space<vmem_shared>> -> memref<10240x16xf32, #tpu.memory_space<vmem_shared>>
          tpu.enqueue_indirect_dma source(%arg13 : memref<128x16xf32, #tpu.memory_space<vmem>>) target(%dma_start3A_526 : memref<10240x16xf32, #tpu.memory_space<vmem_shared>>) offsets(%dma_start3A_523 : memref<128xi32, #tpu.memory_space<vmem>>) semaphore(%arg22 : memref<!tpu.dma_semaphore, #tpu.memory_space<semaphore_mem>>) {add = true}
        } else {
        }
      } else {
      }
      %mul3A_443 = arith.constant 2 : i32
      %mul3A_444 = arith.muli %mul3A_443, %while3A_428 : i32
      %add3A_445 = arith.constant 1 : i32
      %add3A_446 = arith.addi %mul3A_444, %add3A_445 : i32
      %add3A_447 = arith.constant 1 : i32
      %add3A_448 = arith.addi %add3A_446, %add3A_447 : i32
      %lt3A_449 = arith.cmpi slt, %add3A_448, %select_n3A : i32
      %convert_element_type3A_450 = arith.extui %lt3A_449 : i1 to i32
      %cond3A_451 = arith.constant 0 : i32
      %cond3A_452 = arith.cmpi ne, %convert_element_type3A_450, %cond3A_451 : i32
      scf.if %cond3A_452 {
        %ge3A = arith.constant 1 : i32
        %ge3A_458 = arith.cmpi sge, %add3A_446, %ge3A : i32
        %convert_element_type3A_459 = arith.extui %ge3A_458 : i1 to i32
        %cond3A_460 = arith.constant 0 : i32
        %cond3A_461 = arith.cmpi ne, %convert_element_type3A_459, %cond3A_460 : i32
        scf.if %cond3A_461 {
          %dma_wait3A_762 = arith.constant 2 : i32
          %dma_wait3A_763 = arith.constant 0 : i32
          %dma_wait3A_764 = arith.constant 0 : i32
          %dma_wait3A_765 = tpu.memref_slice %arg9[%dma_wait3A_763, %dma_wait3A_764] : memref<256x64xf32, #tpu.memory_space<vmem>> -> memref<128x64xf32, #tpu.memory_space<vmem>>
          %dma_wait3A_766 = arith.constant 0 : i32
          %dma_wait3A_767 = tpu.memref_slice %arg7[%dma_wait3A_762, %dma_wait3A_766] : memref<4x128xi32, #tpu.memory_space<vmem>> -> memref<1x128xi32, #tpu.memory_space<vmem>>
          %dma_wait3A_768 = tpu.memref_squeeze %dma_wait3A_767 : memref<1x128xi32, #tpu.memory_space<vmem>> -> memref<128xi32, #tpu.memory_space<vmem>>
          %dma_wait3A_769 = arith.constant 0 : i32
          %dma_wait3A_770 = arith.constant 0 : i32
          %dma_wait3A_771 = tpu.memref_slice %arg14[%dma_wait3A_769, %dma_wait3A_770] : memref<10240x64xf32, #tpu.memory_space<vmem_shared>> -> memref<10240x64xf32, #tpu.memory_space<vmem_shared>>
          tpu.wait_indirect_dma semaphore(%arg20 : memref<!tpu.dma_semaphore, #tpu.memory_space<semaphore_mem>>) src(%dma_wait3A_765 : memref<128x64xf32, #tpu.memory_space<vmem>>) dst(%dma_wait3A_771 : memref<10240x64xf32, #tpu.memory_space<vmem_shared>>)
          %dma_wait3A_772 = arith.constant 3 : i32
          %dma_wait3A_773 = arith.constant 128 : i32
          %dma_wait3A_774 = arith.constant 0 : i32
          %dma_wait3A_775 = tpu.memref_slice %arg9[%dma_wait3A_773, %dma_wait3A_774] : memref<256x64xf32, #tpu.memory_space<vmem>> -> memref<128x64xf32, #tpu.memory_space<vmem>>
          %dma_wait3A_776 = arith.constant 0 : i32
          %dma_wait3A_777 = tpu.memref_slice %arg7[%dma_wait3A_772, %dma_wait3A_776] : memref<4x128xi32, #tpu.memory_space<vmem>> -> memref<1x128xi32, #tpu.memory_space<vmem>>
          %dma_wait3A_778 = tpu.memref_squeeze %dma_wait3A_777 : memref<1x128xi32, #tpu.memory_space<vmem>> -> memref<128xi32, #tpu.memory_space<vmem>>
          %dma_wait3A_779 = arith.constant 0 : i32
          %dma_wait3A_780 = arith.constant 0 : i32
          %dma_wait3A_781 = tpu.memref_slice %arg14[%dma_wait3A_779, %dma_wait3A_780] : memref<10240x64xf32, #tpu.memory_space<vmem_shared>> -> memref<10240x64xf32, #tpu.memory_space<vmem_shared>>
          tpu.wait_indirect_dma semaphore(%arg20 : memref<!tpu.dma_semaphore, #tpu.memory_space<semaphore_mem>>) src(%dma_wait3A_775 : memref<128x64xf32, #tpu.memory_space<vmem>>) dst(%dma_wait3A_781 : memref<10240x64xf32, #tpu.memory_space<vmem_shared>>)
          %eq3A_782 = arith.constant 0 : i32
          %eq3A_783 = arith.cmpi eq, %arg0, %eq3A_782 : i32
          %convert_element_type3A_784 = arith.extui %eq3A_783 : i1 to i32
          %cond3A_785 = arith.constant 0 : i32
          %cond3A_786 = arith.cmpi ne, %convert_element_type3A_784, %cond3A_785 : i32
          scf.if %cond3A_786 {
            %dma_wait3A_787 = arith.constant 2 : i32
            %dma_wait3A_788 = arith.constant 0 : i32
            %dma_wait3A_789 = tpu.memref_slice %arg7[%dma_wait3A_787, %dma_wait3A_788] : memref<4x128xi32, #tpu.memory_space<vmem>> -> memref<1x128xi32, #tpu.memory_space<vmem>>
            %dma_wait3A_790 = tpu.memref_squeeze %dma_wait3A_789 : memref<1x128xi32, #tpu.memory_space<vmem>> -> memref<128xi32, #tpu.memory_space<vmem>>
            %dma_wait3A_791 = arith.constant 0 : i32
            %dma_wait3A_792 = arith.constant 0 : i32
            %dma_wait3A_793 = tpu.memref_slice %arg15[%dma_wait3A_791, %dma_wait3A_792] : memref<10240x16xf32, #tpu.memory_space<vmem_shared>> -> memref<10240x16xf32, #tpu.memory_space<vmem_shared>>
            tpu.wait_indirect_dma semaphore(%arg22 : memref<!tpu.dma_semaphore, #tpu.memory_space<semaphore_mem>>) src(%arg13 : memref<128x16xf32, #tpu.memory_space<vmem>>) dst(%dma_wait3A_793 : memref<10240x16xf32, #tpu.memory_space<vmem_shared>>)
            %dma_wait3A_794 = arith.constant 3 : i32
            %dma_wait3A_795 = arith.constant 0 : i32
            %dma_wait3A_796 = tpu.memref_slice %arg7[%dma_wait3A_794, %dma_wait3A_795] : memref<4x128xi32, #tpu.memory_space<vmem>> -> memref<1x128xi32, #tpu.memory_space<vmem>>
            %dma_wait3A_797 = tpu.memref_squeeze %dma_wait3A_796 : memref<1x128xi32, #tpu.memory_space<vmem>> -> memref<128xi32, #tpu.memory_space<vmem>>
            %dma_wait3A_798 = arith.constant 0 : i32
            %dma_wait3A_799 = arith.constant 0 : i32
            %dma_wait3A_800 = tpu.memref_slice %arg15[%dma_wait3A_798, %dma_wait3A_799] : memref<10240x16xf32, #tpu.memory_space<vmem_shared>> -> memref<10240x16xf32, #tpu.memory_space<vmem_shared>>
            tpu.wait_indirect_dma semaphore(%arg22 : memref<!tpu.dma_semaphore, #tpu.memory_space<semaphore_mem>>) src(%arg13 : memref<128x16xf32, #tpu.memory_space<vmem>>) dst(%dma_wait3A_800 : memref<10240x16xf32, #tpu.memory_space<vmem_shared>>)
          } else {
          }
        } else {
        }
        %add3A_462 = arith.constant 1 : i32
        %add3A_463 = arith.addi %add3A_446, %add3A_462 : i32
        %mul3A_464 = arith.constant 16 : i32
        %mul3A_465 = arith.muli %add3A_463, %mul3A_464 : i32
        %add3A_466 = arith.addi %arg1, %mul3A_465 : i32
        %mul3A_467 = arith.constant 2 : i32
        %mul3A_468 = arith.muli %mul3A_467, %add3A_466 : i32
        %run_scoped3A_469 = arith.constant 0 : i32
        "tpu.region"() ({
          %run_scoped3A_762 = tpu.sem_alloc : memref<!tpu.dma_semaphore, #tpu.memory_space<semaphore_mem>>
          %dma_start3A_763 = arith.constant 0 : i32
          %dma_start3A_764 = arith.constant 0 : i32
          %dma_start3A_765 = tpu.memref_slice %arg7[%dma_start3A_763, %dma_start3A_764] : memref<4x128xi32, #tpu.memory_space<vmem>> -> memref<2x128xi32, #tpu.memory_space<vmem>>
          %dma_start3A_766 = arith.constant 0 : i32
          %dma_start3A_767 = tpu.memref_slice %arg2[%run_scoped3A_469, %mul3A_468, %dma_start3A_766] : memref<2x2500x128xi32, #tpu.memory_space<hbm>> -> memref<1x2x128xi32, #tpu.memory_space<hbm>>
          %dma_start3A_768 = tpu.memref_squeeze %dma_start3A_767 : memref<1x2x128xi32, #tpu.memory_space<hbm>> -> memref<2x128xi32, #tpu.memory_space<hbm>>
          %dma_start3A_769 = arith.constant 0 : i32
          %dma_start3A_770 = arith.constant 0 : i32
          %dma_start3A_771 = tpu.memref_slice %arg7[%dma_start3A_769, %dma_start3A_770] : memref<4x128xi32, #tpu.memory_space<vmem>> -> memref<2x128xi32, #tpu.memory_space<vmem>>
          %dma_start3A_772 = arith.constant 0 : i32
          %dma_start3A_773 = tpu.memref_slice %arg2[%run_scoped3A_469, %mul3A_468, %dma_start3A_772] : memref<2x2500x128xi32, #tpu.memory_space<hbm>> -> memref<1x2x128xi32, #tpu.memory_space<hbm>>
          %dma_start3A_774 = tpu.memref_squeeze %dma_start3A_773 : memref<1x2x128xi32, #tpu.memory_space<hbm>> -> memref<2x128xi32, #tpu.memory_space<hbm>>
          tpu.enqueue_dma source(%dma_start3A_774 : memref<2x128xi32, #tpu.memory_space<hbm>>) target(%dma_start3A_771 : memref<2x128xi32, #tpu.memory_space<vmem>>) target_semaphore(%run_scoped3A_762 : memref<!tpu.dma_semaphore, #tpu.memory_space<semaphore_mem>>)
          %dma_wait3A_775 = arith.constant 0 : i32
          %dma_wait3A_776 = arith.constant 0 : i32
          %dma_wait3A_777 = tpu.memref_slice %arg7[%dma_wait3A_775, %dma_wait3A_776] : memref<4x128xi32, #tpu.memory_space<vmem>> -> memref<2x128xi32, #tpu.memory_space<vmem>>
          %dma_wait3A_778 = arith.constant 0 : i32
          %dma_wait3A_779 = tpu.memref_slice %arg2[%run_scoped3A_469, %mul3A_468, %dma_wait3A_778] : memref<2x2500x128xi32, #tpu.memory_space<hbm>> -> memref<1x2x128xi32, #tpu.memory_space<hbm>>
          %dma_wait3A_780 = tpu.memref_squeeze %dma_wait3A_779 : memref<1x2x128xi32, #tpu.memory_space<hbm>> -> memref<2x128xi32, #tpu.memory_space<hbm>>
          %dma_wait3A_781 = arith.constant 0 : i32
          %dma_wait3A_782 = arith.constant 0 : i32
          %dma_wait3A_783 = tpu.memref_slice %arg7[%dma_wait3A_781, %dma_wait3A_782] : memref<4x128xi32, #tpu.memory_space<vmem>> -> memref<2x128xi32, #tpu.memory_space<vmem>>
          %dma_wait3A_784 = arith.constant 0 : i32
          %dma_wait3A_785 = tpu.memref_slice %arg2[%run_scoped3A_469, %mul3A_468, %dma_wait3A_784] : memref<2x2500x128xi32, #tpu.memory_space<hbm>> -> memref<1x2x128xi32, #tpu.memory_space<hbm>>
          %dma_wait3A_786 = tpu.memref_squeeze %dma_wait3A_785 : memref<1x2x128xi32, #tpu.memory_space<hbm>> -> memref<2x128xi32, #tpu.memory_space<hbm>>
          tpu.wait_dma2 semaphore(%run_scoped3A_762 : memref<!tpu.dma_semaphore, #tpu.memory_space<semaphore_mem>>) src(%dma_wait3A_786 : memref<2x128xi32, #tpu.memory_space<hbm>>) dst(%dma_wait3A_783 : memref<2x128xi32, #tpu.memory_space<vmem>>)
          tpu.yield
        }) : () -> ()
        %mul3A_470 = arith.constant 2 : i32
        %mul3A_471 = arith.muli %mul3A_470, %add3A_466 : i32
        %run_scoped3A_472 = arith.constant 1 : i32
        "tpu.region"() ({
          %run_scoped3A_762 = tpu.sem_alloc : memref<!tpu.dma_semaphore, #tpu.memory_space<semaphore_mem>>
          %dma_start3A_763 = arith.constant 2 : i32
          %dma_start3A_764 = arith.constant 0 : i32
          %dma_start3A_765 = tpu.memref_slice %arg7[%dma_start3A_763, %dma_start3A_764] : memref<4x128xi32, #tpu.memory_space<vmem>> -> memref<2x128xi32, #tpu.memory_space<vmem>>
          %dma_start3A_766 = arith.constant 0 : i32
          %dma_start3A_767 = tpu.memref_slice %arg2[%run_scoped3A_472, %mul3A_471, %dma_start3A_766] : memref<2x2500x128xi32, #tpu.memory_space<hbm>> -> memref<1x2x128xi32, #tpu.memory_space<hbm>>
          %dma_start3A_768 = tpu.memref_squeeze %dma_start3A_767 : memref<1x2x128xi32, #tpu.memory_space<hbm>> -> memref<2x128xi32, #tpu.memory_space<hbm>>
          %dma_start3A_769 = arith.constant 2 : i32
          %dma_start3A_770 = arith.constant 0 : i32
          %dma_start3A_771 = tpu.memref_slice %arg7[%dma_start3A_769, %dma_start3A_770] : memref<4x128xi32, #tpu.memory_space<vmem>> -> memref<2x128xi32, #tpu.memory_space<vmem>>
          %dma_start3A_772 = arith.constant 0 : i32
          %dma_start3A_773 = tpu.memref_slice %arg2[%run_scoped3A_472, %mul3A_471, %dma_start3A_772] : memref<2x2500x128xi32, #tpu.memory_space<hbm>> -> memref<1x2x128xi32, #tpu.memory_space<hbm>>
          %dma_start3A_774 = tpu.memref_squeeze %dma_start3A_773 : memref<1x2x128xi32, #tpu.memory_space<hbm>> -> memref<2x128xi32, #tpu.memory_space<hbm>>
          tpu.enqueue_dma source(%dma_start3A_774 : memref<2x128xi32, #tpu.memory_space<hbm>>) target(%dma_start3A_771 : memref<2x128xi32, #tpu.memory_space<vmem>>) target_semaphore(%run_scoped3A_762 : memref<!tpu.dma_semaphore, #tpu.memory_space<semaphore_mem>>)
          %dma_wait3A_775 = arith.constant 2 : i32
          %dma_wait3A_776 = arith.constant 0 : i32
          %dma_wait3A_777 = tpu.memref_slice %arg7[%dma_wait3A_775, %dma_wait3A_776] : memref<4x128xi32, #tpu.memory_space<vmem>> -> memref<2x128xi32, #tpu.memory_space<vmem>>
          %dma_wait3A_778 = arith.constant 0 : i32
          %dma_wait3A_779 = tpu.memref_slice %arg2[%run_scoped3A_472, %mul3A_471, %dma_wait3A_778] : memref<2x2500x128xi32, #tpu.memory_space<hbm>> -> memref<1x2x128xi32, #tpu.memory_space<hbm>>
          %dma_wait3A_780 = tpu.memref_squeeze %dma_wait3A_779 : memref<1x2x128xi32, #tpu.memory_space<hbm>> -> memref<2x128xi32, #tpu.memory_space<hbm>>
          %dma_wait3A_781 = arith.constant 2 : i32
          %dma_wait3A_782 = arith.constant 0 : i32
          %dma_wait3A_783 = tpu.memref_slice %arg7[%dma_wait3A_781, %dma_wait3A_782] : memref<4x128xi32, #tpu.memory_space<vmem>> -> memref<2x128xi32, #tpu.memory_space<vmem>>
          %dma_wait3A_784 = arith.constant 0 : i32
          %dma_wait3A_785 = tpu.memref_slice %arg2[%run_scoped3A_472, %mul3A_471, %dma_wait3A_784] : memref<2x2500x128xi32, #tpu.memory_space<hbm>> -> memref<1x2x128xi32, #tpu.memory_space<hbm>>
          %dma_wait3A_786 = tpu.memref_squeeze %dma_wait3A_785 : memref<1x2x128xi32, #tpu.memory_space<hbm>> -> memref<2x128xi32, #tpu.memory_space<hbm>>
          tpu.wait_dma2 semaphore(%run_scoped3A_762 : memref<!tpu.dma_semaphore, #tpu.memory_space<semaphore_mem>>) src(%dma_wait3A_786 : memref<2x128xi32, #tpu.memory_space<hbm>>) dst(%dma_wait3A_783 : memref<2x128xi32, #tpu.memory_space<vmem>>)
          tpu.yield
        }) : () -> ()
        %get3A_473 = arith.constant 0 : i32
        %get3A_474 = arith.index_cast %get3A_473 : i32 to index
        %get3A_475 = arith.constant 0 : index
        %get3A_476 = tpu.vector_load %arg7[%get3A_474, %get3A_475] {strides = array<i32>} : memref<4x128xi32, #tpu.memory_space<vmem>>, vector<1x16xi32>,
        %get3A_477 = vector.shape_cast %get3A_476 : vector<1x16xi32> to vector<16xi32>
        %mul3A_478 = arith.constant 2 : i32
        %mul3A_479 = vector.broadcast %mul3A_478 : i32 to vector<16xi32>
        %mul3A_480 = arith.muli %mul3A_479, %get3A_477 : vector<16xi32>
        %add3A_481 = vector.broadcast %arg0 : i32 to vector<16xi32>
        %add3A_482 = arith.addi %mul3A_480, %add3A_481 : vector<16xi32>
        %swap3A_483 = arith.constant 0 : i32
        %swap3A_484 = arith.index_cast %swap3A_483 : i32 to index
        %swap3A_485 = arith.constant 0 : index
        %swap3A_486 = tpu.vector_load %arg7[%swap3A_484, %swap3A_485] {strides = array<i32>} : memref<4x128xi32, #tpu.memory_space<vmem>>, vector<1x16xi32>,
        %swap3A_487 = vector.shape_cast %swap3A_486 : vector<1x16xi32> to vector<16xi32>
        %swap3A_488 = vector.shape_cast %add3A_482 : vector<16xi32> to vector<1x16xi32>
        tpu.vector_store %arg7[%swap3A_484, %swap3A_485], %swap3A_488 {strides = array<i32>} : memref<4x128xi32, #tpu.memory_space<vmem>>, vector<1x16xi32>,
        %get3A_489 = arith.constant 0 : i32
        %get3A_490 = arith.index_cast %get3A_489 : i32 to index
        %get3A_491 = arith.constant 16 : index
        %get3A_492 = tpu.vector_load %arg7[%get3A_490, %get3A_491] {strides = array<i32>} : memref<4x128xi32, #tpu.memory_space<vmem>>, vector<1x16xi32>,
        %get3A_493 = vector.shape_cast %get3A_492 : vector<1x16xi32> to vector<16xi32>
        %mul3A_494 = arith.constant 2 : i32
        %mul3A_495 = vector.broadcast %mul3A_494 : i32 to vector<16xi32>
        %mul3A_496 = arith.muli %mul3A_495, %get3A_493 : vector<16xi32>
        %add3A_497 = vector.broadcast %arg0 : i32 to vector<16xi32>
        %add3A_498 = arith.addi %mul3A_496, %add3A_497 : vector<16xi32>
        %swap3A_499 = arith.constant 0 : i32
        %swap3A_500 = arith.index_cast %swap3A_499 : i32 to index
        %swap3A_501 = arith.constant 16 : index
        %swap3A_502 = tpu.vector_load %arg7[%swap3A_500, %swap3A_501] {strides = array<i32>} : memref<4x128xi32, #tpu.memory_space<vmem>>, vector<1x16xi32>,
        %swap3A_503 = vector.shape_cast %swap3A_502 : vector<1x16xi32> to vector<16xi32>
        %swap3A_504 = vector.shape_cast %add3A_498 : vector<16xi32> to vector<1x16xi32>
        tpu.vector_store %arg7[%swap3A_500, %swap3A_501], %swap3A_504 {strides = array<i32>} : memref<4x128xi32, #tpu.memory_space<vmem>>, vector<1x16xi32>,
        %get3A_505 = arith.constant 0 : i32
        %get3A_506 = arith.index_cast %get3A_505 : i32 to index
        %get3A_507 = arith.constant 32 : index
        %get3A_508 = tpu.vector_load %arg7[%get3A_506, %get3A_507] {strides = array<i32>} : memref<4x128xi32, #tpu.memory_space<vmem>>, vector<1x16xi32>,
        %get3A_509 = vector.shape_cast %get3A_508 : vector<1x16xi32> to vector<16xi32>
        %mul3A_510 = arith.constant 2 : i32
        %mul3A_511 = vector.broadcast %mul3A_510 : i32 to vector<16xi32>
        %mul3A_512 = arith.muli %mul3A_511, %get3A_509 : vector<16xi32>
        %add3A_513 = vector.broadcast %arg0 : i32 to vector<16xi32>
        %add3A_514 = arith.addi %mul3A_512, %add3A_513 : vector<16xi32>
        %swap3A_515 = arith.constant 0 : i32
        %swap3A_516 = arith.index_cast %swap3A_515 : i32 to index
        %swap3A_517 = arith.constant 32 : index
        %swap3A_518 = tpu.vector_load %arg7[%swap3A_516, %swap3A_517] {strides = array<i32>} : memref<4x128xi32, #tpu.memory_space<vmem>>, vector<1x16xi32>,
        %swap3A_519 = vector.shape_cast %swap3A_518 : vector<1x16xi32> to vector<16xi32>
        %swap3A_520 = vector.shape_cast %add3A_514 : vector<16xi32> to vector<1x16xi32>
        tpu.vector_store %arg7[%swap3A_516, %swap3A_517], %swap3A_520 {strides = array<i32>} : memref<4x128xi32, #tpu.memory_space<vmem>>, vector<1x16xi32>,
        %get3A_521 = arith.constant 0 : i32
        %get3A_522 = arith.index_cast %get3A_521 : i32 to index
        %get3A_523 = arith.constant 48 : index
        %get3A_524 = tpu.vector_load %arg7[%get3A_522, %get3A_523] {strides = array<i32>} : memref<4x128xi32, #tpu.memory_space<vmem>>, vector<1x16xi32>,
        %get3A_525 = vector.shape_cast %get3A_524 : vector<1x16xi32> to vector<16xi32>
        %mul3A_526 = arith.constant 2 : i32
        %mul3A_527 = vector.broadcast %mul3A_526 : i32 to vector<16xi32>
        %mul3A_528 = arith.muli %mul3A_527, %get3A_525 : vector<16xi32>
        %add3A_529 = vector.broadcast %arg0 : i32 to vector<16xi32>
        %add3A_530 = arith.addi %mul3A_528, %add3A_529 : vector<16xi32>
        %swap3A_531 = arith.constant 0 : i32
        %swap3A_532 = arith.index_cast %swap3A_531 : i32 to index
        %swap3A_533 = arith.constant 48 : index
        %swap3A_534 = tpu.vector_load %arg7[%swap3A_532, %swap3A_533] {strides = array<i32>} : memref<4x128xi32, #tpu.memory_space<vmem>>, vector<1x16xi32>,
        %swap3A_535 = vector.shape_cast %swap3A_534 : vector<1x16xi32> to vector<16xi32>
        %swap3A_536 = vector.shape_cast %add3A_530 : vector<16xi32> to vector<1x16xi32>
        tpu.vector_store %arg7[%swap3A_532, %swap3A_533], %swap3A_536 {strides = array<i32>} : memref<4x128xi32, #tpu.memory_space<vmem>>, vector<1x16xi32>,
        %get3A_537 = arith.constant 0 : i32
        %get3A_538 = arith.index_cast %get3A_537 : i32 to index
        %get3A_539 = arith.constant 64 : index
        %get3A_540 = tpu.vector_load %arg7[%get3A_538, %get3A_539] {strides = array<i32>} : memref<4x128xi32, #tpu.memory_space<vmem>>, vector<1x16xi32>,
        %get3A_541 = vector.shape_cast %get3A_540 : vector<1x16xi32> to vector<16xi32>
        %mul3A_542 = arith.constant 2 : i32
        %mul3A_543 = vector.broadcast %mul3A_542 : i32 to vector<16xi32>
        %mul3A_544 = arith.muli %mul3A_543, %get3A_541 : vector<16xi32>
        %add3A_545 = vector.broadcast %arg0 : i32 to vector<16xi32>
        %add3A_546 = arith.addi %mul3A_544, %add3A_545 : vector<16xi32>
        %swap3A_547 = arith.constant 0 : i32
        %swap3A_548 = arith.index_cast %swap3A_547 : i32 to index
        %swap3A_549 = arith.constant 64 : index
        %swap3A_550 = tpu.vector_load %arg7[%swap3A_548, %swap3A_549] {strides = array<i32>} : memref<4x128xi32, #tpu.memory_space<vmem>>, vector<1x16xi32>,
        %swap3A_551 = vector.shape_cast %swap3A_550 : vector<1x16xi32> to vector<16xi32>
        %swap3A_552 = vector.shape_cast %add3A_546 : vector<16xi32> to vector<1x16xi32>
        tpu.vector_store %arg7[%swap3A_548, %swap3A_549], %swap3A_552 {strides = array<i32>} : memref<4x128xi32, #tpu.memory_space<vmem>>, vector<1x16xi32>,
        %get3A_553 = arith.constant 0 : i32
        %get3A_554 = arith.index_cast %get3A_553 : i32 to index
        %get3A_555 = arith.constant 80 : index
        %get3A_556 = tpu.vector_load %arg7[%get3A_554, %get3A_555] {strides = array<i32>} : memref<4x128xi32, #tpu.memory_space<vmem>>, vector<1x16xi32>,
        %get3A_557 = vector.shape_cast %get3A_556 : vector<1x16xi32> to vector<16xi32>
        %mul3A_558 = arith.constant 2 : i32
        %mul3A_559 = vector.broadcast %mul3A_558 : i32 to vector<16xi32>
        %mul3A_560 = arith.muli %mul3A_559, %get3A_557 : vector<16xi32>
        %add3A_561 = vector.broadcast %arg0 : i32 to vector<16xi32>
        %add3A_562 = arith.addi %mul3A_560, %add3A_561 : vector<16xi32>
        %swap3A_563 = arith.constant 0 : i32
        %swap3A_564 = arith.index_cast %swap3A_563 : i32 to index
        %swap3A_565 = arith.constant 80 : index
        %swap3A_566 = tpu.vector_load %arg7[%swap3A_564, %swap3A_565] {strides = array<i32>} : memref<4x128xi32, #tpu.memory_space<vmem>>, vector<1x16xi32>,
        %swap3A_567 = vector.shape_cast %swap3A_566 : vector<1x16xi32> to vector<16xi32>
        %swap3A_568 = vector.shape_cast %add3A_562 : vector<16xi32> to vector<1x16xi32>
        tpu.vector_store %arg7[%swap3A_564, %swap3A_565], %swap3A_568 {strides = array<i32>} : memref<4x128xi32, #tpu.memory_space<vmem>>, vector<1x16xi32>,
        %get3A_569 = arith.constant 0 : i32
        %get3A_570 = arith.index_cast %get3A_569 : i32 to index
        %get3A_571 = arith.constant 96 : index
        %get3A_572 = tpu.vector_load %arg7[%get3A_570, %get3A_571] {strides = array<i32>} : memref<4x128xi32, #tpu.memory_space<vmem>>, vector<1x16xi32>,
        %get3A_573 = vector.shape_cast %get3A_572 : vector<1x16xi32> to vector<16xi32>
        %mul3A_574 = arith.constant 2 : i32
        %mul3A_575 = vector.broadcast %mul3A_574 : i32 to vector<16xi32>
        %mul3A_576 = arith.muli %mul3A_575, %get3A_573 : vector<16xi32>
        %add3A_577 = vector.broadcast %arg0 : i32 to vector<16xi32>
        %add3A_578 = arith.addi %mul3A_576, %add3A_577 : vector<16xi32>
        %swap3A_579 = arith.constant 0 : i32
        %swap3A_580 = arith.index_cast %swap3A_579 : i32 to index
        %swap3A_581 = arith.constant 96 : index
        %swap3A_582 = tpu.vector_load %arg7[%swap3A_580, %swap3A_581] {strides = array<i32>} : memref<4x128xi32, #tpu.memory_space<vmem>>, vector<1x16xi32>,
        %swap3A_583 = vector.shape_cast %swap3A_582 : vector<1x16xi32> to vector<16xi32>
        %swap3A_584 = vector.shape_cast %add3A_578 : vector<16xi32> to vector<1x16xi32>
        tpu.vector_store %arg7[%swap3A_580, %swap3A_581], %swap3A_584 {strides = array<i32>} : memref<4x128xi32, #tpu.memory_space<vmem>>, vector<1x16xi32>,
        %get3A_585 = arith.constant 0 : i32
        %get3A_586 = arith.index_cast %get3A_585 : i32 to index
        %get3A_587 = arith.constant 112 : index
        %get3A_588 = tpu.vector_load %arg7[%get3A_586, %get3A_587] {strides = array<i32>} : memref<4x128xi32, #tpu.memory_space<vmem>>, vector<1x16xi32>,
        %get3A_589 = vector.shape_cast %get3A_588 : vector<1x16xi32> to vector<16xi32>
        %mul3A_590 = arith.constant 2 : i32
        %mul3A_591 = vector.broadcast %mul3A_590 : i32 to vector<16xi32>
        %mul3A_592 = arith.muli %mul3A_591, %get3A_589 : vector<16xi32>
        %add3A_593 = vector.broadcast %arg0 : i32 to vector<16xi32>
        %add3A_594 = arith.addi %mul3A_592, %add3A_593 : vector<16xi32>
        %swap3A_595 = arith.constant 0 : i32
        %swap3A_596 = arith.index_cast %swap3A_595 : i32 to index
        %swap3A_597 = arith.constant 112 : index
        %swap3A_598 = tpu.vector_load %arg7[%swap3A_596, %swap3A_597] {strides = array<i32>} : memref<4x128xi32, #tpu.memory_space<vmem>>, vector<1x16xi32>,
        %swap3A_599 = vector.shape_cast %swap3A_598 : vector<1x16xi32> to vector<16xi32>
        %swap3A_600 = vector.shape_cast %add3A_594 : vector<16xi32> to vector<1x16xi32>
        tpu.vector_store %arg7[%swap3A_596, %swap3A_597], %swap3A_600 {strides = array<i32>} : memref<4x128xi32, #tpu.memory_space<vmem>>, vector<1x16xi32>,
        %get3A_601 = arith.constant 1 : i32
        %get3A_602 = arith.index_cast %get3A_601 : i32 to index
        %get3A_603 = arith.constant 0 : index
        %get3A_604 = tpu.vector_load %arg7[%get3A_602, %get3A_603] {strides = array<i32>} : memref<4x128xi32, #tpu.memory_space<vmem>>, vector<1x16xi32>,
        %get3A_605 = vector.shape_cast %get3A_604 : vector<1x16xi32> to vector<16xi32>
        %mul3A_606 = arith.constant 2 : i32
        %mul3A_607 = vector.broadcast %mul3A_606 : i32 to vector<16xi32>
        %mul3A_608 = arith.muli %mul3A_607, %get3A_605 : vector<16xi32>
        %add3A_609 = vector.broadcast %arg0 : i32 to vector<16xi32>
        %add3A_610 = arith.addi %mul3A_608, %add3A_609 : vector<16xi32>
        %swap3A_611 = arith.constant 1 : i32
        %swap3A_612 = arith.index_cast %swap3A_611 : i32 to index
        %swap3A_613 = arith.constant 0 : index
        %swap3A_614 = tpu.vector_load %arg7[%swap3A_612, %swap3A_613] {strides = array<i32>} : memref<4x128xi32, #tpu.memory_space<vmem>>, vector<1x16xi32>,
        %swap3A_615 = vector.shape_cast %swap3A_614 : vector<1x16xi32> to vector<16xi32>
        %swap3A_616 = vector.shape_cast %add3A_610 : vector<16xi32> to vector<1x16xi32>
        tpu.vector_store %arg7[%swap3A_612, %swap3A_613], %swap3A_616 {strides = array<i32>} : memref<4x128xi32, #tpu.memory_space<vmem>>, vector<1x16xi32>,
        %get3A_617 = arith.constant 1 : i32
        %get3A_618 = arith.index_cast %get3A_617 : i32 to index
        %get3A_619 = arith.constant 16 : index
        %get3A_620 = tpu.vector_load %arg7[%get3A_618, %get3A_619] {strides = array<i32>} : memref<4x128xi32, #tpu.memory_space<vmem>>, vector<1x16xi32>,
        %get3A_621 = vector.shape_cast %get3A_620 : vector<1x16xi32> to vector<16xi32>
        %mul3A_622 = arith.constant 2 : i32
        %mul3A_623 = vector.broadcast %mul3A_622 : i32 to vector<16xi32>
        %mul3A_624 = arith.muli %mul3A_623, %get3A_621 : vector<16xi32>
        %add3A_625 = vector.broadcast %arg0 : i32 to vector<16xi32>
        %add3A_626 = arith.addi %mul3A_624, %add3A_625 : vector<16xi32>
        %swap3A_627 = arith.constant 1 : i32
        %swap3A_628 = arith.index_cast %swap3A_627 : i32 to index
        %swap3A_629 = arith.constant 16 : index
        %swap3A_630 = tpu.vector_load %arg7[%swap3A_628, %swap3A_629] {strides = array<i32>} : memref<4x128xi32, #tpu.memory_space<vmem>>, vector<1x16xi32>,
        %swap3A_631 = vector.shape_cast %swap3A_630 : vector<1x16xi32> to vector<16xi32>
        %swap3A_632 = vector.shape_cast %add3A_626 : vector<16xi32> to vector<1x16xi32>
        tpu.vector_store %arg7[%swap3A_628, %swap3A_629], %swap3A_632 {strides = array<i32>} : memref<4x128xi32, #tpu.memory_space<vmem>>, vector<1x16xi32>,
        %get3A_633 = arith.constant 1 : i32
        %get3A_634 = arith.index_cast %get3A_633 : i32 to index
        %get3A_635 = arith.constant 32 : index
        %get3A_636 = tpu.vector_load %arg7[%get3A_634, %get3A_635] {strides = array<i32>} : memref<4x128xi32, #tpu.memory_space<vmem>>, vector<1x16xi32>,
        %get3A_637 = vector.shape_cast %get3A_636 : vector<1x16xi32> to vector<16xi32>
        %mul3A_638 = arith.constant 2 : i32
        %mul3A_639 = vector.broadcast %mul3A_638 : i32 to vector<16xi32>
        %mul3A_640 = arith.muli %mul3A_639, %get3A_637 : vector<16xi32>
        %add3A_641 = vector.broadcast %arg0 : i32 to vector<16xi32>
        %add3A_642 = arith.addi %mul3A_640, %add3A_641 : vector<16xi32>
        %swap3A_643 = arith.constant 1 : i32
        %swap3A_644 = arith.index_cast %swap3A_643 : i32 to index
        %swap3A_645 = arith.constant 32 : index
        %swap3A_646 = tpu.vector_load %arg7[%swap3A_644, %swap3A_645] {strides = array<i32>} : memref<4x128xi32, #tpu.memory_space<vmem>>, vector<1x16xi32>,
        %swap3A_647 = vector.shape_cast %swap3A_646 : vector<1x16xi32> to vector<16xi32>
        %swap3A_648 = vector.shape_cast %add3A_642 : vector<16xi32> to vector<1x16xi32>
        tpu.vector_store %arg7[%swap3A_644, %swap3A_645], %swap3A_648 {strides = array<i32>} : memref<4x128xi32, #tpu.memory_space<vmem>>, vector<1x16xi32>,
        %get3A_649 = arith.constant 1 : i32
        %get3A_650 = arith.index_cast %get3A_649 : i32 to index
        %get3A_651 = arith.constant 48 : index
        %get3A_652 = tpu.vector_load %arg7[%get3A_650, %get3A_651] {strides = array<i32>} : memref<4x128xi32, #tpu.memory_space<vmem>>, vector<1x16xi32>,
        %get3A_653 = vector.shape_cast %get3A_652 : vector<1x16xi32> to vector<16xi32>
        %mul3A_654 = arith.constant 2 : i32
        %mul3A_655 = vector.broadcast %mul3A_654 : i32 to vector<16xi32>
        %mul3A_656 = arith.muli %mul3A_655, %get3A_653 : vector<16xi32>
        %add3A_657 = vector.broadcast %arg0 : i32 to vector<16xi32>
        %add3A_658 = arith.addi %mul3A_656, %add3A_657 : vector<16xi32>
        %swap3A_659 = arith.constant 1 : i32
        %swap3A_660 = arith.index_cast %swap3A_659 : i32 to index
        %swap3A_661 = arith.constant 48 : index
        %swap3A_662 = tpu.vector_load %arg7[%swap3A_660, %swap3A_661] {strides = array<i32>} : memref<4x128xi32, #tpu.memory_space<vmem>>, vector<1x16xi32>,
        %swap3A_663 = vector.shape_cast %swap3A_662 : vector<1x16xi32> to vector<16xi32>
        %swap3A_664 = vector.shape_cast %add3A_658 : vector<16xi32> to vector<1x16xi32>
        tpu.vector_store %arg7[%swap3A_660, %swap3A_661], %swap3A_664 {strides = array<i32>} : memref<4x128xi32, #tpu.memory_space<vmem>>, vector<1x16xi32>,
        %get3A_665 = arith.constant 1 : i32
        %get3A_666 = arith.index_cast %get3A_665 : i32 to index
        %get3A_667 = arith.constant 64 : index
        %get3A_668 = tpu.vector_load %arg7[%get3A_666, %get3A_667] {strides = array<i32>} : memref<4x128xi32, #tpu.memory_space<vmem>>, vector<1x16xi32>,
        %get3A_669 = vector.shape_cast %get3A_668 : vector<1x16xi32> to vector<16xi32>
        %mul3A_670 = arith.constant 2 : i32
        %mul3A_671 = vector.broadcast %mul3A_670 : i32 to vector<16xi32>
        %mul3A_672 = arith.muli %mul3A_671, %get3A_669 : vector<16xi32>
        %add3A_673 = vector.broadcast %arg0 : i32 to vector<16xi32>
        %add3A_674 = arith.addi %mul3A_672, %add3A_673 : vector<16xi32>
        %swap3A_675 = arith.constant 1 : i32
        %swap3A_676 = arith.index_cast %swap3A_675 : i32 to index
        %swap3A_677 = arith.constant 64 : index
        %swap3A_678 = tpu.vector_load %arg7[%swap3A_676, %swap3A_677] {strides = array<i32>} : memref<4x128xi32, #tpu.memory_space<vmem>>, vector<1x16xi32>,
        %swap3A_679 = vector.shape_cast %swap3A_678 : vector<1x16xi32> to vector<16xi32>
        %swap3A_680 = vector.shape_cast %add3A_674 : vector<16xi32> to vector<1x16xi32>
        tpu.vector_store %arg7[%swap3A_676, %swap3A_677], %swap3A_680 {strides = array<i32>} : memref<4x128xi32, #tpu.memory_space<vmem>>, vector<1x16xi32>,
        %get3A_681 = arith.constant 1 : i32
        %get3A_682 = arith.index_cast %get3A_681 : i32 to index
        %get3A_683 = arith.constant 80 : index
        %get3A_684 = tpu.vector_load %arg7[%get3A_682, %get3A_683] {strides = array<i32>} : memref<4x128xi32, #tpu.memory_space<vmem>>, vector<1x16xi32>,
        %get3A_685 = vector.shape_cast %get3A_684 : vector<1x16xi32> to vector<16xi32>
        %mul3A_686 = arith.constant 2 : i32
        %mul3A_687 = vector.broadcast %mul3A_686 : i32 to vector<16xi32>
        %mul3A_688 = arith.muli %mul3A_687, %get3A_685 : vector<16xi32>
        %add3A_689 = vector.broadcast %arg0 : i32 to vector<16xi32>
        %add3A_690 = arith.addi %mul3A_688, %add3A_689 : vector<16xi32>
        %swap3A_691 = arith.constant 1 : i32
        %swap3A_692 = arith.index_cast %swap3A_691 : i32 to index
        %swap3A_693 = arith.constant 80 : index
        %swap3A_694 = tpu.vector_load %arg7[%swap3A_692, %swap3A_693] {strides = array<i32>} : memref<4x128xi32, #tpu.memory_space<vmem>>, vector<1x16xi32>,
        %swap3A_695 = vector.shape_cast %swap3A_694 : vector<1x16xi32> to vector<16xi32>
        %swap3A_696 = vector.shape_cast %add3A_690 : vector<16xi32> to vector<1x16xi32>
        tpu.vector_store %arg7[%swap3A_692, %swap3A_693], %swap3A_696 {strides = array<i32>} : memref<4x128xi32, #tpu.memory_space<vmem>>, vector<1x16xi32>,
        %get3A_697 = arith.constant 1 : i32
        %get3A_698 = arith.index_cast %get3A_697 : i32 to index
        %get3A_699 = arith.constant 96 : index
        %get3A_700 = tpu.vector_load %arg7[%get3A_698, %get3A_699] {strides = array<i32>} : memref<4x128xi32, #tpu.memory_space<vmem>>, vector<1x16xi32>,
        %get3A_701 = vector.shape_cast %get3A_700 : vector<1x16xi32> to vector<16xi32>
        %mul3A_702 = arith.constant 2 : i32
        %mul3A_703 = vector.broadcast %mul3A_702 : i32 to vector<16xi32>
        %mul3A_704 = arith.muli %mul3A_703, %get3A_701 : vector<16xi32>
        %add3A_705 = vector.broadcast %arg0 : i32 to vector<16xi32>
        %add3A_706 = arith.addi %mul3A_704, %add3A_705 : vector<16xi32>
        %swap3A_707 = arith.constant 1 : i32
        %swap3A_708 = arith.index_cast %swap3A_707 : i32 to index
        %swap3A_709 = arith.constant 96 : index
        %swap3A_710 = tpu.vector_load %arg7[%swap3A_708, %swap3A_709] {strides = array<i32>} : memref<4x128xi32, #tpu.memory_space<vmem>>, vector<1x16xi32>,
        %swap3A_711 = vector.shape_cast %swap3A_710 : vector<1x16xi32> to vector<16xi32>
        %swap3A_712 = vector.shape_cast %add3A_706 : vector<16xi32> to vector<1x16xi32>
        tpu.vector_store %arg7[%swap3A_708, %swap3A_709], %swap3A_712 {strides = array<i32>} : memref<4x128xi32, #tpu.memory_space<vmem>>, vector<1x16xi32>,
        %get3A_713 = arith.constant 1 : i32
        %get3A_714 = arith.index_cast %get3A_713 : i32 to index
        %get3A_715 = arith.constant 112 : index
        %get3A_716 = tpu.vector_load %arg7[%get3A_714, %get3A_715] {strides = array<i32>} : memref<4x128xi32, #tpu.memory_space<vmem>>, vector<1x16xi32>,
        %get3A_717 = vector.shape_cast %get3A_716 : vector<1x16xi32> to vector<16xi32>
        %mul3A_718 = arith.constant 2 : i32
        %mul3A_719 = vector.broadcast %mul3A_718 : i32 to vector<16xi32>
        %mul3A_720 = arith.muli %mul3A_719, %get3A_717 : vector<16xi32>
        %add3A_721 = vector.broadcast %arg0 : i32 to vector<16xi32>
        %add3A_722 = arith.addi %mul3A_720, %add3A_721 : vector<16xi32>
        %swap3A_723 = arith.constant 1 : i32
        %swap3A_724 = arith.index_cast %swap3A_723 : i32 to index
        %swap3A_725 = arith.constant 112 : index
        %swap3A_726 = tpu.vector_load %arg7[%swap3A_724, %swap3A_725] {strides = array<i32>} : memref<4x128xi32, #tpu.memory_space<vmem>>, vector<1x16xi32>,
        %swap3A_727 = vector.shape_cast %swap3A_726 : vector<1x16xi32> to vector<16xi32>
        %swap3A_728 = vector.shape_cast %add3A_722 : vector<16xi32> to vector<1x16xi32>
        tpu.vector_store %arg7[%swap3A_724, %swap3A_725], %swap3A_728 {strides = array<i32>} : memref<4x128xi32, #tpu.memory_space<vmem>>, vector<1x16xi32>,
        %add3A_729 = arith.constant 1 : i32
        %add3A_730 = arith.addi %add3A_446, %add3A_729 : i32
        %mul3A_731 = arith.constant 16 : i32
        %mul3A_732 = arith.muli %add3A_730, %mul3A_731 : i32
        %add3A_733 = arith.addi %arg1, %mul3A_732 : i32
        %dma_start3A_734 = arith.constant 0 : i32
        %dma_start3A_735 = arith.constant 0 : i32
        %dma_start3A_736 = arith.constant 0 : i32
        %dma_start3A_737 = tpu.memref_slice %arg9[%dma_start3A_735, %dma_start3A_736] : memref<256x64xf32, #tpu.memory_space<vmem>> -> memref<128x64xf32, #tpu.memory_space<vmem>>
        %dma_start3A_738 = arith.constant 0 : i32
        %dma_start3A_739 = tpu.memref_slice %arg7[%dma_start3A_734, %dma_start3A_738] : memref<4x128xi32, #tpu.memory_space<vmem>> -> memref<1x128xi32, #tpu.memory_space<vmem>>
        %dma_start3A_740 = tpu.memref_squeeze %dma_start3A_739 : memref<1x128xi32, #tpu.memory_space<vmem>> -> memref<128xi32, #tpu.memory_space<vmem>>
        %dma_start3A_741 = arith.constant 0 : i32
        %dma_start3A_742 = arith.constant 0 : i32
        %dma_start3A_743 = tpu.memref_slice %arg3[%dma_start3A_741, %dma_start3A_742] : memref<20000x64xf32, #tpu.memory_space<hbm>> -> memref<20000x64xf32, #tpu.memory_space<hbm>>
        tpu.enqueue_indirect_dma source(%dma_start3A_743 : memref<20000x64xf32, #tpu.memory_space<hbm>>) target(%dma_start3A_737 : memref<128x64xf32, #tpu.memory_space<vmem>>) offsets(%dma_start3A_740 : memref<128xi32, #tpu.memory_space<vmem>>) semaphore(%arg16 : memref<!tpu.dma_semaphore, #tpu.memory_space<semaphore_mem>>)
        %dma_start3A_744 = arith.constant 1 : i32
        %dma_start3A_745 = arith.constant 128 : i32
        %dma_start3A_746 = arith.constant 0 : i32
        %dma_start3A_747 = tpu.memref_slice %arg9[%dma_start3A_745, %dma_start3A_746] : memref<256x64xf32, #tpu.memory_space<vmem>> -> memref<128x64xf32, #tpu.memory_space<vmem>>
        %dma_start3A_748 = arith.constant 0 : i32
        %dma_start3A_749 = tpu.memref_slice %arg7[%dma_start3A_744, %dma_start3A_748] : memref<4x128xi32, #tpu.memory_space<vmem>> -> memref<1x128xi32, #tpu.memory_space<vmem>>
        %dma_start3A_750 = tpu.memref_squeeze %dma_start3A_749 : memref<1x128xi32, #tpu.memory_space<vmem>> -> memref<128xi32, #tpu.memory_space<vmem>>
        %dma_start3A_751 = arith.constant 0 : i32
        %dma_start3A_752 = arith.constant 0 : i32
        %dma_start3A_753 = tpu.memref_slice %arg3[%dma_start3A_751, %dma_start3A_752] : memref<20000x64xf32, #tpu.memory_space<hbm>> -> memref<20000x64xf32, #tpu.memory_space<hbm>>
        tpu.enqueue_indirect_dma source(%dma_start3A_753 : memref<20000x64xf32, #tpu.memory_space<hbm>>) target(%dma_start3A_747 : memref<128x64xf32, #tpu.memory_space<vmem>>) offsets(%dma_start3A_750 : memref<128xi32, #tpu.memory_space<vmem>>) semaphore(%arg16 : memref<!tpu.dma_semaphore, #tpu.memory_space<semaphore_mem>>)
        %mul3A_754 = arith.constant 32 : i32
        %mul3A_755 = arith.muli %add3A_733, %mul3A_754 : i32
        %dma_start3A_756 = arith.constant 0 : i32
        %dma_start3A_757 = tpu.memref_slice %arg4[%arg0, %mul3A_755, %dma_start3A_756] : memref<2x40000x512xf32, #tpu.memory_space<hbm>> -> memref<1x32x512xf32, #tpu.memory_space<hbm>>
        %dma_start3A_758 = tpu.memref_squeeze %dma_start3A_757 : memref<1x32x512xf32, #tpu.memory_space<hbm>> -> memref<32x512xf32, #tpu.memory_space<hbm>>
        %dma_start3A_759 = arith.constant 0 : i32
        %dma_start3A_760 = tpu.memref_slice %arg4[%arg0, %mul3A_755, %dma_start3A_759] : memref<2x40000x512xf32, #tpu.memory_space<hbm>> -> memref<1x32x512xf32, #tpu.memory_space<hbm>>
        %dma_start3A_761 = tpu.memref_squeeze %dma_start3A_760 : memref<1x32x512xf32, #tpu.memory_space<hbm>> -> memref<32x512xf32, #tpu.memory_space<hbm>>
        tpu.enqueue_dma source(%dma_start3A_761 : memref<32x512xf32, #tpu.memory_space<hbm>>) target(%arg11 : memref<32x512xf32, #tpu.memory_space<vmem>>) target_semaphore(%arg18 : memref<!tpu.dma_semaphore, #tpu.memory_space<semaphore_mem>>)
      } else {
      }
      %lt3A_453 = arith.cmpi slt, %add3A_446, %select_n3A : i32
      %convert_element_type3A_454 = arith.extui %lt3A_453 : i1 to i32
      %cond3A_455 = arith.constant 0 : i32
      %cond3A_456 = arith.cmpi ne, %convert_element_type3A_454, %cond3A_455 : i32
      scf.if %cond3A_456 {
        %dma_wait3A_458 = arith.constant 0 : i32
        %dma_wait3A_459 = arith.constant 0 : i32
        %dma_wait3A_460 = arith.constant 0 : i32
        %dma_wait3A_461 = tpu.memref_slice %arg10[%dma_wait3A_459, %dma_wait3A_460] : memref<256x64xf32, #tpu.memory_space<vmem>> -> memref<128x64xf32, #tpu.memory_space<vmem>>
        %dma_wait3A_462 = arith.constant 0 : i32
        %dma_wait3A_463 = tpu.memref_slice %arg8[%dma_wait3A_458, %dma_wait3A_462] : memref<4x128xi32, #tpu.memory_space<vmem>> -> memref<1x128xi32, #tpu.memory_space<vmem>>
        %dma_wait3A_464 = tpu.memref_squeeze %dma_wait3A_463 : memref<1x128xi32, #tpu.memory_space<vmem>> -> memref<128xi32, #tpu.memory_space<vmem>>
        %dma_wait3A_465 = arith.constant 0 : i32
        %dma_wait3A_466 = arith.constant 0 : i32
        %dma_wait3A_467 = tpu.memref_slice %arg3[%dma_wait3A_465, %dma_wait3A_466] : memref<20000x64xf32, #tpu.memory_space<hbm>> -> memref<20000x64xf32, #tpu.memory_space<hbm>>
        tpu.wait_indirect_dma semaphore(%arg17 : memref<!tpu.dma_semaphore, #tpu.memory_space<semaphore_mem>>) src(%dma_wait3A_467 : memref<20000x64xf32, #tpu.memory_space<hbm>>) dst(%dma_wait3A_461 : memref<128x64xf32, #tpu.memory_space<vmem>>)
        %dma_wait3A_468 = arith.constant 1 : i32
        %dma_wait3A_469 = arith.constant 128 : i32
        %dma_wait3A_470 = arith.constant 0 : i32
        %dma_wait3A_471 = tpu.memref_slice %arg10[%dma_wait3A_469, %dma_wait3A_470] : memref<256x64xf32, #tpu.memory_space<vmem>> -> memref<128x64xf32, #tpu.memory_space<vmem>>
        %dma_wait3A_472 = arith.constant 0 : i32
        %dma_wait3A_473 = tpu.memref_slice %arg8[%dma_wait3A_468, %dma_wait3A_472] : memref<4x128xi32, #tpu.memory_space<vmem>> -> memref<1x128xi32, #tpu.memory_space<vmem>>
        %dma_wait3A_474 = tpu.memref_squeeze %dma_wait3A_473 : memref<1x128xi32, #tpu.memory_space<vmem>> -> memref<128xi32, #tpu.memory_space<vmem>>
        %dma_wait3A_475 = arith.constant 0 : i32
        %dma_wait3A_476 = arith.constant 0 : i32
        %dma_wait3A_477 = tpu.memref_slice %arg3[%dma_wait3A_475, %dma_wait3A_476] : memref<20000x64xf32, #tpu.memory_space<hbm>> -> memref<20000x64xf32, #tpu.memory_space<hbm>>
        tpu.wait_indirect_dma semaphore(%arg17 : memref<!tpu.dma_semaphore, #tpu.memory_space<semaphore_mem>>) src(%dma_wait3A_477 : memref<20000x64xf32, #tpu.memory_space<hbm>>) dst(%dma_wait3A_471 : memref<128x64xf32, #tpu.memory_space<vmem>>)
        %dma_wait3A_478 = arith.constant 0 : i32
        %dma_wait3A_479 = arith.constant 0 : i32
        %dma_wait3A_480 = tpu.memref_slice %arg4[%arg0, %dma_wait3A_478, %dma_wait3A_479] : memref<2x40000x512xf32, #tpu.memory_space<hbm>> -> memref<1x32x512xf32, #tpu.memory_space<hbm>>
        %dma_wait3A_481 = tpu.memref_squeeze %dma_wait3A_480 : memref<1x32x512xf32, #tpu.memory_space<hbm>> -> memref<32x512xf32, #tpu.memory_space<hbm>>
        %dma_wait3A_482 = arith.constant 0 : i32
        %dma_wait3A_483 = arith.constant 0 : i32
        %dma_wait3A_484 = tpu.memref_slice %arg4[%arg0, %dma_wait3A_482, %dma_wait3A_483] : memref<2x40000x512xf32, #tpu.memory_space<hbm>> -> memref<1x32x512xf32, #tpu.memory_space<hbm>>
        %dma_wait3A_485 = tpu.memref_squeeze %dma_wait3A_484 : memref<1x32x512xf32, #tpu.memory_space<hbm>> -> memref<32x512xf32, #tpu.memory_space<hbm>>
        tpu.wait_dma2 semaphore(%arg19 : memref<!tpu.dma_semaphore, #tpu.memory_space<semaphore_mem>>) src(%dma_wait3A_485 : memref<32x512xf32, #tpu.memory_space<hbm>>) dst(%arg12 : memref<32x512xf32, #tpu.memory_space<vmem>>)
        %parallel_loop3A = arith.constant 0 : i32
        %parallel_loop3A_486 = arith.constant 256 : i32
        %parallel_loop3A_487 = arith.constant 1 : i32
        scf.for %parallel_loop3A_513 = %parallel_loop3A to %parallel_loop3A_486 step %parallel_loop3A_487  : i32 {
          %parallel_loop3A_514 = arith.constant 3 : i32
          %parallel_loop3A_515 = arith.shrsi %parallel_loop3A_513, %parallel_loop3A_514 : i32
          %parallel_loop3A_516 = arith.constant 7 : i32
          %parallel_loop3A_517 = arith.andi %parallel_loop3A_513, %parallel_loop3A_516 : i32
          %parallel_loop3A_518 = arith.constant 64 : i32
          %parallel_loop3A_519 = arith.muli %parallel_loop3A_517, %parallel_loop3A_518 : i32
          %parallel_loop3A_520 = arith.index_cast %parallel_loop3A_513 : i32 to index
          %parallel_loop3A_521 = arith.constant 0 : index
          %parallel_loop3A_522 = tpu.vector_load %arg10[%parallel_loop3A_520, %parallel_loop3A_521] {strides = array<i32>} : memref<256x64xf32, #tpu.memory_space<vmem>>, vector<1x16xf32>,
          %parallel_loop3A_523 = vector.shape_cast %parallel_loop3A_522 : vector<1x16xf32> to vector<16xf32>
          %parallel_loop3A_524 = arith.constant 0 : i32
          %parallel_loop3A_525 = arith.addi %parallel_loop3A_519, %parallel_loop3A_524 : i32
          %parallel_loop3A_526 = arith.index_cast %parallel_loop3A_515 : i32 to index
          %parallel_loop3A_527 = arith.index_cast %parallel_loop3A_525 : i32 to index
          %parallel_loop3A_528 = tpu.vector_load %arg12[%parallel_loop3A_526, %parallel_loop3A_527] {strides = array<i32>} : memref<32x512xf32, #tpu.memory_space<vmem>>, vector<1x16xf32>,
          %parallel_loop3A_529 = vector.shape_cast %parallel_loop3A_528 : vector<1x16xf32> to vector<16xf32>
          %parallel_loop3A_530 = arith.addf %parallel_loop3A_523, %parallel_loop3A_529 : vector<16xf32>
          %parallel_loop3A_531 = arith.constant 0.000000e+00 : f32
          %parallel_loop3A_532 = vector.broadcast %parallel_loop3A_531 : f32 to vector<16xf32>
          %parallel_loop3A_533 = arith.maximumf %parallel_loop3A_530, %parallel_loop3A_532 : vector<16xf32>
          %parallel_loop3A_534 = arith.index_cast %parallel_loop3A_513 : i32 to index
          %parallel_loop3A_535 = arith.constant 0 : index
          %parallel_loop3A_536 = tpu.vector_load %arg10[%parallel_loop3A_534, %parallel_loop3A_535] {strides = array<i32>} : memref<256x64xf32, #tpu.memory_space<vmem>>, vector<1x16xf32>,
          %parallel_loop3A_537 = vector.shape_cast %parallel_loop3A_536 : vector<1x16xf32> to vector<16xf32>
          %parallel_loop3A_538 = vector.shape_cast %parallel_loop3A_533 : vector<16xf32> to vector<1x16xf32>
          tpu.vector_store %arg10[%parallel_loop3A_534, %parallel_loop3A_535], %parallel_loop3A_538 {strides = array<i32>} : memref<256x64xf32, #tpu.memory_space<vmem>>, vector<1x16xf32>,
          %parallel_loop3A_539 = arith.index_cast %parallel_loop3A_513 : i32 to index
          %parallel_loop3A_540 = arith.constant 16 : index
          %parallel_loop3A_541 = tpu.vector_load %arg10[%parallel_loop3A_539, %parallel_loop3A_540] {strides = array<i32>} : memref<256x64xf32, #tpu.memory_space<vmem>>, vector<1x16xf32>,
          %parallel_loop3A_542 = vector.shape_cast %parallel_loop3A_541 : vector<1x16xf32> to vector<16xf32>
          %parallel_loop3A_543 = arith.constant 16 : i32
          %parallel_loop3A_544 = arith.addi %parallel_loop3A_519, %parallel_loop3A_543 : i32
          %parallel_loop3A_545 = arith.index_cast %parallel_loop3A_515 : i32 to index
          %parallel_loop3A_546 = arith.index_cast %parallel_loop3A_544 : i32 to index
          %parallel_loop3A_547 = tpu.vector_load %arg12[%parallel_loop3A_545, %parallel_loop3A_546] {strides = array<i32>} : memref<32x512xf32, #tpu.memory_space<vmem>>, vector<1x16xf32>,
          %parallel_loop3A_548 = vector.shape_cast %parallel_loop3A_547 : vector<1x16xf32> to vector<16xf32>
          %parallel_loop3A_549 = arith.addf %parallel_loop3A_542, %parallel_loop3A_548 : vector<16xf32>
          %parallel_loop3A_550 = arith.constant 0.000000e+00 : f32
          %parallel_loop3A_551 = vector.broadcast %parallel_loop3A_550 : f32 to vector<16xf32>
          %parallel_loop3A_552 = arith.maximumf %parallel_loop3A_549, %parallel_loop3A_551 : vector<16xf32>
          %parallel_loop3A_553 = arith.index_cast %parallel_loop3A_513 : i32 to index
          %parallel_loop3A_554 = arith.constant 16 : index
          %parallel_loop3A_555 = tpu.vector_load %arg10[%parallel_loop3A_553, %parallel_loop3A_554] {strides = array<i32>} : memref<256x64xf32, #tpu.memory_space<vmem>>, vector<1x16xf32>,
          %parallel_loop3A_556 = vector.shape_cast %parallel_loop3A_555 : vector<1x16xf32> to vector<16xf32>
          %parallel_loop3A_557 = vector.shape_cast %parallel_loop3A_552 : vector<16xf32> to vector<1x16xf32>
          tpu.vector_store %arg10[%parallel_loop3A_553, %parallel_loop3A_554], %parallel_loop3A_557 {strides = array<i32>} : memref<256x64xf32, #tpu.memory_space<vmem>>, vector<1x16xf32>,
          %parallel_loop3A_558 = arith.index_cast %parallel_loop3A_513 : i32 to index
          %parallel_loop3A_559 = arith.constant 32 : index
          %parallel_loop3A_560 = tpu.vector_load %arg10[%parallel_loop3A_558, %parallel_loop3A_559] {strides = array<i32>} : memref<256x64xf32, #tpu.memory_space<vmem>>, vector<1x16xf32>,
          %parallel_loop3A_561 = vector.shape_cast %parallel_loop3A_560 : vector<1x16xf32> to vector<16xf32>
          %parallel_loop3A_562 = arith.constant 32 : i32
          %parallel_loop3A_563 = arith.addi %parallel_loop3A_519, %parallel_loop3A_562 : i32
          %parallel_loop3A_564 = arith.index_cast %parallel_loop3A_515 : i32 to index
          %parallel_loop3A_565 = arith.index_cast %parallel_loop3A_563 : i32 to index
          %parallel_loop3A_566 = tpu.vector_load %arg12[%parallel_loop3A_564, %parallel_loop3A_565] {strides = array<i32>} : memref<32x512xf32, #tpu.memory_space<vmem>>, vector<1x16xf32>,
          %parallel_loop3A_567 = vector.shape_cast %parallel_loop3A_566 : vector<1x16xf32> to vector<16xf32>
          %parallel_loop3A_568 = arith.addf %parallel_loop3A_561, %parallel_loop3A_567 : vector<16xf32>
          %parallel_loop3A_569 = arith.constant 0.000000e+00 : f32
          %parallel_loop3A_570 = vector.broadcast %parallel_loop3A_569 : f32 to vector<16xf32>
          %parallel_loop3A_571 = arith.maximumf %parallel_loop3A_568, %parallel_loop3A_570 : vector<16xf32>
          %parallel_loop3A_572 = arith.index_cast %parallel_loop3A_513 : i32 to index
          %parallel_loop3A_573 = arith.constant 32 : index
          %parallel_loop3A_574 = tpu.vector_load %arg10[%parallel_loop3A_572, %parallel_loop3A_573] {strides = array<i32>} : memref<256x64xf32, #tpu.memory_space<vmem>>, vector<1x16xf32>,
          %parallel_loop3A_575 = vector.shape_cast %parallel_loop3A_574 : vector<1x16xf32> to vector<16xf32>
          %parallel_loop3A_576 = vector.shape_cast %parallel_loop3A_571 : vector<16xf32> to vector<1x16xf32>
          tpu.vector_store %arg10[%parallel_loop3A_572, %parallel_loop3A_573], %parallel_loop3A_576 {strides = array<i32>} : memref<256x64xf32, #tpu.memory_space<vmem>>, vector<1x16xf32>,
          %parallel_loop3A_577 = arith.index_cast %parallel_loop3A_513 : i32 to index
          %parallel_loop3A_578 = arith.constant 48 : index
          %parallel_loop3A_579 = tpu.vector_load %arg10[%parallel_loop3A_577, %parallel_loop3A_578] {strides = array<i32>} : memref<256x64xf32, #tpu.memory_space<vmem>>, vector<1x16xf32>,
          %parallel_loop3A_580 = vector.shape_cast %parallel_loop3A_579 : vector<1x16xf32> to vector<16xf32>
          %parallel_loop3A_581 = arith.constant 48 : i32
          %parallel_loop3A_582 = arith.addi %parallel_loop3A_519, %parallel_loop3A_581 : i32
          %parallel_loop3A_583 = arith.index_cast %parallel_loop3A_515 : i32 to index
          %parallel_loop3A_584 = arith.index_cast %parallel_loop3A_582 : i32 to index
          %parallel_loop3A_585 = tpu.vector_load %arg12[%parallel_loop3A_583, %parallel_loop3A_584] {strides = array<i32>} : memref<32x512xf32, #tpu.memory_space<vmem>>, vector<1x16xf32>,
          %parallel_loop3A_586 = vector.shape_cast %parallel_loop3A_585 : vector<1x16xf32> to vector<16xf32>
          %parallel_loop3A_587 = arith.addf %parallel_loop3A_580, %parallel_loop3A_586 : vector<16xf32>
          %parallel_loop3A_588 = arith.constant 0.000000e+00 : f32
          %parallel_loop3A_589 = vector.broadcast %parallel_loop3A_588 : f32 to vector<16xf32>
          %parallel_loop3A_590 = arith.maximumf %parallel_loop3A_587, %parallel_loop3A_589 : vector<16xf32>
          %parallel_loop3A_591 = arith.index_cast %parallel_loop3A_513 : i32 to index
          %parallel_loop3A_592 = arith.constant 48 : index
          %parallel_loop3A_593 = tpu.vector_load %arg10[%parallel_loop3A_591, %parallel_loop3A_592] {strides = array<i32>} : memref<256x64xf32, #tpu.memory_space<vmem>>, vector<1x16xf32>,
          %parallel_loop3A_594 = vector.shape_cast %parallel_loop3A_593 : vector<1x16xf32> to vector<16xf32>
          %parallel_loop3A_595 = vector.shape_cast %parallel_loop3A_590 : vector<16xf32> to vector<1x16xf32>
          tpu.vector_store %arg10[%parallel_loop3A_591, %parallel_loop3A_592], %parallel_loop3A_595 {strides = array<i32>} : memref<256x64xf32, #tpu.memory_space<vmem>>, vector<1x16xf32>,
        } {sc.loop_unroll_factor = 16 : i64, sc.parallel_access}
        %dma_start3A_488 = arith.constant 2 : i32
        %dma_start3A_489 = arith.constant 0 : i32
        %dma_start3A_490 = arith.constant 0 : i32
        %dma_start3A_491 = tpu.memref_slice %arg10[%dma_start3A_489, %dma_start3A_490] : memref<256x64xf32, #tpu.memory_space<vmem>> -> memref<128x64xf32, #tpu.memory_space<vmem>>
        %dma_start3A_492 = arith.constant 0 : i32
        %dma_start3A_493 = tpu.memref_slice %arg8[%dma_start3A_488, %dma_start3A_492] : memref<4x128xi32, #tpu.memory_space<vmem>> -> memref<1x128xi32, #tpu.memory_space<vmem>>
        %dma_start3A_494 = tpu.memref_squeeze %dma_start3A_493 : memref<1x128xi32, #tpu.memory_space<vmem>> -> memref<128xi32, #tpu.memory_space<vmem>>
        %dma_start3A_495 = arith.constant 0 : i32
        %dma_start3A_496 = arith.constant 0 : i32
        %dma_start3A_497 = tpu.memref_slice %arg14[%dma_start3A_495, %dma_start3A_496] : memref<10240x64xf32, #tpu.memory_space<vmem_shared>> -> memref<10240x64xf32, #tpu.memory_space<vmem_shared>>
        tpu.enqueue_indirect_dma source(%dma_start3A_491 : memref<128x64xf32, #tpu.memory_space<vmem>>) target(%dma_start3A_497 : memref<10240x64xf32, #tpu.memory_space<vmem_shared>>) offsets(%dma_start3A_494 : memref<128xi32, #tpu.memory_space<vmem>>) semaphore(%arg21 : memref<!tpu.dma_semaphore, #tpu.memory_space<semaphore_mem>>) {add = true}
        %dma_start3A_498 = arith.constant 3 : i32
        %dma_start3A_499 = arith.constant 128 : i32
        %dma_start3A_500 = arith.constant 0 : i32
        %dma_start3A_501 = tpu.memref_slice %arg10[%dma_start3A_499, %dma_start3A_500] : memref<256x64xf32, #tpu.memory_space<vmem>> -> memref<128x64xf32, #tpu.memory_space<vmem>>
        %dma_start3A_502 = arith.constant 0 : i32
        %dma_start3A_503 = tpu.memref_slice %arg8[%dma_start3A_498, %dma_start3A_502] : memref<4x128xi32, #tpu.memory_space<vmem>> -> memref<1x128xi32, #tpu.memory_space<vmem>>
        %dma_start3A_504 = tpu.memref_squeeze %dma_start3A_503 : memref<1x128xi32, #tpu.memory_space<vmem>> -> memref<128xi32, #tpu.memory_space<vmem>>
        %dma_start3A_505 = arith.constant 0 : i32
        %dma_start3A_506 = arith.constant 0 : i32
        %dma_start3A_507 = tpu.memref_slice %arg14[%dma_start3A_505, %dma_start3A_506] : memref<10240x64xf32, #tpu.memory_space<vmem_shared>> -> memref<10240x64xf32, #tpu.memory_space<vmem_shared>>
        tpu.enqueue_indirect_dma source(%dma_start3A_501 : memref<128x64xf32, #tpu.memory_space<vmem>>) target(%dma_start3A_507 : memref<10240x64xf32, #tpu.memory_space<vmem_shared>>) offsets(%dma_start3A_504 : memref<128xi32, #tpu.memory_space<vmem>>) semaphore(%arg21 : memref<!tpu.dma_semaphore, #tpu.memory_space<semaphore_mem>>) {add = true}
        %eq3A_508 = arith.constant 1 : i32
        %eq3A_509 = arith.cmpi eq, %arg0, %eq3A_508 : i32
        %convert_element_type3A_510 = arith.extui %eq3A_509 : i1 to i32
        %cond3A_511 = arith.constant 0 : i32
        %cond3A_512 = arith.cmpi ne, %convert_element_type3A_510, %cond3A_511 : i32
        scf.if %cond3A_512 {
          %dma_start3A_513 = arith.constant 2 : i32
          %dma_start3A_514 = arith.constant 0 : i32
          %dma_start3A_515 = tpu.memref_slice %arg8[%dma_start3A_513, %dma_start3A_514] : memref<4x128xi32, #tpu.memory_space<vmem>> -> memref<1x128xi32, #tpu.memory_space<vmem>>
          %dma_start3A_516 = tpu.memref_squeeze %dma_start3A_515 : memref<1x128xi32, #tpu.memory_space<vmem>> -> memref<128xi32, #tpu.memory_space<vmem>>
          %dma_start3A_517 = arith.constant 0 : i32
          %dma_start3A_518 = arith.constant 0 : i32
          %dma_start3A_519 = tpu.memref_slice %arg15[%dma_start3A_517, %dma_start3A_518] : memref<10240x16xf32, #tpu.memory_space<vmem_shared>> -> memref<10240x16xf32, #tpu.memory_space<vmem_shared>>
          tpu.enqueue_indirect_dma source(%arg13 : memref<128x16xf32, #tpu.memory_space<vmem>>) target(%dma_start3A_519 : memref<10240x16xf32, #tpu.memory_space<vmem_shared>>) offsets(%dma_start3A_516 : memref<128xi32, #tpu.memory_space<vmem>>) semaphore(%arg23 : memref<!tpu.dma_semaphore, #tpu.memory_space<semaphore_mem>>) {add = true}
          %dma_start3A_520 = arith.constant 3 : i32
          %dma_start3A_521 = arith.constant 0 : i32
          %dma_start3A_522 = tpu.memref_slice %arg8[%dma_start3A_520, %dma_start3A_521] : memref<4x128xi32, #tpu.memory_space<vmem>> -> memref<1x128xi32, #tpu.memory_space<vmem>>
          %dma_start3A_523 = tpu.memref_squeeze %dma_start3A_522 : memref<1x128xi32, #tpu.memory_space<vmem>> -> memref<128xi32, #tpu.memory_space<vmem>>
          %dma_start3A_524 = arith.constant 0 : i32
          %dma_start3A_525 = arith.constant 0 : i32
          %dma_start3A_526 = tpu.memref_slice %arg15[%dma_start3A_524, %dma_start3A_525] : memref<10240x16xf32, #tpu.memory_space<vmem_shared>> -> memref<10240x16xf32, #tpu.memory_space<vmem_shared>>
          tpu.enqueue_indirect_dma source(%arg13 : memref<128x16xf32, #tpu.memory_space<vmem>>) target(%dma_start3A_526 : memref<10240x16xf32, #tpu.memory_space<vmem_shared>>) offsets(%dma_start3A_523 : memref<128xi32, #tpu.memory_space<vmem>>) semaphore(%arg23 : memref<!tpu.dma_semaphore, #tpu.memory_space<semaphore_mem>>) {add = true}
        } else {
        }
      } else {
      }
      %while3A_457 = arith.constant 0 : i32
      scf.yield %while3A_457 : i32
    }
    %dma_wait3A = arith.constant 2 : i32
    %dma_wait3A_374 = arith.constant 0 : i32
    %dma_wait3A_375 = arith.constant 0 : i32
    %dma_wait3A_376 = tpu.memref_slice %arg9[%dma_wait3A_374, %dma_wait3A_375] : memref<256x64xf32, #tpu.memory_space<vmem>> -> memref<128x64xf32, #tpu.memory_space<vmem>>
    %dma_wait3A_377 = arith.constant 0 : i32
    %dma_wait3A_378 = tpu.memref_slice %arg7[%dma_wait3A, %dma_wait3A_377] : memref<4x128xi32, #tpu.memory_space<vmem>> -> memref<1x128xi32, #tpu.memory_space<vmem>>
    %dma_wait3A_379 = tpu.memref_squeeze %dma_wait3A_378 : memref<1x128xi32, #tpu.memory_space<vmem>> -> memref<128xi32, #tpu.memory_space<vmem>>
    %dma_wait3A_380 = arith.constant 0 : i32
    %dma_wait3A_381 = arith.constant 0 : i32
    %dma_wait3A_382 = tpu.memref_slice %arg14[%dma_wait3A_380, %dma_wait3A_381] : memref<10240x64xf32, #tpu.memory_space<vmem_shared>> -> memref<10240x64xf32, #tpu.memory_space<vmem_shared>>
    tpu.wait_indirect_dma semaphore(%arg20 : memref<!tpu.dma_semaphore, #tpu.memory_space<semaphore_mem>>) src(%dma_wait3A_376 : memref<128x64xf32, #tpu.memory_space<vmem>>) dst(%dma_wait3A_382 : memref<10240x64xf32, #tpu.memory_space<vmem_shared>>)
    %dma_wait3A_383 = arith.constant 3 : i32
    %dma_wait3A_384 = arith.constant 128 : i32
    %dma_wait3A_385 = arith.constant 0 : i32
    %dma_wait3A_386 = tpu.memref_slice %arg9[%dma_wait3A_384, %dma_wait3A_385] : memref<256x64xf32, #tpu.memory_space<vmem>> -> memref<128x64xf32, #tpu.memory_space<vmem>>
    %dma_wait3A_387 = arith.constant 0 : i32
    %dma_wait3A_388 = tpu.memref_slice %arg7[%dma_wait3A_383, %dma_wait3A_387] : memref<4x128xi32, #tpu.memory_space<vmem>> -> memref<1x128xi32, #tpu.memory_space<vmem>>
    %dma_wait3A_389 = tpu.memref_squeeze %dma_wait3A_388 : memref<1x128xi32, #tpu.memory_space<vmem>> -> memref<128xi32, #tpu.memory_space<vmem>>
    %dma_wait3A_390 = arith.constant 0 : i32
    %dma_wait3A_391 = arith.constant 0 : i32
    %dma_wait3A_392 = tpu.memref_slice %arg14[%dma_wait3A_390, %dma_wait3A_391] : memref<10240x64xf32, #tpu.memory_space<vmem_shared>> -> memref<10240x64xf32, #tpu.memory_space<vmem_shared>>
    tpu.wait_indirect_dma semaphore(%arg20 : memref<!tpu.dma_semaphore, #tpu.memory_space<semaphore_mem>>) src(%dma_wait3A_386 : memref<128x64xf32, #tpu.memory_space<vmem>>) dst(%dma_wait3A_392 : memref<10240x64xf32, #tpu.memory_space<vmem_shared>>)
    %eq3A = arith.constant 0 : i32
    %eq3A_393 = arith.cmpi eq, %arg0, %eq3A : i32
    %convert_element_type3A = arith.extui %eq3A_393 : i1 to i32
    %cond3A = arith.constant 0 : i32
    %cond3A_394 = arith.cmpi ne, %convert_element_type3A, %cond3A : i32
    scf.if %cond3A_394 {
      %dma_wait3A_428 = arith.constant 2 : i32
      %dma_wait3A_429 = arith.constant 0 : i32
      %dma_wait3A_430 = tpu.memref_slice %arg7[%dma_wait3A_428, %dma_wait3A_429] : memref<4x128xi32, #tpu.memory_space<vmem>> -> memref<1x128xi32, #tpu.memory_space<vmem>>
      %dma_wait3A_431 = tpu.memref_squeeze %dma_wait3A_430 : memref<1x128xi32, #tpu.memory_space<vmem>> -> memref<128xi32, #tpu.memory_space<vmem>>
      %dma_wait3A_432 = arith.constant 0 : i32
      %dma_wait3A_433 = arith.constant 0 : i32
      %dma_wait3A_434 = tpu.memref_slice %arg15[%dma_wait3A_432, %dma_wait3A_433] : memref<10240x16xf32, #tpu.memory_space<vmem_shared>> -> memref<10240x16xf32, #tpu.memory_space<vmem_shared>>
      tpu.wait_indirect_dma semaphore(%arg22 : memref<!tpu.dma_semaphore, #tpu.memory_space<semaphore_mem>>) src(%arg13 : memref<128x16xf32, #tpu.memory_space<vmem>>) dst(%dma_wait3A_434 : memref<10240x16xf32, #tpu.memory_space<vmem_shared>>)
      %dma_wait3A_435 = arith.constant 3 : i32
      %dma_wait3A_436 = arith.constant 0 : i32
      %dma_wait3A_437 = tpu.memref_slice %arg7[%dma_wait3A_435, %dma_wait3A_436] : memref<4x128xi32, #tpu.memory_space<vmem>> -> memref<1x128xi32, #tpu.memory_space<vmem>>
      %dma_wait3A_438 = tpu.memref_squeeze %dma_wait3A_437 : memref<1x128xi32, #tpu.memory_space<vmem>> -> memref<128xi32, #tpu.memory_space<vmem>>
      %dma_wait3A_439 = arith.constant 0 : i32
      %dma_wait3A_440 = arith.constant 0 : i32
      %dma_wait3A_441 = tpu.memref_slice %arg15[%dma_wait3A_439, %dma_wait3A_440] : memref<10240x16xf32, #tpu.memory_space<vmem_shared>> -> memref<10240x16xf32, #tpu.memory_space<vmem_shared>>
      tpu.wait_indirect_dma semaphore(%arg22 : memref<!tpu.dma_semaphore, #tpu.memory_space<semaphore_mem>>) src(%arg13 : memref<128x16xf32, #tpu.memory_space<vmem>>) dst(%dma_wait3A_441 : memref<10240x16xf32, #tpu.memory_space<vmem_shared>>)
    } else {
    }
    %dma_wait3A_395 = arith.constant 2 : i32
    %dma_wait3A_396 = arith.constant 0 : i32
    %dma_wait3A_397 = arith.constant 0 : i32
    %dma_wait3A_398 = tpu.memref_slice %arg10[%dma_wait3A_396, %dma_wait3A_397] : memref<256x64xf32, #tpu.memory_space<vmem>> -> memref<128x64xf32, #tpu.memory_space<vmem>>
    %dma_wait3A_399 = arith.constant 0 : i32
    %dma_wait3A_400 = tpu.memref_slice %arg8[%dma_wait3A_395, %dma_wait3A_399] : memref<4x128xi32, #tpu.memory_space<vmem>> -> memref<1x128xi32, #tpu.memory_space<vmem>>
    %dma_wait3A_401 = tpu.memref_squeeze %dma_wait3A_400 : memref<1x128xi32, #tpu.memory_space<vmem>> -> memref<128xi32, #tpu.memory_space<vmem>>
    %dma_wait3A_402 = arith.constant 0 : i32
    %dma_wait3A_403 = arith.constant 0 : i32
    %dma_wait3A_404 = tpu.memref_slice %arg14[%dma_wait3A_402, %dma_wait3A_403] : memref<10240x64xf32, #tpu.memory_space<vmem_shared>> -> memref<10240x64xf32, #tpu.memory_space<vmem_shared>>
    tpu.wait_indirect_dma semaphore(%arg21 : memref<!tpu.dma_semaphore, #tpu.memory_space<semaphore_mem>>) src(%dma_wait3A_398 : memref<128x64xf32, #tpu.memory_space<vmem>>) dst(%dma_wait3A_404 : memref<10240x64xf32, #tpu.memory_space<vmem_shared>>)
    %dma_wait3A_405 = arith.constant 3 : i32
    %dma_wait3A_406 = arith.constant 128 : i32
    %dma_wait3A_407 = arith.constant 0 : i32
    %dma_wait3A_408 = tpu.memref_slice %arg10[%dma_wait3A_406, %dma_wait3A_407] : memref<256x64xf32, #tpu.memory_space<vmem>> -> memref<128x64xf32, #tpu.memory_space<vmem>>
    %dma_wait3A_409 = arith.constant 0 : i32
    %dma_wait3A_410 = tpu.memref_slice %arg8[%dma_wait3A_405, %dma_wait3A_409] : memref<4x128xi32, #tpu.memory_space<vmem>> -> memref<1x128xi32, #tpu.memory_space<vmem>>
    %dma_wait3A_411 = tpu.memref_squeeze %dma_wait3A_410 : memref<1x128xi32, #tpu.memory_space<vmem>> -> memref<128xi32, #tpu.memory_space<vmem>>
    %dma_wait3A_412 = arith.constant 0 : i32
    %dma_wait3A_413 = arith.constant 0 : i32
    %dma_wait3A_414 = tpu.memref_slice %arg14[%dma_wait3A_412, %dma_wait3A_413] : memref<10240x64xf32, #tpu.memory_space<vmem_shared>> -> memref<10240x64xf32, #tpu.memory_space<vmem_shared>>
    tpu.wait_indirect_dma semaphore(%arg21 : memref<!tpu.dma_semaphore, #tpu.memory_space<semaphore_mem>>) src(%dma_wait3A_408 : memref<128x64xf32, #tpu.memory_space<vmem>>) dst(%dma_wait3A_414 : memref<10240x64xf32, #tpu.memory_space<vmem_shared>>)
    %eq3A_415 = arith.constant 1 : i32
    %eq3A_416 = arith.cmpi eq, %arg0, %eq3A_415 : i32
    %convert_element_type3A_417 = arith.extui %eq3A_416 : i1 to i32
    %cond3A_418 = arith.constant 0 : i32
    %cond3A_419 = arith.cmpi ne, %convert_element_type3A_417, %cond3A_418 : i32
    scf.if %cond3A_419 {
      %dma_wait3A_428 = arith.constant 2 : i32
      %dma_wait3A_429 = arith.constant 0 : i32
      %dma_wait3A_430 = tpu.memref_slice %arg8[%dma_wait3A_428, %dma_wait3A_429] : memref<4x128xi32, #tpu.memory_space<vmem>> -> memref<1x128xi32, #tpu.memory_space<vmem>>
      %dma_wait3A_431 = tpu.memref_squeeze %dma_wait3A_430 : memref<1x128xi32, #tpu.memory_space<vmem>> -> memref<128xi32, #tpu.memory_space<vmem>>
      %dma_wait3A_432 = arith.constant 0 : i32
      %dma_wait3A_433 = arith.constant 0 : i32
      %dma_wait3A_434 = tpu.memref_slice %arg15[%dma_wait3A_432, %dma_wait3A_433] : memref<10240x16xf32, #tpu.memory_space<vmem_shared>> -> memref<10240x16xf32, #tpu.memory_space<vmem_shared>>
      tpu.wait_indirect_dma semaphore(%arg23 : memref<!tpu.dma_semaphore, #tpu.memory_space<semaphore_mem>>) src(%arg13 : memref<128x16xf32, #tpu.memory_space<vmem>>) dst(%dma_wait3A_434 : memref<10240x16xf32, #tpu.memory_space<vmem_shared>>)
      %dma_wait3A_435 = arith.constant 3 : i32
      %dma_wait3A_436 = arith.constant 0 : i32
      %dma_wait3A_437 = tpu.memref_slice %arg8[%dma_wait3A_435, %dma_wait3A_436] : memref<4x128xi32, #tpu.memory_space<vmem>> -> memref<1x128xi32, #tpu.memory_space<vmem>>
      %dma_wait3A_438 = tpu.memref_squeeze %dma_wait3A_437 : memref<1x128xi32, #tpu.memory_space<vmem>> -> memref<128xi32, #tpu.memory_space<vmem>>
      %dma_wait3A_439 = arith.constant 0 : i32
      %dma_wait3A_440 = arith.constant 0 : i32
      %dma_wait3A_441 = tpu.memref_slice %arg15[%dma_wait3A_439, %dma_wait3A_440] : memref<10240x16xf32, #tpu.memory_space<vmem_shared>> -> memref<10240x16xf32, #tpu.memory_space<vmem_shared>>
      tpu.wait_indirect_dma semaphore(%arg23 : memref<!tpu.dma_semaphore, #tpu.memory_space<semaphore_mem>>) src(%arg13 : memref<128x16xf32, #tpu.memory_space<vmem>>) dst(%dma_wait3A_441 : memref<10240x16xf32, #tpu.memory_space<vmem_shared>>)
    } else {
    }
    %barrier3A_420 = arith.constant 0 : index
    tpu.barrier barrier_id(%barrier3A_420)
    %scan3A_421 = arith.constant 0 : i32
    %scan3A_422 = arith.constant 0 : i32
    %scan3A_423 = arith.constant 5 : i32
    %scan3A_424 = arith.addi %scan3A_422, %scan3A_423 : i32
    %scan3A_425 = arith.constant 1 : i32
    %scan3A_426 = scf.for %scan3A_428 = %scan3A_422 to %scan3A_424 step %scan3A_425 iter_args(%scan3A_429 = %scan3A_421) -> (i32)  : i32 {
      %mul3A_430 = arith.constant 16 : i32
      %mul3A_431 = arith.muli %mul3A_430, %scan3A_428 : i32
      %add3A_432 = arith.addi %arg1, %mul3A_431 : i32
      %mul3A_433 = arith.constant 128 : i32
      %mul3A_434 = arith.muli %add3A_432, %mul3A_433 : i32
      %mul3A_435 = arith.constant 128 : i32
      %mul3A_436 = arith.muli %add3A_432, %mul3A_435 : i32
      "tpu.region"() ({
        %run_scoped3A_442 = tpu.sem_alloc : memref<!tpu.dma_semaphore, #tpu.memory_space<semaphore_mem>>
        %dma_start3A_443 = arith.constant 0 : i32
        %dma_start3A_444 = tpu.memref_slice %arg5[%arg0, %mul3A_436, %dma_start3A_443] : memref<2x10240x64xf32, #tpu.memory_space<hbm>> -> memref<1x128x64xf32, #tpu.memory_space<hbm>>
        %dma_start3A_445 = tpu.memref_squeeze %dma_start3A_444 : memref<1x128x64xf32, #tpu.memory_space<hbm>> -> memref<128x64xf32, #tpu.memory_space<hbm>>
        %dma_start3A_446 = arith.constant 0 : i32
        %dma_start3A_447 = tpu.memref_slice %arg14[%mul3A_434, %dma_start3A_446] : memref<10240x64xf32, #tpu.memory_space<vmem_shared>> -> memref<128x64xf32, #tpu.memory_space<vmem_shared>>
        tpu.enqueue_dma source(%dma_start3A_447 : memref<128x64xf32, #tpu.memory_space<vmem_shared>>) target(%dma_start3A_445 : memref<128x64xf32, #tpu.memory_space<hbm>>) target_semaphore(%run_scoped3A_442 : memref<!tpu.dma_semaphore, #tpu.memory_space<semaphore_mem>>)
        %dma_wait3A_448 = arith.constant 0 : i32
        %dma_wait3A_449 = tpu.memref_slice %arg5[%arg0, %mul3A_436, %dma_wait3A_448] : memref<2x10240x64xf32, #tpu.memory_space<hbm>> -> memref<1x128x64xf32, #tpu.memory_space<hbm>>
        %dma_wait3A_450 = tpu.memref_squeeze %dma_wait3A_449 : memref<1x128x64xf32, #tpu.memory_space<hbm>> -> memref<128x64xf32, #tpu.memory_space<hbm>>
        %dma_wait3A_451 = arith.constant 0 : i32
        %dma_wait3A_452 = tpu.memref_slice %arg14[%mul3A_434, %dma_wait3A_451] : memref<10240x64xf32, #tpu.memory_space<vmem_shared>> -> memref<128x64xf32, #tpu.memory_space<vmem_shared>>
        tpu.wait_dma2 semaphore(%run_scoped3A_442 : memref<!tpu.dma_semaphore, #tpu.memory_space<semaphore_mem>>) src(%dma_wait3A_452 : memref<128x64xf32, #tpu.memory_space<vmem_shared>>) dst(%dma_wait3A_450 : memref<128x64xf32, #tpu.memory_space<hbm>>)
        tpu.yield
      }) : () -> ()
      %mul3A_437 = arith.constant 128 : i32
      %mul3A_438 = arith.muli %add3A_432, %mul3A_437 : i32
      %mul3A_439 = arith.constant 128 : i32
      %mul3A_440 = arith.muli %add3A_432, %mul3A_439 : i32
      "tpu.region"() ({
        %run_scoped3A_442 = tpu.sem_alloc : memref<!tpu.dma_semaphore, #tpu.memory_space<semaphore_mem>>
        %dma_start3A_443 = arith.constant 0 : i32
        %dma_start3A_444 = tpu.memref_slice %arg6[%arg0, %mul3A_440, %dma_start3A_443] : memref<2x10240x16xf32, #tpu.memory_space<hbm>> -> memref<1x128x16xf32, #tpu.memory_space<hbm>>
        %dma_start3A_445 = tpu.memref_squeeze %dma_start3A_444 : memref<1x128x16xf32, #tpu.memory_space<hbm>> -> memref<128x16xf32, #tpu.memory_space<hbm>>
        %dma_start3A_446 = arith.constant 0 : i32
        %dma_start3A_447 = tpu.memref_slice %arg15[%mul3A_438, %dma_start3A_446] : memref<10240x16xf32, #tpu.memory_space<vmem_shared>> -> memref<128x16xf32, #tpu.memory_space<vmem_shared>>
        tpu.enqueue_dma source(%dma_start3A_447 : memref<128x16xf32, #tpu.memory_space<vmem_shared>>) target(%dma_start3A_445 : memref<128x16xf32, #tpu.memory_space<hbm>>) target_semaphore(%run_scoped3A_442 : memref<!tpu.dma_semaphore, #tpu.memory_space<semaphore_mem>>)
        %dma_wait3A_448 = arith.constant 0 : i32
        %dma_wait3A_449 = tpu.memref_slice %arg6[%arg0, %mul3A_440, %dma_wait3A_448] : memref<2x10240x16xf32, #tpu.memory_space<hbm>> -> memref<1x128x16xf32, #tpu.memory_space<hbm>>
        %dma_wait3A_450 = tpu.memref_squeeze %dma_wait3A_449 : memref<1x128x16xf32, #tpu.memory_space<hbm>> -> memref<128x16xf32, #tpu.memory_space<hbm>>
        %dma_wait3A_451 = arith.constant 0 : i32
        %dma_wait3A_452 = tpu.memref_slice %arg15[%mul3A_438, %dma_wait3A_451] : memref<10240x16xf32, #tpu.memory_space<vmem_shared>> -> memref<128x16xf32, #tpu.memory_space<vmem_shared>>
        tpu.wait_dma2 semaphore(%run_scoped3A_442 : memref<!tpu.dma_semaphore, #tpu.memory_space<semaphore_mem>>) src(%dma_wait3A_452 : memref<128x16xf32, #tpu.memory_space<vmem_shared>>) dst(%dma_wait3A_450 : memref<128x16xf32, #tpu.memory_space<hbm>>)
        tpu.yield
      }) : () -> ()
      %scan3A_441 = arith.constant 0 : i32
      scf.yield %scan3A_441 : i32
    }
    %scan3A_427 = arith.constant 5 : i32
    return
  }
}

module attributes {stable_mosaic.version = 14 : i64} {
  func.func @_p_body(%arg0: i32, %arg1: memref<400x128xf32, #tpu.memory_space<vmem>>, %arg2: memref<256x128xf32, #tpu.memory_space<vmem>>, %arg3: memref<400x128xf32, #tpu.memory_space<vmem>>) attributes {dimension_semantics = [#tpu.dimension_semantics<arbitrary>], iteration_bounds = array<i64: 25>, scalar_prefetch = 0 : i64, scratch_operands = 0 : i64, tpu.core_type = #tpu.core_type<tc>, window_params = [{transform_indices = @transform_0, window_bounds = array<i64: 400, 128>}, {pipeline_mode = #tpu.pipeline_mode<synchronous>, transform_indices = @transform_1, window_bounds = array<i64: 256, 128>}, {transform_indices = @transform_2, window_bounds = array<i64: 400, 128>}]} {
    %get3A = arith.constant 0 : index
    %get3A_0 = arith.constant 0 : index
    %get3A_1 = vector.load %arg1[%get3A, %get3A_0] : memref<400x128xf32, #tpu.memory_space<vmem>>, vector<400x128xf32>
    %get3A_2 = arith.constant 0 : index
    %get3A_3 = arith.constant 0 : index
    %get3A_4 = vector.load %arg2[%get3A_2, %get3A_3] : memref<256x128xf32, #tpu.memory_space<vmem>>, vector<128x128xf32>
    %dot_general3A = arith.constant dense<0.000000e+00> : vector<400x128xf32>
    %dot_general3A_5 = tpu.matmul %get3A_1, %get3A_4, %dot_general3A {dimension_numbers = #tpu.dot_dimension_numbers<[1], [0], [0], [1], [0, 0, 1, 1], [], []>, transpose_lhs_hint = false} : vector<400x128xf32>, vector<128x128xf32>, vector<400x128xf32> -> vector<400x128xf32>
    %swap3A = arith.constant 0 : index
    %swap3A_6 = arith.constant 0 : index
    %swap3A_7 = vector.load %arg3[%swap3A, %swap3A_6] : memref<400x128xf32, #tpu.memory_space<vmem>>, vector<400x128xf32>
    tpu.vector_store %arg3[%swap3A, %swap3A_6], %dot_general3A_5 {strides = array<i32>} : memref<400x128xf32, #tpu.memory_space<vmem>>, vector<400x128xf32>,
    return
  }
  func.func @transform_0(%arg0: i32) -> (i32, i32) {
    %c0_i32 = arith.constant 0 : i32
    %c0_i32_0 = arith.constant 0 : i32
    return %arg0, %c0_i32 : i32, i32
  }
  func.func @transform_1(%arg0: i32) -> (i32, i32) {
    %c0_i32 = arith.constant 0 : i32
    %c0_i32_0 = arith.constant 0 : i32
    %c0_i32_1 = arith.constant 0 : i32
    return %c0_i32, %c0_i32_0 : i32, i32
  }
  func.func @transform_2(%arg0: i32) -> (i32, i32) {
    %c0_i32 = arith.constant 0 : i32
    %c0_i32_0 = arith.constant 0 : i32
    return %arg0, %c0_i32 : i32, i32
  }
}

module attributes {stable_mosaic.version = 14 : i64} {
  func.func @_q_body(%arg0: i32, %arg1: i32, %arg2: memref<2000x128xf32, #tpu.memory_space<vmem>>, %arg3: memref<16x128xf32, #tpu.memory_space<vmem>>, %arg4: memref<1x128x64xf32, #tpu.memory_space<vmem>>, %arg5: memref<1x1x64xf32, #tpu.memory_space<vmem>>, %arg6: memref<1x2000x512xf32, #tpu.memory_space<vmem>>) attributes {dimension_semantics = [#tpu.dimension_semantics<arbitrary>, #tpu.dimension_semantics<arbitrary>], iteration_bounds = array<i64: 2, 20>, scalar_prefetch = 0 : i64, scratch_operands = 0 : i64, tpu.core_type = #tpu.core_type<tc>, window_params = [{transform_indices = @transform_0, window_bounds = array<i64: 2000, 128>}, {pipeline_mode = #tpu.pipeline_mode<synchronous>, transform_indices = @transform_1, window_bounds = array<i64: 16, 128>}, {transform_indices = @transform_2, window_bounds = array<i64: 1, 128, 64>}, {transform_indices = @transform_3, window_bounds = array<i64: 1, 1, 64>}, {transform_indices = @transform_4, window_bounds = array<i64: 1, 2000, 512>}]} {
    %get3A = arith.constant 0 : index
    %get3A_0 = arith.constant 0 : index
    %get3A_1 = vector.load %arg3[%get3A, %get3A_0] : memref<16x128xf32, #tpu.memory_space<vmem>>, vector<16x128xf32>
    %get3A_2 = arith.constant 0 : index
    %get3A_3 = arith.constant 0 : index
    %get3A_4 = arith.constant 0 : index
    %get3A_5 = vector.load %arg4[%get3A_2, %get3A_3, %get3A_4] : memref<1x128x64xf32, #tpu.memory_space<vmem>>, vector<1x128x64xf32>
    %get3A_6 = vector.shape_cast %get3A_5 : vector<1x128x64xf32> to vector<128x64xf32>
    %dot_general3A = arith.constant dense<0.000000e+00> : vector<16x64xf32>
    %dot_general3A_7 = tpu.matmul %get3A_1, %get3A_6, %dot_general3A {dimension_numbers = #tpu.dot_dimension_numbers<[1], [0], [0], [1], [0, 0, 1, 1], [], []>, transpose_lhs_hint = false} : vector<16x128xf32>, vector<128x64xf32>, vector<16x64xf32> -> vector<16x64xf32>
    %broadcast_in_dim3A = arith.constant 0.000000e+00 : f32
    %broadcast_in_dim3A_8 = vector.broadcast %broadcast_in_dim3A : f32 to vector<16x64xf32>
    %concatenate3A = tpu.concatenate %dot_general3A_7, %broadcast_in_dim3A_8, %broadcast_in_dim3A_8, %broadcast_in_dim3A_8, %broadcast_in_dim3A_8, %broadcast_in_dim3A_8, %broadcast_in_dim3A_8, %broadcast_in_dim3A_8 in 1 : vector<16x64xf32>, vector<16x64xf32>, vector<16x64xf32>, vector<16x64xf32>, vector<16x64xf32>, vector<16x64xf32>, vector<16x64xf32>, vector<16x64xf32> -> vector<16x512xf32>
    %concatenate3A_9 = tpu.concatenate %broadcast_in_dim3A_8, %dot_general3A_7, %broadcast_in_dim3A_8, %broadcast_in_dim3A_8, %broadcast_in_dim3A_8, %broadcast_in_dim3A_8, %broadcast_in_dim3A_8, %broadcast_in_dim3A_8 in 1 : vector<16x64xf32>, vector<16x64xf32>, vector<16x64xf32>, vector<16x64xf32>, vector<16x64xf32>, vector<16x64xf32>, vector<16x64xf32>, vector<16x64xf32> -> vector<16x512xf32>
    %concatenate3A_10 = tpu.concatenate %broadcast_in_dim3A_8, %broadcast_in_dim3A_8, %dot_general3A_7, %broadcast_in_dim3A_8, %broadcast_in_dim3A_8, %broadcast_in_dim3A_8, %broadcast_in_dim3A_8, %broadcast_in_dim3A_8 in 1 : vector<16x64xf32>, vector<16x64xf32>, vector<16x64xf32>, vector<16x64xf32>, vector<16x64xf32>, vector<16x64xf32>, vector<16x64xf32>, vector<16x64xf32> -> vector<16x512xf32>
    %concatenate3A_11 = tpu.concatenate %broadcast_in_dim3A_8, %broadcast_in_dim3A_8, %broadcast_in_dim3A_8, %dot_general3A_7, %broadcast_in_dim3A_8, %broadcast_in_dim3A_8, %broadcast_in_dim3A_8, %broadcast_in_dim3A_8 in 1 : vector<16x64xf32>, vector<16x64xf32>, vector<16x64xf32>, vector<16x64xf32>, vector<16x64xf32>, vector<16x64xf32>, vector<16x64xf32>, vector<16x64xf32> -> vector<16x512xf32>
    %concatenate3A_12 = tpu.concatenate %broadcast_in_dim3A_8, %broadcast_in_dim3A_8, %broadcast_in_dim3A_8, %broadcast_in_dim3A_8, %dot_general3A_7, %broadcast_in_dim3A_8, %broadcast_in_dim3A_8, %broadcast_in_dim3A_8 in 1 : vector<16x64xf32>, vector<16x64xf32>, vector<16x64xf32>, vector<16x64xf32>, vector<16x64xf32>, vector<16x64xf32>, vector<16x64xf32>, vector<16x64xf32> -> vector<16x512xf32>
    %concatenate3A_13 = tpu.concatenate %broadcast_in_dim3A_8, %broadcast_in_dim3A_8, %broadcast_in_dim3A_8, %broadcast_in_dim3A_8, %broadcast_in_dim3A_8, %dot_general3A_7, %broadcast_in_dim3A_8, %broadcast_in_dim3A_8 in 1 : vector<16x64xf32>, vector<16x64xf32>, vector<16x64xf32>, vector<16x64xf32>, vector<16x64xf32>, vector<16x64xf32>, vector<16x64xf32>, vector<16x64xf32> -> vector<16x512xf32>
    %concatenate3A_14 = tpu.concatenate %broadcast_in_dim3A_8, %broadcast_in_dim3A_8, %broadcast_in_dim3A_8, %broadcast_in_dim3A_8, %broadcast_in_dim3A_8, %broadcast_in_dim3A_8, %dot_general3A_7, %broadcast_in_dim3A_8 in 1 : vector<16x64xf32>, vector<16x64xf32>, vector<16x64xf32>, vector<16x64xf32>, vector<16x64xf32>, vector<16x64xf32>, vector<16x64xf32>, vector<16x64xf32> -> vector<16x512xf32>
    %concatenate3A_15 = tpu.concatenate %broadcast_in_dim3A_8, %broadcast_in_dim3A_8, %broadcast_in_dim3A_8, %broadcast_in_dim3A_8, %broadcast_in_dim3A_8, %broadcast_in_dim3A_8, %broadcast_in_dim3A_8, %dot_general3A_7 in 1 : vector<16x64xf32>, vector<16x64xf32>, vector<16x64xf32>, vector<16x64xf32>, vector<16x64xf32>, vector<16x64xf32>, vector<16x64xf32>, vector<16x64xf32> -> vector<16x512xf32>
    %concatenate3A_16 = tpu.concatenate %concatenate3A, %concatenate3A_9, %concatenate3A_10, %concatenate3A_11, %concatenate3A_12, %concatenate3A_13, %concatenate3A_14, %concatenate3A_15 in 0 : vector<16x512xf32>, vector<16x512xf32>, vector<16x512xf32>, vector<16x512xf32>, vector<16x512xf32>, vector<16x512xf32>, vector<16x512xf32>, vector<16x512xf32> -> vector<128x512xf32>
    %get3A_17 = arith.constant 0 : index
    %get3A_18 = arith.constant 0 : index
    %get3A_19 = arith.constant 0 : index
    %get3A_20 = vector.load %arg5[%get3A_17, %get3A_18, %get3A_19] : memref<1x1x64xf32, #tpu.memory_space<vmem>>, vector<1x1x64xf32>
    %get3A_21 = vector.shape_cast %get3A_20 : vector<1x1x64xf32> to vector<1x64xf32>
    %concatenate3A_22 = tpu.concatenate %get3A_21, %get3A_21, %get3A_21, %get3A_21, %get3A_21, %get3A_21, %get3A_21, %get3A_21 in 1 : vector<1x64xf32>, vector<1x64xf32>, vector<1x64xf32>, vector<1x64xf32>, vector<1x64xf32>, vector<1x64xf32>, vector<1x64xf32>, vector<1x64xf32> -> vector<1x512xf32>
    %get3A_23 = arith.constant 0 : index
    %get3A_24 = arith.constant 0 : index
    %get3A_25 = vector.load %arg2[%get3A_23, %get3A_24] : memref<2000x128xf32, #tpu.memory_space<vmem>>, vector<2000x128xf32>
    %dot_general3A_26 = arith.constant dense<0.000000e+00> : vector<2000x512xf32>
    %dot_general3A_27 = tpu.matmul %get3A_25, %concatenate3A_16, %dot_general3A_26 {dimension_numbers = #tpu.dot_dimension_numbers<[1], [0], [0], [1], [0, 0, 1, 1], [], []>, transpose_lhs_hint = false} : vector<2000x128xf32>, vector<128x512xf32>, vector<2000x512xf32> -> vector<2000x512xf32>
    %add3A = vector.broadcast %concatenate3A_22 : vector<1x512xf32> to vector<2000x512xf32>
    %add3A_28 = arith.addf %dot_general3A_27, %add3A : vector<2000x512xf32>
    %swap3A = arith.constant 0 : index
    %swap3A_29 = arith.constant 0 : index
    %swap3A_30 = arith.constant 0 : index
    %swap3A_31 = vector.load %arg6[%swap3A, %swap3A_29, %swap3A_30] : memref<1x2000x512xf32, #tpu.memory_space<vmem>>, vector<1x2000x512xf32>
    %swap3A_32 = vector.shape_cast %swap3A_31 : vector<1x2000x512xf32> to vector<2000x512xf32>
    %swap3A_33 = vector.shape_cast %add3A_28 : vector<2000x512xf32> to vector<1x2000x512xf32>
    tpu.vector_store %arg6[%swap3A, %swap3A_29, %swap3A_30], %swap3A_33 {strides = array<i32>} : memref<1x2000x512xf32, #tpu.memory_space<vmem>>, vector<1x2000x512xf32>,
    return
  }
  func.func @transform_0(%arg0: i32, %arg1: i32) -> (i32, i32) {
    %c0_i32 = arith.constant 0 : i32
    %c0_i32_0 = arith.constant 0 : i32
    return %arg1, %c0_i32 : i32, i32
  }
  func.func @transform_1(%arg0: i32, %arg1: i32) -> (i32, i32) {
    %c0_i32 = arith.constant 0 : i32
    %c0_i32_0 = arith.constant 0 : i32
    %c0_i32_1 = arith.constant 0 : i32
    return %c0_i32, %c0_i32_0 : i32, i32
  }
  func.func @transform_2(%arg0: i32, %arg1: i32) -> (i32, i32, i32) {
    %c0_i32 = arith.constant 0 : i32
    %c0_i32_0 = arith.constant 0 : i32
    %c0_i32_1 = arith.constant 0 : i32
    return %arg0, %c0_i32, %c0_i32_0 : i32, i32, i32
  }
  func.func @transform_3(%arg0: i32, %arg1: i32) -> (i32, i32, i32) {
    %c0_i32 = arith.constant 0 : i32
    %c0_i32_0 = arith.constant 0 : i32
    %c0_i32_1 = arith.constant 0 : i32
    return %arg0, %c0_i32, %c0_i32_0 : i32, i32, i32
  }
  func.func @transform_4(%arg0: i32, %arg1: i32) -> (i32, i32, i32) {
    %c0_i32 = arith.constant 0 : i32
    %c0_i32_0 = arith.constant 0 : i32
    return %arg0, %arg1, %c0_i32 : i32, i32, i32
  }
}

module attributes {stable_mosaic.version = 14 : i64} {
  func.func @_fin_body(%arg0: i32, %arg1: memref<2x400x64xf32, #tpu.memory_space<vmem>>, %arg2: memref<2x400x16xf32, #tpu.memory_space<vmem>>, %arg3: memref<400x128xf32, #tpu.memory_space<vmem>>, %arg4: memref<128x128xf32, #tpu.memory_space<vmem>>, %arg5: memref<1x128xf32, #tpu.memory_space<vmem>>, %arg6: memref<400x128xf32, #tpu.memory_space<vmem>>) attributes {dimension_semantics = [#tpu.dimension_semantics<arbitrary>], iteration_bounds = array<i64: 25>, scalar_prefetch = 0 : i64, scratch_operands = 0 : i64, tpu.core_type = #tpu.core_type<tc>, window_params = [{transform_indices = @transform_0, window_bounds = array<i64: 2, 400, 64>}, {transform_indices = @transform_1, window_bounds = array<i64: 2, 400, 16>}, {transform_indices = @transform_2, window_bounds = array<i64: 400, 128>}, {pipeline_mode = #tpu.pipeline_mode<synchronous>, transform_indices = @transform_3, window_bounds = array<i64: 128, 128>}, {pipeline_mode = #tpu.pipeline_mode<synchronous>, transform_indices = @transform_4, window_bounds = array<i64: 1, 128>}, {transform_indices = @transform_5, window_bounds = array<i64: 400, 128>}]} {
    %get3A = arith.constant 0 : index
    %get3A_0 = arith.constant 0 : index
    %get3A_1 = arith.constant 0 : index
    %get3A_2 = vector.load %arg1[%get3A, %get3A_0, %get3A_1] : memref<2x400x64xf32, #tpu.memory_space<vmem>>, vector<2x400x64xf32>
    %slice3A = vector.extract_strided_slice %get3A_2 {offsets = [0, 0, 0], sizes = [1, 400, 64], strides = [1, 1, 1]} : vector<2x400x64xf32> to vector<1x400x64xf32>
    %squeeze3A = vector.shape_cast %slice3A : vector<1x400x64xf32> to vector<400x64xf32>
    %slice3A_3 = vector.extract_strided_slice %get3A_2 {offsets = [1, 0, 0], sizes = [1, 400, 64], strides = [1, 1, 1]} : vector<2x400x64xf32> to vector<1x400x64xf32>
    %squeeze3A_4 = vector.shape_cast %slice3A_3 : vector<1x400x64xf32> to vector<400x64xf32>
    %concatenate3A = tpu.concatenate %squeeze3A, %squeeze3A_4 in 1 : vector<400x64xf32>, vector<400x64xf32> -> vector<400x128xf32>
    %get3A_5 = arith.constant 0 : index
    %get3A_6 = arith.constant 0 : index
    %get3A_7 = arith.constant 0 : index
    %get3A_8 = vector.load %arg2[%get3A_5, %get3A_6, %get3A_7] : memref<2x400x16xf32, #tpu.memory_space<vmem>>, vector<2x400x16xf32>
    %slice3A_9 = vector.extract_strided_slice %get3A_8 {offsets = [0, 0, 0], sizes = [1, 400, 16], strides = [1, 1, 1]} : vector<2x400x16xf32> to vector<1x400x16xf32>
    %squeeze3A_10 = vector.shape_cast %slice3A_9 : vector<1x400x16xf32> to vector<400x16xf32>
    %slice3A_11 = vector.extract_strided_slice %get3A_8 {offsets = [1, 0, 0], sizes = [1, 400, 16], strides = [1, 1, 1]} : vector<2x400x16xf32> to vector<1x400x16xf32>
    %squeeze3A_12 = vector.shape_cast %slice3A_11 : vector<1x400x16xf32> to vector<400x16xf32>
    %add3A = arith.addf %squeeze3A_10, %squeeze3A_12 : vector<400x16xf32>
    %slice3A_13 = vector.extract_strided_slice %add3A {offsets = [0, 0], sizes = [400, 1], strides = [1, 1]} : vector<400x16xf32> to vector<400x1xf32>
    %max3A = arith.constant 1.000000e+00 : f32
    %max3A_14 = vector.broadcast %max3A : f32 to vector<400x1xf32>
    %max3A_15 = arith.maximumf %slice3A_13, %max3A_14 : vector<400x1xf32>
    %div3A = vector.broadcast %max3A_15 : vector<400x1xf32> to vector<400x128xf32>
    %div3A_16 = arith.divf %concatenate3A, %div3A : vector<400x128xf32>
    %get3A_17 = arith.constant 0 : index
    %get3A_18 = arith.constant 0 : index
    %get3A_19 = vector.load %arg3[%get3A_17, %get3A_18] : memref<400x128xf32, #tpu.memory_space<vmem>>, vector<400x128xf32>
    %get3A_20 = arith.constant 0 : index
    %get3A_21 = arith.constant 0 : index
    %get3A_22 = vector.load %arg4[%get3A_20, %get3A_21] : memref<128x128xf32, #tpu.memory_space<vmem>>, vector<128x128xf32>
    %dot_general3A = arith.constant dense<0.000000e+00> : vector<400x128xf32>
    %dot_general3A_23 = tpu.matmul %get3A_19, %get3A_22, %dot_general3A {dimension_numbers = #tpu.dot_dimension_numbers<[1], [0], [0], [1], [0, 0, 1, 1], [], []>, transpose_lhs_hint = false} : vector<400x128xf32>, vector<128x128xf32>, vector<400x128xf32> -> vector<400x128xf32>
    %add3A_24 = arith.addf %div3A_16, %dot_general3A_23 : vector<400x128xf32>
    %get3A_25 = arith.constant 0 : index
    %get3A_26 = arith.constant 0 : index
    %get3A_27 = vector.load %arg5[%get3A_25, %get3A_26] : memref<1x128xf32, #tpu.memory_space<vmem>>, vector<1x128xf32>
    %add3A_28 = vector.broadcast %get3A_27 : vector<1x128xf32> to vector<400x128xf32>
    %add3A_29 = arith.addf %add3A_24, %add3A_28 : vector<400x128xf32>
    %swap3A = arith.constant 0 : index
    %swap3A_30 = arith.constant 0 : index
    %swap3A_31 = vector.load %arg6[%swap3A, %swap3A_30] : memref<400x128xf32, #tpu.memory_space<vmem>>, vector<400x128xf32>
    tpu.vector_store %arg6[%swap3A, %swap3A_30], %add3A_29 {strides = array<i32>} : memref<400x128xf32, #tpu.memory_space<vmem>>, vector<400x128xf32>,
    return
  }
  func.func @transform_0(%arg0: i32) -> (i32, i32, i32) {
    %c0_i32 = arith.constant 0 : i32
    %c0_i32_0 = arith.constant 0 : i32
    %c0_i32_1 = arith.constant 0 : i32
    return %c0_i32, %arg0, %c0_i32_0 : i32, i32, i32
  }
  func.func @transform_1(%arg0: i32) -> (i32, i32, i32) {
    %c0_i32 = arith.constant 0 : i32
    %c0_i32_0 = arith.constant 0 : i32
    %c0_i32_1 = arith.constant 0 : i32
    return %c0_i32, %arg0, %c0_i32_0 : i32, i32, i32
  }
  func.func @transform_2(%arg0: i32) -> (i32, i32) {
    %c0_i32 = arith.constant 0 : i32
    %c0_i32_0 = arith.constant 0 : i32
    return %arg0, %c0_i32 : i32, i32
  }
  func.func @transform_3(%arg0: i32) -> (i32, i32) {
    %c0_i32 = arith.constant 0 : i32
    %c0_i32_0 = arith.constant 0 : i32
    %c0_i32_1 = arith.constant 0 : i32
    return %c0_i32, %c0_i32_0 : i32, i32
  }
  func.func @transform_4(%arg0: i32) -> (i32, i32) {
    %c0_i32 = arith.constant 0 : i32
    %c0_i32_0 = arith.constant 0 : i32
    %c0_i32_1 = arith.constant 0 : i32
    return %c0_i32, %c0_i32_0 : i32, i32
  }
  func.func @transform_5(%arg0: i32) -> (i32, i32) {
    %c0_i32 = arith.constant 0 : i32
    %c0_i32_0 = arith.constant 0 : i32
    return %arg0, %c0_i32 : i32, i32
  }
}

</mosaic_0001>

<sc_bundles>
// kernel: kernel.6.cloned.1.call-start
scs
__scs_entry_jumppad:
0x0: {  	(pc) =	sbr.rel $0x88, $3  }
0x1: {  	(tag) =	ssettag $0x0;
	lr =	simm.s32 $0x1  }
0x2: {  	[smem:$0x3F99] =	sst lr;
	_ =	strace $0xD0000000  }
0x3: {  	_ = 	snop  }
0x4: {  	_ = 	snop  }
0x5: {  	_ = 	snop  }
0x6: {  	_ = 	snop  }
0x7: {  	_ = 	snop  }
__scs_overlays_trampoline_lowered:
0x8: {  	[smem:$0x3FA8] =	sst s0  }
0x9: {  	[smem:$0x3FA9] =	sst s1  }
0xa: {  	[smem:$0x3FAA] =	sst s2  }
0xb: {  	[smem:$0x3FAB] =	sst s3  }
0xc: {  	[smem:$0x3FAC] =	sst s4  }
0xd: {  	[smem:$0x3FAD] =	sst s5  }
0xe: {  	[smem:$0x3FAE] =	sst s6  }
0xf: {  	[smem:$0x3FAF] =	sst s7  }
0x10: {  	[smem:$0x3FB0] =	sst s8  }
0x11: {  	[smem:$0x3FB1] =	sst s9;
	s0 =	simm.s32 @!p0 $0x0  }
0x12: {  	s1 =	sld [smem:$0x3F97];
	s0 =	simm.s32 @p0 $0x1  }
0x13: {  	[smem:$0x3FB2] =	sst s0;
	s0 =	simm.s32 @!p1 $0x0  }
0x14: {  	s2 =	sld [smem:$0x3F96];
	s0 =	simm.s32 @p1 $0x1  }
0x15: {  	[smem:$0x3FB3] =	sst s0;
	s0 =	simm.s32 @!p2 $0x0  }
0x16: {  	s3 =	sld [smem:$0x3FDB];
	s0 =	simm.s32 @p2 $0x1  }
0x17: {  	s4 =	simm.s32 $0x1BF5;
	[smem:$0x3FB5] =	sst s0  }
0x18: {  	s0 =	sld [smem:$0x3F98];
	_ =	swait.ge [sflag:s4], $0x0  }
0x19: {  	s7 =	sld [smem:$0x3F99]  }
0x1a: {  	s8 =	sadd.s32 $0xFFFFE003, lr  }
0x1b: {  	s9 =	sadd.s32 $0xFFFFFEF7, lr;
	s5 =	simm.s32 $0xFFFFFFFF;
	p2 =	slt.u32 s8, $0xFFFFF086  }
0x1c: {  	p1 =	slt.u32 s9, $0xF7A;
	s5 =	simm.s32 @!p2 $0x0  }
0x1d: {  	s5 =	simm.s32 @p1 $0x1;
	p0 =	seq.s32 s7, s2  }
0x1e: {  	s7 =	smul.u32 @!p0 $0xF7A, s2;
	p2 =	seq.s32 @!p0 s5, $0x0  }
0x1f: {  	s9 =	smul.u32 $0xF7A, s1;
	s8 =	simm.s32 @!p0 $0x1BF5;
	p2 =	por !p2, p0  }
0x20: {  	[sflag:s8] =	ssyncset.s32 @!p0 $0xFFFFF086;
	s6 =	sadd.s32 @!p0 s3, s7;
	s7 =	simm.s32 @!p0 $0x108  }
0x21: {  	s3 =	sadd.s32 s3, s9;
	s6 =	sadd.s32 @!p0 $0x88, s6;
	s7 =	simm.s32 @p2 $0x1082  }
0x22: {  	[simem:s7], [sflag:s8] =	dma.local @!p0 [hbm:s6], $0xF7A  }
0x23: {  	s9 =	sor.u32 $0xD0000000, s2;
	s6 =	simm.s32 $0x108;
	_ =	swait.ge @!p0 [sflag:s8], $0x0  }
0x24: {  	s3 =	sadd.s32 $0x88, s3;
	s6 =	simm.s32 @!p1 $0x1082;
	[sflag:s4] =	ssyncset.s32 $0xFFFFF086  }
0x25: {  	[simem:s6], [sflag:s4] =	dma.local [hbm:s3], $0xF7A  }
0x26: {  	[smem:$0x3F99] =	sst s1;
	(tag) =	ssettag s2;
	_ =	strace s9  }
0x27: {  	s1 =	sld [smem:$0x3FA9]  }
0x28: {  	s2 =	sld [smem:$0x3FAA]  }
0x29: {  	s4 =	sld [smem:$0x3FAC]  }
0x2a: {  	p0 =	seq.s32 s5, $0x0;
	s5 =	sld [smem:$0x3FAD]  }
0x2b: {  	s6 =	sld [smem:$0x3FAE]  }
0x2c: {  	s7 =	sld [smem:$0x3FAF]  }
0x2d: {  	s3 =	simm.s32 $0x108;
	s8 =	sld [smem:$0x3FB0]  }
0x2e: {  	s3 =	simm.s32 @!p0 $0x1082;
	s9 =	sld [smem:$0x3FB1]  }
0x2f: {  	lr =	sadd.s32 s0, s3;
	s0 =	sld [smem:$0x3FA8]  }
0x30: {  	s3 =	sld [smem:$0x3FAB]  }
0x31: {  	[smem:$0x3FB4] =	sst s10  }
0x32: {  	s10 =	sld [smem:$0x3FB2];
	_ =	sdelay $0x3  }
0x33: {  	p0 =	seq.s32 s10, $0x1;
	s10 =	sld [smem:$0x3FB4];
	_ =	sdelay $0x3  }
0x34: {  	[smem:$0x3FB4] =	sst s10  }
0x35: {  	s10 =	sld [smem:$0x3FB3];
	_ =	sdelay $0x3  }
0x36: {  	p1 =	seq.s32 s10, $0x1;
	s10 =	sld [smem:$0x3FB4];
	_ =	sdelay $0x3  }
0x37: {  	[smem:$0x3FB4] =	sst s10  }
0x38: {  	s10 =	sld [smem:$0x3FB5]  }
0x39: {  	_ = 	snop;
	(pc) =	sbr.ind lr, $3  }
0x3a: {  	_ = 	snop  }
0x3b: {  	_ = 	snop  }
0x3c: {  	p2 =	seq.s32 s10, $0x1;
	s10 =	sld [smem:$0x3FB4]  }
0x3d: {  	_ =	shalt  }
0x3e: {  	_ =	shalt  }
0x3f: {  	_ =	shalt  }
0x40: {  	_ =	shalt  }
0x41: {  	_ =	shalt  }
0x42: {  	_ =	shalt  }
0x43: {  	_ =	shalt  }
0x44: {  	_ =	shalt  }
0x45: {  	_ =	shalt  }
0x46: {  	_ =	shalt  }
0x47: {  	_ =	shalt  }
0x48: {  	_ =	shalt  }
0x49: {  	_ =	shalt  }
0x4a: {  	_ =	shalt  }
0x4b: {  	_ =	shalt  }
0x4c: {  	_ =	shalt  }
0x4d: {  	_ =	shalt  }
0x4e: {  	_ =	shalt  }
0x4f: {  	_ =	shalt  }
0x50: {  	_ =	shalt  }
0x51: {  	_ =	shalt  }
0x52: {  	_ =	shalt  }
0x53: {  	_ =	shalt  }
0x54: {  	_ =	shalt  }
0x55: {  	_ =	shalt  }
0x56: {  	_ =	shalt  }
0x57: {  	_ =	shalt  }
0x58: {  	_ =	shalt  }
0x59: {  	_ =	shalt  }
0x5a: {  	_ =	shalt  }
0x5b: {  	_ =	shalt  }
0x5c: {  	_ =	shalt  }
0x5d: {  	_ =	shalt  }
0x5e: {  	_ =	shalt  }
0x5f: {  	_ =	shalt  }
0x60: {  	_ =	shalt  }
0x61: {  	_ =	shalt  }
0x62: {  	_ =	shalt  }
0x63: {  	_ =	shalt  }
0x64: {  	_ =	shalt  }
0x65: {  	_ =	shalt  }
0x66: {  	_ =	shalt  }
0x67: {  	_ =	shalt  }
0x68: {  	_ =	shalt  }
0x69: {  	_ =	shalt  }
0x6a: {  	_ =	shalt  }
0x6b: {  	_ =	shalt  }
0x6c: {  	_ =	shalt  }
0x6d: {  	_ =	shalt  }
0x6e: {  	_ =	shalt  }
0x6f: {  	_ =	shalt  }
0x70: {  	_ =	shalt  }
0x71: {  	_ =	shalt  }
0x72: {  	_ =	shalt  }
0x73: {  	_ =	shalt  }
0x74: {  	_ =	shalt  }
0x75: {  	_ =	shalt  }
0x76: {  	_ =	shalt  }
0x77: {  	_ =	shalt  }
0x78: {  	_ =	shalt  }
0x79: {  	_ =	shalt  }
0x7a: {  	_ =	shalt  }
0x7b: {  	_ =	shalt  }
0x7c: {  	_ =	shalt  }
0x7d: {  	_ =	shalt  }
0x7e: {  	_ =	shalt  }
0x7f: {  	_ =	shalt  }
0x80: {  	_ =	shalt  }
0x81: {  	_ =	shalt  }
0x82: {  	_ =	shalt  }
0x83: {  	_ =	shalt  }
0x84: {  	_ =	shalt  }
0x85: {  	_ =	shalt  }
0x86: {  	_ =	shalt  }
0x87: {  	_ =	shalt  }
.Lfunc_end0:
.L_simem_size_0:
called_computation.1_lowered:
.L_overlay_start_0:
0x88: {  	s2 =	sld [smem:$0x3FD9]  }
0x89: {  	s3 =	sld [smem:$0x3FFE];
	_ =	sdelay $0x1  }
0x8a: {  	s1 =	srdreg.scid  }
0x8b: {  	s0 =	sand.u32 $0x1, s1  }
0x8c: {  	s17 =	sshll.u32 s0, $0xA;
	s2 =	sadd.s32 s3, s2  }
0x8d: {  	s2 =	sadd.s32 s2, s17  }
0x8e: {  	[smem:$0x3FC0] =	sst s2  }
0x8f: {  	_ = 	snop  }
0x90: {  	s2 =	sld [smem:$0x3FD0];
	(tm) =	ssettm $0x1  }
0x91: {  	s18 =	sld [smem:$0x3FFB];
	_ =	sdelay $0x3  }
0x92: {  	_ =	strace s18  }
0x93: {  	s3 =	sld [smem:$0x3FFC];
	_ =	sdelay $0x3  }
0x94: {  	_ =	strace s3  }
0x95: {  	s3 =	sld [smem:$0x3FFD];
	_ =	sdelay $0x3  }
0x96: {  	_ =	strace s3  }
0x97: {  	_ =	strace $0x8FFFFFFF  }
0x98: {  	s19 =	sld [smem:$0x3FDB];
	_ =	sdelay $0x1  }
0x99: {  	s4 =	simm.s32 $_scs_section_size  }
0x9a: {  	s5 =	simm.s32 $_size__tile_overlayer_lowered;
	s6 =	simm.s32 $_tile_overlayer_lowered  }
0x9b: {  	s22 =	simm.s32 $0x1BFF;
	s21 =	sshll.u32 s6, $0x1;
	s3 =	sadd.s32 s4, s19  }
0x9c: {  	s7 =	simm.s32 $0x0;
	s20 =	sshll.u32 s5, $0x1;
	s5 =	sadd.s32 s21, s3  }
0x9d: {  	[timem:s7], [sflag:s22] =	dma.local [hbm:s5], s20  }
0x9e: {  	_ =	swait.ge [sflag:s22], s20  }
0x9f: {  	s4 =	ssub.s32 $0x0, s20;
	[sflag:s22] =	ssyncset.done $0x0  }
0xa0: {  	[sflag:s22] =	ssyncadd.s32 s4;
	_ =	sdelay $0x1  }
0xa1: {  	s23 =	simm.s32 $0x1B8B  }
0xa2: {  	_ =	swait.ge [sflag:s23], $0x1  }
0xa3: {  	[sflag:s23] =	ssyncset.done $0x0  }
0xa4: {  	s25 =	simm.s32 $0x1B8E;
	s24 =	sld [smem:$0x3FFE];
	[sflag:s23] =	ssyncadd.s32 $0xFFFFFFFF  }
0xa5: {  	s26 =	simm.s32 $execute0_lowered;
	[smem:$0x3FD2] =	sst s25  }
0xa6: {  	s5 =	sshll.u32 s26, $0x1;
	_ =	strace $0x80000049;
	[dreg:$0x1] =	wrdreg $0xFFFFFFFF  }
0xa7: {  	s28 =	simm.s32 $_size_execute0_lowered;
	s3 =	sadd.s32 s3, s5;
	[dreg:$0x0] =	wrdreg $0x0  }
0xa8: {  	s5 =	sshll.u32 s28, $0x1;
	[dreg:$0x2] =	wrdreg s3  }
0xa9: {  	[dreg:$0x3] =	wrdreg s5  }
0xaa: {  	[dreg:$0x4] =	wrdreg $0xC0  }
0xab: {  	_ =	task [dreg:s7], $0x5FFFF  }
0xac: {  	[dreg:$0x1] =	wrdreg $0xFFFFFFFF  }
0xad: {  	[dreg:$0x0] =	wrdreg $0x60  }
0xae: {  	[dreg:$0x2] =	wrdreg s24  }
0xaf: {  	[dreg:$0x3] =	wrdreg s2  }
0xb0: {  	[dreg:$0x4] =	wrdreg $0x10C000  }
0xb1: {  	[dreg:$0x5] =	wrdreg $0x1AC000  }
0xb2: {  	[dreg:$0x6] =	wrdreg $0x9  }
0xb3: {  	_ =	task.clear_ibuf [dreg:s7], $0x7FFFF;
	_ =	strace $0x90000049  }
0xb4: {  	s29 =	simm.s32 $0x9;
	_ =	strace $0x8000004B  }
0xb5: {  	_ =	swait.ge [sflag:s29], $0x1  }
0xb6: {  	[sflag:s29] =	ssyncadd.s32 $0xFFFFFFFF  }
0xb7: {  	_ =	strace $0x9000004B  }
0xb8: {  	_ =	sfence  }
0xb9: {  	s30 =	sld [smem:$0x0];
	_ =	sdelay $0x2  }
0xba: {  	s31 =	sshll.u32 s1, $0xD;
	s1 =	sshrl.u32 s1, $0x2  }
0xbb: {  	s3 =	sand.u32 $0x4000, s31;
	s1 =	sadd.s32 s1, s30  }
0xbc: {  	s0 =	sor.u32 s3, s0;
	s1 =	sshll.u32 s1, $0x11  }
0xbd: {  	s0 =	sor.u32 s1, s0  }
0xbe: {  	s0 =	sadd.s32 $0x8F2B, s0  }
0xbf: {  	[sflag:s0] =	ssyncadd.remote.s32 $0x1  }
0xc0: {  	_ =	sfence.sel $0xFFFF  }
0xc1: {  	[dreg:$0x0] =	wrdreg $0xFFFFFFFF;
	(pc) =	sbr.abs _section_cstart, $3  }
0xc2: {  	[dreg:$0x1] =	wrdreg $0xFFFFFFFF  }
0xc3: {  	_ =	task.clear_ibuf [dreg:s7], $0x2FFFF;
	_ =	strace $0x9FFFFFFF  }
0xc4: {  	(tm) =	ssettm $0x7FFFFFFF  }
0xc5: {  	_ =	shalt  }
tec
execute0_lowered:
.L_overlay_start_1:
0x0: {  	(tag) =	ssettag $0x1  }
0x1: {  	s5 =	rddreg [dreg:$0x0]  }
0x2: {  	s0 =	rddreg [dreg:$0x1]  }
0x3: {  	s2 =	simm.s32 $0x0;
	s1 =	srdreg.scid;
	s29 =	simm.s32 $0x80  }
0x4: {  	s31 =	simm.s32 $0x2400;
	s28 =	simm.s32 $0x5;
	s30 =	simm.s32 $0x2  }
0x5: {  	[smem:$0x7FF] =	sst s2;
	s3 =	sand.u32 $0x1, s1;
	s1 =	stileid.u32  }
0x6: {  	s11 =	sadd.s32 $0xC800, s5;
	s12 =	sadd.s32 $0x2800, s5;
	s6 =	ssub.s32 $0x2, s3  }
0x7: {  	s10 =	smul.u32 $0xA0000, s3;
	s4 =	sshll.u32 s1, $0xD;
	s9 =	sshll.u32 s1, $0x7  }
0x8: {  	s14 =	smul.u32 $0x28000, s3;
	s21 =	ssub.s32 $0x4F1, s1;
	s7 =	sshrl.u32 s6, $0x1  }
0x9: {  	s13 =	sor.u32 $0x800, s9;
	s15 =	sor.u32 $0x1000, s9;
	s17 =	sor.u32 $0x1800, s9  }
0xa: {  	s18 =	sor.u32 $0x2000, s9;
	s7 =	ssub.s32 s6, s7;
	s23 =	sor.u32 s10, s4  }
0xb: {  	s16 =	sshll.u32 s13, $0x6;
	s22 =	sshll.u32 s15, $0x6;
	s8 =	sshll.u32 s17, $0x6  }
0xc: {  	s9 =	sshll.u32 s18, $0x6;
	s15 =	sshll.u32 s15, $0x4;
	s6 =	sshrl.u32 s23, $0x3  }
0xd: {  	s20 =	sadd.s32 s10, s16;
	s23 =	sshll.u32 s13, $0x4;
	s24 =	sadd.s32 s10, s22  }
0xe: {  	s26 =	sadd.s32 s10, s8;
	s10 =	sadd.s32 s10, s9;
	s6 =	sadd.s32 s11, s6  }
0xf: {  	s20 =	sshrl.u32 s20, $0x3;
	s25 =	sadd.s32 s14, s23;
	s13 =	sshrl.u32 s24, $0x3  }
0x10: {  	s10 =	sshrl.u32 s10, $0x3;
	[dreg:$0x5] =	wrdreg s6;
	s20 =	sadd.s32 s11, s20  }
0x11: {  	s24 =	sshll.u32 s1, $0xE;
	s13 =	sadd.s32 s11, s13;
	[dreg:$0x6] =	wrdreg s20  }
0x12: {  	s6 =	sshll.u32 s1, $0xB;
	s10 =	sadd.s32 s11, s10;
	[dreg:$0x7] =	wrdreg s13  }
0x13: {  	s19 =	sor.u32 s14, s6;
	s13 =	sshrl.u32 s26, $0x3;
	[dreg:$0x9] =	wrdreg s10  }
0x14: {  	s26 =	sshrl.u32 s4, $0x2;
	s13 =	sadd.s32 s11, s13;
	s11 =	sadd.s32 s14, s15  }
0x15: {  	[dreg:$0x8] =	wrdreg s13;
	s13 =	sshrl.u32 s19, $0x3;
	s19 =	sshrl.u32 s25, $0x3  }
0x16: {  	s10 =	sshrl.u32 s11, $0x3;
	s25 =	smax.u32 s7, $0x1;
	s7 =	sshrl.u32 s16, $0x2  }
0x17: {  	s11 =	sadd.s32 s12, s13;
	s10 =	sadd.s32 s12, s10;
	s13 =	rddreg [dreg:$0x2]  }
0x18: {  	s20 =	sadd.s32 s12, s19;
	[dreg:$0xc] =	wrdreg s10;
	s10 =	sshll.u32 s17, $0x4  }
0x19: {  	[dreg:$0xa] =	wrdreg s11;
	s11 =	sshll.u32 s18, $0x4;
	s17 =	sadd.s32 s14, s10  }
0x1a: {  	[dreg:$0xb] =	wrdreg s20;
	s18 =	sadd.s32 s14, s11;
	s17 =	sshrl.u32 s17, $0x3  }
0x1b: {  	s14 =	rddreg [dreg:$0x3];
	s18 =	sshrl.u32 s18, $0x3;
	s17 =	sadd.s32 s12, s17  }
0x1c: {  	s19 =	sadd.s32 $0x4E4800, s5;
	s12 =	sadd.s32 s12, s18;
	[dreg:$0xd] =	wrdreg s17  }
0x1d: {  	s20 =	sshrl.u32 s21, $0x4;
	s18 =	smul.u32 $0x1388000, s3;
	[dreg:$0xe] =	wrdreg s12  }
0x1e: {  	s17 =	sadd.s32 $0x9C6800, s5;
	s12 =	sadd.s32 $0x1, s20;
	_ =	strace $0x8000004A  }
0x1f: {  	s5 =	sadd.s32 s24, s18;
	s24 =	sshll.u32 s1, $0x5;
	s21 =	sshrl.u32 s12, $0x1  }
0x20: {  	[dreg:$0x11] =	wrdreg s25;
	s25 =	sadd.s32 s16, s13;
	s12 =	sadd.s32 s17, s24  }
0x21: {  	s24 =	sadd.s32 s4, s13;
	[dreg:$0x14] =	wrdreg s25;
	s4 =	sadd.s32 s7, s14  }
0x22: {  	p0 =	sne.s32 s3, $0x0;
	s7 =	sadd.s32 s22, s13;
	[dreg:$0x15] =	wrdreg s4  }
0x23: {  	p1 =	seq.s32 s3, $0x0;
	s10 =	sadd.s32 s10, s14;
	[dreg:$0x16] =	wrdreg s7  }
0x24: {  	s16 =	sshrl.u32 s8, $0x2;
	s5 =	sshrl.u32 s5, $0x3;
	[dreg:$0xf] =	wrdreg s12  }
0x25: {  	s25 =	sshrl.u32 s9, $0x2;
	s5 =	sadd.s32 s19, s5;
	[dreg:$0x12] =	wrdreg s24  }
0x26: {  	s7 =	sadd.s32 s6, s14;
	s6 =	simm.s32 $0x200;
	[dreg:$0x10] =	wrdreg s5  }
0x27: {  	s5 =	sadd.s32 s26, s14;
	s26 =	sshrl.u32 s22, $0x2;
	s22 =	sadd.s32 s8, s13  }
0x28: {  	s8 =	sadd.s32 s23, s14;
	s23 =	sshrl.u32 s10, $0x3;
	[dreg:$0x13] =	wrdreg s5  }
0x29: {  	s10 =	simm.s32 $0x6400;
	s4 =	sadd.s32 s26, s14;
	[dreg:$0x18] =	wrdreg s22  }
0x2a: {  	s26 =	sadd.s32 s9, s13;
	s9 =	sadd.s32 s15, s14;
	[dreg:$0x1f] =	wrdreg s23  }
0x2b: {  	s15 =	sadd.s32 s11, s14;
	s23 =	simm.s32 $0x9;
	[dreg:$0x17] =	wrdreg s4  }
0x2c: {  	s5 =	simm.s32 $0x0;
	s4 =	sadd.s32 s16, s14;
	[dreg:$0x1a] =	wrdreg s26  }
0x2d: {  	s16 =	sshrl.u32 s8, $0x3;
	s22 =	sshrl.u32 s9, $0x3;
	[dreg:$0x19] =	wrdreg s4  }
0x2e: {  	s26 =	sadd.s32 $0x9C40, s12;
	s8 =	simm.s32 $0x4400;
	[dreg:$0x1d] =	wrdreg s16  }
.Ltmp0:
0x2f: {  	s12 =	simm.s32 $0x4;
	[dreg:$0x1e] =	wrdreg s22;
	(pc) =	sbr.rel .LBB2_1-.Ltmp0, $4  }
0x30: {  	s4 =	sadd.s32 s25, s14;
	s25 =	sshrl.u32 s15, $0x3;
	[smem:$0x7FD] =	sst s26  }
0x31: {  	s16 =	simm.s32 $0x400;
	s26 =	simm.s32 $0x100;
	[dreg:$0x1b] =	wrdreg s4  }
0x32: {  	s15 =	simm.s32 $0x1;
	s4 =	sshrl.u32 s7, $0x3;
	[smem:$0x7FC] =	sst s25  }
0x33: {  	v1 =	vimm.f32 $0.0e+00;
	v2 =	vimm.f32 $1.000000000e+00;
	v0 =	vmov s3;
	s22 =	simm.s32 $0x3;
	s7 =	simm.s32 $0x300;
	[dreg:$0x1c] =	wrdreg s4  }
.LBB2_21:
0x34: {  	_ =	swait.ge [sflag:s28], $0x2000  }
0x35: {  	[sflag:s28] =	ssyncset.done $0x0  }
0x36: {  	[sflag:s28] =	ssyncadd.s32 $0xFFFFE000  }
0x37: {  	_ =	swait.ge [sflag:s28], $0x2000  }
0x38: {  	[sflag:s28] =	ssyncset.done $0x0  }
0x39: {  	s4 =	simm.s32 @p0 $0x6;
	[sflag:s28] =	ssyncadd.s32 $0xFFFFE000  }
0x3a: {  	_ =	swait.ge @p0 [sflag:s4], $0x2000  }
0x3b: {  	[sflag:s4] =	ssyncset.done @p0 $0x0  }
0x3c: {  	[sflag:s4] =	ssyncadd.s32 @p0 $0xFFFFE000  }
0x3d: {  	_ =	swait.ge @p0 [sflag:s4], $0x2000  }
0x3e: {  	[sflag:s4] =	ssyncset.done @p0 $0x0  }
0x3f: {  	[sflag:s4] =	ssyncadd.s32 @p0 $0xFFFFE000;
	s4 =	simm.s32 @p0 $0x8  }
0x40: {  	_ =	swait.ge @p0 [sflag:s4], $0x800  }
0x41: {  	[sflag:s4] =	ssyncset.done @p0 $0x0  }
0x42: {  	[sflag:s4] =	ssyncadd.s32 @p0 $0xFFFFF800  }
0x43: {  	_ =	swait.ge @p0 [sflag:s4], $0x800  }
0x44: {  	[sflag:s4] =	ssyncset.done @p0 $0x0  }
0x45: {  	[sflag:s4] =	ssyncadd.s32 @p0 $0xFFFFF800;
	s4 =	simm.s32 @!p0 $0x7  }
0x46: {  	_ =	swait.ge @!p0 [sflag:s4], $0x800  }
0x47: {  	[sflag:s4] =	ssyncset.done @!p0 $0x0  }
0x48: {  	[sflag:s4] =	ssyncadd.s32 @!p0 $0xFFFFF800  }
0x49: {  	_ =	swait.ge @!p0 [sflag:s4], $0x800  }
0x4a: {  	[sflag:s4] =	ssyncset.done @!p0 $0x0  }
0x4b: {  	[sflag:s4] =	ssyncadd.s32 @!p0 $0xFFFFF800;
	s4 =	simm.s32 @!p0 $0x6  }
0x4c: {  	_ =	swait.ge @!p0 [sflag:s4], $0x2000  }
0x4d: {  	[sflag:s4] =	ssyncset.done @!p0 $0x0  }
0x4e: {  	[sflag:s4] =	ssyncadd.s32 @!p0 $0xFFFFE000  }
0x4f: {  	_ =	swait.ge @!p0 [sflag:s4], $0x2000  }
0x50: {  	[sflag:s4] =	ssyncset.done @!p0 $0x0  }
0x51: {  	[sflag:s4] =	ssyncadd.s32 @!p0 $0xFFFFE000  }
0x52: {  	[bflag:$0x0] =	sbarrier.arrive $0xFFFF  }
0x53: {  	s9 =	sshll.u32 s1, $0x6;
	s24 =	rddreg [dreg:$0x12]  }
0x54: {  	s4 =	sor.u32 $0x1C09, s9;
	s9 =	rddreg [dreg:$0x5];
	s5 =	sshrl.u32 s24, $0x3  }
0x55: {  	[hbm:s9], [sflag:s4] =	dma.local [spmem:s5], $0x400  }
0x56: {  	_ =	swait.ge [sflag:s23], $0x400  }
0x57: {  	[sflag:s23] =	ssyncset.done $0x0;
	s11 =	rddreg [dreg:$0xa]  }
0x58: {  	s25 =	rddreg [dreg:$0x1c];
	[sflag:s23] =	ssyncadd.s32 $0xFFFFFC00  }
0x59: {  	[hbm:s11], [sflag:s4] =	dma.local [spmem:s25], $0x100  }
0x5a: {  	_ =	swait.ge [sflag:s23], $0x100  }
0x5b: {  	[sflag:s23] =	ssyncset.done $0x0;
	s11 =	rddreg [dreg:$0x14]  }
0x5c: {  	s25 =	rddreg [dreg:$0x6];
	[sflag:s23] =	ssyncadd.s32 $0xFFFFFF00;
	s5 =	sshrl.u32 s11, $0x3  }
0x5d: {  	[hbm:s25], [sflag:s4] =	dma.local [spmem:s5], $0x400  }
0x5e: {  	_ =	swait.ge [sflag:s23], $0x400  }
0x5f: {  	[sflag:s23] =	ssyncset.done $0x0;
	s11 =	rddreg [dreg:$0xb]  }
0x60: {  	s25 =	rddreg [dreg:$0x1d];
	[sflag:s23] =	ssyncadd.s32 $0xFFFFFC00  }
0x61: {  	[hbm:s11], [sflag:s4] =	dma.local [spmem:s25], $0x100  }
0x62: {  	_ =	swait.ge [sflag:s23], $0x100  }
0x63: {  	[sflag:s23] =	ssyncset.done $0x0;
	s11 =	rddreg [dreg:$0x16]  }
0x64: {  	s25 =	rddreg [dreg:$0x7];
	[sflag:s23] =	ssyncadd.s32 $0xFFFFFF00;
	s5 =	sshrl.u32 s11, $0x3  }
0x65: {  	[hbm:s25], [sflag:s4] =	dma.local [spmem:s5], $0x400  }
0x66: {  	_ =	swait.ge [sflag:s23], $0x400  }
0x67: {  	[sflag:s23] =	ssyncset.done $0x0;
	s11 =	rddreg [dreg:$0xc]  }
0x68: {  	s25 =	rddreg [dreg:$0x1e];
	[sflag:s23] =	ssyncadd.s32 $0xFFFFFC00  }
0x69: {  	[hbm:s11], [sflag:s4] =	dma.local [spmem:s25], $0x100  }
0x6a: {  	_ =	swait.ge [sflag:s23], $0x100  }
0x6b: {  	[sflag:s23] =	ssyncset.done $0x0;
	s11 =	rddreg [dreg:$0x18]  }
0x6c: {  	s25 =	rddreg [dreg:$0x8];
	[sflag:s23] =	ssyncadd.s32 $0xFFFFFF00;
	s5 =	sshrl.u32 s11, $0x3  }
0x6d: {  	[hbm:s25], [sflag:s4] =	dma.local [spmem:s5], $0x400  }
0x6e: {  	_ =	swait.ge [sflag:s23], $0x400  }
0x6f: {  	[sflag:s23] =	ssyncset.done $0x0;
	s11 =	rddreg [dreg:$0xd]  }
0x70: {  	s25 =	rddreg [dreg:$0x1f];
	[sflag:s23] =	ssyncadd.s32 $0xFFFFFC00  }
0x71: {  	[hbm:s11], [sflag:s4] =	dma.local [spmem:s25], $0x100  }
0x72: {  	_ =	swait.ge [sflag:s23], $0x100  }
0x73: {  	[sflag:s23] =	ssyncset.done $0x0;
	s11 =	rddreg [dreg:$0x1a]  }
0x74: {  	s25 =	rddreg [dreg:$0x9];
	[sflag:s23] =	ssyncadd.s32 $0xFFFFFF00;
	s5 =	sshrl.u32 s11, $0x3  }
0x75: {  	[hbm:s25], [sflag:s4] =	dma.local [spmem:s5], $0x400  }
0x76: {  	_ =	swait.ge [sflag:s23], $0x400  }
0x77: {  	s25 =	sld [smem:$0x7FC]  }
0x78: {  	[sflag:s23] =	ssyncset.done $0x0  }
0x79: {  	s11 =	rddreg [dreg:$0xe];
	[sflag:s23] =	ssyncadd.s32 $0xFFFFFC00  }
0x7a: {  	[hbm:s11], [sflag:s4] =	dma.local [spmem:s25], $0x100  }
0x7b: {  	_ =	swait.ge [sflag:s23], $0x100  }
0x7c: {  	s11 =	sld [smem:$0x7FB];
	_ =	sdelay $0x2  }
0x7d: {  	s25 =	rddreg [dreg:$0x11];
	s5 =	sadd.s32 $0x1, s11  }
0x7e: {  	p2 =	sne.s32 s5, s25  }
.Ltmp1:
0x7f: {  	_ = 	snop;
	(pc) =	sbr.rel @!p2 .LBB2_22-.Ltmp1, $3  }
0x80: {  	_ =	sdelay $0x1  }
0x81: {  	[sflag:s23] =	ssyncset.done $0x0  }
0x82: {  	[sflag:s23] =	ssyncadd.s32 $0xFFFFFF00  }
.LBB2_1:
0x83: {  	[smem:$0x7FB] =	sst s5;
	s4 =	simm.s32 $0x0  }
.LBB2_2:
0x84: {  	p2 =	sne.s32 s4, $0xFF00  }
.Ltmp2:
0x85: {  	s5 =	sshra.s32 s4, $0x2;
	(pc) =	sbr.rel @p2 .LBB2_2-.Ltmp2, $4  }
0x86: {  	[tilespmem:s5+$0x400] =	vst v1  }
0x87: {  	[tilespmem:s5+$0x410] =	vst v1  }
0x88: {  	[tilespmem:s5+$0x420] =	vst v1  }
0x89: {  	s4 =	sadd.s32 $0x100, s4;
	[tilespmem:s5+$0x430] =	vst v1  }
0x8a: {  	s4 =	simm.s32 $0x40;
	s5 =	simm.s32 $0x0  }
.LBB2_4:
0x8b: {  	p2 =	sne.s32 s4, $0x1FC0;
	[tilespmem:s5+$0x10400] =	vst v1;
	s5 =	smov.u32 s4;
	s4 =	sadd.s32 $0x40, s4  }
.Ltmp3:
0x8c: {  	(pc) =	sbr.rel @p2 .LBB2_4-.Ltmp3, $2  }
0x8d: {  	_ =	sdelay $0x2  }
0x8e: {  	s5 =	sshra.s32 s5, $0x2  }
0x8f: {  	[tilespmem:s5+$0x10400] =	vst v1  }
0x90: {  	[spmem:s24] =	stream.linear.scatter [tilespmem:s16], [sflag:$0x9], $0x2000, $0x38;
	[tilespmem:$0x1D400] =	vst v63  }
0x91: {  	_ =	swait.ge [sflag:s23], $0x2000  }
0x92: {  	[sflag:s23] =	ssyncset.done $0x0  }
0x93: {  	s5 =	simm.s32 $0x10400;
	s4 =	rddreg [dreg:$0x13];
	[sflag:s23] =	ssyncadd.s32 $0xFFFFE000  }
0x94: {  	[spmem:s4] =	stream.linear.scatter [tilespmem:s5], [sflag:$0x9], $0x800, $0x38;
	[tilespmem:$0x1D400] =	vst v63  }
0x95: {  	_ =	swait.ge [sflag:s23], $0x800  }
0x96: {  	[sflag:s23] =	ssyncset.done $0x0  }
0x97: {  	s9 =	rddreg [dreg:$0x14];
	[sflag:s23] =	ssyncadd.s32 $0xFFFFF800  }
0x98: {  	[spmem:s9] =	stream.linear.scatter [tilespmem:s16], [sflag:$0x9], $0x2000, $0x38;
	[tilespmem:$0x1D400] =	vst v63  }
0x99: {  	_ =	swait.ge [sflag:s23], $0x2000  }
0x9a: {  	[sflag:s23] =	ssyncset.done $0x0  }
0x9b: {  	s11 =	rddreg [dreg:$0x15];
	[sflag:s23] =	ssyncadd.s32 $0xFFFFE000  }
0x9c: {  	[spmem:s11] =	stream.linear.scatter [tilespmem:s5], [sflag:$0x9], $0x800, $0x38;
	[tilespmem:$0x1D400] =	vst v63  }
0x9d: {  	_ =	swait.ge [sflag:s23], $0x800  }
0x9e: {  	[sflag:s23] =	ssyncset.done $0x0  }
0x9f: {  	s24 =	rddreg [dreg:$0x16];
	[sflag:s23] =	ssyncadd.s32 $0xFFFFF800  }
0xa0: {  	[spmem:s24] =	stream.linear.scatter [tilespmem:s16], [sflag:$0x9], $0x2000, $0x38;
	[tilespmem:$0x1D400] =	vst v63  }
0xa1: {  	_ =	swait.ge [sflag:s23], $0x2000  }
0xa2: {  	[sflag:s23] =	ssyncset.done $0x0  }
0xa3: {  	s25 =	rddreg [dreg:$0x17];
	[sflag:s23] =	ssyncadd.s32 $0xFFFFE000  }
0xa4: {  	[spmem:s25] =	stream.linear.scatter [tilespmem:s5], [sflag:$0x9], $0x800, $0x38;
	[tilespmem:$0x1D400] =	vst v63  }
0xa5: {  	_ =	swait.ge [sflag:s23], $0x800  }
0xa6: {  	[sflag:s23] =	ssyncset.done $0x0  }
0xa7: {  	s9 =	rddreg [dreg:$0x18];
	[sflag:s23] =	ssyncadd.s32 $0xFFFFF800  }
0xa8: {  	[spmem:s9] =	stream.linear.scatter [tilespmem:s16], [sflag:$0x9], $0x2000, $0x38;
	[tilespmem:$0x1D400] =	vst v63  }
0xa9: {  	_ =	swait.ge [sflag:s23], $0x2000  }
0xaa: {  	[sflag:s23] =	ssyncset.done $0x0  }
0xab: {  	s11 =	rddreg [dreg:$0x19];
	[sflag:s23] =	ssyncadd.s32 $0xFFFFE000  }
0xac: {  	[spmem:s11] =	stream.linear.scatter [tilespmem:s5], [sflag:$0x9], $0x800, $0x38;
	[tilespmem:$0x1D400] =	vst v63  }
0xad: {  	_ =	swait.ge [sflag:s23], $0x800  }
0xae: {  	[sflag:s23] =	ssyncset.done $0x0  }
0xaf: {  	s24 =	rddreg [dreg:$0x1a];
	[sflag:s23] =	ssyncadd.s32 $0xFFFFF800  }
0xb0: {  	[spmem:s24] =	stream.linear.scatter [tilespmem:s16], [sflag:$0x9], $0x2000, $0x38;
	[tilespmem:$0x1D400] =	vst v63  }
0xb1: {  	_ =	swait.ge [sflag:s23], $0x2000  }
0xb2: {  	[sflag:s23] =	ssyncset.done $0x0  }
0xb3: {  	s25 =	rddreg [dreg:$0x1b];
	[sflag:s23] =	ssyncadd.s32 $0xFFFFE000  }
0xb4: {  	[spmem:s25] =	stream.linear.scatter [tilespmem:s5], [sflag:$0x9], $0x800, $0x38;
	[tilespmem:$0x1D400] =	vst v63  }
0xb5: {  	_ =	swait.ge [sflag:s23], $0x800  }
0xb6: {  	[sflag:s23] =	ssyncset.done $0x0  }
0xb7: {  	[sflag:s23] =	ssyncadd.s32 $0xFFFFF800  }
0xb8: {  	s4 =	simm.s32 $0x40;
	s5 =	simm.s32 $0x0;
	[bflag:$0x0] =	sbarrier.arrive $0xFFFF  }
.LBB2_6:
0xb9: {  	p2 =	sne.s32 s4, $0x1FC0;
	[tilespmem:s5+$0x10400] =	vst v2;
	s5 =	smov.u32 s4;
	s4 =	sadd.s32 $0x40, s4  }
.Ltmp4:
0xba: {  	(pc) =	sbr.rel @p2 .LBB2_6-.Ltmp4, $2  }
0xbb: {  	_ =	sdelay $0x2  }
0xbc: {  	s5 =	sshra.s32 s5, $0x2  }
0xbd: {  	[tilespmem:s5+$0x10400] =	vst v2;
	s24 =	simm.s32 $0x0;
	s4 =	rddreg [dreg:$0xf]  }
0xbe: {  	[tilespmem:s24], [sflag:$0x9] =	stream.linear.gather [hbm4b:s4+s24], $0x100, $0x38;
	[tilespmem:$0x1D400] =	vst v63  }
0xbf: {  	_ =	swait.ge [sflag:s23], $0x100  }
0xc0: {  	s9 =	sld [smem:$0x7FD]  }
0xc1: {  	[sflag:s23] =	ssyncset.done $0x0  }
0xc2: {  	[sflag:s23] =	ssyncadd.s32 $0xFFFFFF00  }
0xc3: {  	[tilespmem:s26], [sflag:$0x9] =	stream.linear.gather [hbm4b:s9+s24], $0x100, $0x38;
	[tilespmem:$0x1D400] =	vst v63  }
0xc4: {  	_ =	swait.ge [sflag:s23], $0x100  }
0xc5: {  	[sflag:s23] =	ssyncset.done $0x0  }
0xc6: {  	[sflag:s23] =	ssyncadd.s32 $0xFFFFFF00  }
0xc7: {  	v3 =	vld [tilespmem:$0x0]  }
0xc8: {  	v4 =	vld [tilespmem:$0x10]  }
0xc9: {  	v5 =	vld [tilespmem:$0x20]  }
0xca: {  	v6 =	vld [tilespmem:$0x30]  }
0xcb: {  	v7 =	vld [tilespmem:$0x40]  }
0xcc: {  	v8 =	vld [tilespmem:$0x50];
	v3 =	vshll.u32 v3, $0x1  }
0xcd: {  	v9 =	vld [tilespmem:$0x60];
	v4 =	vshll.u32 v4, $0x1;
	v3 =	vor.u32 v0, v3  }
0xce: {  	v42 =	vld [tilespmem:$0x70];
	v41 =	vshll.u32 v5, $0x1;
	[tilespmem:$0x0] =	vst v3;
	v3 =	vor.u32 v0, v4  }
0xcf: {  	v44 =	vld [tilespmem:$0x80];
	v43 =	vshll.u32 v6, $0x1;
	[tilespmem:$0x10] =	vst v3;
	v3 =	vor.u32 v0, v41  }
0xd0: {  	v46 =	vld [tilespmem:$0x90];
	v45 =	vshll.u32 v7, $0x1;
	[tilespmem:$0x20] =	vst v3;
	v3 =	vor.u32 v0, v43  }
0xd1: {  	v48 =	vld [tilespmem:$0xA0];
	v47 =	vshll.u32 v8, $0x1;
	[tilespmem:$0x30] =	vst v3;
	v3 =	vor.u32 v0, v45  }
0xd2: {  	v50 =	vld [tilespmem:$0xB0];
	v49 =	vshll.u32 v9, $0x1;
	[tilespmem:$0x40] =	vst v3;
	v3 =	vor.u32 v0, v47  }
0xd3: {  	v52 =	vld [tilespmem:$0xC0];
	v51 =	vshll.u32 v42, $0x1;
	[tilespmem:$0x50] =	vst v3;
	v3 =	vor.u32 v0, v49  }
0xd4: {  	v54 =	vld [tilespmem:$0xD0];
	v53 =	vshll.u32 v44, $0x1;
	[tilespmem:$0x60] =	vst v3;
	v3 =	vor.u32 v0, v51  }
0xd5: {  	v56 =	vld [tilespmem:$0xE0];
	v55 =	vshll.u32 v46, $0x1;
	[tilespmem:$0x70] =	vst v3;
	v3 =	vor.u32 v0, v53  }
0xd6: {  	v58 =	vld [tilespmem:$0xF0];
	v57 =	vshll.u32 v48, $0x1;
	[tilespmem:$0x80] =	vst v3;
	v3 =	vor.u32 v0, v55  }
0xd7: {  	v59 =	vshll.u32 v50, $0x1;
	[tilespmem:$0x90] =	vst v3;
	v3 =	vor.u32 v0, v57  }
0xd8: {  	v60 =	vshll.u32 v52, $0x1;
	[tilespmem:$0xA0] =	vst v3;
	v3 =	vor.u32 v0, v59  }
0xd9: {  	v61 =	vshll.u32 v54, $0x1;
	[tilespmem:$0xB0] =	vst v3;
	v3 =	vor.u32 v0, v60  }
0xda: {  	v62 =	vshll.u32 v56, $0x1;
	[tilespmem:$0xC0] =	vst v3;
	v3 =	vor.u32 v0, v61  }
0xdb: {  	v63 =	vshll.u32 v58, $0x1;
	[tilespmem:$0xD0] =	vst v3;
	v3 =	vor.u32 v0, v62  }
0xdc: {  	[tilespmem:$0xE0] =	vst v3;
	v3 =	vor.u32 v0, v63  }
0xdd: {  	[tilespmem:$0xF0] =	vst v3  }
0xde: {  	[tilespmem:s16], [sflag:$0x1] =	stream.indirect.gather [hbm4b:s0+s29], $0x40, s24, s29, $0xb8;
	[tilespmem:$0x1D400] =	vst v63  }
.Ltmp5:
0xdf: {  	_ = 	snop;
	(pc) =	sbr.rel .LBB2_8-.Ltmp5, $4  }
0xe0: {  	_ = 	snop  }
0xe1: {  	[tilespmem:s31], [sflag:$0x1] =	stream.indirect.gather [hbm4b:s0+s29], $0x40, s29, s29, $0xb8;
	[tilespmem:$0x1D400] =	vst v63  }
0xe2: {  	s25 =	simm.s32 $0x8400;
	s11 =	rddreg [dreg:$0x10]  }
0xe3: {  	[tilespmem:s25], [sflag:$0x3] =	stream.linear.gather [hbm4b:s11+s24], $0x4000, $0x38;
	[tilespmem:$0x1D400] =	vst v63  }
.LBB2_20:
0xe4: {  	s24 =	sadd.s32 $0x1, s24  }
0xe5: {  	p2 =	sne.s32 s24, s21  }
.Ltmp6:
0xe6: {  	_ = 	snop;
	(pc) =	sbr.rel @!p2 .LBB2_21-.Ltmp6, $1  }
0xe7: {  	_ =	sdelay $0x3  }
.LBB2_8:
0xe8: {  	s4 =	sshllo.u32 s24, $0x1  }
0xe9: {  	p2 =	sge.u32 s4, s20  }
.Ltmp7:
0xea: {  	_ = 	snop;
	(pc) =	sbr.rel @p2 .LBB2_10-.Ltmp7, $1  }
0xeb: {  	_ =	sdelay $0x3  }
0xec: {  	p3 =	seq.s32 s24, $0x0  }
0xed: {  	s5 =	simm.s32 @!p3 $0x6  }
0xee: {  	_ =	swait.ge @!p3 [sflag:s5], $0x2000  }
0xef: {  	[sflag:s5] =	ssyncset.done @!p3 $0x0  }
0xf0: {  	[sflag:s5] =	ssyncadd.s32 @!p3 $0xFFFFE000  }
0xf1: {  	p4 =	seq.s32 @!p3 s3, $0x0;
	_ =	swait.ge @!p3 [sflag:s5], $0x2000  }
0xf2: {  	p4 =	por p4, p3;
	[sflag:s5] =	ssyncset.done @!p3 $0x0  }
0xf3: {  	[sflag:s5] =	ssyncadd.s32 @!p3 $0xFFFFE000;
	s5 =	simm.s32 @!p4 $0x8  }
0xf4: {  	_ =	swait.ge @!p4 [sflag:s5], $0x800  }
0xf5: {  	[sflag:s5] =	ssyncset.done @!p4 $0x0  }
0xf6: {  	s4 =	sshll.u32 s4, $0x4;
	[sflag:s5] =	ssyncadd.s32 @!p4 $0xFFFFF800  }
0xf7: {  	s4 =	sor.u32 s1, s4;
	_ =	swait.ge @!p4 [sflag:s5], $0x800  }
0xf8: {  	s9 =	sshll.u32 s4, $0x5;
	[sflag:s5] =	ssyncset.done @!p4 $0x0  }
0xf9: {  	s25 =	sadd.s32 s17, s9;
	[sflag:s5] =	ssyncadd.s32 @!p4 $0xFFFFF800  }
0xfa: {  	[tilespmem:s6], [sflag:$0x9] =	stream.linear.gather [hbm4b:s25+s2], $0x100, $0x38;
	[tilespmem:$0x1D400] =	vst v63  }
0xfb: {  	s9 =	sand.u32 $0x1FFFFFE0, s9;
	_ =	swait.ge [sflag:s23], $0x100  }
0xfc: {  	s5 =	sadd.s32 s17, s9;
	[sflag:s23] =	ssyncset.done $0x0  }
0xfd: {  	s5 =	sadd.s32 $0x9C40, s5;
	[sflag:s23] =	ssyncadd.s32 $0xFFFFFF00  }
0xfe: {  	[tilespmem:s7], [sflag:$0x9] =	stream.linear.gather [hbm4b:s5+s2], $0x100, $0x38;
	[tilespmem:$0x1D400] =	vst v63  }
0xff: {  	_ =	swait.ge [sflag:s23], $0x100  }
0x100: {  	[sflag:s23] =	ssyncset.done $0x0  }
0x101: {  	[sflag:s23] =	ssyncadd.s32 $0xFFFFFF00  }
0x102: {  	v3 =	vld [tilespmem:$0x200]  }
0x103: {  	v4 =	vld [tilespmem:$0x210]  }
0x104: {  	v5 =	vld [tilespmem:$0x220]  }
0x105: {  	v6 =	vld [tilespmem:$0x230]  }
0x106: {  	v7 =	vld [tilespmem:$0x240]  }
0x107: {  	v8 =	vld [tilespmem:$0x250];
	v3 =	vshll.u32 v3, $0x1  }
0x108: {  	v9 =	vld [tilespmem:$0x260];
	v4 =	vshll.u32 v4, $0x1;
	v3 =	vor.u32 v0, v3  }
0x109: {  	v42 =	vld [tilespmem:$0x270];
	v41 =	vshll.u32 v5, $0x1;
	[tilespmem:$0x200] =	vst v3;
	v3 =	vor.u32 v0, v4  }
0x10a: {  	v44 =	vld [tilespmem:$0x280];
	v43 =	vshll.u32 v6, $0x1;
	[tilespmem:$0x210] =	vst v3;
	v3 =	vor.u32 v0, v41  }
0x10b: {  	v46 =	vld [tilespmem:$0x290];
	v45 =	vshll.u32 v7, $0x1;
	[tilespmem:$0x220] =	vst v3;
	v3 =	vor.u32 v0, v43  }
0x10c: {  	v48 =	vld [tilespmem:$0x2A0];
	v47 =	vshll.u32 v8, $0x1;
	[tilespmem:$0x230] =	vst v3;
	v3 =	vor.u32 v0, v45  }
0x10d: {  	v50 =	vld [tilespmem:$0x2B0];
	v49 =	vshll.u32 v9, $0x1;
	[tilespmem:$0x240] =	vst v3;
	v3 =	vor.u32 v0, v47  }
0x10e: {  	v52 =	vld [tilespmem:$0x2C0];
	v51 =	vshll.u32 v42, $0x1;
	[tilespmem:$0x250] =	vst v3;
	v3 =	vor.u32 v0, v49  }
0x10f: {  	v54 =	vld [tilespmem:$0x2D0];
	v53 =	vshll.u32 v44, $0x1;
	[tilespmem:$0x260] =	vst v3;
	v3 =	vor.u32 v0, v51  }
0x110: {  	v56 =	vld [tilespmem:$0x2E0];
	v55 =	vshll.u32 v46, $0x1;
	[tilespmem:$0x270] =	vst v3;
	v3 =	vor.u32 v0, v53  }
0x111: {  	v58 =	vld [tilespmem:$0x2F0];
	v57 =	vshll.u32 v48, $0x1;
	[tilespmem:$0x280] =	vst v3;
	v3 =	vor.u32 v0, v55  }
0x112: {  	v59 =	vshll.u32 v50, $0x1;
	[tilespmem:$0x290] =	vst v3;
	v3 =	vor.u32 v0, v57  }
0x113: {  	v60 =	vshll.u32 v52, $0x1;
	[tilespmem:$0x2A0] =	vst v3;
	v3 =	vor.u32 v0, v59  }
0x114: {  	v61 =	vshll.u32 v54, $0x1;
	[tilespmem:$0x2B0] =	vst v3;
	v3 =	vor.u32 v0, v60  }
0x115: {  	v62 =	vshll.u32 v56, $0x1;
	[tilespmem:$0x2C0] =	vst v3;
	v3 =	vor.u32 v0, v61  }
0x116: {  	v63 =	vshll.u32 v58, $0x1;
	[tilespmem:$0x2D0] =	vst v3;
	v3 =	vor.u32 v0, v62  }
0x117: {  	s4 =	sshll.u32 s4, $0xE;
	[tilespmem:$0x2E0] =	vst v3;
	v3 =	vor.u32 v0, v63  }
0x118: {  	s4 =	sadd.s32 s18, s4;
	[tilespmem:$0x2F0] =	vst v3  }
0x119: {  	[tilespmem:s8], [sflag:$0x2] =	stream.indirect.gather [hbm4b:s0+s29], $0x40, s6, s29, $0xb8;
	[tilespmem:$0x1D400] =	vst v63  }
0x11a: {  	s11 =	simm.s32 $0x280;
	s4 =	sshrl.u32 s4, $0x3  }
0x11b: {  	[tilespmem:s10], [sflag:$0x2] =	stream.indirect.gather [hbm4b:s0+s29], $0x40, s11, s29, $0xb8;
	[tilespmem:$0x1D400] =	vst v63  }
0x11c: {  	s4 =	sadd.s32 s19, s4;
	s25 =	simm.s32 $0xC400  }
0x11d: {  	[tilespmem:s25], [sflag:$0x4] =	stream.linear.gather [hbm4b:s4+s2], $0x4000, $0x38;
	[tilespmem:$0x1D400] =	vst v63  }
.LBB2_10:
0x11e: {  	s9 =	sshll.u32 s24, $0x1  }
0x11f: {  	p3 =	sge.u32 s9, s20  }
.Ltmp8:
0x120: {  	_ = 	snop;
	(pc) =	sbr.rel @p3 .LBB2_14-.Ltmp8, $1  }
0x121: {  	_ =	sdelay $0x3  }
0x122: {  	_ =	swait.ge [sflag:s15], $0x2000  }
0x123: {  	[sflag:s15] =	ssyncset.done $0x0  }
0x124: {  	[sflag:s15] =	ssyncadd.s32 $0xFFFFE000  }
0x125: {  	_ =	swait.ge [sflag:s15], $0x2000  }
0x126: {  	[sflag:s15] =	ssyncset.done $0x0  }
0x127: {  	[sflag:s15] =	ssyncadd.s32 $0xFFFFE000  }
0x128: {  	_ =	swait.ge [sflag:s22], $0x4000  }
0x129: {  	[sflag:s22] =	ssyncset.done $0x0  }
0x12a: {  	s11 =	simm.s32 $0x600;
	[sflag:s22] =	ssyncadd.s32 $0xFFFFC000  }
0x12b: {  	s25 =	simm.s32 $0x8600;
	v3 =	vld [tilespmem:s11+$0x1C0]  }
0x12c: {  	v4 =	vld [tilespmem:s25+$0x1C0]  }
0x12d: {  	v5 =	vld [tilespmem:s25+$0xFFFFFE00]  }
0x12e: {  	v6 =	vld [tilespmem:s11+$0xFFFFFE40]  }
0x12f: {  	v7 =	vld [tilespmem:s25+$0xFFFFFE40]  }
0x130: {  	v8 =	vld [tilespmem:s11+$0xFFFFFE80]  }
0x131: {  	v9 =	vld [tilespmem:s25+$0xFFFFFE80]  }
0x132: {  	v10 =	vld [tilespmem:s11+$0xFFFFFEC0]  }
0x133: {  	v11 =	vld [tilespmem:s25+$0xFFFFFEC0]  }
0x134: {  	v12 =	vld [tilespmem:s11+$0xFFFFFF00]  }
0x135: {  	v13 =	vld [tilespmem:s25+$0xFFFFFF00]  }
0x136: {  	v14 =	vld [tilespmem:s11+$0xFFFFFF40]  }
0x137: {  	v15 =	vld [tilespmem:s25+$0xFFFFFF40]  }
0x138: {  	v16 =	vld [tilespmem:s11+$0xFFFFFF80]  }
0x139: {  	v17 =	vld [tilespmem:s25+$0xFFFFFF80]  }
0x13a: {  	v18 =	vld [tilespmem:s11+$0xFFFFFFC0]  }
0x13b: {  	v19 =	vld [tilespmem:s25+$0xFFFFFFC0]  }
0x13c: {  	v20 =	vld [tilespmem:s11+$0x0]  }
0x13d: {  	v21 =	vld [tilespmem:s25+$0x0]  }
0x13e: {  	v22 =	vld [tilespmem:s11+$0x40]  }
0x13f: {  	v23 =	vld [tilespmem:s25+$0x40]  }
0x140: {  	v24 =	vld [tilespmem:s11+$0x80]  }
0x141: {  	v25 =	vld [tilespmem:s25+$0x80]  }
0x142: {  	v26 =	vld [tilespmem:s11+$0xC0]  }
0x143: {  	v27 =	vld [tilespmem:s25+$0xC0]  }
0x144: {  	v28 =	vld [tilespmem:s11+$0x100]  }
0x145: {  	v29 =	vld [tilespmem:s25+$0x100]  }
0x146: {  	v30 =	vld [tilespmem:s11+$0x140]  }
0x147: {  	v57 =	vld [tilespmem:s11+$0xFFFFFE10]  }
0x148: {  	v58 =	vld [tilespmem:s11+$0xFFFFFE50]  }
0x149: {  	v59 =	vld [tilespmem:s11+$0xFFFFFE90]  }
0x14a: {  	v60 =	vld [tilespmem:s11+$0xFFFFFED0]  }
0x14b: {  	v61 =	vld [tilespmem:s11+$0xFFFFFF10]  }
0x14c: {  	v62 =	vld [tilespmem:s11+$0xFFFFFF50]  }
0x14d: {  	v63 =	vld [tilespmem:s11+$0xFFFFFF90]  }
0x14e: {  	v33 =	vld [tilespmem:s11+$0xFFFFFFD0]  }
0x14f: {  	v34 =	vld [tilespmem:s11+$0x10]  }
0x150: {  	v35 =	vld [tilespmem:s11+$0x50]  }
0x151: {  	v36 =	vld [tilespmem:s11+$0x90]  }
0x152: {  	v37 =	vld [tilespmem:s11+$0xD0]  }
0x153: {  	v38 =	vld [tilespmem:s11+$0x110]  }
0x154: {  	v39 =	vld [tilespmem:s11+$0x150]  }
0x155: {  	v40 =	vld [tilespmem:s11+$0x190]  }
0x156: {  	v43 =	vld [tilespmem:s11+$0xFFFFFE20]  }
0x157: {  	v44 =	vld [tilespmem:s11+$0xFFFFFE60]  }
0x158: {  	v45 =	vld [tilespmem:s11+$0xFFFFFEA0]  }
0x159: {  	v46 =	vld [tilespmem:s11+$0xFFFFFEE0]  }
0x15a: {  	v47 =	vld [tilespmem:s11+$0xFFFFFF20]  }
0x15b: {  	v48 =	vld [tilespmem:s11+$0xFFFFFF60]  }
0x15c: {  	v49 =	vld [tilespmem:s11+$0xFFFFFFA0]  }
0x15d: {  	v50 =	vld [tilespmem:s11+$0xFFFFFFE0]  }
0x15e: {  	v51 =	vld [tilespmem:s11+$0x20]  }
0x15f: {  	v52 =	vld [tilespmem:s11+$0x60]  }
0x160: {  	v53 =	vld [tilespmem:s11+$0xA0]  }
0x161: {  	v3 =	vadd.f32 v4, v3;
	v6 =	vadd.f32 v7, v6;
	v7 =	vld [tilespmem:s25+$0x140]  }
0x162: {  	v8 =	vadd.f32 v9, v8;
	v9 =	vld [tilespmem:s11+$0x180]  }
0x163: {  	v10 =	vadd.f32 v11, v10;
	v11 =	vld [tilespmem:s25+$0x180];
	v3 =	vmax.f32 v3, $0.0e+00  }
0x164: {  	v6 =	vmax.f32 v6, $0.0e+00;
	[tilespmem:s11+$0x1C0] =	vst v3;
	v3 =	vld [tilespmem:s11+$0x1D0]  }
0x165: {  	[tilespmem:s11+$0xFFFFFE40] =	vst v6;
	v6 =	vmax.f32 v8, $0.0e+00;
	v8 =	vadd.f32 v13, v12;
	v12 =	vld [tilespmem:s11+$0xFFFFFE00]  }
0x166: {  	v4 =	vld [tilespmem:s25+$0x1D0]  }
0x167: {  	[tilespmem:s11+$0xFFFFFE80] =	vst v6;
	v6 =	vmax.f32 v10, $0.0e+00;
	v10 =	vadd.f32 v15, v14;
	v13 =	vld [tilespmem:s25+$0xFFFFFE50]  }
0x168: {  	[tilespmem:s11+$0xFFFFFEC0] =	vst v6;
	v6 =	vmax.f32 v8, $0.0e+00;
	v8 =	vadd.f32 v17, v16;
	v14 =	vld [tilespmem:s25+$0xFFFFFE90]  }
0x169: {  	[tilespmem:s11+$0xFFFFFF00] =	vst v6;
	v6 =	vmax.f32 v10, $0.0e+00;
	v10 =	vadd.f32 v19, v18;
	v15 =	vld [tilespmem:s25+$0xFFFFFED0]  }
0x16a: {  	[tilespmem:s11+$0xFFFFFF40] =	vst v6;
	v6 =	vmax.f32 v8, $0.0e+00;
	v8 =	vadd.f32 v21, v20;
	v16 =	vld [tilespmem:s25+$0xFFFFFF10]  }
0x16b: {  	[tilespmem:s11+$0xFFFFFF80] =	vst v6;
	v6 =	vmax.f32 v10, $0.0e+00;
	v5 =	vadd.f32 v5, v12;
	v10 =	vld [tilespmem:s25+$0xFFFFFF50]  }
0x16c: {  	v3 =	vadd.f32 v4, v3;
	[tilespmem:s11+$0xFFFFFFC0] =	vst v6;
	v6 =	vmax.f32 v8, $0.0e+00;
	v12 =	vld [tilespmem:s25+$0xFFFFFF90]  }
0x16d: {  	[tilespmem:s11+$0x0] =	vst v6;
	v5 =	vmax.f32 v5, $0.0e+00;
	v17 =	vld [tilespmem:s25+$0xFFFFFFD0]  }
0x16e: {  	v8 =	vadd.f32 v23, v22;
	v3 =	vmax.f32 v3, $0.0e+00;
	[tilespmem:s11+$0xFFFFFE00] =	vst v5;
	v5 =	vld [tilespmem:s25+$0x10]  }
0x16f: {  	v13 =	vadd.f32 v13, v58;
	[tilespmem:s11+$0x1D0] =	vst v3;
	v3 =	vld [tilespmem:s11+$0x1E0]  }
0x170: {  	v14 =	vadd.f32 v14, v59;
	v8 =	vmax.f32 v8, $0.0e+00;
	v55 =	vld [tilespmem:s25+$0xFFFFFE10]  }
0x171: {  	v6 =	vadd.f32 v25, v24;
	v13 =	vmax.f32 v13, $0.0e+00;
	v15 =	vadd.f32 v15, v60;
	[tilespmem:s11+$0x40] =	vst v8;
	v4 =	vld [tilespmem:s25+$0x1E0]  }
0x172: {  	v54 =	vadd.f32 v27, v26;
	[tilespmem:s11+$0xFFFFFE50] =	vst v13;
	v13 =	vmax.f32 v14, $0.0e+00;
	v56 =	vld [tilespmem:s25+$0x50]  }
0x173: {  	v6 =	vmax.f32 v6, $0.0e+00;
	[tilespmem:s11+$0xFFFFFE90] =	vst v13;
	v13 =	vmax.f32 v15, $0.0e+00;
	v15 =	vld [tilespmem:s25+$0xFFFFFE60]  }
0x174: {  	v8 =	vadd.f32 v29, v28;
	[tilespmem:s11+$0x80] =	vst v6;
	v6 =	vmax.f32 v54, $0.0e+00;
	v54 =	vld [tilespmem:s11+$0xE0]  }
0x175: {  	v14 =	vadd.f32 v16, v61;
	v10 =	vadd.f32 v10, v62;
	v62 =	vld [tilespmem:s11+$0xFFFFFEF0]  }
0x176: {  	[tilespmem:s11+$0xC0] =	vst v6;
	v6 =	vmax.f32 v8, $0.0e+00;
	v8 =	vadd.f32 v11, v9;
	v9 =	vld [tilespmem:s25+$0x90]  }
0x177: {  	v7 =	vadd.f32 v7, v30;
	[tilespmem:s11+$0xFFFFFED0] =	vst v13;
	v13 =	vmax.f32 v14, $0.0e+00;
	v14 =	vld [tilespmem:s25+$0xFFFFFEA0]  }
0x178: {  	v12 =	vadd.f32 v12, v63;
	v63 =	vld [tilespmem:s11+$0xFFFFFFB0]  }
0x179: {  	[tilespmem:s11+$0x100] =	vst v6;
	v6 =	vmax.f32 v7, $0.0e+00;
	v7 =	vld [tilespmem:s25+$0xD0]  }
0x17a: {  	[tilespmem:s11+$0xFFFFFF10] =	vst v13;
	v13 =	vadd.f32 v17, v33;
	v17 =	vld [tilespmem:s25+$0xFFFFFEE0]  }
0x17b: {  	v10 =	vmax.f32 v10, $0.0e+00;
	[tilespmem:s11+$0x140] =	vst v6;
	v6 =	vmax.f32 v8, $0.0e+00;
	v8 =	vld [tilespmem:s25+$0x110]  }
0x17c: {  	[tilespmem:s11+$0xFFFFFF50] =	vst v10;
	v10 =	vmax.f32 v12, $0.0e+00;
	v12 =	vld [tilespmem:s25+$0xFFFFFF20]  }
0x17d: {  	[tilespmem:s11+$0x180] =	vst v6;
	v6 =	vld [tilespmem:s25+$0x150]  }
0x17e: {  	v41 =	vld [tilespmem:s25+$0xFFFFFF60]  }
0x17f: {  	v5 =	vadd.f32 v5, v34;
	v19 =	vadd.f32 v55, v57;
	v55 =	vld [tilespmem:s11+$0x120]  }
0x180: {  	[tilespmem:s11+$0xFFFFFF90] =	vst v10;
	v10 =	vmax.f32 v13, $0.0e+00;
	v11 =	vld [tilespmem:s25+$0x190]  }
0x181: {  	v3 =	vadd.f32 v4, v3;
	v13 =	vadd.f32 v56, v35;
	[tilespmem:s11+$0xFFFFFFD0] =	vst v10;
	v5 =	vmax.f32 v5, $0.0e+00;
	v10 =	vld [tilespmem:s25+$0xFFFFFFA0]  }
0x182: {  	v56 =	vld [tilespmem:s11+$0x160];
	v19 =	vmax.f32 v19, $0.0e+00;
	[tilespmem:s11+$0x10] =	vst v5  }
0x183: {  	v3 =	vmax.f32 v3, $0.0e+00;
	[tilespmem:s11+$0xFFFFFE10] =	vst v19;
	v5 =	vmax.f32 v13, $0.0e+00;
	v13 =	vld [tilespmem:s25+$0xFFFFFFE0]  }
0x184: {  	v15 =	vadd.f32 v15, v44;
	v9 =	vadd.f32 v9, v36;
	[tilespmem:s11+$0x1E0] =	vst v3;
	v3 =	vld [tilespmem:s11+$0x1F0]  }
0x185: {  	v16 =	vld [tilespmem:s25+$0xFFFFFE20]  }
0x186: {  	v7 =	vadd.f32 v7, v37;
	v15 =	vmax.f32 v15, $0.0e+00;
	[tilespmem:s11+$0x50] =	vst v5;
	v5 =	vmax.f32 v9, $0.0e+00;
	v9 =	vld [tilespmem:s25+$0x20]  }
0x187: {  	[tilespmem:s11+$0xFFFFFE60] =	vst v15;
	v4 =	vld [tilespmem:s25+$0x1F0]  }
0x188: {  	v8 =	vadd.f32 v8, v38;
	[tilespmem:s11+$0x90] =	vst v5;
	v5 =	vmax.f32 v7, $0.0e+00;
	v7 =	vld [tilespmem:s25+$0x60]  }
0x189: {  	v6 =	vadd.f32 v6, v39;
	v57 =	vld [tilespmem:s25+$0xFFFFFE70]  }
0x18a: {  	[tilespmem:s11+$0xD0] =	vst v5;
	v5 =	vmax.f32 v8, $0.0e+00;
	v8 =	vadd.f32 v11, v40;
	v11 =	vld [tilespmem:s25+$0xA0]  }
0x18b: {  	v10 =	vadd.f32 v10, v49;
	[tilespmem:s11+$0x110] =	vst v5;
	v5 =	vmax.f32 v6, $0.0e+00;
	v6 =	vld [tilespmem:s25+$0xE0]  }
0x18c: {  	[tilespmem:s11+$0x150] =	vst v5;
	v5 =	vmax.f32 v8, $0.0e+00;
	v8 =	vld [tilespmem:s25+$0x120]  }
0x18d: {  	v10 =	vmax.f32 v10, $0.0e+00;
	[tilespmem:s11+$0x190] =	vst v5;
	v5 =	vld [tilespmem:s25+$0x160]  }
0x18e: {  	v13 =	vadd.f32 v13, v50;
	[tilespmem:s11+$0xFFFFFFA0] =	vst v10;
	v42 =	vld [tilespmem:s25+$0x1A0]  }
0x18f: {  	v16 =	vadd.f32 v16, v43;
	v58 =	vld [tilespmem:s25+$0xFFFFFFB0]  }
0x190: {  	v10 =	vmax.f32 v13, $0.0e+00;
	v3 =	vadd.f32 v4, v3;
	v4 =	vld [tilespmem:s11+$0xFFFFFF30]  }
0x191: {  	v9 =	vadd.f32 v9, v51;
	v16 =	vmax.f32 v16, $0.0e+00;
	[tilespmem:s11+$0xFFFFFFE0] =	vst v10;
	v10 =	vadd.f32 v11, v53;
	v11 =	vld [tilespmem:s11+$0xFFFFFE70]  }
0x192: {  	v14 =	vadd.f32 v14, v45;
	[tilespmem:s11+$0xFFFFFE20] =	vst v16;
	v16 =	vadd.f32 v17, v46;
	v17 =	vld [tilespmem:s11+$0x1A0]  }
0x193: {  	v7 =	vadd.f32 v7, v52;
	v9 =	vmax.f32 v9, $0.0e+00;
	v59 =	vld [tilespmem:s25+$0xFFFFFFF0]  }
0x194: {  	v14 =	vmax.f32 v14, $0.0e+00;
	[tilespmem:s11+$0x20] =	vst v9;
	v15 =	vld [tilespmem:s25+$0xFFFFFE30]  }
0x195: {  	[tilespmem:s11+$0xFFFFFEA0] =	vst v14;
	v7 =	vmax.f32 v7, $0.0e+00;
	v60 =	vld [tilespmem:s25+$0x30]  }
0x196: {  	v12 =	vadd.f32 v12, v47;
	[tilespmem:s11+$0x60] =	vst v7;
	v7 =	vmax.f32 v10, $0.0e+00;
	v10 =	vld [tilespmem:s11+$0xFFFFFE30]  }
0x197: {  	v6 =	vadd.f32 v6, v54;
	v14 =	vmax.f32 v16, $0.0e+00;
	[tilespmem:s11+$0xA0] =	vst v7;
	v61 =	vld [tilespmem:s25+$0x70]  }
0x198: {  	v12 =	vmax.f32 v12, $0.0e+00;
	v16 =	vadd.f32 v41, v48;
	[tilespmem:s11+$0xFFFFFEE0] =	vst v14;
	v14 =	vld [tilespmem:s25+$0xFFFFFEB0]  }
0x199: {  	[tilespmem:s11+$0xFFFFFF20] =	vst v12;
	v8 =	vadd.f32 v8, v55;
	v6 =	vmax.f32 v6, $0.0e+00;
	v9 =	vld [tilespmem:s25+$0xB0]  }
0x19a: {  	[tilespmem:s11+$0xE0] =	vst v6;
	v12 =	vmax.f32 v16, $0.0e+00;
	v16 =	vld [tilespmem:s25+$0xFFFFFEF0]  }
0x19b: {  	v5 =	vadd.f32 v5, v56;
	v6 =	vmax.f32 v8, $0.0e+00;
	v8 =	vld [tilespmem:s25+$0xF0]  }
0x19c: {  	[tilespmem:s11+$0xFFFFFF60] =	vst v12;
	v12 =	vld [tilespmem:s25+$0xFFFFFF30]  }
0x19d: {  	v5 =	vmax.f32 v5, $0.0e+00;
	v7 =	vadd.f32 v42, v17;
	v17 =	vld [tilespmem:s11+$0xFFFFFEB0]  }
0x19e: {  	[tilespmem:s11+$0x160] =	vst v5;
	v13 =	vld [tilespmem:s25+$0xFFFFFF70]  }
0x19f: {  	[tilespmem:s11+$0x120] =	vst v6;
	v6 =	vld [tilespmem:s25+$0x170]  }
0x1a0: {  	v10 =	vadd.f32 v15, v10;
	v15 =	vld [tilespmem:s11+$0xFFFFFF70];
	v5 =	vmax.f32 v7, $0.0e+00  }
0x1a1: {  	v7 =	vld [tilespmem:s25+$0x130];
	[tilespmem:s11+$0x1A0] =	vst v5  }
0x1a2: {  	v3 =	vmax.f32 v3, $0.0e+00;
	v11 =	vadd.f32 v57, v11;
	v5 =	vld [tilespmem:s25+$0x1B0]  }
0x1a3: {  	[tilespmem:s11+$0x1F0] =	vst v3;
	v3 =	vmax.f32 v10, $0.0e+00;
	v10 =	vadd.f32 v14, v17;
	v14 =	vld [tilespmem:s11+$0xFFFFFFF0]  }
0x1a4: {  	[tilespmem:s11+$0xFFFFFE30] =	vst v3;
	v3 =	vmax.f32 v11, $0.0e+00;
	v11 =	vadd.f32 v16, v62;
	v16 =	vld [tilespmem:s11+$0x30]  }
0x1a5: {  	[tilespmem:s11+$0xFFFFFE70] =	vst v3;
	v4 =	vadd.f32 v12, v4;
	v12 =	vld [tilespmem:s11+$0x70];
	v3 =	vmax.f32 v10, $0.0e+00  }
0x1a6: {  	v10 =	vadd.f32 v13, v15;
	[tilespmem:s11+$0xFFFFFEB0] =	vst v3;
	v3 =	vmax.f32 v11, $0.0e+00;
	v11 =	vld [tilespmem:s11+$0xB0]  }
0x1a7: {  	v4 =	vmax.f32 v4, $0.0e+00;
	v13 =	vadd.f32 v58, v63;
	[tilespmem:s11+$0xFFFFFEF0] =	vst v3;
	v3 =	vld [tilespmem:s11+$0xF0]  }
0x1a8: {  	[tilespmem:s11+$0xFFFFFF30] =	vst v4;
	v4 =	vld [tilespmem:s11+$0x130];
	v10 =	vmax.f32 v10, $0.0e+00;
	v15 =	vadd.f32 v59, v14  }
0x1a9: {  	v13 =	vmax.f32 v13, $0.0e+00;
	[tilespmem:s11+$0xFFFFFF70] =	vst v10;
	v10 =	vld [tilespmem:s11+$0x170];
	v14 =	vadd.f32 v60, v16  }
0x1aa: {  	s5 =	simm.s32 $0x0;
	s4 =	simm.s32 $0xA00;
	[tilespmem:s11+$0xFFFFFFB0] =	vst v13;
	v13 =	vadd.f32 v61, v12;
	v12 =	vld [tilespmem:s11+$0x1B0];
	v15 =	vmax.f32 v15, $0.0e+00  }
.LBB2_12:
0x1ab: {  	v16 =	vld [tilespmem:s4+$0x1C0];
	[tilespmem:s11+$0xFFFFFFF0] =	vst v15;
	v14 =	vmax.f32 v14, $0.0e+00;
	v9 =	vadd.f32 v9, v11;
	s25 =	sadd.s32 $0x400, s25  }
0x1ac: {  	s5 =	sadd.s32 $0x10, s5;
	v11 =	vld [tilespmem:s25+$0x1C0];
	[tilespmem:s11+$0x30] =	vst v14;
	v13 =	vmax.f32 v13, $0.0e+00;
	v8 =	vadd.f32 v8, v3  }
0x1ad: {  	p3 =	slt.u32 s5, $0xF0;
	v3 =	vld [tilespmem:s25+$0xFFFFFE00];
	[tilespmem:s11+$0x70] =	vst v13;
	v9 =	vmax.f32 v9, $0.0e+00;
	v4 =	vadd.f32 v7, v4  }
0x1ae: {  	v7 =	vld [tilespmem:s4+$0xFFFFFE40];
	[tilespmem:s11+$0xB0] =	vst v9;
	v8 =	vmax.f32 v8, $0.0e+00;
	v6 =	vadd.f32 v6, v10  }
0x1af: {  	v9 =	vld [tilespmem:s25+$0xFFFFFE40];
	[tilespmem:s11+$0xF0] =	vst v8;
	v4 =	vmax.f32 v4, $0.0e+00;
	v5 =	vadd.f32 v5, v12  }
0x1b0: {  	v8 =	vld [tilespmem:s4+$0xFFFFFE80];
	[tilespmem:s11+$0x130] =	vst v4;
	v4 =	vmax.f32 v6, $0.0e+00  }
0x1b1: {  	v6 =	vld [tilespmem:s25+$0xFFFFFE80];
	v10 =	vadd.f32 v11, v16;
	[tilespmem:s11+$0x170] =	vst v4;
	v4 =	vmax.f32 v5, $0.0e+00  }
0x1b2: {  	v5 =	vld [tilespmem:s4+$0xFFFFFEC0];
	[tilespmem:s11+$0x1B0] =	vst v4;
	s11 =	smov.u32 s4  }
0x1b3: {  	v4 =	vld [tilespmem:s25+$0xFFFFFEC0];
	v10 =	vmax.f32 v10, $0.0e+00  }
0x1b4: {  	v7 =	vadd.f32 v9, v7;
	[tilespmem:s4+$0x1C0] =	vst v10;
	v9 =	vld [tilespmem:s4+$0x1D0]  }
0x1b5: {  	v10 =	vld [tilespmem:s25+$0x1D0]  }
0x1b6: {  	v7 =	vmax.f32 v7, $0.0e+00;
	v6 =	vadd.f32 v6, v8;
	v8 =	vld [tilespmem:s4+$0xFFFFFF00]  }
0x1b7: {  	[tilespmem:s4+$0xFFFFFE40] =	vst v7;
	v7 =	vld [tilespmem:s25+$0xFFFFFF00]  }
0x1b8: {  	v6 =	vmax.f32 v6, $0.0e+00;
	v4 =	vadd.f32 v4, v5;
	v5 =	vld [tilespmem:s4+$0xFFFFFF40]  }
0x1b9: {  	[tilespmem:s4+$0xFFFFFE80] =	vst v6;
	v6 =	vld [tilespmem:s25+$0xFFFFFF40]  }
0x1ba: {  	v4 =	vmax.f32 v4, $0.0e+00;
	v11 =	vld [tilespmem:s4+$0xFFFFFF80];
	v9 =	vadd.f32 v10, v9  }
0x1bb: {  	[tilespmem:s4+$0xFFFFFEC0] =	vst v4;
	v4 =	vld [tilespmem:s25+$0xFFFFFF80]  }
0x1bc: {  	v7 =	vadd.f32 v7, v8;
	v8 =	vld [tilespmem:s4+$0xFFFFFFC0];
	v9 =	vmax.f32 v9, $0.0e+00  }
0x1bd: {  	[tilespmem:s4+$0x1D0] =	vst v9;
	v9 =	vld [tilespmem:s4+$0x1E0]  }
0x1be: {  	v7 =	vmax.f32 v7, $0.0e+00;
	v5 =	vadd.f32 v6, v5;
	v6 =	vld [tilespmem:s25+$0x1E0]  }
0x1bf: {  	[tilespmem:s4+$0xFFFFFF00] =	vst v7;
	v7 =	vld [tilespmem:s25+$0xFFFFFFC0]  }
0x1c0: {  	v5 =	vmax.f32 v5, $0.0e+00;
	v4 =	vadd.f32 v4, v11;
	v10 =	vld [tilespmem:s4+$0x0]  }
0x1c1: {  	[tilespmem:s4+$0xFFFFFF40] =	vst v5;
	v5 =	vld [tilespmem:s25+$0x0]  }
0x1c2: {  	v4 =	vmax.f32 v4, $0.0e+00;
	v11 =	vld [tilespmem:s4+$0x40]  }
0x1c3: {  	[tilespmem:s4+$0xFFFFFF80] =	vst v4;
	v4 =	vld [tilespmem:s25+$0x40];
	v6 =	vadd.f32 v6, v9  }
0x1c4: {  	v7 =	vadd.f32 v7, v8;
	v8 =	vld [tilespmem:s4+$0x80]  }
0x1c5: {  	v9 =	vld [tilespmem:s25+$0x80];
	v6 =	vmax.f32 v6, $0.0e+00  }
0x1c6: {  	v7 =	vmax.f32 v7, $0.0e+00;
	v5 =	vadd.f32 v5, v10;
	[tilespmem:s4+$0x1E0] =	vst v6;
	v6 =	vld [tilespmem:s4+$0x1F0]  }
0x1c7: {  	[tilespmem:s4+$0xFFFFFFC0] =	vst v7;
	v7 =	vld [tilespmem:s25+$0x1F0]  }
0x1c8: {  	v5 =	vmax.f32 v5, $0.0e+00;
	v4 =	vadd.f32 v4, v11;
	v10 =	vld [tilespmem:s4+$0xC0]  }
0x1c9: {  	[tilespmem:s4+$0x0] =	vst v5;
	v5 =	vld [tilespmem:s25+$0xC0]  }
0x1ca: {  	v4 =	vmax.f32 v4, $0.0e+00;
	v8 =	vadd.f32 v9, v8;
	v9 =	vld [tilespmem:s4+$0x100]  }
0x1cb: {  	[tilespmem:s4+$0x40] =	vst v4;
	v4 =	vld [tilespmem:s25+$0x100]  }
0x1cc: {  	v8 =	vmax.f32 v8, $0.0e+00;
	v11 =	vld [tilespmem:s4+$0x140];
	v6 =	vadd.f32 v7, v6  }
0x1cd: {  	[tilespmem:s4+$0x80] =	vst v8;
	v7 =	vld [tilespmem:s25+$0x140]  }
0x1ce: {  	v5 =	vadd.f32 v5, v10;
	v8 =	vld [tilespmem:s4+$0x180];
	v6 =	vmax.f32 v6, $0.0e+00  }
0x1cf: {  	v10 =	vld [tilespmem:s25+$0x180];
	[tilespmem:s4+$0x1F0] =	vst v6  }
0x1d0: {  	v6 =	vld [tilespmem:s4+$0xFFFFFE00];
	v5 =	vmax.f32 v5, $0.0e+00;
	v4 =	vadd.f32 v4, v9  }
0x1d1: {  	v9 =	vld [tilespmem:s25+$0xFFFFFE50];
	[tilespmem:s4+$0xC0] =	vst v5  }
0x1d2: {  	v5 =	vld [tilespmem:s25+$0xFFFFFE90];
	v4 =	vmax.f32 v4, $0.0e+00;
	v7 =	vadd.f32 v7, v11  }
0x1d3: {  	v11 =	vld [tilespmem:s25+$0xFFFFFED0];
	[tilespmem:s4+$0x100] =	vst v4  }
0x1d4: {  	v4 =	vld [tilespmem:s25+$0xFFFFFF10];
	v7 =	vmax.f32 v7, $0.0e+00;
	v8 =	vadd.f32 v10, v8  }
0x1d5: {  	v3 =	vadd.f32 v3, v6;
	v6 =	vld [tilespmem:s25+$0xFFFFFF50];
	[tilespmem:s4+$0x140] =	vst v7  }
0x1d6: {  	v7 =	vld [tilespmem:s25+$0xFFFFFF90];
	v8 =	vmax.f32 v8, $0.0e+00  }
0x1d7: {  	v3 =	vmax.f32 v3, $0.0e+00;
	v10 =	vld [tilespmem:s25+$0xFFFFFFD0];
	[tilespmem:s4+$0x180] =	vst v8  }
0x1d8: {  	[tilespmem:s4+$0xFFFFFE00] =	vst v3;
	v3 =	vld [tilespmem:s25+$0x10]  }
0x1d9: {  	v8 =	vld [tilespmem:s25+$0xFFFFFE10]  }
0x1da: {  	v12 =	vld [tilespmem:s25+$0x50]  }
0x1db: {  	v13 =	vld [tilespmem:s25+$0x90]  }
0x1dc: {  	v14 =	vld [tilespmem:s25+$0xD0]  }
0x1dd: {  	v15 =	vld [tilespmem:s25+$0x110]  }
0x1de: {  	v16 =	vld [tilespmem:s25+$0x150]  }
0x1df: {  	v17 =	vld [tilespmem:s25+$0x190]  }
0x1e0: {  	v18 =	vld [tilespmem:s4+$0xFFFFFE10]  }
0x1e1: {  	v19 =	vld [tilespmem:s4+$0xFFFFFE50]  }
0x1e2: {  	v20 =	vld [tilespmem:s4+$0xFFFFFE90]  }
0x1e3: {  	v21 =	vld [tilespmem:s4+$0xFFFFFED0]  }
0x1e4: {  	v22 =	vld [tilespmem:s4+$0xFFFFFF10]  }
0x1e5: {  	v8 =	vadd.f32 v8, v18;
	v18 =	vld [tilespmem:s4+$0xFFFFFF50]  }
0x1e6: {  	v9 =	vadd.f32 v9, v19;
	v19 =	vld [tilespmem:s4+$0xFFFFFF90]  }
0x1e7: {  	v8 =	vmax.f32 v8, $0.0e+00;
	v5 =	vadd.f32 v5, v20;
	v20 =	vld [tilespmem:s4+$0xFFFFFFD0]  }
0x1e8: {  	[tilespmem:s4+$0xFFFFFE10] =	vst v8;
	v8 =	vmax.f32 v9, $0.0e+00;
	v9 =	vadd.f32 v11, v21;
	v11 =	vld [tilespmem:s4+$0x10]  }
0x1e9: {  	[tilespmem:s4+$0xFFFFFE50] =	vst v8;
	v5 =	vmax.f32 v5, $0.0e+00;
	v4 =	vadd.f32 v4, v22;
	v8 =	vld [tilespmem:s4+$0x50]  }
0x1ea: {  	[tilespmem:s4+$0xFFFFFE90] =	vst v5;
	v5 =	vmax.f32 v9, $0.0e+00;
	v6 =	vadd.f32 v6, v18;
	v9 =	vld [tilespmem:s4+$0x90]  }
0x1eb: {  	[tilespmem:s4+$0xFFFFFED0] =	vst v5;
	v4 =	vmax.f32 v4, $0.0e+00;
	v5 =	vadd.f32 v7, v19;
	v7 =	vld [tilespmem:s4+$0xD0]  }
0x1ec: {  	[tilespmem:s4+$0xFFFFFF10] =	vst v4;
	v4 =	vmax.f32 v6, $0.0e+00;
	v6 =	vadd.f32 v10, v20;
	v10 =	vld [tilespmem:s4+$0x110]  }
0x1ed: {  	[tilespmem:s4+$0xFFFFFF50] =	vst v4;
	v4 =	vmax.f32 v5, $0.0e+00;
	v3 =	vadd.f32 v3, v11;
	v5 =	vld [tilespmem:s4+$0x150]  }
0x1ee: {  	[tilespmem:s4+$0xFFFFFF90] =	vst v4;
	v4 =	vmax.f32 v6, $0.0e+00;
	v6 =	vadd.f32 v12, v8;
	v8 =	vld [tilespmem:s4+$0x190]  }
0x1ef: {  	v11 =	vld [tilespmem:s25+$0xFFFFFE20];
	[tilespmem:s4+$0xFFFFFFD0] =	vst v4;
	v3 =	vmax.f32 v3, $0.0e+00;
	v4 =	vadd.f32 v13, v9  }
0x1f0: {  	v9 =	vld [tilespmem:s25+$0xFFFFFE60];
	[tilespmem:s4+$0x10] =	vst v3;
	v3 =	vmax.f32 v6, $0.0e+00;
	v6 =	vadd.f32 v14, v7  }
0x1f1: {  	v7 =	vld [tilespmem:s25+$0xFFFFFEA0];
	[tilespmem:s4+$0x50] =	vst v3;
	v3 =	vmax.f32 v4, $0.0e+00;
	v4 =	vadd.f32 v15, v10  }
0x1f2: {  	v10 =	vld [tilespmem:s25+$0xFFFFFEE0];
	[tilespmem:s4+$0x90] =	vst v3;
	v3 =	vmax.f32 v6, $0.0e+00;
	v5 =	vadd.f32 v16, v5  }
0x1f3: {  	v6 =	vld [tilespmem:s25+$0xFFFFFF20];
	[tilespmem:s4+$0xD0] =	vst v3;
	v3 =	vmax.f32 v4, $0.0e+00;
	v4 =	vadd.f32 v17, v8  }
0x1f4: {  	v8 =	vld [tilespmem:s25+$0xFFFFFF60];
	[tilespmem:s4+$0x110] =	vst v3;
	v3 =	vmax.f32 v5, $0.0e+00  }
0x1f5: {  	v5 =	vld [tilespmem:s25+$0xFFFFFFA0];
	[tilespmem:s4+$0x150] =	vst v3;
	v3 =	vmax.f32 v4, $0.0e+00  }
0x1f6: {  	v4 =	vld [tilespmem:s25+$0xFFFFFFE0];
	[tilespmem:s4+$0x190] =	vst v3  }
0x1f7: {  	v3 =	vld [tilespmem:s25+$0x20]  }
0x1f8: {  	v12 =	vld [tilespmem:s25+$0x60]  }
0x1f9: {  	v13 =	vld [tilespmem:s25+$0xA0]  }
0x1fa: {  	v14 =	vld [tilespmem:s25+$0xE0]  }
0x1fb: {  	v15 =	vld [tilespmem:s25+$0x120]  }
0x1fc: {  	v16 =	vld [tilespmem:s25+$0x160]  }
0x1fd: {  	v17 =	vld [tilespmem:s25+$0x1A0]  }
0x1fe: {  	v18 =	vld [tilespmem:s4+$0xFFFFFE20]  }
0x1ff: {  	v19 =	vld [tilespmem:s4+$0xFFFFFE60]  }
0x200: {  	v20 =	vld [tilespmem:s4+$0xFFFFFEA0]  }
0x201: {  	v21 =	vld [tilespmem:s4+$0xFFFFFEE0]  }
0x202: {  	v22 =	vld [tilespmem:s4+$0xFFFFFF20]  }
0x203: {  	v11 =	vadd.f32 v11, v18;
	v18 =	vld [tilespmem:s4+$0xFFFFFF60]  }
0x204: {  	v9 =	vadd.f32 v9, v19;
	v19 =	vld [tilespmem:s4+$0xFFFFFFA0]  }
0x205: {  	v11 =	vmax.f32 v11, $0.0e+00;
	v7 =	vadd.f32 v7, v20;
	v20 =	vld [tilespmem:s4+$0xFFFFFFE0]  }
0x206: {  	[tilespmem:s4+$0xFFFFFE20] =	vst v11;
	v9 =	vmax.f32 v9, $0.0e+00;
	v10 =	vadd.f32 v10, v21;
	v11 =	vld [tilespmem:s4+$0x20]  }
0x207: {  	[tilespmem:s4+$0xFFFFFE60] =	vst v9;
	v7 =	vmax.f32 v7, $0.0e+00;
	v6 =	vadd.f32 v6, v22;
	v9 =	vld [tilespmem:s4+$0x60]  }
0x208: {  	[tilespmem:s4+$0xFFFFFEA0] =	vst v7;
	v7 =	vmax.f32 v10, $0.0e+00;
	v8 =	vadd.f32 v8, v18;
	v10 =	vld [tilespmem:s4+$0xA0]  }
0x209: {  	[tilespmem:s4+$0xFFFFFEE0] =	vst v7;
	v6 =	vmax.f32 v6, $0.0e+00;
	v5 =	vadd.f32 v5, v19;
	v7 =	vld [tilespmem:s4+$0xE0]  }
0x20a: {  	[tilespmem:s4+$0xFFFFFF20] =	vst v6;
	v6 =	vmax.f32 v8, $0.0e+00;
	v4 =	vadd.f32 v4, v20;
	v8 =	vld [tilespmem:s4+$0x120]  }
0x20b: {  	[tilespmem:s4+$0xFFFFFF60] =	vst v6;
	v5 =	vmax.f32 v5, $0.0e+00;
	v3 =	vadd.f32 v3, v11;
	v6 =	vld [tilespmem:s4+$0x160]  }
0x20c: {  	[tilespmem:s4+$0xFFFFFFA0] =	vst v5;
	v4 =	vmax.f32 v4, $0.0e+00;
	v5 =	vadd.f32 v12, v9;
	v9 =	vld [tilespmem:s4+$0x1A0]  }
0x20d: {  	v11 =	vld [tilespmem:s25+$0xFFFFFE30];
	[tilespmem:s4+$0xFFFFFFE0] =	vst v4;
	v3 =	vmax.f32 v3, $0.0e+00;
	v4 =	vadd.f32 v13, v10  }
0x20e: {  	v10 =	vld [tilespmem:s25+$0xFFFFFE70];
	[tilespmem:s4+$0x20] =	vst v3;
	v3 =	vmax.f32 v5, $0.0e+00;
	v5 =	vadd.f32 v14, v7  }
0x20f: {  	v12 =	vld [tilespmem:s25+$0xFFFFFEB0];
	[tilespmem:s4+$0x60] =	vst v3;
	v3 =	vmax.f32 v4, $0.0e+00;
	v4 =	vadd.f32 v15, v8  }
0x210: {  	v13 =	vld [tilespmem:s25+$0xFFFFFEF0];
	[tilespmem:s4+$0xA0] =	vst v3;
	v3 =	vmax.f32 v5, $0.0e+00;
	v5 =	vadd.f32 v16, v6  }
0x211: {  	v14 =	vld [tilespmem:s25+$0xFFFFFF30];
	[tilespmem:s4+$0xE0] =	vst v3;
	v3 =	vmax.f32 v4, $0.0e+00;
	v4 =	vadd.f32 v17, v9  }
0x212: {  	v15 =	vld [tilespmem:s25+$0xFFFFFF70];
	[tilespmem:s4+$0x120] =	vst v3;
	v3 =	vmax.f32 v5, $0.0e+00  }
0x213: {  	v16 =	vld [tilespmem:s25+$0xFFFFFFB0];
	[tilespmem:s4+$0x160] =	vst v3;
	v3 =	vmax.f32 v4, $0.0e+00  }
0x214: {  	v4 =	vld [tilespmem:s25+$0xFFFFFFF0];
	[tilespmem:s4+$0x1A0] =	vst v3  }
0x215: {  	v17 =	vld [tilespmem:s25+$0x30]  }
0x216: {  	v18 =	vld [tilespmem:s25+$0x70]  }
0x217: {  	v9 =	vld [tilespmem:s25+$0xB0]  }
0x218: {  	v8 =	vld [tilespmem:s25+$0xF0]  }
0x219: {  	v7 =	vld [tilespmem:s25+$0x130]  }
0x21a: {  	v6 =	vld [tilespmem:s25+$0x170]  }
0x21b: {  	v5 =	vld [tilespmem:s25+$0x1B0]  }
0x21c: {  	v3 =	vld [tilespmem:s4+$0xFFFFFE30]  }
0x21d: {  	v19 =	vld [tilespmem:s4+$0xFFFFFE70]  }
0x21e: {  	v20 =	vld [tilespmem:s4+$0xFFFFFEB0]  }
0x21f: {  	v21 =	vld [tilespmem:s4+$0xFFFFFEF0]  }
0x220: {  	v22 =	vld [tilespmem:s4+$0xFFFFFF30]  }
0x221: {  	v3 =	vadd.f32 v11, v3;
	v11 =	vld [tilespmem:s4+$0xFFFFFF70]  }
0x222: {  	v10 =	vadd.f32 v10, v19;
	v19 =	vld [tilespmem:s4+$0xFFFFFFB0]  }
0x223: {  	v3 =	vmax.f32 v3, $0.0e+00;
	v12 =	vadd.f32 v12, v20;
	v20 =	vld [tilespmem:s4+$0xFFFFFFF0]  }
0x224: {  	[tilespmem:s4+$0xFFFFFE30] =	vst v3;
	v3 =	vmax.f32 v10, $0.0e+00;
	v10 =	vadd.f32 v13, v21;
	v13 =	vld [tilespmem:s4+$0x30]  }
0x225: {  	[tilespmem:s4+$0xFFFFFE70] =	vst v3;
	v3 =	vmax.f32 v12, $0.0e+00;
	v12 =	vadd.f32 v14, v22;
	v21 =	vld [tilespmem:s4+$0x70]  }
.Ltmp9:
0x226: {  	[tilespmem:s4+$0xFFFFFEB0] =	vst v3;
	v3 =	vmax.f32 v10, $0.0e+00;
	v10 =	vadd.f32 v15, v11;
	v11 =	vld [tilespmem:s4+$0xB0];
	(pc) =	sbr.rel @p3 .LBB2_12-.Ltmp9, $4  }
0x227: {  	[tilespmem:s4+$0xFFFFFEF0] =	vst v3;
	v12 =	vmax.f32 v12, $0.0e+00;
	v14 =	vadd.f32 v16, v19;
	v3 =	vld [tilespmem:s4+$0xF0]  }
0x228: {  	[tilespmem:s4+$0xFFFFFF30] =	vst v12;
	v10 =	vmax.f32 v10, $0.0e+00;
	v12 =	vadd.f32 v4, v20;
	v4 =	vld [tilespmem:s4+$0x130]  }
0x229: {  	[tilespmem:s4+$0xFFFFFF70] =	vst v10;
	v15 =	vmax.f32 v14, $0.0e+00;
	v14 =	vadd.f32 v17, v13;
	v10 =	vld [tilespmem:s4+$0x170]  }
0x22a: {  	s4 =	sadd.s32 $0x400, s4;
	[tilespmem:s11+$0xFFFFFFB0] =	vst v15;
	v15 =	vmax.f32 v12, $0.0e+00;
	v13 =	vadd.f32 v18, v21;
	v12 =	vld [tilespmem:s11+$0x1B0]  }
0x22b: {  	[tilespmem:s11+$0xFFFFFFF0] =	vst v15;
	v14 =	vmax.f32 v14, $0.0e+00;
	v9 =	vadd.f32 v9, v11  }
0x22c: {  	[tilespmem:s11+$0x30] =	vst v14;
	v61 =	vmax.f32 v13, $0.0e+00;
	v3 =	vadd.f32 v8, v3  }
0x22d: {  	[tilespmem:s11+$0x70] =	vst v61;
	v62 =	vmax.f32 v9, $0.0e+00;
	v4 =	vadd.f32 v7, v4  }
0x22e: {  	[tilespmem:s11+$0xB0] =	vst v62;
	v3 =	vmax.f32 v3, $0.0e+00;
	v6 =	vadd.f32 v6, v10  }
0x22f: {  	[tilespmem:s11+$0xF0] =	vst v3;
	v3 =	vmax.f32 v4, $0.0e+00;
	v63 =	vadd.f32 v5, v12  }
0x230: {  	[tilespmem:s11+$0x130] =	vst v3;
	v3 =	vmax.f32 v6, $0.0e+00  }
0x231: {  	[tilespmem:s11+$0x170] =	vst v3;
	v3 =	vmax.f32 v63, $0.0e+00  }
0x232: {  	[tilespmem:s11+$0x1B0] =	vst v3  }
0x233: {  	[spmem:s13] =	stream.indirect.scatter.add.f32 [tilespmem:s16], [sflag:$0x5], $0x40, s26, s29, $0xb8;
	[tilespmem:$0x1D400] =	vst v63  }
0x234: {  	s4 =	simm.s32 $0x180  }
0x235: {  	[spmem:s13] =	stream.indirect.scatter.add.f32 [tilespmem:s31], [sflag:$0x5], $0x40, s4, s29, $0xb8;
	[tilespmem:$0x1D400] =	vst v63  }
0x236: {  	s5 =	simm.s32 @!p0 $0x100;
	s11 =	simm.s32 @!p0 $0x10400;
	s4 =	simm.s32 @!p0 $0x80  }
0x237: {  	[spmem:s14] =	stream.indirect.scatter.add.f32 @!p0 [tilespmem:s11], [sflag:$0x7], $0x10, s5, s4, $0xb8;
	[tilespmem:$0x1D400] =	vst v63  }
0x238: {  	s5 =	simm.s32 @!p0 $0x180  }
0x239: {  	[spmem:s14] =	stream.indirect.scatter.add.f32 @!p0 [tilespmem:s11], [sflag:$0x7], $0x10, s5, s4, $0xb8;
	[tilespmem:$0x1D400] =	vst v63  }
.LBB2_14:
0x23a: {  	s4 =	sadd.s32 $0x2, s9  }
0x23b: {  	p3 =	sge.u32 s4, s20  }
.Ltmp10:
0x23c: {  	_ = 	snop;
	(pc) =	sbr.rel @p3 .LBB2_16-.Ltmp10, $1  }
0x23d: {  	_ =	sdelay $0x3  }
0x23e: {  	_ =	swait.ge [sflag:s28], $0x2000  }
0x23f: {  	[sflag:s28] =	ssyncset.done $0x0  }
0x240: {  	[sflag:s28] =	ssyncadd.s32 $0xFFFFE000  }
0x241: {  	_ =	swait.ge [sflag:s28], $0x2000  }
0x242: {  	[sflag:s28] =	ssyncset.done $0x0  }
0x243: {  	s5 =	simm.s32 @!p0 $0x7;
	[sflag:s28] =	ssyncadd.s32 $0xFFFFE000  }
0x244: {  	_ =	swait.ge @!p0 [sflag:s5], $0x800  }
0x245: {  	[sflag:s5] =	ssyncset.done @!p0 $0x0  }
0x246: {  	s4 =	sshll.u32 s4, $0x4;
	[sflag:s5] =	ssyncadd.s32 @!p0 $0xFFFFF800  }
0x247: {  	s4 =	sor.u32 s1, s4;
	_ =	swait.ge @!p0 [sflag:s5], $0x800  }
0x248: {  	s9 =	sshll.u32 s4, $0x5;
	[sflag:s5] =	ssyncset.done @!p0 $0x0  }
0x249: {  	s25 =	sadd.s32 s17, s9;
	[sflag:s5] =	ssyncadd.s32 @!p0 $0xFFFFF800  }
0x24a: {  	[tilespmem:s2], [sflag:$0x9] =	stream.linear.gather [hbm4b:s25+s2], $0x100, $0x38;
	[tilespmem:$0x1D400] =	vst v63  }
0x24b: {  	s11 =	sand.u32 $0x1FFFFFE0, s9;
	_ =	swait.ge [sflag:s23], $0x100  }
0x24c: {  	s5 =	sadd.s32 s17, s11;
	[sflag:s23] =	ssyncset.done $0x0  }
0x24d: {  	s5 =	sadd.s32 $0x9C40, s5;
	[sflag:s23] =	ssyncadd.s32 $0xFFFFFF00  }
0x24e: {  	[tilespmem:s26], [sflag:$0x9] =	stream.linear.gather [hbm4b:s5+s2], $0x100, $0x38;
	[tilespmem:$0x1D400] =	vst v63  }
0x24f: {  	_ =	swait.ge [sflag:s23], $0x100  }
0x250: {  	[sflag:s23] =	ssyncset.done $0x0  }
0x251: {  	[sflag:s23] =	ssyncadd.s32 $0xFFFFFF00  }
0x252: {  	v3 =	vld [tilespmem:$0x0]  }
0x253: {  	v4 =	vld [tilespmem:$0x10]  }
0x254: {  	v5 =	vld [tilespmem:$0x20]  }
0x255: {  	v6 =	vld [tilespmem:$0x30]  }
0x256: {  	v7 =	vld [tilespmem:$0x40]  }
0x257: {  	v8 =	vld [tilespmem:$0x50];
	v3 =	vshll.u32 v3, $0x1  }
0x258: {  	v9 =	vld [tilespmem:$0x60];
	v4 =	vshll.u32 v4, $0x1;
	v3 =	vor.u32 v0, v3  }
0x259: {  	v42 =	vld [tilespmem:$0x70];
	v41 =	vshll.u32 v5, $0x1;
	[tilespmem:$0x0] =	vst v3;
	v3 =	vor.u32 v0, v4  }
0x25a: {  	v44 =	vld [tilespmem:$0x80];
	v43 =	vshll.u32 v6, $0x1;
	[tilespmem:$0x10] =	vst v3;
	v3 =	vor.u32 v0, v41  }
0x25b: {  	v46 =	vld [tilespmem:$0x90];
	v45 =	vshll.u32 v7, $0x1;
	[tilespmem:$0x20] =	vst v3;
	v3 =	vor.u32 v0, v43  }
0x25c: {  	v48 =	vld [tilespmem:$0xA0];
	v47 =	vshll.u32 v8, $0x1;
	[tilespmem:$0x30] =	vst v3;
	v3 =	vor.u32 v0, v45  }
0x25d: {  	v50 =	vld [tilespmem:$0xB0];
	v49 =	vshll.u32 v9, $0x1;
	[tilespmem:$0x40] =	vst v3;
	v3 =	vor.u32 v0, v47  }
0x25e: {  	v52 =	vld [tilespmem:$0xC0];
	v51 =	vshll.u32 v42, $0x1;
	[tilespmem:$0x50] =	vst v3;
	v3 =	vor.u32 v0, v49  }
0x25f: {  	v54 =	vld [tilespmem:$0xD0];
	v53 =	vshll.u32 v44, $0x1;
	[tilespmem:$0x60] =	vst v3;
	v3 =	vor.u32 v0, v51  }
0x260: {  	v56 =	vld [tilespmem:$0xE0];
	v55 =	vshll.u32 v46, $0x1;
	[tilespmem:$0x70] =	vst v3;
	v3 =	vor.u32 v0, v53  }
0x261: {  	v58 =	vld [tilespmem:$0xF0];
	v57 =	vshll.u32 v48, $0x1;
	[tilespmem:$0x80] =	vst v3;
	v3 =	vor.u32 v0, v55  }
0x262: {  	v59 =	vshll.u32 v50, $0x1;
	[tilespmem:$0x90] =	vst v3;
	v3 =	vor.u32 v0, v57  }
0x263: {  	v60 =	vshll.u32 v52, $0x1;
	[tilespmem:$0xA0] =	vst v3;
	v3 =	vor.u32 v0, v59  }
0x264: {  	v61 =	vshll.u32 v54, $0x1;
	[tilespmem:$0xB0] =	vst v3;
	v3 =	vor.u32 v0, v60  }
0x265: {  	v62 =	vshll.u32 v56, $0x1;
	[tilespmem:$0xC0] =	vst v3;
	v3 =	vor.u32 v0, v61  }
0x266: {  	v63 =	vshll.u32 v58, $0x1;
	[tilespmem:$0xD0] =	vst v3;
	v3 =	vor.u32 v0, v62  }
0x267: {  	s4 =	sshll.u32 s4, $0xE;
	[tilespmem:$0xE0] =	vst v3;
	v3 =	vor.u32 v0, v63  }
0x268: {  	s4 =	sadd.s32 s18, s4;
	[tilespmem:$0xF0] =	vst v3  }
0x269: {  	[tilespmem:s16], [sflag:$0x1] =	stream.indirect.gather [hbm4b:s0+s29], $0x40, s2, s29, $0xb8;
	[tilespmem:$0x1D400] =	vst v63  }
0x26a: {  	s4 =	sshrl.u32 s4, $0x3  }
0x26b: {  	[tilespmem:s31], [sflag:$0x1] =	stream.indirect.gather [hbm4b:s0+s29], $0x40, s29, s29, $0xb8;
	[tilespmem:$0x1D400] =	vst v63  }
0x26c: {  	s4 =	sadd.s32 s19, s4;
	s25 =	simm.s32 $0x8400  }
0x26d: {  	[tilespmem:s25], [sflag:$0x3] =	stream.linear.gather [hbm4b:s4+s2], $0x4000, $0x38;
	[tilespmem:$0x1D400] =	vst v63  }
.LBB2_16:
.Ltmp11:
0x26e: {  	(pc) =	sbr.rel @p2 .LBB2_20-.Ltmp11, $1  }
0x26f: {  	_ =	sdelay $0x3  }
0x270: {  	_ =	swait.ge [sflag:s30], $0x2000  }
0x271: {  	[sflag:s30] =	ssyncset.done $0x0  }
0x272: {  	[sflag:s30] =	ssyncadd.s32 $0xFFFFE000  }
0x273: {  	_ =	swait.ge [sflag:s30], $0x2000  }
0x274: {  	[sflag:s30] =	ssyncset.done $0x0  }
0x275: {  	[sflag:s30] =	ssyncadd.s32 $0xFFFFE000  }
0x276: {  	_ =	swait.ge [sflag:s12], $0x4000  }
0x277: {  	[sflag:s12] =	ssyncset.done $0x0  }
0x278: {  	s9 =	simm.s32 $0x4600;
	[sflag:s12] =	ssyncadd.s32 $0xFFFFC000  }
0x279: {  	s11 =	simm.s32 $0xC600;
	v3 =	vld [tilespmem:s9+$0x1C0]  }
0x27a: {  	v4 =	vld [tilespmem:s11+$0x1C0]  }
0x27b: {  	v5 =	vld [tilespmem:s11+$0xFFFFFE00]  }
0x27c: {  	v6 =	vld [tilespmem:s9+$0xFFFFFE40]  }
0x27d: {  	v7 =	vld [tilespmem:s11+$0xFFFFFE40]  }
0x27e: {  	v8 =	vld [tilespmem:s9+$0xFFFFFE80]  }
0x27f: {  	v9 =	vld [tilespmem:s11+$0xFFFFFE80]  }
0x280: {  	v10 =	vld [tilespmem:s9+$0xFFFFFEC0]  }
0x281: {  	v11 =	vld [tilespmem:s11+$0xFFFFFEC0]  }
0x282: {  	v12 =	vld [tilespmem:s9+$0xFFFFFF00]  }
0x283: {  	v13 =	vld [tilespmem:s11+$0xFFFFFF00]  }
0x284: {  	v14 =	vld [tilespmem:s9+$0xFFFFFF40]  }
0x285: {  	v15 =	vld [tilespmem:s11+$0xFFFFFF40]  }
0x286: {  	v16 =	vld [tilespmem:s9+$0xFFFFFF80]  }
0x287: {  	v17 =	vld [tilespmem:s11+$0xFFFFFF80]  }
0x288: {  	v18 =	vld [tilespmem:s9+$0xFFFFFFC0]  }
0x289: {  	v19 =	vld [tilespmem:s11+$0xFFFFFFC0]  }
0x28a: {  	v20 =	vld [tilespmem:s9+$0x0]  }
0x28b: {  	v21 =	vld [tilespmem:s11+$0x0]  }
0x28c: {  	v22 =	vld [tilespmem:s9+$0x40]  }
0x28d: {  	v23 =	vld [tilespmem:s11+$0x40]  }
0x28e: {  	v24 =	vld [tilespmem:s9+$0x80]  }
0x28f: {  	v25 =	vld [tilespmem:s11+$0x80]  }
0x290: {  	v26 =	vld [tilespmem:s9+$0xC0]  }
0x291: {  	v27 =	vld [tilespmem:s11+$0xC0]  }
0x292: {  	v28 =	vld [tilespmem:s9+$0x100]  }
0x293: {  	v29 =	vld [tilespmem:s11+$0x100]  }
0x294: {  	v30 =	vld [tilespmem:s9+$0x140]  }
0x295: {  	v57 =	vld [tilespmem:s9+$0xFFFFFE10]  }
0x296: {  	v58 =	vld [tilespmem:s9+$0xFFFFFE50]  }
0x297: {  	v59 =	vld [tilespmem:s9+$0xFFFFFE90]  }
0x298: {  	v60 =	vld [tilespmem:s9+$0xFFFFFED0]  }
0x299: {  	v61 =	vld [tilespmem:s9+$0xFFFFFF10]  }
0x29a: {  	v62 =	vld [tilespmem:s9+$0xFFFFFF50]  }
0x29b: {  	v63 =	vld [tilespmem:s9+$0xFFFFFF90]  }
0x29c: {  	v33 =	vld [tilespmem:s9+$0xFFFFFFD0]  }
0x29d: {  	v34 =	vld [tilespmem:s9+$0x10]  }
0x29e: {  	v35 =	vld [tilespmem:s9+$0x50]  }
0x29f: {  	v36 =	vld [tilespmem:s9+$0x90]  }
0x2a0: {  	v37 =	vld [tilespmem:s9+$0xD0]  }
0x2a1: {  	v38 =	vld [tilespmem:s9+$0x110]  }
0x2a2: {  	v39 =	vld [tilespmem:s9+$0x150]  }
0x2a3: {  	v40 =	vld [tilespmem:s9+$0x190]  }
0x2a4: {  	v43 =	vld [tilespmem:s9+$0xFFFFFE20]  }
0x2a5: {  	v44 =	vld [tilespmem:s9+$0xFFFFFE60]  }
0x2a6: {  	v45 =	vld [tilespmem:s9+$0xFFFFFEA0]  }
0x2a7: {  	v46 =	vld [tilespmem:s9+$0xFFFFFEE0]  }
0x2a8: {  	v47 =	vld [tilespmem:s9+$0xFFFFFF20]  }
0x2a9: {  	v48 =	vld [tilespmem:s9+$0xFFFFFF60]  }
0x2aa: {  	v49 =	vld [tilespmem:s9+$0xFFFFFFA0]  }
0x2ab: {  	v50 =	vld [tilespmem:s9+$0xFFFFFFE0]  }
0x2ac: {  	v51 =	vld [tilespmem:s9+$0x20]  }
0x2ad: {  	v52 =	vld [tilespmem:s9+$0x60]  }
0x2ae: {  	v53 =	vld [tilespmem:s9+$0xA0]  }
0x2af: {  	v3 =	vadd.f32 v4, v3;
	v6 =	vadd.f32 v7, v6;
	v7 =	vld [tilespmem:s11+$0x140]  }
0x2b0: {  	v8 =	vadd.f32 v9, v8;
	v9 =	vld [tilespmem:s9+$0x180]  }
0x2b1: {  	v10 =	vadd.f32 v11, v10;
	v11 =	vld [tilespmem:s11+$0x180];
	v3 =	vmax.f32 v3, $0.0e+00  }
0x2b2: {  	v6 =	vmax.f32 v6, $0.0e+00;
	[tilespmem:s9+$0x1C0] =	vst v3;
	v3 =	vld [tilespmem:s9+$0x1D0]  }
0x2b3: {  	[tilespmem:s9+$0xFFFFFE40] =	vst v6;
	v6 =	vmax.f32 v8, $0.0e+00;
	v8 =	vadd.f32 v13, v12;
	v12 =	vld [tilespmem:s9+$0xFFFFFE00]  }
0x2b4: {  	v4 =	vld [tilespmem:s11+$0x1D0]  }
0x2b5: {  	[tilespmem:s9+$0xFFFFFE80] =	vst v6;
	v6 =	vmax.f32 v10, $0.0e+00;
	v10 =	vadd.f32 v15, v14;
	v13 =	vld [tilespmem:s11+$0xFFFFFE50]  }
0x2b6: {  	[tilespmem:s9+$0xFFFFFEC0] =	vst v6;
	v6 =	vmax.f32 v8, $0.0e+00;
	v8 =	vadd.f32 v17, v16;
	v14 =	vld [tilespmem:s11+$0xFFFFFE90]  }
0x2b7: {  	[tilespmem:s9+$0xFFFFFF00] =	vst v6;
	v6 =	vmax.f32 v10, $0.0e+00;
	v10 =	vadd.f32 v19, v18;
	v15 =	vld [tilespmem:s11+$0xFFFFFED0]  }
0x2b8: {  	[tilespmem:s9+$0xFFFFFF40] =	vst v6;
	v6 =	vmax.f32 v8, $0.0e+00;
	v8 =	vadd.f32 v21, v20;
	v16 =	vld [tilespmem:s11+$0xFFFFFF10]  }
0x2b9: {  	[tilespmem:s9+$0xFFFFFF80] =	vst v6;
	v6 =	vmax.f32 v10, $0.0e+00;
	v5 =	vadd.f32 v5, v12;
	v10 =	vld [tilespmem:s11+$0xFFFFFF50]  }
0x2ba: {  	v3 =	vadd.f32 v4, v3;
	[tilespmem:s9+$0xFFFFFFC0] =	vst v6;
	v6 =	vmax.f32 v8, $0.0e+00;
	v12 =	vld [tilespmem:s11+$0xFFFFFF90]  }
0x2bb: {  	[tilespmem:s9+$0x0] =	vst v6;
	v5 =	vmax.f32 v5, $0.0e+00;
	v17 =	vld [tilespmem:s11+$0xFFFFFFD0]  }
0x2bc: {  	v8 =	vadd.f32 v23, v22;
	v3 =	vmax.f32 v3, $0.0e+00;
	[tilespmem:s9+$0xFFFFFE00] =	vst v5;
	v5 =	vld [tilespmem:s11+$0x10]  }
0x2bd: {  	v13 =	vadd.f32 v13, v58;
	[tilespmem:s9+$0x1D0] =	vst v3;
	v3 =	vld [tilespmem:s9+$0x1E0]  }
0x2be: {  	v14 =	vadd.f32 v14, v59;
	v8 =	vmax.f32 v8, $0.0e+00;
	v55 =	vld [tilespmem:s11+$0xFFFFFE10]  }
0x2bf: {  	v6 =	vadd.f32 v25, v24;
	v13 =	vmax.f32 v13, $0.0e+00;
	v15 =	vadd.f32 v15, v60;
	[tilespmem:s9+$0x40] =	vst v8;
	v4 =	vld [tilespmem:s11+$0x1E0]  }
0x2c0: {  	v54 =	vadd.f32 v27, v26;
	[tilespmem:s9+$0xFFFFFE50] =	vst v13;
	v13 =	vmax.f32 v14, $0.0e+00;
	v56 =	vld [tilespmem:s11+$0x50]  }
0x2c1: {  	v6 =	vmax.f32 v6, $0.0e+00;
	[tilespmem:s9+$0xFFFFFE90] =	vst v13;
	v13 =	vmax.f32 v15, $0.0e+00;
	v15 =	vld [tilespmem:s11+$0xFFFFFE60]  }
0x2c2: {  	v8 =	vadd.f32 v29, v28;
	[tilespmem:s9+$0x80] =	vst v6;
	v6 =	vmax.f32 v54, $0.0e+00;
	v54 =	vld [tilespmem:s9+$0xE0]  }
0x2c3: {  	v14 =	vadd.f32 v16, v61;
	v10 =	vadd.f32 v10, v62;
	v62 =	vld [tilespmem:s9+$0xFFFFFEF0]  }
0x2c4: {  	[tilespmem:s9+$0xC0] =	vst v6;
	v6 =	vmax.f32 v8, $0.0e+00;
	v8 =	vadd.f32 v11, v9;
	v9 =	vld [tilespmem:s11+$0x90]  }
0x2c5: {  	v7 =	vadd.f32 v7, v30;
	[tilespmem:s9+$0xFFFFFED0] =	vst v13;
	v13 =	vmax.f32 v14, $0.0e+00;
	v14 =	vld [tilespmem:s11+$0xFFFFFEA0]  }
0x2c6: {  	v12 =	vadd.f32 v12, v63;
	v63 =	vld [tilespmem:s9+$0xFFFFFFB0]  }
0x2c7: {  	[tilespmem:s9+$0x100] =	vst v6;
	v6 =	vmax.f32 v7, $0.0e+00;
	v7 =	vld [tilespmem:s11+$0xD0]  }
0x2c8: {  	[tilespmem:s9+$0xFFFFFF10] =	vst v13;
	v13 =	vadd.f32 v17, v33;
	v17 =	vld [tilespmem:s11+$0xFFFFFEE0]  }
0x2c9: {  	v10 =	vmax.f32 v10, $0.0e+00;
	[tilespmem:s9+$0x140] =	vst v6;
	v6 =	vmax.f32 v8, $0.0e+00;
	v8 =	vld [tilespmem:s11+$0x110]  }
0x2ca: {  	[tilespmem:s9+$0xFFFFFF50] =	vst v10;
	v10 =	vmax.f32 v12, $0.0e+00;
	v12 =	vld [tilespmem:s11+$0xFFFFFF20]  }
0x2cb: {  	[tilespmem:s9+$0x180] =	vst v6;
	v6 =	vld [tilespmem:s11+$0x150]  }
0x2cc: {  	v41 =	vld [tilespmem:s11+$0xFFFFFF60]  }
0x2cd: {  	v5 =	vadd.f32 v5, v34;
	v19 =	vadd.f32 v55, v57;
	v55 =	vld [tilespmem:s9+$0x120]  }
0x2ce: {  	[tilespmem:s9+$0xFFFFFF90] =	vst v10;
	v10 =	vmax.f32 v13, $0.0e+00;
	v11 =	vld [tilespmem:s11+$0x190]  }
0x2cf: {  	v3 =	vadd.f32 v4, v3;
	v13 =	vadd.f32 v56, v35;
	[tilespmem:s9+$0xFFFFFFD0] =	vst v10;
	v5 =	vmax.f32 v5, $0.0e+00;
	v10 =	vld [tilespmem:s11+$0xFFFFFFA0]  }
0x2d0: {  	v56 =	vld [tilespmem:s9+$0x160];
	v19 =	vmax.f32 v19, $0.0e+00;
	[tilespmem:s9+$0x10] =	vst v5  }
0x2d1: {  	v3 =	vmax.f32 v3, $0.0e+00;
	[tilespmem:s9+$0xFFFFFE10] =	vst v19;
	v5 =	vmax.f32 v13, $0.0e+00;
	v13 =	vld [tilespmem:s11+$0xFFFFFFE0]  }
0x2d2: {  	v15 =	vadd.f32 v15, v44;
	v9 =	vadd.f32 v9, v36;
	[tilespmem:s9+$0x1E0] =	vst v3;
	v3 =	vld [tilespmem:s9+$0x1F0]  }
0x2d3: {  	v16 =	vld [tilespmem:s11+$0xFFFFFE20]  }
0x2d4: {  	v7 =	vadd.f32 v7, v37;
	v15 =	vmax.f32 v15, $0.0e+00;
	[tilespmem:s9+$0x50] =	vst v5;
	v5 =	vmax.f32 v9, $0.0e+00;
	v9 =	vld [tilespmem:s11+$0x20]  }
0x2d5: {  	[tilespmem:s9+$0xFFFFFE60] =	vst v15;
	v4 =	vld [tilespmem:s11+$0x1F0]  }
0x2d6: {  	v8 =	vadd.f32 v8, v38;
	[tilespmem:s9+$0x90] =	vst v5;
	v5 =	vmax.f32 v7, $0.0e+00;
	v7 =	vld [tilespmem:s11+$0x60]  }
0x2d7: {  	v6 =	vadd.f32 v6, v39;
	v57 =	vld [tilespmem:s11+$0xFFFFFE70]  }
0x2d8: {  	[tilespmem:s9+$0xD0] =	vst v5;
	v5 =	vmax.f32 v8, $0.0e+00;
	v8 =	vadd.f32 v11, v40;
	v11 =	vld [tilespmem:s11+$0xA0]  }
0x2d9: {  	v10 =	vadd.f32 v10, v49;
	[tilespmem:s9+$0x110] =	vst v5;
	v5 =	vmax.f32 v6, $0.0e+00;
	v6 =	vld [tilespmem:s11+$0xE0]  }
0x2da: {  	[tilespmem:s9+$0x150] =	vst v5;
	v5 =	vmax.f32 v8, $0.0e+00;
	v8 =	vld [tilespmem:s11+$0x120]  }
0x2db: {  	v10 =	vmax.f32 v10, $0.0e+00;
	[tilespmem:s9+$0x190] =	vst v5;
	v5 =	vld [tilespmem:s11+$0x160]  }
0x2dc: {  	v13 =	vadd.f32 v13, v50;
	[tilespmem:s9+$0xFFFFFFA0] =	vst v10;
	v42 =	vld [tilespmem:s11+$0x1A0]  }
0x2dd: {  	v16 =	vadd.f32 v16, v43;
	v58 =	vld [tilespmem:s11+$0xFFFFFFB0]  }
0x2de: {  	v10 =	vmax.f32 v13, $0.0e+00;
	v3 =	vadd.f32 v4, v3;
	v4 =	vld [tilespmem:s9+$0xFFFFFF30]  }
0x2df: {  	v9 =	vadd.f32 v9, v51;
	v16 =	vmax.f32 v16, $0.0e+00;
	[tilespmem:s9+$0xFFFFFFE0] =	vst v10;
	v10 =	vadd.f32 v11, v53;
	v11 =	vld [tilespmem:s9+$0xFFFFFE70]  }
0x2e0: {  	v14 =	vadd.f32 v14, v45;
	[tilespmem:s9+$0xFFFFFE20] =	vst v16;
	v16 =	vadd.f32 v17, v46;
	v17 =	vld [tilespmem:s9+$0x1A0]  }
0x2e1: {  	v7 =	vadd.f32 v7, v52;
	v9 =	vmax.f32 v9, $0.0e+00;
	v59 =	vld [tilespmem:s11+$0xFFFFFFF0]  }
0x2e2: {  	v14 =	vmax.f32 v14, $0.0e+00;
	[tilespmem:s9+$0x20] =	vst v9;
	v15 =	vld [tilespmem:s11+$0xFFFFFE30]  }
0x2e3: {  	[tilespmem:s9+$0xFFFFFEA0] =	vst v14;
	v7 =	vmax.f32 v7, $0.0e+00;
	v60 =	vld [tilespmem:s11+$0x30]  }
0x2e4: {  	v12 =	vadd.f32 v12, v47;
	[tilespmem:s9+$0x60] =	vst v7;
	v7 =	vmax.f32 v10, $0.0e+00;
	v10 =	vld [tilespmem:s9+$0xFFFFFE30]  }
0x2e5: {  	v6 =	vadd.f32 v6, v54;
	v14 =	vmax.f32 v16, $0.0e+00;
	[tilespmem:s9+$0xA0] =	vst v7;
	v61 =	vld [tilespmem:s11+$0x70]  }
0x2e6: {  	v12 =	vmax.f32 v12, $0.0e+00;
	v16 =	vadd.f32 v41, v48;
	[tilespmem:s9+$0xFFFFFEE0] =	vst v14;
	v14 =	vld [tilespmem:s11+$0xFFFFFEB0]  }
0x2e7: {  	[tilespmem:s9+$0xFFFFFF20] =	vst v12;
	v8 =	vadd.f32 v8, v55;
	v6 =	vmax.f32 v6, $0.0e+00;
	v9 =	vld [tilespmem:s11+$0xB0]  }
0x2e8: {  	[tilespmem:s9+$0xE0] =	vst v6;
	v12 =	vmax.f32 v16, $0.0e+00;
	v16 =	vld [tilespmem:s11+$0xFFFFFEF0]  }
0x2e9: {  	v5 =	vadd.f32 v5, v56;
	v6 =	vmax.f32 v8, $0.0e+00;
	v8 =	vld [tilespmem:s11+$0xF0]  }
0x2ea: {  	[tilespmem:s9+$0xFFFFFF60] =	vst v12;
	v12 =	vld [tilespmem:s11+$0xFFFFFF30]  }
0x2eb: {  	v5 =	vmax.f32 v5, $0.0e+00;
	v7 =	vadd.f32 v42, v17;
	v17 =	vld [tilespmem:s9+$0xFFFFFEB0]  }
0x2ec: {  	[tilespmem:s9+$0x160] =	vst v5;
	v13 =	vld [tilespmem:s11+$0xFFFFFF70]  }
0x2ed: {  	[tilespmem:s9+$0x120] =	vst v6;
	v6 =	vld [tilespmem:s11+$0x170]  }
0x2ee: {  	v10 =	vadd.f32 v15, v10;
	v15 =	vld [tilespmem:s9+$0xFFFFFF70];
	v5 =	vmax.f32 v7, $0.0e+00  }
0x2ef: {  	v7 =	vld [tilespmem:s11+$0x130];
	[tilespmem:s9+$0x1A0] =	vst v5  }
0x2f0: {  	v3 =	vmax.f32 v3, $0.0e+00;
	v11 =	vadd.f32 v57, v11;
	v5 =	vld [tilespmem:s11+$0x1B0]  }
0x2f1: {  	[tilespmem:s9+$0x1F0] =	vst v3;
	v3 =	vmax.f32 v10, $0.0e+00;
	v10 =	vadd.f32 v14, v17;
	v14 =	vld [tilespmem:s9+$0xFFFFFFF0]  }
0x2f2: {  	[tilespmem:s9+$0xFFFFFE30] =	vst v3;
	v3 =	vmax.f32 v11, $0.0e+00;
	v11 =	vadd.f32 v16, v62;
	v16 =	vld [tilespmem:s9+$0x30]  }
0x2f3: {  	[tilespmem:s9+$0xFFFFFE70] =	vst v3;
	v4 =	vadd.f32 v12, v4;
	v12 =	vld [tilespmem:s9+$0x70];
	v3 =	vmax.f32 v10, $0.0e+00  }
0x2f4: {  	v10 =	vadd.f32 v13, v15;
	[tilespmem:s9+$0xFFFFFEB0] =	vst v3;
	v3 =	vmax.f32 v11, $0.0e+00;
	v11 =	vld [tilespmem:s9+$0xB0]  }
0x2f5: {  	v4 =	vmax.f32 v4, $0.0e+00;
	v13 =	vadd.f32 v58, v63;
	[tilespmem:s9+$0xFFFFFEF0] =	vst v3;
	v3 =	vld [tilespmem:s9+$0xF0]  }
0x2f6: {  	[tilespmem:s9+$0xFFFFFF30] =	vst v4;
	v4 =	vld [tilespmem:s9+$0x130];
	v10 =	vmax.f32 v10, $0.0e+00;
	v15 =	vadd.f32 v59, v14  }
0x2f7: {  	v13 =	vmax.f32 v13, $0.0e+00;
	[tilespmem:s9+$0xFFFFFF70] =	vst v10;
	v10 =	vld [tilespmem:s9+$0x170];
	v14 =	vadd.f32 v60, v16  }
0x2f8: {  	s5 =	simm.s32 $0x0;
	s4 =	simm.s32 $0x4A00;
	[tilespmem:s9+$0xFFFFFFB0] =	vst v13;
	v13 =	vadd.f32 v61, v12;
	v12 =	vld [tilespmem:s9+$0x1B0];
	v15 =	vmax.f32 v15, $0.0e+00  }
.LBB2_18:
0x2f9: {  	v16 =	vld [tilespmem:s4+$0x1C0];
	[tilespmem:s9+$0xFFFFFFF0] =	vst v15;
	v14 =	vmax.f32 v14, $0.0e+00;
	v9 =	vadd.f32 v9, v11;
	s11 =	sadd.s32 $0x400, s11  }
0x2fa: {  	s5 =	sadd.s32 $0x10, s5;
	v11 =	vld [tilespmem:s11+$0x1C0];
	[tilespmem:s9+$0x30] =	vst v14;
	v13 =	vmax.f32 v13, $0.0e+00;
	v8 =	vadd.f32 v8, v3  }
0x2fb: {  	p2 =	slt.u32 s5, $0xF0;
	v3 =	vld [tilespmem:s11+$0xFFFFFE00];
	[tilespmem:s9+$0x70] =	vst v13;
	v9 =	vmax.f32 v9, $0.0e+00;
	v4 =	vadd.f32 v7, v4  }
0x2fc: {  	v7 =	vld [tilespmem:s4+$0xFFFFFE40];
	[tilespmem:s9+$0xB0] =	vst v9;
	v8 =	vmax.f32 v8, $0.0e+00;
	v6 =	vadd.f32 v6, v10  }
0x2fd: {  	v9 =	vld [tilespmem:s11+$0xFFFFFE40];
	[tilespmem:s9+$0xF0] =	vst v8;
	v4 =	vmax.f32 v4, $0.0e+00;
	v5 =	vadd.f32 v5, v12  }
0x2fe: {  	v8 =	vld [tilespmem:s4+$0xFFFFFE80];
	[tilespmem:s9+$0x130] =	vst v4;
	v4 =	vmax.f32 v6, $0.0e+00  }
0x2ff: {  	v6 =	vld [tilespmem:s11+$0xFFFFFE80];
	v10 =	vadd.f32 v11, v16;
	[tilespmem:s9+$0x170] =	vst v4;
	v4 =	vmax.f32 v5, $0.0e+00  }
0x300: {  	v5 =	vld [tilespmem:s4+$0xFFFFFEC0];
	[tilespmem:s9+$0x1B0] =	vst v4;
	s9 =	smov.u32 s4  }
0x301: {  	v4 =	vld [tilespmem:s11+$0xFFFFFEC0];
	v10 =	vmax.f32 v10, $0.0e+00  }
0x302: {  	v7 =	vadd.f32 v9, v7;
	[tilespmem:s4+$0x1C0] =	vst v10;
	v9 =	vld [tilespmem:s4+$0x1D0]  }
0x303: {  	v10 =	vld [tilespmem:s11+$0x1D0]  }
0x304: {  	v7 =	vmax.f32 v7, $0.0e+00;
	v6 =	vadd.f32 v6, v8;
	v8 =	vld [tilespmem:s4+$0xFFFFFF00]  }
0x305: {  	[tilespmem:s4+$0xFFFFFE40] =	vst v7;
	v7 =	vld [tilespmem:s11+$0xFFFFFF00]  }
0x306: {  	v6 =	vmax.f32 v6, $0.0e+00;
	v4 =	vadd.f32 v4, v5;
	v5 =	vld [tilespmem:s4+$0xFFFFFF40]  }
0x307: {  	[tilespmem:s4+$0xFFFFFE80] =	vst v6;
	v6 =	vld [tilespmem:s11+$0xFFFFFF40]  }
0x308: {  	v4 =	vmax.f32 v4, $0.0e+00;
	v11 =	vld [tilespmem:s4+$0xFFFFFF80];
	v9 =	vadd.f32 v10, v9  }
0x309: {  	[tilespmem:s4+$0xFFFFFEC0] =	vst v4;
	v4 =	vld [tilespmem:s11+$0xFFFFFF80]  }
0x30a: {  	v7 =	vadd.f32 v7, v8;
	v8 =	vld [tilespmem:s4+$0xFFFFFFC0];
	v9 =	vmax.f32 v9, $0.0e+00  }
0x30b: {  	[tilespmem:s4+$0x1D0] =	vst v9;
	v9 =	vld [tilespmem:s4+$0x1E0]  }
0x30c: {  	v7 =	vmax.f32 v7, $0.0e+00;
	v5 =	vadd.f32 v6, v5;
	v6 =	vld [tilespmem:s11+$0x1E0]  }
0x30d: {  	[tilespmem:s4+$0xFFFFFF00] =	vst v7;
	v7 =	vld [tilespmem:s11+$0xFFFFFFC0]  }
0x30e: {  	v5 =	vmax.f32 v5, $0.0e+00;
	v4 =	vadd.f32 v4, v11;
	v10 =	vld [tilespmem:s4+$0x0]  }
0x30f: {  	[tilespmem:s4+$0xFFFFFF40] =	vst v5;
	v5 =	vld [tilespmem:s11+$0x0]  }
0x310: {  	v4 =	vmax.f32 v4, $0.0e+00;
	v11 =	vld [tilespmem:s4+$0x40]  }
0x311: {  	[tilespmem:s4+$0xFFFFFF80] =	vst v4;
	v4 =	vld [tilespmem:s11+$0x40];
	v6 =	vadd.f32 v6, v9  }
0x312: {  	v7 =	vadd.f32 v7, v8;
	v8 =	vld [tilespmem:s4+$0x80]  }
0x313: {  	v9 =	vld [tilespmem:s11+$0x80];
	v6 =	vmax.f32 v6, $0.0e+00  }
0x314: {  	v7 =	vmax.f32 v7, $0.0e+00;
	v5 =	vadd.f32 v5, v10;
	[tilespmem:s4+$0x1E0] =	vst v6;
	v6 =	vld [tilespmem:s4+$0x1F0]  }
0x315: {  	[tilespmem:s4+$0xFFFFFFC0] =	vst v7;
	v7 =	vld [tilespmem:s11+$0x1F0]  }
0x316: {  	v5 =	vmax.f32 v5, $0.0e+00;
	v4 =	vadd.f32 v4, v11;
	v10 =	vld [tilespmem:s4+$0xC0]  }
0x317: {  	[tilespmem:s4+$0x0] =	vst v5;
	v5 =	vld [tilespmem:s11+$0xC0]  }
0x318: {  	v4 =	vmax.f32 v4, $0.0e+00;
	v8 =	vadd.f32 v9, v8;
	v9 =	vld [tilespmem:s4+$0x100]  }
0x319: {  	[tilespmem:s4+$0x40] =	vst v4;
	v4 =	vld [tilespmem:s11+$0x100]  }
0x31a: {  	v8 =	vmax.f32 v8, $0.0e+00;
	v11 =	vld [tilespmem:s4+$0x140];
	v6 =	vadd.f32 v7, v6  }
0x31b: {  	[tilespmem:s4+$0x80] =	vst v8;
	v7 =	vld [tilespmem:s11+$0x140]  }
0x31c: {  	v5 =	vadd.f32 v5, v10;
	v8 =	vld [tilespmem:s4+$0x180];
	v6 =	vmax.f32 v6, $0.0e+00  }
0x31d: {  	v10 =	vld [tilespmem:s11+$0x180];
	[tilespmem:s4+$0x1F0] =	vst v6  }
0x31e: {  	v6 =	vld [tilespmem:s4+$0xFFFFFE00];
	v5 =	vmax.f32 v5, $0.0e+00;
	v4 =	vadd.f32 v4, v9  }
0x31f: {  	v9 =	vld [tilespmem:s11+$0xFFFFFE50];
	[tilespmem:s4+$0xC0] =	vst v5  }
0x320: {  	v5 =	vld [tilespmem:s11+$0xFFFFFE90];
	v4 =	vmax.f32 v4, $0.0e+00;
	v7 =	vadd.f32 v7, v11  }
0x321: {  	v11 =	vld [tilespmem:s11+$0xFFFFFED0];
	[tilespmem:s4+$0x100] =	vst v4  }
0x322: {  	v4 =	vld [tilespmem:s11+$0xFFFFFF10];
	v7 =	vmax.f32 v7, $0.0e+00;
	v8 =	vadd.f32 v10, v8  }
0x323: {  	v3 =	vadd.f32 v3, v6;
	v6 =	vld [tilespmem:s11+$0xFFFFFF50];
	[tilespmem:s4+$0x140] =	vst v7  }
0x324: {  	v7 =	vld [tilespmem:s11+$0xFFFFFF90];
	v8 =	vmax.f32 v8, $0.0e+00  }
0x325: {  	v3 =	vmax.f32 v3, $0.0e+00;
	v10 =	vld [tilespmem:s11+$0xFFFFFFD0];
	[tilespmem:s4+$0x180] =	vst v8  }
0x326: {  	[tilespmem:s4+$0xFFFFFE00] =	vst v3;
	v3 =	vld [tilespmem:s11+$0x10]  }
0x327: {  	v8 =	vld [tilespmem:s11+$0xFFFFFE10]  }
0x328: {  	v12 =	vld [tilespmem:s11+$0x50]  }
0x329: {  	v13 =	vld [tilespmem:s11+$0x90]  }
0x32a: {  	v14 =	vld [tilespmem:s11+$0xD0]  }
0x32b: {  	v15 =	vld [tilespmem:s11+$0x110]  }
0x32c: {  	v16 =	vld [tilespmem:s11+$0x150]  }
0x32d: {  	v17 =	vld [tilespmem:s11+$0x190]  }
0x32e: {  	v18 =	vld [tilespmem:s4+$0xFFFFFE10]  }
0x32f: {  	v19 =	vld [tilespmem:s4+$0xFFFFFE50]  }
0x330: {  	v20 =	vld [tilespmem:s4+$0xFFFFFE90]  }
0x331: {  	v21 =	vld [tilespmem:s4+$0xFFFFFED0]  }
0x332: {  	v22 =	vld [tilespmem:s4+$0xFFFFFF10]  }
0x333: {  	v8 =	vadd.f32 v8, v18;
	v18 =	vld [tilespmem:s4+$0xFFFFFF50]  }
0x334: {  	v9 =	vadd.f32 v9, v19;
	v19 =	vld [tilespmem:s4+$0xFFFFFF90]  }
0x335: {  	v8 =	vmax.f32 v8, $0.0e+00;
	v5 =	vadd.f32 v5, v20;
	v20 =	vld [tilespmem:s4+$0xFFFFFFD0]  }
0x336: {  	[tilespmem:s4+$0xFFFFFE10] =	vst v8;
	v8 =	vmax.f32 v9, $0.0e+00;
	v9 =	vadd.f32 v11, v21;
	v11 =	vld [tilespmem:s4+$0x10]  }
0x337: {  	[tilespmem:s4+$0xFFFFFE50] =	vst v8;
	v5 =	vmax.f32 v5, $0.0e+00;
	v4 =	vadd.f32 v4, v22;
	v8 =	vld [tilespmem:s4+$0x50]  }
0x338: {  	[tilespmem:s4+$0xFFFFFE90] =	vst v5;
	v5 =	vmax.f32 v9, $0.0e+00;
	v6 =	vadd.f32 v6, v18;
	v9 =	vld [tilespmem:s4+$0x90]  }
0x339: {  	[tilespmem:s4+$0xFFFFFED0] =	vst v5;
	v4 =	vmax.f32 v4, $0.0e+00;
	v5 =	vadd.f32 v7, v19;
	v7 =	vld [tilespmem:s4+$0xD0]  }
0x33a: {  	[tilespmem:s4+$0xFFFFFF10] =	vst v4;
	v4 =	vmax.f32 v6, $0.0e+00;
	v6 =	vadd.f32 v10, v20;
	v10 =	vld [tilespmem:s4+$0x110]  }
0x33b: {  	[tilespmem:s4+$0xFFFFFF50] =	vst v4;
	v4 =	vmax.f32 v5, $0.0e+00;
	v3 =	vadd.f32 v3, v11;
	v5 =	vld [tilespmem:s4+$0x150]  }
0x33c: {  	[tilespmem:s4+$0xFFFFFF90] =	vst v4;
	v4 =	vmax.f32 v6, $0.0e+00;
	v6 =	vadd.f32 v12, v8;
	v8 =	vld [tilespmem:s4+$0x190]  }
0x33d: {  	v11 =	vld [tilespmem:s11+$0xFFFFFE20];
	[tilespmem:s4+$0xFFFFFFD0] =	vst v4;
	v3 =	vmax.f32 v3, $0.0e+00;
	v4 =	vadd.f32 v13, v9  }
0x33e: {  	v9 =	vld [tilespmem:s11+$0xFFFFFE60];
	[tilespmem:s4+$0x10] =	vst v3;
	v3 =	vmax.f32 v6, $0.0e+00;
	v6 =	vadd.f32 v14, v7  }
0x33f: {  	v7 =	vld [tilespmem:s11+$0xFFFFFEA0];
	[tilespmem:s4+$0x50] =	vst v3;
	v3 =	vmax.f32 v4, $0.0e+00;
	v4 =	vadd.f32 v15, v10  }
0x340: {  	v10 =	vld [tilespmem:s11+$0xFFFFFEE0];
	[tilespmem:s4+$0x90] =	vst v3;
	v3 =	vmax.f32 v6, $0.0e+00;
	v5 =	vadd.f32 v16, v5  }
0x341: {  	v6 =	vld [tilespmem:s11+$0xFFFFFF20];
	[tilespmem:s4+$0xD0] =	vst v3;
	v3 =	vmax.f32 v4, $0.0e+00;
	v4 =	vadd.f32 v17, v8  }
0x342: {  	v8 =	vld [tilespmem:s11+$0xFFFFFF60];
	[tilespmem:s4+$0x110] =	vst v3;
	v3 =	vmax.f32 v5, $0.0e+00  }
0x343: {  	v5 =	vld [tilespmem:s11+$0xFFFFFFA0];
	[tilespmem:s4+$0x150] =	vst v3;
	v3 =	vmax.f32 v4, $0.0e+00  }
0x344: {  	v4 =	vld [tilespmem:s11+$0xFFFFFFE0];
	[tilespmem:s4+$0x190] =	vst v3  }
0x345: {  	v3 =	vld [tilespmem:s11+$0x20]  }
0x346: {  	v12 =	vld [tilespmem:s11+$0x60]  }
0x347: {  	v13 =	vld [tilespmem:s11+$0xA0]  }
0x348: {  	v14 =	vld [tilespmem:s11+$0xE0]  }
0x349: {  	v15 =	vld [tilespmem:s11+$0x120]  }
0x34a: {  	v16 =	vld [tilespmem:s11+$0x160]  }
0x34b: {  	v17 =	vld [tilespmem:s11+$0x1A0]  }
0x34c: {  	v18 =	vld [tilespmem:s4+$0xFFFFFE20]  }
0x34d: {  	v19 =	vld [tilespmem:s4+$0xFFFFFE60]  }
0x34e: {  	v20 =	vld [tilespmem:s4+$0xFFFFFEA0]  }
0x34f: {  	v21 =	vld [tilespmem:s4+$0xFFFFFEE0]  }
0x350: {  	v22 =	vld [tilespmem:s4+$0xFFFFFF20]  }
0x351: {  	v11 =	vadd.f32 v11, v18;
	v18 =	vld [tilespmem:s4+$0xFFFFFF60]  }
0x352: {  	v9 =	vadd.f32 v9, v19;
	v19 =	vld [tilespmem:s4+$0xFFFFFFA0]  }
0x353: {  	v11 =	vmax.f32 v11, $0.0e+00;
	v7 =	vadd.f32 v7, v20;
	v20 =	vld [tilespmem:s4+$0xFFFFFFE0]  }
0x354: {  	[tilespmem:s4+$0xFFFFFE20] =	vst v11;
	v9 =	vmax.f32 v9, $0.0e+00;
	v10 =	vadd.f32 v10, v21;
	v11 =	vld [tilespmem:s4+$0x20]  }
0x355: {  	[tilespmem:s4+$0xFFFFFE60] =	vst v9;
	v7 =	vmax.f32 v7, $0.0e+00;
	v6 =	vadd.f32 v6, v22;
	v9 =	vld [tilespmem:s4+$0x60]  }
0x356: {  	[tilespmem:s4+$0xFFFFFEA0] =	vst v7;
	v7 =	vmax.f32 v10, $0.0e+00;
	v8 =	vadd.f32 v8, v18;
	v10 =	vld [tilespmem:s4+$0xA0]  }
0x357: {  	[tilespmem:s4+$0xFFFFFEE0] =	vst v7;
	v6 =	vmax.f32 v6, $0.0e+00;
	v5 =	vadd.f32 v5, v19;
	v7 =	vld [tilespmem:s4+$0xE0]  }
0x358: {  	[tilespmem:s4+$0xFFFFFF20] =	vst v6;
	v6 =	vmax.f32 v8, $0.0e+00;
	v4 =	vadd.f32 v4, v20;
	v8 =	vld [tilespmem:s4+$0x120]  }
0x359: {  	[tilespmem:s4+$0xFFFFFF60] =	vst v6;
	v5 =	vmax.f32 v5, $0.0e+00;
	v3 =	vadd.f32 v3, v11;
	v6 =	vld [tilespmem:s4+$0x160]  }
0x35a: {  	[tilespmem:s4+$0xFFFFFFA0] =	vst v5;
	v4 =	vmax.f32 v4, $0.0e+00;
	v5 =	vadd.f32 v12, v9;
	v9 =	vld [tilespmem:s4+$0x1A0]  }
0x35b: {  	v11 =	vld [tilespmem:s11+$0xFFFFFE30];
	[tilespmem:s4+$0xFFFFFFE0] =	vst v4;
	v3 =	vmax.f32 v3, $0.0e+00;
	v4 =	vadd.f32 v13, v10  }
0x35c: {  	v10 =	vld [tilespmem:s11+$0xFFFFFE70];
	[tilespmem:s4+$0x20] =	vst v3;
	v3 =	vmax.f32 v5, $0.0e+00;
	v5 =	vadd.f32 v14, v7  }
0x35d: {  	v12 =	vld [tilespmem:s11+$0xFFFFFEB0];
	[tilespmem:s4+$0x60] =	vst v3;
	v3 =	vmax.f32 v4, $0.0e+00;
	v4 =	vadd.f32 v15, v8  }
0x35e: {  	v13 =	vld [tilespmem:s11+$0xFFFFFEF0];
	[tilespmem:s4+$0xA0] =	vst v3;
	v3 =	vmax.f32 v5, $0.0e+00;
	v5 =	vadd.f32 v16, v6  }
0x35f: {  	v14 =	vld [tilespmem:s11+$0xFFFFFF30];
	[tilespmem:s4+$0xE0] =	vst v3;
	v3 =	vmax.f32 v4, $0.0e+00;
	v4 =	vadd.f32 v17, v9  }
0x360: {  	v15 =	vld [tilespmem:s11+$0xFFFFFF70];
	[tilespmem:s4+$0x120] =	vst v3;
	v3 =	vmax.f32 v5, $0.0e+00  }
0x361: {  	v16 =	vld [tilespmem:s11+$0xFFFFFFB0];
	[tilespmem:s4+$0x160] =	vst v3;
	v3 =	vmax.f32 v4, $0.0e+00  }
0x362: {  	v4 =	vld [tilespmem:s11+$0xFFFFFFF0];
	[tilespmem:s4+$0x1A0] =	vst v3  }
0x363: {  	v17 =	vld [tilespmem:s11+$0x30]  }
0x364: {  	v18 =	vld [tilespmem:s11+$0x70]  }
0x365: {  	v9 =	vld [tilespmem:s11+$0xB0]  }
0x366: {  	v8 =	vld [tilespmem:s11+$0xF0]  }
0x367: {  	v7 =	vld [tilespmem:s11+$0x130]  }
0x368: {  	v6 =	vld [tilespmem:s11+$0x170]  }
0x369: {  	v5 =	vld [tilespmem:s11+$0x1B0]  }
0x36a: {  	v3 =	vld [tilespmem:s4+$0xFFFFFE30]  }
0x36b: {  	v19 =	vld [tilespmem:s4+$0xFFFFFE70]  }
0x36c: {  	v20 =	vld [tilespmem:s4+$0xFFFFFEB0]  }
0x36d: {  	v21 =	vld [tilespmem:s4+$0xFFFFFEF0]  }
0x36e: {  	v22 =	vld [tilespmem:s4+$0xFFFFFF30]  }
0x36f: {  	v3 =	vadd.f32 v11, v3;
	v11 =	vld [tilespmem:s4+$0xFFFFFF70]  }
0x370: {  	v10 =	vadd.f32 v10, v19;
	v19 =	vld [tilespmem:s4+$0xFFFFFFB0]  }
0x371: {  	v3 =	vmax.f32 v3, $0.0e+00;
	v12 =	vadd.f32 v12, v20;
	v20 =	vld [tilespmem:s4+$0xFFFFFFF0]  }
0x372: {  	[tilespmem:s4+$0xFFFFFE30] =	vst v3;
	v3 =	vmax.f32 v10, $0.0e+00;
	v10 =	vadd.f32 v13, v21;
	v13 =	vld [tilespmem:s4+$0x30]  }
0x373: {  	[tilespmem:s4+$0xFFFFFE70] =	vst v3;
	v3 =	vmax.f32 v12, $0.0e+00;
	v12 =	vadd.f32 v14, v22;
	v21 =	vld [tilespmem:s4+$0x70]  }
.Ltmp12:
0x374: {  	[tilespmem:s4+$0xFFFFFEB0] =	vst v3;
	v3 =	vmax.f32 v10, $0.0e+00;
	v10 =	vadd.f32 v15, v11;
	v11 =	vld [tilespmem:s4+$0xB0];
	(pc) =	sbr.rel @p2 .LBB2_18-.Ltmp12, $4  }
0x375: {  	[tilespmem:s4+$0xFFFFFEF0] =	vst v3;
	v12 =	vmax.f32 v12, $0.0e+00;
	v14 =	vadd.f32 v16, v19;
	v3 =	vld [tilespmem:s4+$0xF0]  }
0x376: {  	[tilespmem:s4+$0xFFFFFF30] =	vst v12;
	v10 =	vmax.f32 v10, $0.0e+00;
	v12 =	vadd.f32 v4, v20;
	v4 =	vld [tilespmem:s4+$0x130]  }
0x377: {  	[tilespmem:s4+$0xFFFFFF70] =	vst v10;
	v15 =	vmax.f32 v14, $0.0e+00;
	v14 =	vadd.f32 v17, v13;
	v10 =	vld [tilespmem:s4+$0x170]  }
0x378: {  	s4 =	sadd.s32 $0x400, s4;
	[tilespmem:s9+$0xFFFFFFB0] =	vst v15;
	v15 =	vmax.f32 v12, $0.0e+00;
	v13 =	vadd.f32 v18, v21;
	v12 =	vld [tilespmem:s9+$0x1B0]  }
0x379: {  	[tilespmem:s9+$0xFFFFFFF0] =	vst v15;
	v14 =	vmax.f32 v14, $0.0e+00;
	v9 =	vadd.f32 v9, v11  }
0x37a: {  	[tilespmem:s9+$0x30] =	vst v14;
	v61 =	vmax.f32 v13, $0.0e+00;
	v3 =	vadd.f32 v8, v3  }
0x37b: {  	[tilespmem:s9+$0x70] =	vst v61;
	v62 =	vmax.f32 v9, $0.0e+00;
	v4 =	vadd.f32 v7, v4  }
0x37c: {  	[tilespmem:s9+$0xB0] =	vst v62;
	v3 =	vmax.f32 v3, $0.0e+00;
	v6 =	vadd.f32 v6, v10  }
0x37d: {  	[tilespmem:s9+$0xF0] =	vst v3;
	v3 =	vmax.f32 v4, $0.0e+00;
	v63 =	vadd.f32 v5, v12  }
0x37e: {  	[tilespmem:s9+$0x130] =	vst v3;
	v3 =	vmax.f32 v6, $0.0e+00  }
0x37f: {  	[tilespmem:s9+$0x170] =	vst v3;
	v3 =	vmax.f32 v63, $0.0e+00  }
0x380: {  	[tilespmem:s9+$0x1B0] =	vst v3  }
0x381: {  	[spmem:s13] =	stream.indirect.scatter.add.f32 [tilespmem:s8], [sflag:$0x6], $0x40, s7, s29, $0xb8;
	[tilespmem:$0x1D400] =	vst v63  }
0x382: {  	s4 =	simm.s32 $0x380  }
0x383: {  	[spmem:s13] =	stream.indirect.scatter.add.f32 [tilespmem:s10], [sflag:$0x6], $0x40, s4, s29, $0xb8;
	[tilespmem:$0x1D400] =	vst v63  }
.Ltmp13:
0x384: {  	_ = 	snop;
	(pc) =	sbr.rel .LBB2_20-.Ltmp13, $4  }
0x385: {  	s5 =	simm.s32 @!p1 $0x300;
	s9 =	simm.s32 @!p1 $0x10400;
	s4 =	simm.s32 @!p1 $0x80  }
0x386: {  	[spmem:s14] =	stream.indirect.scatter.add.f32 @!p1 [tilespmem:s9], [sflag:$0x8], $0x10, s5, s4, $0xb8;
	[tilespmem:$0x1D400] =	vst v63  }
0x387: {  	s5 =	simm.s32 @!p1 $0x380  }
0x388: {  	[spmem:s14] =	stream.indirect.scatter.add.f32 @!p1 [tilespmem:s9], [sflag:$0x8], $0x10, s5, s4, $0xb8;
	[tilespmem:$0x1D400] =	vst v63  }
.LBB2_22:
0x389: {  	_ =	sfence.sel $0x180000  }
0x38a: {  	[bflag:$0x0] =	sbarrier.arrive $0xFFFF  }
0x38b: {  	_ =	strace $0x9000004A  }
0x38c: {  	[bflag:$0x2] =	sbarrier.arrive $0xFFFF  }
0x38d: {  	p0 =	sne.s32 s1, $0x0;
	s0 =	rddreg [dreg:$0x4]  }
0x38e: {  	s0 =	sadd.s32 @!p0 $0x100000, s0  }
0x38f: {  	[sflag:s0] =	ssyncadd.tile.s32 @!p0 $0x1;
	_ =	shalt  }
.Lfunc_end2:
_tile_overlayer_lowered:
.L_overlay_start_2:
0x390: {  	(tag) =	ssettag $0x2  }
0x391: {  	s0 =	rddreg [dreg:$0x0];
	s2 =	stileid.u32  }
0x392: {  	s1 =	rddreg [dreg:$0x1];
	p0 =	sne.s32 s2, $0x0  }
0x393: {  	s3 =	rddreg [dreg:$0x2];
	[bflag:$0x3] =	sbarrier.arrive $0xFFFF;
	s2 =	simm.s32 @!p0 $0x1C09  }
0x394: {  	[timem:s3], [sflag:s2] =	dma.local @!p0 [hbm:s0], s1  }
0x395: {  	s0 =	simm.s32 @!p0 $0x9  }
0x396: {  	_ =	swait.ge @!p0 [sflag:s0], s1  }
0x397: {  	s1 =	ssub.s32 @!p0 $0x0, s1;
	[sflag:s0] =	ssyncset.done @!p0 $0x0  }
0x398: {  	[sflag:s0] =	ssyncadd.s32 @!p0 s1  }
0x399: {  	[bflag:$0x3] =	sbarrier.arrive $0xFFFF  }
0x39a: {  	_ =	shalt  }

// kernel: sparse-core-data-format-call.cloned.1.call-start
scs
called_computation_lowered:
.L_overlay_start_0:
0x0: {  	s1 =	sld [smem:$0x3FD9]  }
0x1: {  	s2 =	sld [smem:$0x3FFE];
	_ =	sdelay $0x1  }
0x2: {  	s3 =	srdreg.scid  }
0x3: {  	s0 =	sand.u32 $0x1, s3  }
0x4: {  	s17 =	sshll.u32 s0, $0xA;
	s1 =	sadd.s32 s2, s1  }
0x5: {  	s1 =	sadd.s32 s1, s17  }
0x6: {  	[smem:$0x3FC0] =	sst s1  }
0x7: {  	_ = 	snop  }
0x8: {  	(tm) =	ssettm $0x1  }
0x9: {  	s18 =	sld [smem:$0x3FFB];
	_ =	sdelay $0x3  }
0xa: {  	_ =	strace s18  }
0xb: {  	s1 =	sld [smem:$0x3FFC];
	_ =	sdelay $0x3  }
0xc: {  	_ =	strace s1  }
0xd: {  	s1 =	sld [smem:$0x3FFD];
	_ =	sdelay $0x3  }
0xe: {  	_ =	strace s1  }
0xf: {  	_ =	strace $0x8FFFFFFF  }
0x10: {  	s19 =	sld [smem:$0x3FDB];
	_ =	sdelay $0x1  }
0x11: {  	s20 =	simm.s32 $_scs_section_size  }
0x12: {  	s4 =	simm.s32 $_size__tile_overlayer_lowered;
	s5 =	simm.s32 $_tile_overlayer_lowered  }
0x13: {  	s23 =	simm.s32 $0x1BFF;
	s22 =	sshll.u32 s5, $0x1;
	s1 =	sadd.s32 s20, s19  }
0x14: {  	s6 =	simm.s32 $0x0;
	s21 =	sshll.u32 s4, $0x1;
	s4 =	sadd.s32 s22, s1  }
0x15: {  	[timem:s6], [sflag:s23] =	dma.local [hbm:s4], s21  }
0x16: {  	_ =	swait.ge [sflag:s23], s21  }
0x17: {  	s2 =	ssub.s32 $0x0, s21;
	[sflag:s23] =	ssyncset.done $0x0  }
0x18: {  	[sflag:s23] =	ssyncadd.s32 s2;
	_ =	sdelay $0x1  }
0x19: {  	s24 =	simm.s32 $0x1B8B  }
0x1a: {  	_ =	swait.ge [sflag:s24], $0x1  }
0x1b: {  	[sflag:s24] =	ssyncset.done $0x0  }
0x1c: {  	s26 =	simm.s32 $0x1B8E;
	s25 =	sld [smem:$0x3FFE];
	[sflag:s24] =	ssyncadd.s32 $0xFFFFFFFF  }
0x1d: {  	s27 =	simm.s32 $execute0_lowered;
	[smem:$0x3FD2] =	sst s26  }
0x1e: {  	s4 =	sshll.u32 s27, $0x1;
	_ =	strace $0x80000046;
	[dreg:$0x1] =	wrdreg $0xFFFFFFFF  }
0x1f: {  	s28 =	simm.s32 $_size_execute0_lowered;
	s1 =	sadd.s32 s1, s4;
	[dreg:$0x0] =	wrdreg $0x0  }
0x20: {  	s4 =	sshll.u32 s28, $0x1;
	[dreg:$0x2] =	wrdreg s1  }
0x21: {  	[dreg:$0x3] =	wrdreg s4  }
0x22: {  	[dreg:$0x4] =	wrdreg $0xC0  }
0x23: {  	_ =	task [dreg:s6], $0x5FFFF  }
0x24: {  	[dreg:$0x1] =	wrdreg $0xFFFFFFFF  }
0x25: {  	[dreg:$0x0] =	wrdreg $0x60  }
0x26: {  	[dreg:$0x2] =	wrdreg s25  }
0x27: {  	[dreg:$0x3] =	wrdreg $0x9  }
0x28: {  	_ =	task.clear_ibuf [dreg:s6], $0x4FFFF;
	_ =	strace $0x90000046  }
0x29: {  	s29 =	simm.s32 $0x9;
	_ =	strace $0x80000048  }
0x2a: {  	_ =	swait.ge [sflag:s29], $0x1  }
0x2b: {  	[sflag:s29] =	ssyncadd.s32 $0xFFFFFFFF  }
0x2c: {  	_ =	strace $0x90000048  }
0x2d: {  	_ =	sfence  }
0x2e: {  	s30 =	sld [smem:$0x0];
	_ =	sdelay $0x2  }
0x2f: {  	s31 =	sshll.u32 s3, $0xD;
	s3 =	sshrl.u32 s3, $0x2  }
0x30: {  	s2 =	sand.u32 $0x4000, s31;
	s1 =	sadd.s32 s3, s30  }
0x31: {  	s0 =	sor.u32 s2, s0;
	s1 =	sshll.u32 s1, $0x11  }
0x32: {  	s0 =	sor.u32 s1, s0  }
0x33: {  	s0 =	sadd.s32 $0x8F2B, s0  }
0x34: {  	[sflag:s0] =	ssyncadd.remote.s32 $0x1  }
0x35: {  	_ =	sfence.sel $0xFFFF  }
0x36: {  	[dreg:$0x0] =	wrdreg $0xFFFFFFFF;
	(pc) =	sbr.abs _section_cstart, $3  }
0x37: {  	[dreg:$0x1] =	wrdreg $0xFFFFFFFF  }
0x38: {  	_ =	task.clear_ibuf [dreg:s6], $0x2FFFF;
	_ =	strace $0x9FFFFFFF  }
0x39: {  	(tm) =	ssettm $0x7FFFFFFF  }
tec
execute0_lowered:
.L_overlay_start_1:
0x0: {  	(tag) =	ssettag $0x1  }
0x1: {  	s0 =	srdreg.scid  }
0x2: {  	s1 =	sshll.u32 s0, $0x4  }
0x3: {  	s4 =	rddreg [dreg:$0x0];
	s0 =	stileid.u32;
	s1 =	sand.u32 $0x10, s1  }
0x4: {  	s7 =	simm.s32 $0x1;
	s8 =	simm.s32 $0x2;
	s1 =	sor.u32 s0, s1  }
0x5: {  	s9 =	simm.s32 $0x0;
	s12 =	simm.s32 $0x0;
	s2 =	sshll.u32 s1, $0x2  }
0x6: {  	s11 =	simm.s32 $0x0;
	s3 =	sadd.s32 $0x2800, s4;
	s6 =	ssub.s32 $0x2710, s2  }
.Ltmp0:
0x7: {  	s4 =	sadd.s32 $0x4E4800, s4;
	s5 =	sand.u32 $0x7C, s6;
	(pc) =	sbr.rel .LBB1_1-.Ltmp0, $4  }
0x8: {  	s1 =	rddreg [dreg:$0x1];
	_ =	strace $0x80000047;
	p0 =	sne.s32 s5, $0x0  }
0x9: {  	s6 =	sshrl.u32 s6, $0x7;
	s5 =	simm.s32 $0x1;
	s7 =	simm.s32 @!p0 $0x0  }
0xa: {  	s10 =	smov.u32 s2;
	[sflag:s5] =	ssyncpa.u1 $0x0;
	s6 =	sadd.s32 s7, s6  }
0xb: {  	[sflag:s8] =	ssyncpa.u1 $0x0;
	s8 =	simm.s32 $0x0;
	s7 =	sadd.s32 $0x1, s6  }
.LBB1_9:
0xc: {  	s14 =	sadd.s32 $0x80, s10  }
0xd: {  	p1 =	sgt.s32 s14, $0x270F  }
0xe: {  	s14 =	smov.u32 @p1 s2;
	p1 =	sne.s32 s11, s7  }
.Ltmp1:
0xf: {  	p0 =	slt.u32 s11, $0x2;
	(pc) =	sbr.rel @!p1 .LBB1_10-.Ltmp1, $4  }
0x10: {  	s13 =	simm.s32 @!p0 $0x2  }
0x11: {  	s15 =	sadd.s32 $0x1, s11;
	_ =	swait.ge @!p0 [sflag:s13], $0x4000  }
0x12: {  	s12 =	smov.u32 s10;
	s9 =	sadd.s32 $0x4000, s9;
	[sflag:s13] =	ssyncset.done @!p0 $0x0  }
0x13: {  	s11 =	smov.u32 s15;
	s10 =	smov.u32 s14;
	[sflag:s13] =	ssyncadd.s32 @!p0 $0xFFFFC000  }
.LBB1_1:
0x14: {  	p0 =	sge.u32 s11, s6  }
0x15: {  	s13 =	sxor.u32 @!p0 $0xFFFFFFFF, s11  }
0x16: {  	s31 =	sadd.s32 $0xFFFFFFFF, s11;
	s14 =	sshll.u32 @!p0 s10, $0x9;
	s13 =	sshll.u32 @!p0 s13, $0xE  }
0x17: {  	s15 =	simm.s32 @!p0 $0x0;
	s14 =	sadd.s32 @!p0 s3, s14;
	s13 =	sand.u32 @!p0 $0x4000, s13  }
0x18: {  	[tilespmem:s13], [sflag:$0x1] =	stream.linear.gather @!p0 [hbm4b:s14+s15], $0x4000, $0x38;
	[tilespmem:$0x10000] =	vst v63  }
0x19: {  	p0 =	sge.u32 s31, s6  }
.Ltmp2:
0x1a: {  	_ = 	snop;
	(pc) =	sbr.rel @p0 .LBB1_9-.Ltmp2, $1  }
0x1b: {  	_ =	sdelay $0x3  }
0x1c: {  	s14 =	sand.u32 $0x4000, s9  }
0x1d: {  	_ =	swait.ge [sflag:s5], $0x4000;
	s15 =	sshll.u32 s11, $0xE;
	s16 =	simm.s32 $0x0  }
0x1e: {  	s13 =	sor.u32 $0x40, s14;
	[sflag:s5] =	ssyncset.done $0x0;
	s15 =	sand.u32 $0x4000, s15  }
0x1f: {  	s14 =	sor.u32 $0x8040, s14;
	[sflag:s5] =	ssyncadd.s32 $0xFFFFC000;
	s15 =	sor.u32 $0x8000, s15  }
.LBB1_3:
0x20: {  	s17 =	smov.u32 s14;
	s18 =	smov.u32 s13;
	s19 =	simm.s32 $0x0  }
.LBB1_4:
0x21: {  	v0 =	vmov s17;
	v2 =	vld [tilespmem:s18+$0x30]  }
0x22: {  	v4 =	vld [tilespmem:s18+$0xFFFFFFD0]  }
0x23: {  	v6 =	vld [tilespmem:s18+$0xFFFFFFE0]  }
0x24: {  	v7 =	vld [tilespmem:s18+$0xFFFFFFF0]  }
0x25: {  	s20 =	simm.s32 $0x0;
	v1 =	vld [tilespmem:s18+$0x0]  }
0x26: {  	v3 =	vld [tilespmem:s18+$0x10];
	[tilespmem:v0+s20+$0x30 ss:$0x1] =	vst.idx.msk $0xffff, v2  }
0x27: {  	v5 =	vld [tilespmem:s18+$0x20];
	[tilespmem:v0+s20+$0xFFFFFFD0 ss:$0x1] =	vst.idx.msk $0xffff, v4  }
0x28: {  	s21 =	sadd.s32 $0x80, s18;
	v2 =	vld [tilespmem:s18+$0xFFFFFFC0];
	[tilespmem:v0+s20+$0xFFFFFFE0 ss:$0x1] =	vst.idx.msk $0xffff, v6  }
0x29: {  	s22 =	simm.s32 $0x800;
	s23 =	simm.s32 $0x1000;
	v4 =	vld [tilespmem:s21+$0x30];
	[tilespmem:v0+s20+$0xFFFFFFF0 ss:$0x1] =	vst.idx.msk $0xffff, v7  }
.LBB1_5:
0x2a: {  	p0 =	sne.s32 s23, $0x3800;
	v6 =	vld [tilespmem:s21+$0xFFFFFFD0];
	[tilespmem:v0+s20+$0x0 ss:$0x1] =	vst.idx.msk $0xffff, v1  }
0x2b: {  	v7 =	vld [tilespmem:s21+$0xFFFFFFE0];
	[tilespmem:v0+s20+$0x10 ss:$0x1] =	vst.idx.msk $0xffff, v3  }
0x2c: {  	v8 =	vld [tilespmem:s21+$0xFFFFFFF0];
	[tilespmem:v0+s20+$0x20 ss:$0x1] =	vst.idx.msk $0xffff, v5  }
.Ltmp3:
0x2d: {  	v1 =	vld [tilespmem:s21+$0x0];
	[tilespmem:v0+s20+$0xFFFFFFC0 ss:$0x1] =	vst.idx.msk $0xffff, v2;
	s20 =	sshra.s32 s22, $0x2;
	s22 =	smov.u32 s23;
	(pc) =	sbr.rel @p0 .LBB1_5-.Ltmp3, $4  }
0x2e: {  	v3 =	vld [tilespmem:s21+$0x10];
	[tilespmem:v0+s20+$0x30 ss:$0x1] =	vst.idx.msk $0xffff, v4  }
0x2f: {  	[tilespmem:v0+s20+$0xFFFFFFD0 ss:$0x1] =	vst.idx.msk $0xffff, v6;
	v5 =	vld [tilespmem:s21+$0x20]  }
0x30: {  	v2 =	vld [tilespmem:s21+$0xFFFFFFC0];
	[tilespmem:v0+s20+$0xFFFFFFE0 ss:$0x1] =	vst.idx.msk $0xffff, v7;
	s21 =	sadd.s32 $0x80, s21  }
0x31: {  	s23 =	sadd.s32 $0x800, s23;
	v4 =	vld [tilespmem:s21+$0x30];
	[tilespmem:v0+s20+$0xFFFFFFF0 ss:$0x1] =	vst.idx.msk $0xffff, v8  }
0x32: {  	_ =	sdelay $0x3  }
0x33: {  	v6 =	vld [tilespmem:s21+$0xFFFFFFD0];
	[tilespmem:v0+s20+$0x0 ss:$0x1] =	vst.idx.msk $0xffff, v1  }
0x34: {  	v58 =	vld [tilespmem:s21+$0xFFFFFFE0];
	[tilespmem:v0+s20+$0x10 ss:$0x1] =	vst.idx.msk $0xffff, v3  }
0x35: {  	v59 =	vld [tilespmem:s21+$0xFFFFFFF0];
	[tilespmem:v0+s20+$0x20 ss:$0x1] =	vst.idx.msk $0xffff, v5  }
0x36: {  	s22 =	sshra.s32 s22, $0x2;
	v60 =	vld [tilespmem:s21+$0x0];
	[tilespmem:v0+s20+$0xFFFFFFC0 ss:$0x1] =	vst.idx.msk $0xffff, v2  }
0x37: {  	v61 =	vld [tilespmem:s21+$0x10];
	[tilespmem:v0+s22+$0x30 ss:$0x1] =	vst.idx.msk $0xffff, v4  }
0x38: {  	v62 =	vld [tilespmem:s21+$0x20];
	s19 =	sadd.s32 $0x1, s19;
	[tilespmem:v0+s22+$0xFFFFFFD0 ss:$0x1] =	vst.idx.msk $0xffff, v6  }
0x39: {  	v63 =	vld [tilespmem:s21+$0xFFFFFFC0];
	p0 =	sne.s32 s19, $0x4;
	[tilespmem:v0+s22+$0xFFFFFFE0 ss:$0x1] =	vst.idx.msk $0xffff, v58  }
.Ltmp4:
0x3a: {  	[tilespmem:v0+s22+$0xFFFFFFF0 ss:$0x1] =	vst.idx.msk $0xffff, v59;
	(pc) =	sbr.rel @p0 .LBB1_4-.Ltmp4, $4  }
0x3b: {  	[tilespmem:v0+s22+$0x0 ss:$0x1] =	vst.idx.msk $0xffff, v60  }
0x3c: {  	[tilespmem:v0+s22+$0x10 ss:$0x1] =	vst.idx.msk $0xffff, v61  }
0x3d: {  	[tilespmem:v0+s22+$0x20 ss:$0x1] =	vst.idx.msk $0xffff, v62  }
0x3e: {  	s18 =	sadd.s32 $0x400, s18;
	s17 =	sadd.s32 $0x80, s17;
	[tilespmem:v0+s22+$0xFFFFFFC0 ss:$0x1] =	vst.idx.msk $0xffff, v63  }
0x3f: {  	s16 =	sadd.s32 $0x1, s16  }
0x40: {  	p0 =	sne.s32 s16, $0x4  }
.Ltmp5:
0x41: {  	_ = 	snop;
	(pc) =	sbr.rel @p0 .LBB1_3-.Ltmp5, $2  }
0x42: {  	_ =	sdelay $0x2  }
0x43: {  	s13 =	sadd.s32 $0x1000, s13;
	s14 =	sadd.s32 $0x1000, s14  }
.Ltmp6:
0x44: {  	(pc) =	sbr.rel .LBB1_9-.Ltmp6, $4  }
0x45: {  	_ = 	snop  }
0x46: {  	s12 =	sshll.u32 s12, $0x9  }
0x47: {  	s12 =	sadd.s32 s4, s12  }
0x48: {  	[hbm4b:s12+s8] =	stream.linear.scatter [tilespmem:s15], [sflag:$0x2], $0x4000, $0x38;
	[tilespmem:$0x10000] =	vst v63  }
.LBB1_10:
0x49: {  	_ =	sfence.sel $0x180000  }
0x4a: {  	s2 =	simm.s32 $0x1;
	[bflag:$0x0] =	sbarrier.arrive $0xFFFF  }
0x4b: {  	s31 =	simm.s32 $0x2;
	[sflag:s2] =	ssyncpa.u1 $0x1  }
0x4c: {  	[sflag:s31] =	ssyncpa.u1 $0x1  }
0x4d: {  	p0 =	sne.s32 s0, $0x0;
	_ =	strace $0x90000047  }
0x4e: {  	s0 =	sadd.s32 @!p0 $0x100000, s1;
	[bflag:$0x2] =	sbarrier.arrive $0xFFFF  }
0x4f: {  	[sflag:s0] =	ssyncadd.tile.s32 @!p0 $0x1;
	_ =	shalt  }
.Lfunc_end1:
_tile_overlayer_lowered:
.L_overlay_start_2:
0x50: {  	(tag) =	ssettag $0x2  }
0x51: {  	s0 =	rddreg [dreg:$0x0];
	s2 =	stileid.u32  }
0x52: {  	s1 =	rddreg [dreg:$0x1];
	p0 =	sne.s32 s2, $0x0  }
0x53: {  	s3 =	rddreg [dreg:$0x2];
	[bflag:$0x3] =	sbarrier.arrive $0xFFFF;
	s2 =	simm.s32 @!p0 $0x1C01  }
0x54: {  	[timem:s3], [sflag:s2] =	dma.local @!p0 [hbm:s0], s1  }
0x55: {  	s0 =	simm.s32 @!p0 $0x1  }
0x56: {  	_ =	swait.ge @!p0 [sflag:s0], s1  }
0x57: {  	s1 =	ssub.s32 @!p0 $0x0, s1;
	[sflag:s0] =	ssyncset.done @!p0 $0x0  }
0x58: {  	[sflag:s0] =	ssyncadd.s32 @!p0 s1  }
0x59: {  	[bflag:$0x3] =	sbarrier.arrive $0xFFFF  }
0x5a: {  	_ =	shalt  }

</sc_bundles>
